<compile_context>
chip_gen: v7x
topology: tpu7x:2x2x1
jax: 0.10.2.dev20260603
libtpu: 0.0.44.dev20260713+nightly
codegen_flags: <defaults>
</compile_context>

<pallas_src>
import jax
import jax.numpy as jnp
from jax import lax
from jax.experimental import pallas as pl
from jax.experimental.pallas import tpu as pltpu
from jax.experimental.pallas import tpu_sc as plsc

_EMBED_DIM = 32
_BATCH = 16384

_info = plsc.get_sparse_core_info()
_NC, _NS, _NL = _info.num_cores, _info.num_subcores, _info.num_lanes
_NW = _NC * _NS
_BPW = _BATCH // _NW
_CHUNK = 128
_NCHUNK = _BPW // _CHUNK
_NGROUP = _BPW // _NL


def _emb_kernel(tidx_hbm, sidx_hbm, ttab_hbm, stab_hbm, out_hbm,
                tidx_v, sidx_v, tq32_v, t128_v, s4_v, out_v, sem_g):
    wid = lax.axis_index("s") * _NC + lax.axis_index("c")
    base = wid * _BPW

    pltpu.sync_copy(stab_hbm, s4_v)
    for j in range(_NCHUNK):
        pltpu.sync_copy(tidx_hbm.at[pl.ds(base + j * _CHUNK, _CHUNK)],
                        tidx_v.at[j])
        pltpu.sync_copy(sidx_hbm.at[pl.ds(base + j * _CHUNK, _CHUNK)],
                        sidx_v.at[j])

    for j in range(_NCHUNK):
        for t in range(_CHUNK // _NL):
            sl = pl.ds(t * _NL, _NL)
            v = tidx_v[j, sl]
            tq32_v[j, sl] = (v & 3) * _EMBED_DIM
            tidx_v[j, sl] = lax.shift_right_logical(v, 2)

    copies = []
    for j in range(_NCHUNK):
        copies.append(pltpu.async_copy(
            ttab_hbm.at[tidx_v.at[j]],
            t128_v.at[pl.ds(j * _CHUNK, _CHUNK)], sem_g))
    for c in copies:
        c.wait()

    lane = lax.iota(jnp.int32, _NL)
    @plsc.parallel_loop(0, _NGROUP, step=1, unroll=2)
    def _assemble(g):
        i_vec = g * _NL + lane
        j = g // (_CHUNK // _NL)
        t = g % (_CHUNK // _NL)
        sl = pl.ds(t * _NL, _NL)
        tq32 = tq32_v[j, sl]
        s = sidx_v[j, sl]
        srow = lax.shift_right_logical(s, 2)
        sq32 = (s & 3) * _EMBED_DIM
        orow = lax.shift_right_logical(i_vec, 1)
        obase = (i_vec & 1) * (2 * _EMBED_DIM)
        for d in range(_EMBED_DIM):
            tv = plsc.load_gather(t128_v, [i_vec, tq32 + d])
            plsc.store_scatter(out_v, [orow, obase + d], tv)
            sv = plsc.load_gather(s4_v, [srow, sq32 + d])
            plsc.store_scatter(out_v, [orow, obase + _EMBED_DIM + d], sv)

    pltpu.sync_copy(out_v, out_hbm.at[pl.ds(wid * (_BPW // 2), _BPW // 2)])


@jax.jit
def _run(tweet, sentiment, tweet_table, sentiment_table):
    mesh = plsc.VectorSubcoreMesh(core_axis_name="c", subcore_axis_name="s")
    out = pl.kernel(
        _emb_kernel,
        out_type=jax.ShapeDtypeStruct((_BATCH // 2, 2 * _CHUNK // 2),
                                      jnp.float32),
        mesh=mesh,
        compiler_params=pltpu.CompilerParams(use_tc_tiling_on_sc=True,
                                             needs_layout_passes=False,
                                             skip_device_barrier=True),
        scratch_types=[
            pltpu.VMEM((_NCHUNK, _CHUNK), jnp.int32),
            pltpu.VMEM((_NCHUNK, _CHUNK), jnp.int32),
            pltpu.VMEM((_NCHUNK, _CHUNK), jnp.int32),
            pltpu.VMEM((_BPW, _CHUNK), jnp.float32),
            pltpu.VMEM((4, _CHUNK), jnp.float32),
            pltpu.VMEM((_BPW // 2, _CHUNK), jnp.float32),
            pltpu.SemaphoreType.DMA,
        ],
    )(tweet, sentiment,
      tweet_table.reshape(250000, 128), sentiment_table.reshape(4, 128))
    return out.reshape(_BATCH, 2 * _EMBED_DIM)


def kernel(tweet, sentiment, tweet_table, sentiment_table):
    return _run(tweet, sentiment, tweet_table, sentiment_table)

# --- scband reference (transcript-rebuilt; emitter-appended) ---
"""Pipeline reference for scband-tweet-model-3307124818730 (READ-ONLY COPY).

The authoritative reference and input builder live on the scoring server;
editing this copy changes nothing except your own understanding.
"""

import jax, jax.numpy as jnp
import numpy as np

TWEET_VOCAB = 1000000
SENT_VOCAB = 16
EMBED_DIM = 32
BATCH = 16384


def setup_inputs(seed: int = 0) -> dict:
    key = jax.random.key(seed)
    k1, k2, k3, k4 = jax.random.split(key, 4)
    tweet = jax.random.randint(k1, (BATCH,), 0, TWEET_VOCAB, dtype=jnp.int64 if jax.config.jax_enable_x64 else jnp.int32).astype(jnp.int32)
    sentiment = jax.random.randint(k2, (BATCH,), 0, SENT_VOCAB).astype(jnp.int32)
    tweet_table = jax.random.normal(k3, (TWEET_VOCAB, EMBED_DIM), dtype=jnp.float32) * 0.05
    sentiment_table = jax.random.normal(k4, (SENT_VOCAB, EMBED_DIM), dtype=jnp.float32) * 0.05
    return {
        "tweet": tweet,
        "sentiment": sentiment,
        "tweet_table": tweet_table,
        "sentiment_table": sentiment_table,
    }


def reference(tweet, sentiment, tweet_table, sentiment_table):
    # Faithful translation of TweetModel.call:
    #   tf.concat([tweet_embedding(inputs['tweet']), sentiment_embedding(inputs['sentiment'])], axis=1)
    tweet_emb = jnp.take(tweet_table, tweet, axis=0)          # [B, 32] gather
    sentiment_emb = jnp.take(sentiment_table, sentiment, axis=0)  # [B, 32] gather
    return jnp.concatenate([tweet_emb, sentiment_emb], axis=1)    # [B, 64]

if __name__ == "__main__":
    import jax
    _d = setup_inputs()
    print(jax.jit(kernel)(*tuple(_d.values())))

</pallas_src>

<mosaic_0001>
#map = affine_map<(d0, d1) -> (0)>
#map1 = affine_map<(d0, d1) -> (0, 0)>
module attributes {stable_mosaic.version = 14 : i64} {
  func.func @_emb_kernel(%arg0: i32, %arg1: i32, %arg2: memref<16384xi32, #tpu.memory_space<hbm>>, %arg3: memref<16384xi32, #tpu.memory_space<hbm>>, %arg4: memref<250000x128xf32, #tpu.memory_space<hbm>>, %arg5: memref<4x128xf32, #tpu.memory_space<hbm>>, %arg6: memref<8192x128xf32, #tpu.memory_space<hbm>>, %arg7: memref<4x128xi32, #tpu.memory_space<vmem>>, %arg8: memref<4x128xi32, #tpu.memory_space<vmem>>, %arg9: memref<4x128xi32, #tpu.memory_space<vmem>>, %arg10: memref<512x128xf32, #tpu.memory_space<vmem>>, %arg11: memref<4x128xf32, #tpu.memory_space<vmem>>, %arg12: memref<256x128xf32, #tpu.memory_space<vmem>>, %arg13: memref<!tpu.dma_semaphore, #tpu.memory_space<semaphore_mem>>) attributes {dimension_semantics = [#tpu.dimension_semantics<core_parallel>, #tpu.dimension_semantics<subcore_parallel>], iteration_bounds = array<i64: 2, 16>, scalar_prefetch = 0 : i64, scratch_operands = 7 : i64, tpu.core_type = #tpu.core_type<sc_vector_subcore>, window_params = [{transform_indices = #map}, {transform_indices = #map}, {transform_indices = #map1}, {transform_indices = #map1}, {transform_indices = #map1}]} {
    %mul3A = arith.constant 2 : i32
    %mul3A_0 = arith.muli %arg1, %mul3A : i32
    %add3A = arith.addi %mul3A_0, %arg0 : i32
    %mul3A_1 = arith.constant 512 : i32
    %mul3A_2 = arith.muli %add3A, %mul3A_1 : i32
    "tpu.region"() ({
      %run_scoped3A_776 = tpu.sem_alloc : memref<!tpu.dma_semaphore, #tpu.memory_space<semaphore_mem>>
      tpu.enqueue_dma source(%arg5 : memref<4x128xf32, #tpu.memory_space<hbm>>) target(%arg11 : memref<4x128xf32, #tpu.memory_space<vmem>>) target_semaphore(%run_scoped3A_776 : memref<!tpu.dma_semaphore, #tpu.memory_space<semaphore_mem>>)
      tpu.wait_dma2 semaphore(%run_scoped3A_776 : memref<!tpu.dma_semaphore, #tpu.memory_space<semaphore_mem>>) src(%arg5 : memref<4x128xf32, #tpu.memory_space<hbm>>) dst(%arg11 : memref<4x128xf32, #tpu.memory_space<vmem>>)
      tpu.yield
    }) : () -> ()
    %add3A_3 = arith.constant 0 : i32
    %add3A_4 = arith.addi %mul3A_2, %add3A_3 : i32
    %run_scoped3A = arith.constant 0 : i32
    "tpu.region"() ({
      %run_scoped3A_776 = tpu.sem_alloc : memref<!tpu.dma_semaphore, #tpu.memory_space<semaphore_mem>>
      %dma_start3A_777 = arith.constant 0 : i32
      %dma_start3A_778 = tpu.memref_slice %arg7[%run_scoped3A, %dma_start3A_777] : memref<4x128xi32, #tpu.memory_space<vmem>> -> memref<1x128xi32, #tpu.memory_space<vmem>>
      %dma_start3A_779 = tpu.memref_squeeze %dma_start3A_778 : memref<1x128xi32, #tpu.memory_space<vmem>> -> memref<128xi32, #tpu.memory_space<vmem>>
      %dma_start3A_780 = tpu.memref_slice %arg2[%add3A_4] : memref<16384xi32, #tpu.memory_space<hbm>> -> memref<128xi32, #tpu.memory_space<hbm>>
      %dma_start3A_781 = arith.constant 0 : i32
      %dma_start3A_782 = tpu.memref_slice %arg7[%run_scoped3A, %dma_start3A_781] : memref<4x128xi32, #tpu.memory_space<vmem>> -> memref<1x128xi32, #tpu.memory_space<vmem>>
      %dma_start3A_783 = tpu.memref_squeeze %dma_start3A_782 : memref<1x128xi32, #tpu.memory_space<vmem>> -> memref<128xi32, #tpu.memory_space<vmem>>
      %dma_start3A_784 = tpu.memref_slice %arg2[%add3A_4] : memref<16384xi32, #tpu.memory_space<hbm>> -> memref<128xi32, #tpu.memory_space<hbm>>
      tpu.enqueue_dma source(%dma_start3A_784 : memref<128xi32, #tpu.memory_space<hbm>>) target(%dma_start3A_783 : memref<128xi32, #tpu.memory_space<vmem>>) target_semaphore(%run_scoped3A_776 : memref<!tpu.dma_semaphore, #tpu.memory_space<semaphore_mem>>)
      %dma_wait3A_785 = arith.constant 0 : i32
      %dma_wait3A_786 = tpu.memref_slice %arg7[%run_scoped3A, %dma_wait3A_785] : memref<4x128xi32, #tpu.memory_space<vmem>> -> memref<1x128xi32, #tpu.memory_space<vmem>>
      %dma_wait3A_787 = tpu.memref_squeeze %dma_wait3A_786 : memref<1x128xi32, #tpu.memory_space<vmem>> -> memref<128xi32, #tpu.memory_space<vmem>>
      %dma_wait3A_788 = tpu.memref_slice %arg2[%add3A_4] : memref<16384xi32, #tpu.memory_space<hbm>> -> memref<128xi32, #tpu.memory_space<hbm>>
      %dma_wait3A_789 = arith.constant 0 : i32
      %dma_wait3A_790 = tpu.memref_slice %arg7[%run_scoped3A, %dma_wait3A_789] : memref<4x128xi32, #tpu.memory_space<vmem>> -> memref<1x128xi32, #tpu.memory_space<vmem>>
      %dma_wait3A_791 = tpu.memref_squeeze %dma_wait3A_790 : memref<1x128xi32, #tpu.memory_space<vmem>> -> memref<128xi32, #tpu.memory_space<vmem>>
      %dma_wait3A_792 = tpu.memref_slice %arg2[%add3A_4] : memref<16384xi32, #tpu.memory_space<hbm>> -> memref<128xi32, #tpu.memory_space<hbm>>
      tpu.wait_dma2 semaphore(%run_scoped3A_776 : memref<!tpu.dma_semaphore, #tpu.memory_space<semaphore_mem>>) src(%dma_wait3A_792 : memref<128xi32, #tpu.memory_space<hbm>>) dst(%dma_wait3A_791 : memref<128xi32, #tpu.memory_space<vmem>>)
      tpu.yield
    }) : () -> ()
    %add3A_5 = arith.constant 0 : i32
    %add3A_6 = arith.addi %mul3A_2, %add3A_5 : i32
    %run_scoped3A_7 = arith.constant 0 : i32
    "tpu.region"() ({
      %run_scoped3A_776 = tpu.sem_alloc : memref<!tpu.dma_semaphore, #tpu.memory_space<semaphore_mem>>
      %dma_start3A_777 = arith.constant 0 : i32
      %dma_start3A_778 = tpu.memref_slice %arg8[%run_scoped3A_7, %dma_start3A_777] : memref<4x128xi32, #tpu.memory_space<vmem>> -> memref<1x128xi32, #tpu.memory_space<vmem>>
      %dma_start3A_779 = tpu.memref_squeeze %dma_start3A_778 : memref<1x128xi32, #tpu.memory_space<vmem>> -> memref<128xi32, #tpu.memory_space<vmem>>
      %dma_start3A_780 = tpu.memref_slice %arg3[%add3A_6] : memref<16384xi32, #tpu.memory_space<hbm>> -> memref<128xi32, #tpu.memory_space<hbm>>
      %dma_start3A_781 = arith.constant 0 : i32
      %dma_start3A_782 = tpu.memref_slice %arg8[%run_scoped3A_7, %dma_start3A_781] : memref<4x128xi32, #tpu.memory_space<vmem>> -> memref<1x128xi32, #tpu.memory_space<vmem>>
      %dma_start3A_783 = tpu.memref_squeeze %dma_start3A_782 : memref<1x128xi32, #tpu.memory_space<vmem>> -> memref<128xi32, #tpu.memory_space<vmem>>
      %dma_start3A_784 = tpu.memref_slice %arg3[%add3A_6] : memref<16384xi32, #tpu.memory_space<hbm>> -> memref<128xi32, #tpu.memory_space<hbm>>
      tpu.enqueue_dma source(%dma_start3A_784 : memref<128xi32, #tpu.memory_space<hbm>>) target(%dma_start3A_783 : memref<128xi32, #tpu.memory_space<vmem>>) target_semaphore(%run_scoped3A_776 : memref<!tpu.dma_semaphore, #tpu.memory_space<semaphore_mem>>)
      %dma_wait3A_785 = arith.constant 0 : i32
      %dma_wait3A_786 = tpu.memref_slice %arg8[%run_scoped3A_7, %dma_wait3A_785] : memref<4x128xi32, #tpu.memory_space<vmem>> -> memref<1x128xi32, #tpu.memory_space<vmem>>
      %dma_wait3A_787 = tpu.memref_squeeze %dma_wait3A_786 : memref<1x128xi32, #tpu.memory_space<vmem>> -> memref<128xi32, #tpu.memory_space<vmem>>
      %dma_wait3A_788 = tpu.memref_slice %arg3[%add3A_6] : memref<16384xi32, #tpu.memory_space<hbm>> -> memref<128xi32, #tpu.memory_space<hbm>>
      %dma_wait3A_789 = arith.constant 0 : i32
      %dma_wait3A_790 = tpu.memref_slice %arg8[%run_scoped3A_7, %dma_wait3A_789] : memref<4x128xi32, #tpu.memory_space<vmem>> -> memref<1x128xi32, #tpu.memory_space<vmem>>
      %dma_wait3A_791 = tpu.memref_squeeze %dma_wait3A_790 : memref<1x128xi32, #tpu.memory_space<vmem>> -> memref<128xi32, #tpu.memory_space<vmem>>
      %dma_wait3A_792 = tpu.memref_slice %arg3[%add3A_6] : memref<16384xi32, #tpu.memory_space<hbm>> -> memref<128xi32, #tpu.memory_space<hbm>>
      tpu.wait_dma2 semaphore(%run_scoped3A_776 : memref<!tpu.dma_semaphore, #tpu.memory_space<semaphore_mem>>) src(%dma_wait3A_792 : memref<128xi32, #tpu.memory_space<hbm>>) dst(%dma_wait3A_791 : memref<128xi32, #tpu.memory_space<vmem>>)
      tpu.yield
    }) : () -> ()
    %add3A_8 = arith.constant 128 : i32
    %add3A_9 = arith.addi %mul3A_2, %add3A_8 : i32
    %run_scoped3A_10 = arith.constant 1 : i32
    "tpu.region"() ({
      %run_scoped3A_776 = tpu.sem_alloc : memref<!tpu.dma_semaphore, #tpu.memory_space<semaphore_mem>>
      %dma_start3A_777 = arith.constant 0 : i32
      %dma_start3A_778 = tpu.memref_slice %arg7[%run_scoped3A_10, %dma_start3A_777] : memref<4x128xi32, #tpu.memory_space<vmem>> -> memref<1x128xi32, #tpu.memory_space<vmem>>
      %dma_start3A_779 = tpu.memref_squeeze %dma_start3A_778 : memref<1x128xi32, #tpu.memory_space<vmem>> -> memref<128xi32, #tpu.memory_space<vmem>>
      %dma_start3A_780 = tpu.memref_slice %arg2[%add3A_9] : memref<16384xi32, #tpu.memory_space<hbm>> -> memref<128xi32, #tpu.memory_space<hbm>>
      %dma_start3A_781 = arith.constant 0 : i32
      %dma_start3A_782 = tpu.memref_slice %arg7[%run_scoped3A_10, %dma_start3A_781] : memref<4x128xi32, #tpu.memory_space<vmem>> -> memref<1x128xi32, #tpu.memory_space<vmem>>
      %dma_start3A_783 = tpu.memref_squeeze %dma_start3A_782 : memref<1x128xi32, #tpu.memory_space<vmem>> -> memref<128xi32, #tpu.memory_space<vmem>>
      %dma_start3A_784 = tpu.memref_slice %arg2[%add3A_9] : memref<16384xi32, #tpu.memory_space<hbm>> -> memref<128xi32, #tpu.memory_space<hbm>>
      tpu.enqueue_dma source(%dma_start3A_784 : memref<128xi32, #tpu.memory_space<hbm>>) target(%dma_start3A_783 : memref<128xi32, #tpu.memory_space<vmem>>) target_semaphore(%run_scoped3A_776 : memref<!tpu.dma_semaphore, #tpu.memory_space<semaphore_mem>>)
      %dma_wait3A_785 = arith.constant 0 : i32
      %dma_wait3A_786 = tpu.memref_slice %arg7[%run_scoped3A_10, %dma_wait3A_785] : memref<4x128xi32, #tpu.memory_space<vmem>> -> memref<1x128xi32, #tpu.memory_space<vmem>>
      %dma_wait3A_787 = tpu.memref_squeeze %dma_wait3A_786 : memref<1x128xi32, #tpu.memory_space<vmem>> -> memref<128xi32, #tpu.memory_space<vmem>>
      %dma_wait3A_788 = tpu.memref_slice %arg2[%add3A_9] : memref<16384xi32, #tpu.memory_space<hbm>> -> memref<128xi32, #tpu.memory_space<hbm>>
      %dma_wait3A_789 = arith.constant 0 : i32
      %dma_wait3A_790 = tpu.memref_slice %arg7[%run_scoped3A_10, %dma_wait3A_789] : memref<4x128xi32, #tpu.memory_space<vmem>> -> memref<1x128xi32, #tpu.memory_space<vmem>>
      %dma_wait3A_791 = tpu.memref_squeeze %dma_wait3A_790 : memref<1x128xi32, #tpu.memory_space<vmem>> -> memref<128xi32, #tpu.memory_space<vmem>>
      %dma_wait3A_792 = tpu.memref_slice %arg2[%add3A_9] : memref<16384xi32, #tpu.memory_space<hbm>> -> memref<128xi32, #tpu.memory_space<hbm>>
      tpu.wait_dma2 semaphore(%run_scoped3A_776 : memref<!tpu.dma_semaphore, #tpu.memory_space<semaphore_mem>>) src(%dma_wait3A_792 : memref<128xi32, #tpu.memory_space<hbm>>) dst(%dma_wait3A_791 : memref<128xi32, #tpu.memory_space<vmem>>)
      tpu.yield
    }) : () -> ()
    %add3A_11 = arith.constant 128 : i32
    %add3A_12 = arith.addi %mul3A_2, %add3A_11 : i32
    %run_scoped3A_13 = arith.constant 1 : i32
    "tpu.region"() ({
      %run_scoped3A_776 = tpu.sem_alloc : memref<!tpu.dma_semaphore, #tpu.memory_space<semaphore_mem>>
      %dma_start3A_777 = arith.constant 0 : i32
      %dma_start3A_778 = tpu.memref_slice %arg8[%run_scoped3A_13, %dma_start3A_777] : memref<4x128xi32, #tpu.memory_space<vmem>> -> memref<1x128xi32, #tpu.memory_space<vmem>>
      %dma_start3A_779 = tpu.memref_squeeze %dma_start3A_778 : memref<1x128xi32, #tpu.memory_space<vmem>> -> memref<128xi32, #tpu.memory_space<vmem>>
      %dma_start3A_780 = tpu.memref_slice %arg3[%add3A_12] : memref<16384xi32, #tpu.memory_space<hbm>> -> memref<128xi32, #tpu.memory_space<hbm>>
      %dma_start3A_781 = arith.constant 0 : i32
      %dma_start3A_782 = tpu.memref_slice %arg8[%run_scoped3A_13, %dma_start3A_781] : memref<4x128xi32, #tpu.memory_space<vmem>> -> memref<1x128xi32, #tpu.memory_space<vmem>>
      %dma_start3A_783 = tpu.memref_squeeze %dma_start3A_782 : memref<1x128xi32, #tpu.memory_space<vmem>> -> memref<128xi32, #tpu.memory_space<vmem>>
      %dma_start3A_784 = tpu.memref_slice %arg3[%add3A_12] : memref<16384xi32, #tpu.memory_space<hbm>> -> memref<128xi32, #tpu.memory_space<hbm>>
      tpu.enqueue_dma source(%dma_start3A_784 : memref<128xi32, #tpu.memory_space<hbm>>) target(%dma_start3A_783 : memref<128xi32, #tpu.memory_space<vmem>>) target_semaphore(%run_scoped3A_776 : memref<!tpu.dma_semaphore, #tpu.memory_space<semaphore_mem>>)
      %dma_wait3A_785 = arith.constant 0 : i32
      %dma_wait3A_786 = tpu.memref_slice %arg8[%run_scoped3A_13, %dma_wait3A_785] : memref<4x128xi32, #tpu.memory_space<vmem>> -> memref<1x128xi32, #tpu.memory_space<vmem>>
      %dma_wait3A_787 = tpu.memref_squeeze %dma_wait3A_786 : memref<1x128xi32, #tpu.memory_space<vmem>> -> memref<128xi32, #tpu.memory_space<vmem>>
      %dma_wait3A_788 = tpu.memref_slice %arg3[%add3A_12] : memref<16384xi32, #tpu.memory_space<hbm>> -> memref<128xi32, #tpu.memory_space<hbm>>
      %dma_wait3A_789 = arith.constant 0 : i32
      %dma_wait3A_790 = tpu.memref_slice %arg8[%run_scoped3A_13, %dma_wait3A_789] : memref<4x128xi32, #tpu.memory_space<vmem>> -> memref<1x128xi32, #tpu.memory_space<vmem>>
      %dma_wait3A_791 = tpu.memref_squeeze %dma_wait3A_790 : memref<1x128xi32, #tpu.memory_space<vmem>> -> memref<128xi32, #tpu.memory_space<vmem>>
      %dma_wait3A_792 = tpu.memref_slice %arg3[%add3A_12] : memref<16384xi32, #tpu.memory_space<hbm>> -> memref<128xi32, #tpu.memory_space<hbm>>
      tpu.wait_dma2 semaphore(%run_scoped3A_776 : memref<!tpu.dma_semaphore, #tpu.memory_space<semaphore_mem>>) src(%dma_wait3A_792 : memref<128xi32, #tpu.memory_space<hbm>>) dst(%dma_wait3A_791 : memref<128xi32, #tpu.memory_space<vmem>>)
      tpu.yield
    }) : () -> ()
    %add3A_14 = arith.constant 256 : i32
    %add3A_15 = arith.addi %mul3A_2, %add3A_14 : i32
    %run_scoped3A_16 = arith.constant 2 : i32
    "tpu.region"() ({
      %run_scoped3A_776 = tpu.sem_alloc : memref<!tpu.dma_semaphore, #tpu.memory_space<semaphore_mem>>
      %dma_start3A_777 = arith.constant 0 : i32
      %dma_start3A_778 = tpu.memref_slice %arg7[%run_scoped3A_16, %dma_start3A_777] : memref<4x128xi32, #tpu.memory_space<vmem>> -> memref<1x128xi32, #tpu.memory_space<vmem>>
      %dma_start3A_779 = tpu.memref_squeeze %dma_start3A_778 : memref<1x128xi32, #tpu.memory_space<vmem>> -> memref<128xi32, #tpu.memory_space<vmem>>
      %dma_start3A_780 = tpu.memref_slice %arg2[%add3A_15] : memref<16384xi32, #tpu.memory_space<hbm>> -> memref<128xi32, #tpu.memory_space<hbm>>
      %dma_start3A_781 = arith.constant 0 : i32
      %dma_start3A_782 = tpu.memref_slice %arg7[%run_scoped3A_16, %dma_start3A_781] : memref<4x128xi32, #tpu.memory_space<vmem>> -> memref<1x128xi32, #tpu.memory_space<vmem>>
      %dma_start3A_783 = tpu.memref_squeeze %dma_start3A_782 : memref<1x128xi32, #tpu.memory_space<vmem>> -> memref<128xi32, #tpu.memory_space<vmem>>
      %dma_start3A_784 = tpu.memref_slice %arg2[%add3A_15] : memref<16384xi32, #tpu.memory_space<hbm>> -> memref<128xi32, #tpu.memory_space<hbm>>
      tpu.enqueue_dma source(%dma_start3A_784 : memref<128xi32, #tpu.memory_space<hbm>>) target(%dma_start3A_783 : memref<128xi32, #tpu.memory_space<vmem>>) target_semaphore(%run_scoped3A_776 : memref<!tpu.dma_semaphore, #tpu.memory_space<semaphore_mem>>)
      %dma_wait3A_785 = arith.constant 0 : i32
      %dma_wait3A_786 = tpu.memref_slice %arg7[%run_scoped3A_16, %dma_wait3A_785] : memref<4x128xi32, #tpu.memory_space<vmem>> -> memref<1x128xi32, #tpu.memory_space<vmem>>
      %dma_wait3A_787 = tpu.memref_squeeze %dma_wait3A_786 : memref<1x128xi32, #tpu.memory_space<vmem>> -> memref<128xi32, #tpu.memory_space<vmem>>
      %dma_wait3A_788 = tpu.memref_slice %arg2[%add3A_15] : memref<16384xi32, #tpu.memory_space<hbm>> -> memref<128xi32, #tpu.memory_space<hbm>>
      %dma_wait3A_789 = arith.constant 0 : i32
      %dma_wait3A_790 = tpu.memref_slice %arg7[%run_scoped3A_16, %dma_wait3A_789] : memref<4x128xi32, #tpu.memory_space<vmem>> -> memref<1x128xi32, #tpu.memory_space<vmem>>
      %dma_wait3A_791 = tpu.memref_squeeze %dma_wait3A_790 : memref<1x128xi32, #tpu.memory_space<vmem>> -> memref<128xi32, #tpu.memory_space<vmem>>
      %dma_wait3A_792 = tpu.memref_slice %arg2[%add3A_15] : memref<16384xi32, #tpu.memory_space<hbm>> -> memref<128xi32, #tpu.memory_space<hbm>>
      tpu.wait_dma2 semaphore(%run_scoped3A_776 : memref<!tpu.dma_semaphore, #tpu.memory_space<semaphore_mem>>) src(%dma_wait3A_792 : memref<128xi32, #tpu.memory_space<hbm>>) dst(%dma_wait3A_791 : memref<128xi32, #tpu.memory_space<vmem>>)
      tpu.yield
    }) : () -> ()
    %add3A_17 = arith.constant 256 : i32
    %add3A_18 = arith.addi %mul3A_2, %add3A_17 : i32
    %run_scoped3A_19 = arith.constant 2 : i32
    "tpu.region"() ({
      %run_scoped3A_776 = tpu.sem_alloc : memref<!tpu.dma_semaphore, #tpu.memory_space<semaphore_mem>>
      %dma_start3A_777 = arith.constant 0 : i32
      %dma_start3A_778 = tpu.memref_slice %arg8[%run_scoped3A_19, %dma_start3A_777] : memref<4x128xi32, #tpu.memory_space<vmem>> -> memref<1x128xi32, #tpu.memory_space<vmem>>
      %dma_start3A_779 = tpu.memref_squeeze %dma_start3A_778 : memref<1x128xi32, #tpu.memory_space<vmem>> -> memref<128xi32, #tpu.memory_space<vmem>>
      %dma_start3A_780 = tpu.memref_slice %arg3[%add3A_18] : memref<16384xi32, #tpu.memory_space<hbm>> -> memref<128xi32, #tpu.memory_space<hbm>>
      %dma_start3A_781 = arith.constant 0 : i32
      %dma_start3A_782 = tpu.memref_slice %arg8[%run_scoped3A_19, %dma_start3A_781] : memref<4x128xi32, #tpu.memory_space<vmem>> -> memref<1x128xi32, #tpu.memory_space<vmem>>
      %dma_start3A_783 = tpu.memref_squeeze %dma_start3A_782 : memref<1x128xi32, #tpu.memory_space<vmem>> -> memref<128xi32, #tpu.memory_space<vmem>>
      %dma_start3A_784 = tpu.memref_slice %arg3[%add3A_18] : memref<16384xi32, #tpu.memory_space<hbm>> -> memref<128xi32, #tpu.memory_space<hbm>>
      tpu.enqueue_dma source(%dma_start3A_784 : memref<128xi32, #tpu.memory_space<hbm>>) target(%dma_start3A_783 : memref<128xi32, #tpu.memory_space<vmem>>) target_semaphore(%run_scoped3A_776 : memref<!tpu.dma_semaphore, #tpu.memory_space<semaphore_mem>>)
      %dma_wait3A_785 = arith.constant 0 : i32
      %dma_wait3A_786 = tpu.memref_slice %arg8[%run_scoped3A_19, %dma_wait3A_785] : memref<4x128xi32, #tpu.memory_space<vmem>> -> memref<1x128xi32, #tpu.memory_space<vmem>>
      %dma_wait3A_787 = tpu.memref_squeeze %dma_wait3A_786 : memref<1x128xi32, #tpu.memory_space<vmem>> -> memref<128xi32, #tpu.memory_space<vmem>>
      %dma_wait3A_788 = tpu.memref_slice %arg3[%add3A_18] : memref<16384xi32, #tpu.memory_space<hbm>> -> memref<128xi32, #tpu.memory_space<hbm>>
      %dma_wait3A_789 = arith.constant 0 : i32
      %dma_wait3A_790 = tpu.memref_slice %arg8[%run_scoped3A_19, %dma_wait3A_789] : memref<4x128xi32, #tpu.memory_space<vmem>> -> memref<1x128xi32, #tpu.memory_space<vmem>>
      %dma_wait3A_791 = tpu.memref_squeeze %dma_wait3A_790 : memref<1x128xi32, #tpu.memory_space<vmem>> -> memref<128xi32, #tpu.memory_space<vmem>>
      %dma_wait3A_792 = tpu.memref_slice %arg3[%add3A_18] : memref<16384xi32, #tpu.memory_space<hbm>> -> memref<128xi32, #tpu.memory_space<hbm>>
      tpu.wait_dma2 semaphore(%run_scoped3A_776 : memref<!tpu.dma_semaphore, #tpu.memory_space<semaphore_mem>>) src(%dma_wait3A_792 : memref<128xi32, #tpu.memory_space<hbm>>) dst(%dma_wait3A_791 : memref<128xi32, #tpu.memory_space<vmem>>)
      tpu.yield
    }) : () -> ()
    %add3A_20 = arith.constant 384 : i32
    %add3A_21 = arith.addi %mul3A_2, %add3A_20 : i32
    %run_scoped3A_22 = arith.constant 3 : i32
    "tpu.region"() ({
      %run_scoped3A_776 = tpu.sem_alloc : memref<!tpu.dma_semaphore, #tpu.memory_space<semaphore_mem>>
      %dma_start3A_777 = arith.constant 0 : i32
      %dma_start3A_778 = tpu.memref_slice %arg7[%run_scoped3A_22, %dma_start3A_777] : memref<4x128xi32, #tpu.memory_space<vmem>> -> memref<1x128xi32, #tpu.memory_space<vmem>>
      %dma_start3A_779 = tpu.memref_squeeze %dma_start3A_778 : memref<1x128xi32, #tpu.memory_space<vmem>> -> memref<128xi32, #tpu.memory_space<vmem>>
      %dma_start3A_780 = tpu.memref_slice %arg2[%add3A_21] : memref<16384xi32, #tpu.memory_space<hbm>> -> memref<128xi32, #tpu.memory_space<hbm>>
      %dma_start3A_781 = arith.constant 0 : i32
      %dma_start3A_782 = tpu.memref_slice %arg7[%run_scoped3A_22, %dma_start3A_781] : memref<4x128xi32, #tpu.memory_space<vmem>> -> memref<1x128xi32, #tpu.memory_space<vmem>>
      %dma_start3A_783 = tpu.memref_squeeze %dma_start3A_782 : memref<1x128xi32, #tpu.memory_space<vmem>> -> memref<128xi32, #tpu.memory_space<vmem>>
      %dma_start3A_784 = tpu.memref_slice %arg2[%add3A_21] : memref<16384xi32, #tpu.memory_space<hbm>> -> memref<128xi32, #tpu.memory_space<hbm>>
      tpu.enqueue_dma source(%dma_start3A_784 : memref<128xi32, #tpu.memory_space<hbm>>) target(%dma_start3A_783 : memref<128xi32, #tpu.memory_space<vmem>>) target_semaphore(%run_scoped3A_776 : memref<!tpu.dma_semaphore, #tpu.memory_space<semaphore_mem>>)
      %dma_wait3A_785 = arith.constant 0 : i32
      %dma_wait3A_786 = tpu.memref_slice %arg7[%run_scoped3A_22, %dma_wait3A_785] : memref<4x128xi32, #tpu.memory_space<vmem>> -> memref<1x128xi32, #tpu.memory_space<vmem>>
      %dma_wait3A_787 = tpu.memref_squeeze %dma_wait3A_786 : memref<1x128xi32, #tpu.memory_space<vmem>> -> memref<128xi32, #tpu.memory_space<vmem>>
      %dma_wait3A_788 = tpu.memref_slice %arg2[%add3A_21] : memref<16384xi32, #tpu.memory_space<hbm>> -> memref<128xi32, #tpu.memory_space<hbm>>
      %dma_wait3A_789 = arith.constant 0 : i32
      %dma_wait3A_790 = tpu.memref_slice %arg7[%run_scoped3A_22, %dma_wait3A_789] : memref<4x128xi32, #tpu.memory_space<vmem>> -> memref<1x128xi32, #tpu.memory_space<vmem>>
      %dma_wait3A_791 = tpu.memref_squeeze %dma_wait3A_790 : memref<1x128xi32, #tpu.memory_space<vmem>> -> memref<128xi32, #tpu.memory_space<vmem>>
      %dma_wait3A_792 = tpu.memref_slice %arg2[%add3A_21] : memref<16384xi32, #tpu.memory_space<hbm>> -> memref<128xi32, #tpu.memory_space<hbm>>
      tpu.wait_dma2 semaphore(%run_scoped3A_776 : memref<!tpu.dma_semaphore, #tpu.memory_space<semaphore_mem>>) src(%dma_wait3A_792 : memref<128xi32, #tpu.memory_space<hbm>>) dst(%dma_wait3A_791 : memref<128xi32, #tpu.memory_space<vmem>>)
      tpu.yield
    }) : () -> ()
    %add3A_23 = arith.constant 384 : i32
    %add3A_24 = arith.addi %mul3A_2, %add3A_23 : i32
    %run_scoped3A_25 = arith.constant 3 : i32
    "tpu.region"() ({
      %run_scoped3A_776 = tpu.sem_alloc : memref<!tpu.dma_semaphore, #tpu.memory_space<semaphore_mem>>
      %dma_start3A_777 = arith.constant 0 : i32
      %dma_start3A_778 = tpu.memref_slice %arg8[%run_scoped3A_25, %dma_start3A_777] : memref<4x128xi32, #tpu.memory_space<vmem>> -> memref<1x128xi32, #tpu.memory_space<vmem>>
      %dma_start3A_779 = tpu.memref_squeeze %dma_start3A_778 : memref<1x128xi32, #tpu.memory_space<vmem>> -> memref<128xi32, #tpu.memory_space<vmem>>
      %dma_start3A_780 = tpu.memref_slice %arg3[%add3A_24] : memref<16384xi32, #tpu.memory_space<hbm>> -> memref<128xi32, #tpu.memory_space<hbm>>
      %dma_start3A_781 = arith.constant 0 : i32
      %dma_start3A_782 = tpu.memref_slice %arg8[%run_scoped3A_25, %dma_start3A_781] : memref<4x128xi32, #tpu.memory_space<vmem>> -> memref<1x128xi32, #tpu.memory_space<vmem>>
      %dma_start3A_783 = tpu.memref_squeeze %dma_start3A_782 : memref<1x128xi32, #tpu.memory_space<vmem>> -> memref<128xi32, #tpu.memory_space<vmem>>
      %dma_start3A_784 = tpu.memref_slice %arg3[%add3A_24] : memref<16384xi32, #tpu.memory_space<hbm>> -> memref<128xi32, #tpu.memory_space<hbm>>
      tpu.enqueue_dma source(%dma_start3A_784 : memref<128xi32, #tpu.memory_space<hbm>>) target(%dma_start3A_783 : memref<128xi32, #tpu.memory_space<vmem>>) target_semaphore(%run_scoped3A_776 : memref<!tpu.dma_semaphore, #tpu.memory_space<semaphore_mem>>)
      %dma_wait3A_785 = arith.constant 0 : i32
      %dma_wait3A_786 = tpu.memref_slice %arg8[%run_scoped3A_25, %dma_wait3A_785] : memref<4x128xi32, #tpu.memory_space<vmem>> -> memref<1x128xi32, #tpu.memory_space<vmem>>
      %dma_wait3A_787 = tpu.memref_squeeze %dma_wait3A_786 : memref<1x128xi32, #tpu.memory_space<vmem>> -> memref<128xi32, #tpu.memory_space<vmem>>
      %dma_wait3A_788 = tpu.memref_slice %arg3[%add3A_24] : memref<16384xi32, #tpu.memory_space<hbm>> -> memref<128xi32, #tpu.memory_space<hbm>>
      %dma_wait3A_789 = arith.constant 0 : i32
      %dma_wait3A_790 = tpu.memref_slice %arg8[%run_scoped3A_25, %dma_wait3A_789] : memref<4x128xi32, #tpu.memory_space<vmem>> -> memref<1x128xi32, #tpu.memory_space<vmem>>
      %dma_wait3A_791 = tpu.memref_squeeze %dma_wait3A_790 : memref<1x128xi32, #tpu.memory_space<vmem>> -> memref<128xi32, #tpu.memory_space<vmem>>
      %dma_wait3A_792 = tpu.memref_slice %arg3[%add3A_24] : memref<16384xi32, #tpu.memory_space<hbm>> -> memref<128xi32, #tpu.memory_space<hbm>>
      tpu.wait_dma2 semaphore(%run_scoped3A_776 : memref<!tpu.dma_semaphore, #tpu.memory_space<semaphore_mem>>) src(%dma_wait3A_792 : memref<128xi32, #tpu.memory_space<hbm>>) dst(%dma_wait3A_791 : memref<128xi32, #tpu.memory_space<vmem>>)
      tpu.yield
    }) : () -> ()
    %get3A = arith.constant 0 : i32
    %get3A_26 = arith.index_cast %get3A : i32 to index
    %get3A_27 = arith.constant 0 : index
    %get3A_28 = tpu.vector_load %arg7[%get3A_26, %get3A_27] {strides = array<i32>} : memref<4x128xi32, #tpu.memory_space<vmem>>, vector<16xi32>,
    %and3A = arith.constant 3 : i32
    %and3A_29 = vector.broadcast %and3A : i32 to vector<16xi32>
    %and3A_30 = arith.andi %get3A_28, %and3A_29 : vector<16xi32>
    %mul3A_31 = arith.constant 32 : i32
    %mul3A_32 = vector.broadcast %mul3A_31 : i32 to vector<16xi32>
    %mul3A_33 = arith.muli %and3A_30, %mul3A_32 : vector<16xi32>
    %swap3A = arith.constant 0 : i32
    %swap3A_34 = arith.index_cast %swap3A : i32 to index
    %swap3A_35 = arith.constant 0 : index
    %swap3A_36 = tpu.vector_load %arg9[%swap3A_34, %swap3A_35] {strides = array<i32>} : memref<4x128xi32, #tpu.memory_space<vmem>>, vector<16xi32>,
    tpu.vector_store %arg9[%swap3A_34, %swap3A_35], %mul3A_33 {strides = array<i32>} : memref<4x128xi32, #tpu.memory_space<vmem>>, vector<16xi32>,
    %shift_right_logical3A = arith.constant 2 : i32
    %shift_right_logical3A_37 = vector.broadcast %shift_right_logical3A : i32 to vector<16xi32>
    %shift_right_logical3A_38 = arith.shrui %get3A_28, %shift_right_logical3A_37 : vector<16xi32>
    %swap3A_39 = arith.constant 0 : i32
    %swap3A_40 = arith.index_cast %swap3A_39 : i32 to index
    %swap3A_41 = arith.constant 0 : index
    %swap3A_42 = tpu.vector_load %arg7[%swap3A_40, %swap3A_41] {strides = array<i32>} : memref<4x128xi32, #tpu.memory_space<vmem>>, vector<16xi32>,
    tpu.vector_store %arg7[%swap3A_40, %swap3A_41], %shift_right_logical3A_38 {strides = array<i32>} : memref<4x128xi32, #tpu.memory_space<vmem>>, vector<16xi32>,
    %get3A_43 = arith.constant 0 : i32
    %get3A_44 = arith.index_cast %get3A_43 : i32 to index
    %get3A_45 = arith.constant 16 : index
    %get3A_46 = tpu.vector_load %arg7[%get3A_44, %get3A_45] {strides = array<i32>} : memref<4x128xi32, #tpu.memory_space<vmem>>, vector<16xi32>,
    %and3A_47 = arith.constant 3 : i32
    %and3A_48 = vector.broadcast %and3A_47 : i32 to vector<16xi32>
    %and3A_49 = arith.andi %get3A_46, %and3A_48 : vector<16xi32>
    %mul3A_50 = arith.constant 32 : i32
    %mul3A_51 = vector.broadcast %mul3A_50 : i32 to vector<16xi32>
    %mul3A_52 = arith.muli %and3A_49, %mul3A_51 : vector<16xi32>
    %swap3A_53 = arith.constant 0 : i32
    %swap3A_54 = arith.index_cast %swap3A_53 : i32 to index
    %swap3A_55 = arith.constant 16 : index
    %swap3A_56 = tpu.vector_load %arg9[%swap3A_54, %swap3A_55] {strides = array<i32>} : memref<4x128xi32, #tpu.memory_space<vmem>>, vector<16xi32>,
    tpu.vector_store %arg9[%swap3A_54, %swap3A_55], %mul3A_52 {strides = array<i32>} : memref<4x128xi32, #tpu.memory_space<vmem>>, vector<16xi32>,
    %shift_right_logical3A_57 = arith.constant 2 : i32
    %shift_right_logical3A_58 = vector.broadcast %shift_right_logical3A_57 : i32 to vector<16xi32>
    %shift_right_logical3A_59 = arith.shrui %get3A_46, %shift_right_logical3A_58 : vector<16xi32>
    %swap3A_60 = arith.constant 0 : i32
    %swap3A_61 = arith.index_cast %swap3A_60 : i32 to index
    %swap3A_62 = arith.constant 16 : index
    %swap3A_63 = tpu.vector_load %arg7[%swap3A_61, %swap3A_62] {strides = array<i32>} : memref<4x128xi32, #tpu.memory_space<vmem>>, vector<16xi32>,
    tpu.vector_store %arg7[%swap3A_61, %swap3A_62], %shift_right_logical3A_59 {strides = array<i32>} : memref<4x128xi32, #tpu.memory_space<vmem>>, vector<16xi32>,
    %get3A_64 = arith.constant 0 : i32
    %get3A_65 = arith.index_cast %get3A_64 : i32 to index
    %get3A_66 = arith.constant 32 : index
    %get3A_67 = tpu.vector_load %arg7[%get3A_65, %get3A_66] {strides = array<i32>} : memref<4x128xi32, #tpu.memory_space<vmem>>, vector<16xi32>,
    %and3A_68 = arith.constant 3 : i32
    %and3A_69 = vector.broadcast %and3A_68 : i32 to vector<16xi32>
    %and3A_70 = arith.andi %get3A_67, %and3A_69 : vector<16xi32>
    %mul3A_71 = arith.constant 32 : i32
    %mul3A_72 = vector.broadcast %mul3A_71 : i32 to vector<16xi32>
    %mul3A_73 = arith.muli %and3A_70, %mul3A_72 : vector<16xi32>
    %swap3A_74 = arith.constant 0 : i32
    %swap3A_75 = arith.index_cast %swap3A_74 : i32 to index
    %swap3A_76 = arith.constant 32 : index
    %swap3A_77 = tpu.vector_load %arg9[%swap3A_75, %swap3A_76] {strides = array<i32>} : memref<4x128xi32, #tpu.memory_space<vmem>>, vector<16xi32>,
    tpu.vector_store %arg9[%swap3A_75, %swap3A_76], %mul3A_73 {strides = array<i32>} : memref<4x128xi32, #tpu.memory_space<vmem>>, vector<16xi32>,
    %shift_right_logical3A_78 = arith.constant 2 : i32
    %shift_right_logical3A_79 = vector.broadcast %shift_right_logical3A_78 : i32 to vector<16xi32>
    %shift_right_logical3A_80 = arith.shrui %get3A_67, %shift_right_logical3A_79 : vector<16xi32>
    %swap3A_81 = arith.constant 0 : i32
    %swap3A_82 = arith.index_cast %swap3A_81 : i32 to index
    %swap3A_83 = arith.constant 32 : index
    %swap3A_84 = tpu.vector_load %arg7[%swap3A_82, %swap3A_83] {strides = array<i32>} : memref<4x128xi32, #tpu.memory_space<vmem>>, vector<16xi32>,
    tpu.vector_store %arg7[%swap3A_82, %swap3A_83], %shift_right_logical3A_80 {strides = array<i32>} : memref<4x128xi32, #tpu.memory_space<vmem>>, vector<16xi32>,
    %get3A_85 = arith.constant 0 : i32
    %get3A_86 = arith.index_cast %get3A_85 : i32 to index
    %get3A_87 = arith.constant 48 : index
    %get3A_88 = tpu.vector_load %arg7[%get3A_86, %get3A_87] {strides = array<i32>} : memref<4x128xi32, #tpu.memory_space<vmem>>, vector<16xi32>,
    %and3A_89 = arith.constant 3 : i32
    %and3A_90 = vector.broadcast %and3A_89 : i32 to vector<16xi32>
    %and3A_91 = arith.andi %get3A_88, %and3A_90 : vector<16xi32>
    %mul3A_92 = arith.constant 32 : i32
    %mul3A_93 = vector.broadcast %mul3A_92 : i32 to vector<16xi32>
    %mul3A_94 = arith.muli %and3A_91, %mul3A_93 : vector<16xi32>
    %swap3A_95 = arith.constant 0 : i32
    %swap3A_96 = arith.index_cast %swap3A_95 : i32 to index
    %swap3A_97 = arith.constant 48 : index
    %swap3A_98 = tpu.vector_load %arg9[%swap3A_96, %swap3A_97] {strides = array<i32>} : memref<4x128xi32, #tpu.memory_space<vmem>>, vector<16xi32>,
    tpu.vector_store %arg9[%swap3A_96, %swap3A_97], %mul3A_94 {strides = array<i32>} : memref<4x128xi32, #tpu.memory_space<vmem>>, vector<16xi32>,
    %shift_right_logical3A_99 = arith.constant 2 : i32
    %shift_right_logical3A_100 = vector.broadcast %shift_right_logical3A_99 : i32 to vector<16xi32>
    %shift_right_logical3A_101 = arith.shrui %get3A_88, %shift_right_logical3A_100 : vector<16xi32>
    %swap3A_102 = arith.constant 0 : i32
    %swap3A_103 = arith.index_cast %swap3A_102 : i32 to index
    %swap3A_104 = arith.constant 48 : index
    %swap3A_105 = tpu.vector_load %arg7[%swap3A_103, %swap3A_104] {strides = array<i32>} : memref<4x128xi32, #tpu.memory_space<vmem>>, vector<16xi32>,
    tpu.vector_store %arg7[%swap3A_103, %swap3A_104], %shift_right_logical3A_101 {strides = array<i32>} : memref<4x128xi32, #tpu.memory_space<vmem>>, vector<16xi32>,
    %get3A_106 = arith.constant 0 : i32
    %get3A_107 = arith.index_cast %get3A_106 : i32 to index
    %get3A_108 = arith.constant 64 : index
    %get3A_109 = tpu.vector_load %arg7[%get3A_107, %get3A_108] {strides = array<i32>} : memref<4x128xi32, #tpu.memory_space<vmem>>, vector<16xi32>,
    %and3A_110 = arith.constant 3 : i32
    %and3A_111 = vector.broadcast %and3A_110 : i32 to vector<16xi32>
    %and3A_112 = arith.andi %get3A_109, %and3A_111 : vector<16xi32>
    %mul3A_113 = arith.constant 32 : i32
    %mul3A_114 = vector.broadcast %mul3A_113 : i32 to vector<16xi32>
    %mul3A_115 = arith.muli %and3A_112, %mul3A_114 : vector<16xi32>
    %swap3A_116 = arith.constant 0 : i32
    %swap3A_117 = arith.index_cast %swap3A_116 : i32 to index
    %swap3A_118 = arith.constant 64 : index
    %swap3A_119 = tpu.vector_load %arg9[%swap3A_117, %swap3A_118] {strides = array<i32>} : memref<4x128xi32, #tpu.memory_space<vmem>>, vector<16xi32>,
    tpu.vector_store %arg9[%swap3A_117, %swap3A_118], %mul3A_115 {strides = array<i32>} : memref<4x128xi32, #tpu.memory_space<vmem>>, vector<16xi32>,
    %shift_right_logical3A_120 = arith.constant 2 : i32
    %shift_right_logical3A_121 = vector.broadcast %shift_right_logical3A_120 : i32 to vector<16xi32>
    %shift_right_logical3A_122 = arith.shrui %get3A_109, %shift_right_logical3A_121 : vector<16xi32>
    %swap3A_123 = arith.constant 0 : i32
    %swap3A_124 = arith.index_cast %swap3A_123 : i32 to index
    %swap3A_125 = arith.constant 64 : index
    %swap3A_126 = tpu.vector_load %arg7[%swap3A_124, %swap3A_125] {strides = array<i32>} : memref<4x128xi32, #tpu.memory_space<vmem>>, vector<16xi32>,
    tpu.vector_store %arg7[%swap3A_124, %swap3A_125], %shift_right_logical3A_122 {strides = array<i32>} : memref<4x128xi32, #tpu.memory_space<vmem>>, vector<16xi32>,
    %get3A_127 = arith.constant 0 : i32
    %get3A_128 = arith.index_cast %get3A_127 : i32 to index
    %get3A_129 = arith.constant 80 : index
    %get3A_130 = tpu.vector_load %arg7[%get3A_128, %get3A_129] {strides = array<i32>} : memref<4x128xi32, #tpu.memory_space<vmem>>, vector<16xi32>,
    %and3A_131 = arith.constant 3 : i32
    %and3A_132 = vector.broadcast %and3A_131 : i32 to vector<16xi32>
    %and3A_133 = arith.andi %get3A_130, %and3A_132 : vector<16xi32>
    %mul3A_134 = arith.constant 32 : i32
    %mul3A_135 = vector.broadcast %mul3A_134 : i32 to vector<16xi32>
    %mul3A_136 = arith.muli %and3A_133, %mul3A_135 : vector<16xi32>
    %swap3A_137 = arith.constant 0 : i32
    %swap3A_138 = arith.index_cast %swap3A_137 : i32 to index
    %swap3A_139 = arith.constant 80 : index
    %swap3A_140 = tpu.vector_load %arg9[%swap3A_138, %swap3A_139] {strides = array<i32>} : memref<4x128xi32, #tpu.memory_space<vmem>>, vector<16xi32>,
    tpu.vector_store %arg9[%swap3A_138, %swap3A_139], %mul3A_136 {strides = array<i32>} : memref<4x128xi32, #tpu.memory_space<vmem>>, vector<16xi32>,
    %shift_right_logical3A_141 = arith.constant 2 : i32
    %shift_right_logical3A_142 = vector.broadcast %shift_right_logical3A_141 : i32 to vector<16xi32>
    %shift_right_logical3A_143 = arith.shrui %get3A_130, %shift_right_logical3A_142 : vector<16xi32>
    %swap3A_144 = arith.constant 0 : i32
    %swap3A_145 = arith.index_cast %swap3A_144 : i32 to index
    %swap3A_146 = arith.constant 80 : index
    %swap3A_147 = tpu.vector_load %arg7[%swap3A_145, %swap3A_146] {strides = array<i32>} : memref<4x128xi32, #tpu.memory_space<vmem>>, vector<16xi32>,
    tpu.vector_store %arg7[%swap3A_145, %swap3A_146], %shift_right_logical3A_143 {strides = array<i32>} : memref<4x128xi32, #tpu.memory_space<vmem>>, vector<16xi32>,
    %get3A_148 = arith.constant 0 : i32
    %get3A_149 = arith.index_cast %get3A_148 : i32 to index
    %get3A_150 = arith.constant 96 : index
    %get3A_151 = tpu.vector_load %arg7[%get3A_149, %get3A_150] {strides = array<i32>} : memref<4x128xi32, #tpu.memory_space<vmem>>, vector<16xi32>,
    %and3A_152 = arith.constant 3 : i32
    %and3A_153 = vector.broadcast %and3A_152 : i32 to vector<16xi32>
    %and3A_154 = arith.andi %get3A_151, %and3A_153 : vector<16xi32>
    %mul3A_155 = arith.constant 32 : i32
    %mul3A_156 = vector.broadcast %mul3A_155 : i32 to vector<16xi32>
    %mul3A_157 = arith.muli %and3A_154, %mul3A_156 : vector<16xi32>
    %swap3A_158 = arith.constant 0 : i32
    %swap3A_159 = arith.index_cast %swap3A_158 : i32 to index
    %swap3A_160 = arith.constant 96 : index
    %swap3A_161 = tpu.vector_load %arg9[%swap3A_159, %swap3A_160] {strides = array<i32>} : memref<4x128xi32, #tpu.memory_space<vmem>>, vector<16xi32>,
    tpu.vector_store %arg9[%swap3A_159, %swap3A_160], %mul3A_157 {strides = array<i32>} : memref<4x128xi32, #tpu.memory_space<vmem>>, vector<16xi32>,
    %shift_right_logical3A_162 = arith.constant 2 : i32
    %shift_right_logical3A_163 = vector.broadcast %shift_right_logical3A_162 : i32 to vector<16xi32>
    %shift_right_logical3A_164 = arith.shrui %get3A_151, %shift_right_logical3A_163 : vector<16xi32>
    %swap3A_165 = arith.constant 0 : i32
    %swap3A_166 = arith.index_cast %swap3A_165 : i32 to index
    %swap3A_167 = arith.constant 96 : index
    %swap3A_168 = tpu.vector_load %arg7[%swap3A_166, %swap3A_167] {strides = array<i32>} : memref<4x128xi32, #tpu.memory_space<vmem>>, vector<16xi32>,
    tpu.vector_store %arg7[%swap3A_166, %swap3A_167], %shift_right_logical3A_164 {strides = array<i32>} : memref<4x128xi32, #tpu.memory_space<vmem>>, vector<16xi32>,
    %get3A_169 = arith.constant 0 : i32
    %get3A_170 = arith.index_cast %get3A_169 : i32 to index
    %get3A_171 = arith.constant 112 : index
    %get3A_172 = tpu.vector_load %arg7[%get3A_170, %get3A_171] {strides = array<i32>} : memref<4x128xi32, #tpu.memory_space<vmem>>, vector<16xi32>,
    %and3A_173 = arith.constant 3 : i32
    %and3A_174 = vector.broadcast %and3A_173 : i32 to vector<16xi32>
    %and3A_175 = arith.andi %get3A_172, %and3A_174 : vector<16xi32>
    %mul3A_176 = arith.constant 32 : i32
    %mul3A_177 = vector.broadcast %mul3A_176 : i32 to vector<16xi32>
    %mul3A_178 = arith.muli %and3A_175, %mul3A_177 : vector<16xi32>
    %swap3A_179 = arith.constant 0 : i32
    %swap3A_180 = arith.index_cast %swap3A_179 : i32 to index
    %swap3A_181 = arith.constant 112 : index
    %swap3A_182 = tpu.vector_load %arg9[%swap3A_180, %swap3A_181] {strides = array<i32>} : memref<4x128xi32, #tpu.memory_space<vmem>>, vector<16xi32>,
    tpu.vector_store %arg9[%swap3A_180, %swap3A_181], %mul3A_178 {strides = array<i32>} : memref<4x128xi32, #tpu.memory_space<vmem>>, vector<16xi32>,
    %shift_right_logical3A_183 = arith.constant 2 : i32
    %shift_right_logical3A_184 = vector.broadcast %shift_right_logical3A_183 : i32 to vector<16xi32>
    %shift_right_logical3A_185 = arith.shrui %get3A_172, %shift_right_logical3A_184 : vector<16xi32>
    %swap3A_186 = arith.constant 0 : i32
    %swap3A_187 = arith.index_cast %swap3A_186 : i32 to index
    %swap3A_188 = arith.constant 112 : index
    %swap3A_189 = tpu.vector_load %arg7[%swap3A_187, %swap3A_188] {strides = array<i32>} : memref<4x128xi32, #tpu.memory_space<vmem>>, vector<16xi32>,
    tpu.vector_store %arg7[%swap3A_187, %swap3A_188], %shift_right_logical3A_185 {strides = array<i32>} : memref<4x128xi32, #tpu.memory_space<vmem>>, vector<16xi32>,
    %get3A_190 = arith.constant 1 : i32
    %get3A_191 = arith.index_cast %get3A_190 : i32 to index
    %get3A_192 = arith.constant 0 : index
    %get3A_193 = tpu.vector_load %arg7[%get3A_191, %get3A_192] {strides = array<i32>} : memref<4x128xi32, #tpu.memory_space<vmem>>, vector<16xi32>,
    %and3A_194 = arith.constant 3 : i32
    %and3A_195 = vector.broadcast %and3A_194 : i32 to vector<16xi32>
    %and3A_196 = arith.andi %get3A_193, %and3A_195 : vector<16xi32>
    %mul3A_197 = arith.constant 32 : i32
    %mul3A_198 = vector.broadcast %mul3A_197 : i32 to vector<16xi32>
    %mul3A_199 = arith.muli %and3A_196, %mul3A_198 : vector<16xi32>
    %swap3A_200 = arith.constant 1 : i32
    %swap3A_201 = arith.index_cast %swap3A_200 : i32 to index
    %swap3A_202 = arith.constant 0 : index
    %swap3A_203 = tpu.vector_load %arg9[%swap3A_201, %swap3A_202] {strides = array<i32>} : memref<4x128xi32, #tpu.memory_space<vmem>>, vector<16xi32>,
    tpu.vector_store %arg9[%swap3A_201, %swap3A_202], %mul3A_199 {strides = array<i32>} : memref<4x128xi32, #tpu.memory_space<vmem>>, vector<16xi32>,
    %shift_right_logical3A_204 = arith.constant 2 : i32
    %shift_right_logical3A_205 = vector.broadcast %shift_right_logical3A_204 : i32 to vector<16xi32>
    %shift_right_logical3A_206 = arith.shrui %get3A_193, %shift_right_logical3A_205 : vector<16xi32>
    %swap3A_207 = arith.constant 1 : i32
    %swap3A_208 = arith.index_cast %swap3A_207 : i32 to index
    %swap3A_209 = arith.constant 0 : index
    %swap3A_210 = tpu.vector_load %arg7[%swap3A_208, %swap3A_209] {strides = array<i32>} : memref<4x128xi32, #tpu.memory_space<vmem>>, vector<16xi32>,
    tpu.vector_store %arg7[%swap3A_208, %swap3A_209], %shift_right_logical3A_206 {strides = array<i32>} : memref<4x128xi32, #tpu.memory_space<vmem>>, vector<16xi32>,
    %get3A_211 = arith.constant 1 : i32
    %get3A_212 = arith.index_cast %get3A_211 : i32 to index
    %get3A_213 = arith.constant 16 : index
    %get3A_214 = tpu.vector_load %arg7[%get3A_212, %get3A_213] {strides = array<i32>} : memref<4x128xi32, #tpu.memory_space<vmem>>, vector<16xi32>,
    %and3A_215 = arith.constant 3 : i32
    %and3A_216 = vector.broadcast %and3A_215 : i32 to vector<16xi32>
    %and3A_217 = arith.andi %get3A_214, %and3A_216 : vector<16xi32>
    %mul3A_218 = arith.constant 32 : i32
    %mul3A_219 = vector.broadcast %mul3A_218 : i32 to vector<16xi32>
    %mul3A_220 = arith.muli %and3A_217, %mul3A_219 : vector<16xi32>
    %swap3A_221 = arith.constant 1 : i32
    %swap3A_222 = arith.index_cast %swap3A_221 : i32 to index
    %swap3A_223 = arith.constant 16 : index
    %swap3A_224 = tpu.vector_load %arg9[%swap3A_222, %swap3A_223] {strides = array<i32>} : memref<4x128xi32, #tpu.memory_space<vmem>>, vector<16xi32>,
    tpu.vector_store %arg9[%swap3A_222, %swap3A_223], %mul3A_220 {strides = array<i32>} : memref<4x128xi32, #tpu.memory_space<vmem>>, vector<16xi32>,
    %shift_right_logical3A_225 = arith.constant 2 : i32
    %shift_right_logical3A_226 = vector.broadcast %shift_right_logical3A_225 : i32 to vector<16xi32>
    %shift_right_logical3A_227 = arith.shrui %get3A_214, %shift_right_logical3A_226 : vector<16xi32>
    %swap3A_228 = arith.constant 1 : i32
    %swap3A_229 = arith.index_cast %swap3A_228 : i32 to index
    %swap3A_230 = arith.constant 16 : index
    %swap3A_231 = tpu.vector_load %arg7[%swap3A_229, %swap3A_230] {strides = array<i32>} : memref<4x128xi32, #tpu.memory_space<vmem>>, vector<16xi32>,
    tpu.vector_store %arg7[%swap3A_229, %swap3A_230], %shift_right_logical3A_227 {strides = array<i32>} : memref<4x128xi32, #tpu.memory_space<vmem>>, vector<16xi32>,
    %get3A_232 = arith.constant 1 : i32
    %get3A_233 = arith.index_cast %get3A_232 : i32 to index
    %get3A_234 = arith.constant 32 : index
    %get3A_235 = tpu.vector_load %arg7[%get3A_233, %get3A_234] {strides = array<i32>} : memref<4x128xi32, #tpu.memory_space<vmem>>, vector<16xi32>,
    %and3A_236 = arith.constant 3 : i32
    %and3A_237 = vector.broadcast %and3A_236 : i32 to vector<16xi32>
    %and3A_238 = arith.andi %get3A_235, %and3A_237 : vector<16xi32>
    %mul3A_239 = arith.constant 32 : i32
    %mul3A_240 = vector.broadcast %mul3A_239 : i32 to vector<16xi32>
    %mul3A_241 = arith.muli %and3A_238, %mul3A_240 : vector<16xi32>
    %swap3A_242 = arith.constant 1 : i32
    %swap3A_243 = arith.index_cast %swap3A_242 : i32 to index
    %swap3A_244 = arith.constant 32 : index
    %swap3A_245 = tpu.vector_load %arg9[%swap3A_243, %swap3A_244] {strides = array<i32>} : memref<4x128xi32, #tpu.memory_space<vmem>>, vector<16xi32>,
    tpu.vector_store %arg9[%swap3A_243, %swap3A_244], %mul3A_241 {strides = array<i32>} : memref<4x128xi32, #tpu.memory_space<vmem>>, vector<16xi32>,
    %shift_right_logical3A_246 = arith.constant 2 : i32
    %shift_right_logical3A_247 = vector.broadcast %shift_right_logical3A_246 : i32 to vector<16xi32>
    %shift_right_logical3A_248 = arith.shrui %get3A_235, %shift_right_logical3A_247 : vector<16xi32>
    %swap3A_249 = arith.constant 1 : i32
    %swap3A_250 = arith.index_cast %swap3A_249 : i32 to index
    %swap3A_251 = arith.constant 32 : index
    %swap3A_252 = tpu.vector_load %arg7[%swap3A_250, %swap3A_251] {strides = array<i32>} : memref<4x128xi32, #tpu.memory_space<vmem>>, vector<16xi32>,
    tpu.vector_store %arg7[%swap3A_250, %swap3A_251], %shift_right_logical3A_248 {strides = array<i32>} : memref<4x128xi32, #tpu.memory_space<vmem>>, vector<16xi32>,
    %get3A_253 = arith.constant 1 : i32
    %get3A_254 = arith.index_cast %get3A_253 : i32 to index
    %get3A_255 = arith.constant 48 : index
    %get3A_256 = tpu.vector_load %arg7[%get3A_254, %get3A_255] {strides = array<i32>} : memref<4x128xi32, #tpu.memory_space<vmem>>, vector<16xi32>,
    %and3A_257 = arith.constant 3 : i32
    %and3A_258 = vector.broadcast %and3A_257 : i32 to vector<16xi32>
    %and3A_259 = arith.andi %get3A_256, %and3A_258 : vector<16xi32>
    %mul3A_260 = arith.constant 32 : i32
    %mul3A_261 = vector.broadcast %mul3A_260 : i32 to vector<16xi32>
    %mul3A_262 = arith.muli %and3A_259, %mul3A_261 : vector<16xi32>
    %swap3A_263 = arith.constant 1 : i32
    %swap3A_264 = arith.index_cast %swap3A_263 : i32 to index
    %swap3A_265 = arith.constant 48 : index
    %swap3A_266 = tpu.vector_load %arg9[%swap3A_264, %swap3A_265] {strides = array<i32>} : memref<4x128xi32, #tpu.memory_space<vmem>>, vector<16xi32>,
    tpu.vector_store %arg9[%swap3A_264, %swap3A_265], %mul3A_262 {strides = array<i32>} : memref<4x128xi32, #tpu.memory_space<vmem>>, vector<16xi32>,
    %shift_right_logical3A_267 = arith.constant 2 : i32
    %shift_right_logical3A_268 = vector.broadcast %shift_right_logical3A_267 : i32 to vector<16xi32>
    %shift_right_logical3A_269 = arith.shrui %get3A_256, %shift_right_logical3A_268 : vector<16xi32>
    %swap3A_270 = arith.constant 1 : i32
    %swap3A_271 = arith.index_cast %swap3A_270 : i32 to index
    %swap3A_272 = arith.constant 48 : index
    %swap3A_273 = tpu.vector_load %arg7[%swap3A_271, %swap3A_272] {strides = array<i32>} : memref<4x128xi32, #tpu.memory_space<vmem>>, vector<16xi32>,
    tpu.vector_store %arg7[%swap3A_271, %swap3A_272], %shift_right_logical3A_269 {strides = array<i32>} : memref<4x128xi32, #tpu.memory_space<vmem>>, vector<16xi32>,
    %get3A_274 = arith.constant 1 : i32
    %get3A_275 = arith.index_cast %get3A_274 : i32 to index
    %get3A_276 = arith.constant 64 : index
    %get3A_277 = tpu.vector_load %arg7[%get3A_275, %get3A_276] {strides = array<i32>} : memref<4x128xi32, #tpu.memory_space<vmem>>, vector<16xi32>,
    %and3A_278 = arith.constant 3 : i32
    %and3A_279 = vector.broadcast %and3A_278 : i32 to vector<16xi32>
    %and3A_280 = arith.andi %get3A_277, %and3A_279 : vector<16xi32>
    %mul3A_281 = arith.constant 32 : i32
    %mul3A_282 = vector.broadcast %mul3A_281 : i32 to vector<16xi32>
    %mul3A_283 = arith.muli %and3A_280, %mul3A_282 : vector<16xi32>
    %swap3A_284 = arith.constant 1 : i32
    %swap3A_285 = arith.index_cast %swap3A_284 : i32 to index
    %swap3A_286 = arith.constant 64 : index
    %swap3A_287 = tpu.vector_load %arg9[%swap3A_285, %swap3A_286] {strides = array<i32>} : memref<4x128xi32, #tpu.memory_space<vmem>>, vector<16xi32>,
    tpu.vector_store %arg9[%swap3A_285, %swap3A_286], %mul3A_283 {strides = array<i32>} : memref<4x128xi32, #tpu.memory_space<vmem>>, vector<16xi32>,
    %shift_right_logical3A_288 = arith.constant 2 : i32
    %shift_right_logical3A_289 = vector.broadcast %shift_right_logical3A_288 : i32 to vector<16xi32>
    %shift_right_logical3A_290 = arith.shrui %get3A_277, %shift_right_logical3A_289 : vector<16xi32>
    %swap3A_291 = arith.constant 1 : i32
    %swap3A_292 = arith.index_cast %swap3A_291 : i32 to index
    %swap3A_293 = arith.constant 64 : index
    %swap3A_294 = tpu.vector_load %arg7[%swap3A_292, %swap3A_293] {strides = array<i32>} : memref<4x128xi32, #tpu.memory_space<vmem>>, vector<16xi32>,
    tpu.vector_store %arg7[%swap3A_292, %swap3A_293], %shift_right_logical3A_290 {strides = array<i32>} : memref<4x128xi32, #tpu.memory_space<vmem>>, vector<16xi32>,
    %get3A_295 = arith.constant 1 : i32
    %get3A_296 = arith.index_cast %get3A_295 : i32 to index
    %get3A_297 = arith.constant 80 : index
    %get3A_298 = tpu.vector_load %arg7[%get3A_296, %get3A_297] {strides = array<i32>} : memref<4x128xi32, #tpu.memory_space<vmem>>, vector<16xi32>,
    %and3A_299 = arith.constant 3 : i32
    %and3A_300 = vector.broadcast %and3A_299 : i32 to vector<16xi32>
    %and3A_301 = arith.andi %get3A_298, %and3A_300 : vector<16xi32>
    %mul3A_302 = arith.constant 32 : i32
    %mul3A_303 = vector.broadcast %mul3A_302 : i32 to vector<16xi32>
    %mul3A_304 = arith.muli %and3A_301, %mul3A_303 : vector<16xi32>
    %swap3A_305 = arith.constant 1 : i32
    %swap3A_306 = arith.index_cast %swap3A_305 : i32 to index
    %swap3A_307 = arith.constant 80 : index
    %swap3A_308 = tpu.vector_load %arg9[%swap3A_306, %swap3A_307] {strides = array<i32>} : memref<4x128xi32, #tpu.memory_space<vmem>>, vector<16xi32>,
    tpu.vector_store %arg9[%swap3A_306, %swap3A_307], %mul3A_304 {strides = array<i32>} : memref<4x128xi32, #tpu.memory_space<vmem>>, vector<16xi32>,
    %shift_right_logical3A_309 = arith.constant 2 : i32
    %shift_right_logical3A_310 = vector.broadcast %shift_right_logical3A_309 : i32 to vector<16xi32>
    %shift_right_logical3A_311 = arith.shrui %get3A_298, %shift_right_logical3A_310 : vector<16xi32>
    %swap3A_312 = arith.constant 1 : i32
    %swap3A_313 = arith.index_cast %swap3A_312 : i32 to index
    %swap3A_314 = arith.constant 80 : index
    %swap3A_315 = tpu.vector_load %arg7[%swap3A_313, %swap3A_314] {strides = array<i32>} : memref<4x128xi32, #tpu.memory_space<vmem>>, vector<16xi32>,
    tpu.vector_store %arg7[%swap3A_313, %swap3A_314], %shift_right_logical3A_311 {strides = array<i32>} : memref<4x128xi32, #tpu.memory_space<vmem>>, vector<16xi32>,
    %get3A_316 = arith.constant 1 : i32
    %get3A_317 = arith.index_cast %get3A_316 : i32 to index
    %get3A_318 = arith.constant 96 : index
    %get3A_319 = tpu.vector_load %arg7[%get3A_317, %get3A_318] {strides = array<i32>} : memref<4x128xi32, #tpu.memory_space<vmem>>, vector<16xi32>,
    %and3A_320 = arith.constant 3 : i32
    %and3A_321 = vector.broadcast %and3A_320 : i32 to vector<16xi32>
    %and3A_322 = arith.andi %get3A_319, %and3A_321 : vector<16xi32>
    %mul3A_323 = arith.constant 32 : i32
    %mul3A_324 = vector.broadcast %mul3A_323 : i32 to vector<16xi32>
    %mul3A_325 = arith.muli %and3A_322, %mul3A_324 : vector<16xi32>
    %swap3A_326 = arith.constant 1 : i32
    %swap3A_327 = arith.index_cast %swap3A_326 : i32 to index
    %swap3A_328 = arith.constant 96 : index
    %swap3A_329 = tpu.vector_load %arg9[%swap3A_327, %swap3A_328] {strides = array<i32>} : memref<4x128xi32, #tpu.memory_space<vmem>>, vector<16xi32>,
    tpu.vector_store %arg9[%swap3A_327, %swap3A_328], %mul3A_325 {strides = array<i32>} : memref<4x128xi32, #tpu.memory_space<vmem>>, vector<16xi32>,
    %shift_right_logical3A_330 = arith.constant 2 : i32
    %shift_right_logical3A_331 = vector.broadcast %shift_right_logical3A_330 : i32 to vector<16xi32>
    %shift_right_logical3A_332 = arith.shrui %get3A_319, %shift_right_logical3A_331 : vector<16xi32>
    %swap3A_333 = arith.constant 1 : i32
    %swap3A_334 = arith.index_cast %swap3A_333 : i32 to index
    %swap3A_335 = arith.constant 96 : index
    %swap3A_336 = tpu.vector_load %arg7[%swap3A_334, %swap3A_335] {strides = array<i32>} : memref<4x128xi32, #tpu.memory_space<vmem>>, vector<16xi32>,
    tpu.vector_store %arg7[%swap3A_334, %swap3A_335], %shift_right_logical3A_332 {strides = array<i32>} : memref<4x128xi32, #tpu.memory_space<vmem>>, vector<16xi32>,
    %get3A_337 = arith.constant 1 : i32
    %get3A_338 = arith.index_cast %get3A_337 : i32 to index
    %get3A_339 = arith.constant 112 : index
    %get3A_340 = tpu.vector_load %arg7[%get3A_338, %get3A_339] {strides = array<i32>} : memref<4x128xi32, #tpu.memory_space<vmem>>, vector<16xi32>,
    %and3A_341 = arith.constant 3 : i32
    %and3A_342 = vector.broadcast %and3A_341 : i32 to vector<16xi32>
    %and3A_343 = arith.andi %get3A_340, %and3A_342 : vector<16xi32>
    %mul3A_344 = arith.constant 32 : i32
    %mul3A_345 = vector.broadcast %mul3A_344 : i32 to vector<16xi32>
    %mul3A_346 = arith.muli %and3A_343, %mul3A_345 : vector<16xi32>
    %swap3A_347 = arith.constant 1 : i32
    %swap3A_348 = arith.index_cast %swap3A_347 : i32 to index
    %swap3A_349 = arith.constant 112 : index
    %swap3A_350 = tpu.vector_load %arg9[%swap3A_348, %swap3A_349] {strides = array<i32>} : memref<4x128xi32, #tpu.memory_space<vmem>>, vector<16xi32>,
    tpu.vector_store %arg9[%swap3A_348, %swap3A_349], %mul3A_346 {strides = array<i32>} : memref<4x128xi32, #tpu.memory_space<vmem>>, vector<16xi32>,
    %shift_right_logical3A_351 = arith.constant 2 : i32
    %shift_right_logical3A_352 = vector.broadcast %shift_right_logical3A_351 : i32 to vector<16xi32>
    %shift_right_logical3A_353 = arith.shrui %get3A_340, %shift_right_logical3A_352 : vector<16xi32>
    %swap3A_354 = arith.constant 1 : i32
    %swap3A_355 = arith.index_cast %swap3A_354 : i32 to index
    %swap3A_356 = arith.constant 112 : index
    %swap3A_357 = tpu.vector_load %arg7[%swap3A_355, %swap3A_356] {strides = array<i32>} : memref<4x128xi32, #tpu.memory_space<vmem>>, vector<16xi32>,
    tpu.vector_store %arg7[%swap3A_355, %swap3A_356], %shift_right_logical3A_353 {strides = array<i32>} : memref<4x128xi32, #tpu.memory_space<vmem>>, vector<16xi32>,
    %get3A_358 = arith.constant 2 : i32
    %get3A_359 = arith.index_cast %get3A_358 : i32 to index
    %get3A_360 = arith.constant 0 : index
    %get3A_361 = tpu.vector_load %arg7[%get3A_359, %get3A_360] {strides = array<i32>} : memref<4x128xi32, #tpu.memory_space<vmem>>, vector<16xi32>,
    %and3A_362 = arith.constant 3 : i32
    %and3A_363 = vector.broadcast %and3A_362 : i32 to vector<16xi32>
    %and3A_364 = arith.andi %get3A_361, %and3A_363 : vector<16xi32>
    %mul3A_365 = arith.constant 32 : i32
    %mul3A_366 = vector.broadcast %mul3A_365 : i32 to vector<16xi32>
    %mul3A_367 = arith.muli %and3A_364, %mul3A_366 : vector<16xi32>
    %swap3A_368 = arith.constant 2 : i32
    %swap3A_369 = arith.index_cast %swap3A_368 : i32 to index
    %swap3A_370 = arith.constant 0 : index
    %swap3A_371 = tpu.vector_load %arg9[%swap3A_369, %swap3A_370] {strides = array<i32>} : memref<4x128xi32, #tpu.memory_space<vmem>>, vector<16xi32>,
    tpu.vector_store %arg9[%swap3A_369, %swap3A_370], %mul3A_367 {strides = array<i32>} : memref<4x128xi32, #tpu.memory_space<vmem>>, vector<16xi32>,
    %shift_right_logical3A_372 = arith.constant 2 : i32
    %shift_right_logical3A_373 = vector.broadcast %shift_right_logical3A_372 : i32 to vector<16xi32>
    %shift_right_logical3A_374 = arith.shrui %get3A_361, %shift_right_logical3A_373 : vector<16xi32>
    %swap3A_375 = arith.constant 2 : i32
    %swap3A_376 = arith.index_cast %swap3A_375 : i32 to index
    %swap3A_377 = arith.constant 0 : index
    %swap3A_378 = tpu.vector_load %arg7[%swap3A_376, %swap3A_377] {strides = array<i32>} : memref<4x128xi32, #tpu.memory_space<vmem>>, vector<16xi32>,
    tpu.vector_store %arg7[%swap3A_376, %swap3A_377], %shift_right_logical3A_374 {strides = array<i32>} : memref<4x128xi32, #tpu.memory_space<vmem>>, vector<16xi32>,
    %get3A_379 = arith.constant 2 : i32
    %get3A_380 = arith.index_cast %get3A_379 : i32 to index
    %get3A_381 = arith.constant 16 : index
    %get3A_382 = tpu.vector_load %arg7[%get3A_380, %get3A_381] {strides = array<i32>} : memref<4x128xi32, #tpu.memory_space<vmem>>, vector<16xi32>,
    %and3A_383 = arith.constant 3 : i32
    %and3A_384 = vector.broadcast %and3A_383 : i32 to vector<16xi32>
    %and3A_385 = arith.andi %get3A_382, %and3A_384 : vector<16xi32>
    %mul3A_386 = arith.constant 32 : i32
    %mul3A_387 = vector.broadcast %mul3A_386 : i32 to vector<16xi32>
    %mul3A_388 = arith.muli %and3A_385, %mul3A_387 : vector<16xi32>
    %swap3A_389 = arith.constant 2 : i32
    %swap3A_390 = arith.index_cast %swap3A_389 : i32 to index
    %swap3A_391 = arith.constant 16 : index
    %swap3A_392 = tpu.vector_load %arg9[%swap3A_390, %swap3A_391] {strides = array<i32>} : memref<4x128xi32, #tpu.memory_space<vmem>>, vector<16xi32>,
    tpu.vector_store %arg9[%swap3A_390, %swap3A_391], %mul3A_388 {strides = array<i32>} : memref<4x128xi32, #tpu.memory_space<vmem>>, vector<16xi32>,
    %shift_right_logical3A_393 = arith.constant 2 : i32
    %shift_right_logical3A_394 = vector.broadcast %shift_right_logical3A_393 : i32 to vector<16xi32>
    %shift_right_logical3A_395 = arith.shrui %get3A_382, %shift_right_logical3A_394 : vector<16xi32>
    %swap3A_396 = arith.constant 2 : i32
    %swap3A_397 = arith.index_cast %swap3A_396 : i32 to index
    %swap3A_398 = arith.constant 16 : index
    %swap3A_399 = tpu.vector_load %arg7[%swap3A_397, %swap3A_398] {strides = array<i32>} : memref<4x128xi32, #tpu.memory_space<vmem>>, vector<16xi32>,
    tpu.vector_store %arg7[%swap3A_397, %swap3A_398], %shift_right_logical3A_395 {strides = array<i32>} : memref<4x128xi32, #tpu.memory_space<vmem>>, vector<16xi32>,
    %get3A_400 = arith.constant 2 : i32
    %get3A_401 = arith.index_cast %get3A_400 : i32 to index
    %get3A_402 = arith.constant 32 : index
    %get3A_403 = tpu.vector_load %arg7[%get3A_401, %get3A_402] {strides = array<i32>} : memref<4x128xi32, #tpu.memory_space<vmem>>, vector<16xi32>,
    %and3A_404 = arith.constant 3 : i32
    %and3A_405 = vector.broadcast %and3A_404 : i32 to vector<16xi32>
    %and3A_406 = arith.andi %get3A_403, %and3A_405 : vector<16xi32>
    %mul3A_407 = arith.constant 32 : i32
    %mul3A_408 = vector.broadcast %mul3A_407 : i32 to vector<16xi32>
    %mul3A_409 = arith.muli %and3A_406, %mul3A_408 : vector<16xi32>
    %swap3A_410 = arith.constant 2 : i32
    %swap3A_411 = arith.index_cast %swap3A_410 : i32 to index
    %swap3A_412 = arith.constant 32 : index
    %swap3A_413 = tpu.vector_load %arg9[%swap3A_411, %swap3A_412] {strides = array<i32>} : memref<4x128xi32, #tpu.memory_space<vmem>>, vector<16xi32>,
    tpu.vector_store %arg9[%swap3A_411, %swap3A_412], %mul3A_409 {strides = array<i32>} : memref<4x128xi32, #tpu.memory_space<vmem>>, vector<16xi32>,
    %shift_right_logical3A_414 = arith.constant 2 : i32
    %shift_right_logical3A_415 = vector.broadcast %shift_right_logical3A_414 : i32 to vector<16xi32>
    %shift_right_logical3A_416 = arith.shrui %get3A_403, %shift_right_logical3A_415 : vector<16xi32>
    %swap3A_417 = arith.constant 2 : i32
    %swap3A_418 = arith.index_cast %swap3A_417 : i32 to index
    %swap3A_419 = arith.constant 32 : index
    %swap3A_420 = tpu.vector_load %arg7[%swap3A_418, %swap3A_419] {strides = array<i32>} : memref<4x128xi32, #tpu.memory_space<vmem>>, vector<16xi32>,
    tpu.vector_store %arg7[%swap3A_418, %swap3A_419], %shift_right_logical3A_416 {strides = array<i32>} : memref<4x128xi32, #tpu.memory_space<vmem>>, vector<16xi32>,
    %get3A_421 = arith.constant 2 : i32
    %get3A_422 = arith.index_cast %get3A_421 : i32 to index
    %get3A_423 = arith.constant 48 : index
    %get3A_424 = tpu.vector_load %arg7[%get3A_422, %get3A_423] {strides = array<i32>} : memref<4x128xi32, #tpu.memory_space<vmem>>, vector<16xi32>,
    %and3A_425 = arith.constant 3 : i32
    %and3A_426 = vector.broadcast %and3A_425 : i32 to vector<16xi32>
    %and3A_427 = arith.andi %get3A_424, %and3A_426 : vector<16xi32>
    %mul3A_428 = arith.constant 32 : i32
    %mul3A_429 = vector.broadcast %mul3A_428 : i32 to vector<16xi32>
    %mul3A_430 = arith.muli %and3A_427, %mul3A_429 : vector<16xi32>
    %swap3A_431 = arith.constant 2 : i32
    %swap3A_432 = arith.index_cast %swap3A_431 : i32 to index
    %swap3A_433 = arith.constant 48 : index
    %swap3A_434 = tpu.vector_load %arg9[%swap3A_432, %swap3A_433] {strides = array<i32>} : memref<4x128xi32, #tpu.memory_space<vmem>>, vector<16xi32>,
    tpu.vector_store %arg9[%swap3A_432, %swap3A_433], %mul3A_430 {strides = array<i32>} : memref<4x128xi32, #tpu.memory_space<vmem>>, vector<16xi32>,
    %shift_right_logical3A_435 = arith.constant 2 : i32
    %shift_right_logical3A_436 = vector.broadcast %shift_right_logical3A_435 : i32 to vector<16xi32>
    %shift_right_logical3A_437 = arith.shrui %get3A_424, %shift_right_logical3A_436 : vector<16xi32>
    %swap3A_438 = arith.constant 2 : i32
    %swap3A_439 = arith.index_cast %swap3A_438 : i32 to index
    %swap3A_440 = arith.constant 48 : index
    %swap3A_441 = tpu.vector_load %arg7[%swap3A_439, %swap3A_440] {strides = array<i32>} : memref<4x128xi32, #tpu.memory_space<vmem>>, vector<16xi32>,
    tpu.vector_store %arg7[%swap3A_439, %swap3A_440], %shift_right_logical3A_437 {strides = array<i32>} : memref<4x128xi32, #tpu.memory_space<vmem>>, vector<16xi32>,
    %get3A_442 = arith.constant 2 : i32
    %get3A_443 = arith.index_cast %get3A_442 : i32 to index
    %get3A_444 = arith.constant 64 : index
    %get3A_445 = tpu.vector_load %arg7[%get3A_443, %get3A_444] {strides = array<i32>} : memref<4x128xi32, #tpu.memory_space<vmem>>, vector<16xi32>,
    %and3A_446 = arith.constant 3 : i32
    %and3A_447 = vector.broadcast %and3A_446 : i32 to vector<16xi32>
    %and3A_448 = arith.andi %get3A_445, %and3A_447 : vector<16xi32>
    %mul3A_449 = arith.constant 32 : i32
    %mul3A_450 = vector.broadcast %mul3A_449 : i32 to vector<16xi32>
    %mul3A_451 = arith.muli %and3A_448, %mul3A_450 : vector<16xi32>
    %swap3A_452 = arith.constant 2 : i32
    %swap3A_453 = arith.index_cast %swap3A_452 : i32 to index
    %swap3A_454 = arith.constant 64 : index
    %swap3A_455 = tpu.vector_load %arg9[%swap3A_453, %swap3A_454] {strides = array<i32>} : memref<4x128xi32, #tpu.memory_space<vmem>>, vector<16xi32>,
    tpu.vector_store %arg9[%swap3A_453, %swap3A_454], %mul3A_451 {strides = array<i32>} : memref<4x128xi32, #tpu.memory_space<vmem>>, vector<16xi32>,
    %shift_right_logical3A_456 = arith.constant 2 : i32
    %shift_right_logical3A_457 = vector.broadcast %shift_right_logical3A_456 : i32 to vector<16xi32>
    %shift_right_logical3A_458 = arith.shrui %get3A_445, %shift_right_logical3A_457 : vector<16xi32>
    %swap3A_459 = arith.constant 2 : i32
    %swap3A_460 = arith.index_cast %swap3A_459 : i32 to index
    %swap3A_461 = arith.constant 64 : index
    %swap3A_462 = tpu.vector_load %arg7[%swap3A_460, %swap3A_461] {strides = array<i32>} : memref<4x128xi32, #tpu.memory_space<vmem>>, vector<16xi32>,
    tpu.vector_store %arg7[%swap3A_460, %swap3A_461], %shift_right_logical3A_458 {strides = array<i32>} : memref<4x128xi32, #tpu.memory_space<vmem>>, vector<16xi32>,
    %get3A_463 = arith.constant 2 : i32
    %get3A_464 = arith.index_cast %get3A_463 : i32 to index
    %get3A_465 = arith.constant 80 : index
    %get3A_466 = tpu.vector_load %arg7[%get3A_464, %get3A_465] {strides = array<i32>} : memref<4x128xi32, #tpu.memory_space<vmem>>, vector<16xi32>,
    %and3A_467 = arith.constant 3 : i32
    %and3A_468 = vector.broadcast %and3A_467 : i32 to vector<16xi32>
    %and3A_469 = arith.andi %get3A_466, %and3A_468 : vector<16xi32>
    %mul3A_470 = arith.constant 32 : i32
    %mul3A_471 = vector.broadcast %mul3A_470 : i32 to vector<16xi32>
    %mul3A_472 = arith.muli %and3A_469, %mul3A_471 : vector<16xi32>
    %swap3A_473 = arith.constant 2 : i32
    %swap3A_474 = arith.index_cast %swap3A_473 : i32 to index
    %swap3A_475 = arith.constant 80 : index
    %swap3A_476 = tpu.vector_load %arg9[%swap3A_474, %swap3A_475] {strides = array<i32>} : memref<4x128xi32, #tpu.memory_space<vmem>>, vector<16xi32>,
    tpu.vector_store %arg9[%swap3A_474, %swap3A_475], %mul3A_472 {strides = array<i32>} : memref<4x128xi32, #tpu.memory_space<vmem>>, vector<16xi32>,
    %shift_right_logical3A_477 = arith.constant 2 : i32
    %shift_right_logical3A_478 = vector.broadcast %shift_right_logical3A_477 : i32 to vector<16xi32>
    %shift_right_logical3A_479 = arith.shrui %get3A_466, %shift_right_logical3A_478 : vector<16xi32>
    %swap3A_480 = arith.constant 2 : i32
    %swap3A_481 = arith.index_cast %swap3A_480 : i32 to index
    %swap3A_482 = arith.constant 80 : index
    %swap3A_483 = tpu.vector_load %arg7[%swap3A_481, %swap3A_482] {strides = array<i32>} : memref<4x128xi32, #tpu.memory_space<vmem>>, vector<16xi32>,
    tpu.vector_store %arg7[%swap3A_481, %swap3A_482], %shift_right_logical3A_479 {strides = array<i32>} : memref<4x128xi32, #tpu.memory_space<vmem>>, vector<16xi32>,
    %get3A_484 = arith.constant 2 : i32
    %get3A_485 = arith.index_cast %get3A_484 : i32 to index
    %get3A_486 = arith.constant 96 : index
    %get3A_487 = tpu.vector_load %arg7[%get3A_485, %get3A_486] {strides = array<i32>} : memref<4x128xi32, #tpu.memory_space<vmem>>, vector<16xi32>,
    %and3A_488 = arith.constant 3 : i32
    %and3A_489 = vector.broadcast %and3A_488 : i32 to vector<16xi32>
    %and3A_490 = arith.andi %get3A_487, %and3A_489 : vector<16xi32>
    %mul3A_491 = arith.constant 32 : i32
    %mul3A_492 = vector.broadcast %mul3A_491 : i32 to vector<16xi32>
    %mul3A_493 = arith.muli %and3A_490, %mul3A_492 : vector<16xi32>
    %swap3A_494 = arith.constant 2 : i32
    %swap3A_495 = arith.index_cast %swap3A_494 : i32 to index
    %swap3A_496 = arith.constant 96 : index
    %swap3A_497 = tpu.vector_load %arg9[%swap3A_495, %swap3A_496] {strides = array<i32>} : memref<4x128xi32, #tpu.memory_space<vmem>>, vector<16xi32>,
    tpu.vector_store %arg9[%swap3A_495, %swap3A_496], %mul3A_493 {strides = array<i32>} : memref<4x128xi32, #tpu.memory_space<vmem>>, vector<16xi32>,
    %shift_right_logical3A_498 = arith.constant 2 : i32
    %shift_right_logical3A_499 = vector.broadcast %shift_right_logical3A_498 : i32 to vector<16xi32>
    %shift_right_logical3A_500 = arith.shrui %get3A_487, %shift_right_logical3A_499 : vector<16xi32>
    %swap3A_501 = arith.constant 2 : i32
    %swap3A_502 = arith.index_cast %swap3A_501 : i32 to index
    %swap3A_503 = arith.constant 96 : index
    %swap3A_504 = tpu.vector_load %arg7[%swap3A_502, %swap3A_503] {strides = array<i32>} : memref<4x128xi32, #tpu.memory_space<vmem>>, vector<16xi32>,
    tpu.vector_store %arg7[%swap3A_502, %swap3A_503], %shift_right_logical3A_500 {strides = array<i32>} : memref<4x128xi32, #tpu.memory_space<vmem>>, vector<16xi32>,
    %get3A_505 = arith.constant 2 : i32
    %get3A_506 = arith.index_cast %get3A_505 : i32 to index
    %get3A_507 = arith.constant 112 : index
    %get3A_508 = tpu.vector_load %arg7[%get3A_506, %get3A_507] {strides = array<i32>} : memref<4x128xi32, #tpu.memory_space<vmem>>, vector<16xi32>,
    %and3A_509 = arith.constant 3 : i32
    %and3A_510 = vector.broadcast %and3A_509 : i32 to vector<16xi32>
    %and3A_511 = arith.andi %get3A_508, %and3A_510 : vector<16xi32>
    %mul3A_512 = arith.constant 32 : i32
    %mul3A_513 = vector.broadcast %mul3A_512 : i32 to vector<16xi32>
    %mul3A_514 = arith.muli %and3A_511, %mul3A_513 : vector<16xi32>
    %swap3A_515 = arith.constant 2 : i32
    %swap3A_516 = arith.index_cast %swap3A_515 : i32 to index
    %swap3A_517 = arith.constant 112 : index
    %swap3A_518 = tpu.vector_load %arg9[%swap3A_516, %swap3A_517] {strides = array<i32>} : memref<4x128xi32, #tpu.memory_space<vmem>>, vector<16xi32>,
    tpu.vector_store %arg9[%swap3A_516, %swap3A_517], %mul3A_514 {strides = array<i32>} : memref<4x128xi32, #tpu.memory_space<vmem>>, vector<16xi32>,
    %shift_right_logical3A_519 = arith.constant 2 : i32
    %shift_right_logical3A_520 = vector.broadcast %shift_right_logical3A_519 : i32 to vector<16xi32>
    %shift_right_logical3A_521 = arith.shrui %get3A_508, %shift_right_logical3A_520 : vector<16xi32>
    %swap3A_522 = arith.constant 2 : i32
    %swap3A_523 = arith.index_cast %swap3A_522 : i32 to index
    %swap3A_524 = arith.constant 112 : index
    %swap3A_525 = tpu.vector_load %arg7[%swap3A_523, %swap3A_524] {strides = array<i32>} : memref<4x128xi32, #tpu.memory_space<vmem>>, vector<16xi32>,
    tpu.vector_store %arg7[%swap3A_523, %swap3A_524], %shift_right_logical3A_521 {strides = array<i32>} : memref<4x128xi32, #tpu.memory_space<vmem>>, vector<16xi32>,
    %get3A_526 = arith.constant 3 : i32
    %get3A_527 = arith.index_cast %get3A_526 : i32 to index
    %get3A_528 = arith.constant 0 : index
    %get3A_529 = tpu.vector_load %arg7[%get3A_527, %get3A_528] {strides = array<i32>} : memref<4x128xi32, #tpu.memory_space<vmem>>, vector<16xi32>,
    %and3A_530 = arith.constant 3 : i32
    %and3A_531 = vector.broadcast %and3A_530 : i32 to vector<16xi32>
    %and3A_532 = arith.andi %get3A_529, %and3A_531 : vector<16xi32>
    %mul3A_533 = arith.constant 32 : i32
    %mul3A_534 = vector.broadcast %mul3A_533 : i32 to vector<16xi32>
    %mul3A_535 = arith.muli %and3A_532, %mul3A_534 : vector<16xi32>
    %swap3A_536 = arith.constant 3 : i32
    %swap3A_537 = arith.index_cast %swap3A_536 : i32 to index
    %swap3A_538 = arith.constant 0 : index
    %swap3A_539 = tpu.vector_load %arg9[%swap3A_537, %swap3A_538] {strides = array<i32>} : memref<4x128xi32, #tpu.memory_space<vmem>>, vector<16xi32>,
    tpu.vector_store %arg9[%swap3A_537, %swap3A_538], %mul3A_535 {strides = array<i32>} : memref<4x128xi32, #tpu.memory_space<vmem>>, vector<16xi32>,
    %shift_right_logical3A_540 = arith.constant 2 : i32
    %shift_right_logical3A_541 = vector.broadcast %shift_right_logical3A_540 : i32 to vector<16xi32>
    %shift_right_logical3A_542 = arith.shrui %get3A_529, %shift_right_logical3A_541 : vector<16xi32>
    %swap3A_543 = arith.constant 3 : i32
    %swap3A_544 = arith.index_cast %swap3A_543 : i32 to index
    %swap3A_545 = arith.constant 0 : index
    %swap3A_546 = tpu.vector_load %arg7[%swap3A_544, %swap3A_545] {strides = array<i32>} : memref<4x128xi32, #tpu.memory_space<vmem>>, vector<16xi32>,
    tpu.vector_store %arg7[%swap3A_544, %swap3A_545], %shift_right_logical3A_542 {strides = array<i32>} : memref<4x128xi32, #tpu.memory_space<vmem>>, vector<16xi32>,
    %get3A_547 = arith.constant 3 : i32
    %get3A_548 = arith.index_cast %get3A_547 : i32 to index
    %get3A_549 = arith.constant 16 : index
    %get3A_550 = tpu.vector_load %arg7[%get3A_548, %get3A_549] {strides = array<i32>} : memref<4x128xi32, #tpu.memory_space<vmem>>, vector<16xi32>,
    %and3A_551 = arith.constant 3 : i32
    %and3A_552 = vector.broadcast %and3A_551 : i32 to vector<16xi32>
    %and3A_553 = arith.andi %get3A_550, %and3A_552 : vector<16xi32>
    %mul3A_554 = arith.constant 32 : i32
    %mul3A_555 = vector.broadcast %mul3A_554 : i32 to vector<16xi32>
    %mul3A_556 = arith.muli %and3A_553, %mul3A_555 : vector<16xi32>
    %swap3A_557 = arith.constant 3 : i32
    %swap3A_558 = arith.index_cast %swap3A_557 : i32 to index
    %swap3A_559 = arith.constant 16 : index
    %swap3A_560 = tpu.vector_load %arg9[%swap3A_558, %swap3A_559] {strides = array<i32>} : memref<4x128xi32, #tpu.memory_space<vmem>>, vector<16xi32>,
    tpu.vector_store %arg9[%swap3A_558, %swap3A_559], %mul3A_556 {strides = array<i32>} : memref<4x128xi32, #tpu.memory_space<vmem>>, vector<16xi32>,
    %shift_right_logical3A_561 = arith.constant 2 : i32
    %shift_right_logical3A_562 = vector.broadcast %shift_right_logical3A_561 : i32 to vector<16xi32>
    %shift_right_logical3A_563 = arith.shrui %get3A_550, %shift_right_logical3A_562 : vector<16xi32>
    %swap3A_564 = arith.constant 3 : i32
    %swap3A_565 = arith.index_cast %swap3A_564 : i32 to index
    %swap3A_566 = arith.constant 16 : index
    %swap3A_567 = tpu.vector_load %arg7[%swap3A_565, %swap3A_566] {strides = array<i32>} : memref<4x128xi32, #tpu.memory_space<vmem>>, vector<16xi32>,
    tpu.vector_store %arg7[%swap3A_565, %swap3A_566], %shift_right_logical3A_563 {strides = array<i32>} : memref<4x128xi32, #tpu.memory_space<vmem>>, vector<16xi32>,
    %get3A_568 = arith.constant 3 : i32
    %get3A_569 = arith.index_cast %get3A_568 : i32 to index
    %get3A_570 = arith.constant 32 : index
    %get3A_571 = tpu.vector_load %arg7[%get3A_569, %get3A_570] {strides = array<i32>} : memref<4x128xi32, #tpu.memory_space<vmem>>, vector<16xi32>,
    %and3A_572 = arith.constant 3 : i32
    %and3A_573 = vector.broadcast %and3A_572 : i32 to vector<16xi32>
    %and3A_574 = arith.andi %get3A_571, %and3A_573 : vector<16xi32>
    %mul3A_575 = arith.constant 32 : i32
    %mul3A_576 = vector.broadcast %mul3A_575 : i32 to vector<16xi32>
    %mul3A_577 = arith.muli %and3A_574, %mul3A_576 : vector<16xi32>
    %swap3A_578 = arith.constant 3 : i32
    %swap3A_579 = arith.index_cast %swap3A_578 : i32 to index
    %swap3A_580 = arith.constant 32 : index
    %swap3A_581 = tpu.vector_load %arg9[%swap3A_579, %swap3A_580] {strides = array<i32>} : memref<4x128xi32, #tpu.memory_space<vmem>>, vector<16xi32>,
    tpu.vector_store %arg9[%swap3A_579, %swap3A_580], %mul3A_577 {strides = array<i32>} : memref<4x128xi32, #tpu.memory_space<vmem>>, vector<16xi32>,
    %shift_right_logical3A_582 = arith.constant 2 : i32
    %shift_right_logical3A_583 = vector.broadcast %shift_right_logical3A_582 : i32 to vector<16xi32>
    %shift_right_logical3A_584 = arith.shrui %get3A_571, %shift_right_logical3A_583 : vector<16xi32>
    %swap3A_585 = arith.constant 3 : i32
    %swap3A_586 = arith.index_cast %swap3A_585 : i32 to index
    %swap3A_587 = arith.constant 32 : index
    %swap3A_588 = tpu.vector_load %arg7[%swap3A_586, %swap3A_587] {strides = array<i32>} : memref<4x128xi32, #tpu.memory_space<vmem>>, vector<16xi32>,
    tpu.vector_store %arg7[%swap3A_586, %swap3A_587], %shift_right_logical3A_584 {strides = array<i32>} : memref<4x128xi32, #tpu.memory_space<vmem>>, vector<16xi32>,
    %get3A_589 = arith.constant 3 : i32
    %get3A_590 = arith.index_cast %get3A_589 : i32 to index
    %get3A_591 = arith.constant 48 : index
    %get3A_592 = tpu.vector_load %arg7[%get3A_590, %get3A_591] {strides = array<i32>} : memref<4x128xi32, #tpu.memory_space<vmem>>, vector<16xi32>,
    %and3A_593 = arith.constant 3 : i32
    %and3A_594 = vector.broadcast %and3A_593 : i32 to vector<16xi32>
    %and3A_595 = arith.andi %get3A_592, %and3A_594 : vector<16xi32>
    %mul3A_596 = arith.constant 32 : i32
    %mul3A_597 = vector.broadcast %mul3A_596 : i32 to vector<16xi32>
    %mul3A_598 = arith.muli %and3A_595, %mul3A_597 : vector<16xi32>
    %swap3A_599 = arith.constant 3 : i32
    %swap3A_600 = arith.index_cast %swap3A_599 : i32 to index
    %swap3A_601 = arith.constant 48 : index
    %swap3A_602 = tpu.vector_load %arg9[%swap3A_600, %swap3A_601] {strides = array<i32>} : memref<4x128xi32, #tpu.memory_space<vmem>>, vector<16xi32>,
    tpu.vector_store %arg9[%swap3A_600, %swap3A_601], %mul3A_598 {strides = array<i32>} : memref<4x128xi32, #tpu.memory_space<vmem>>, vector<16xi32>,
    %shift_right_logical3A_603 = arith.constant 2 : i32
    %shift_right_logical3A_604 = vector.broadcast %shift_right_logical3A_603 : i32 to vector<16xi32>
    %shift_right_logical3A_605 = arith.shrui %get3A_592, %shift_right_logical3A_604 : vector<16xi32>
    %swap3A_606 = arith.constant 3 : i32
    %swap3A_607 = arith.index_cast %swap3A_606 : i32 to index
    %swap3A_608 = arith.constant 48 : index
    %swap3A_609 = tpu.vector_load %arg7[%swap3A_607, %swap3A_608] {strides = array<i32>} : memref<4x128xi32, #tpu.memory_space<vmem>>, vector<16xi32>,
    tpu.vector_store %arg7[%swap3A_607, %swap3A_608], %shift_right_logical3A_605 {strides = array<i32>} : memref<4x128xi32, #tpu.memory_space<vmem>>, vector<16xi32>,
    %get3A_610 = arith.constant 3 : i32
    %get3A_611 = arith.index_cast %get3A_610 : i32 to index
    %get3A_612 = arith.constant 64 : index
    %get3A_613 = tpu.vector_load %arg7[%get3A_611, %get3A_612] {strides = array<i32>} : memref<4x128xi32, #tpu.memory_space<vmem>>, vector<16xi32>,
    %and3A_614 = arith.constant 3 : i32
    %and3A_615 = vector.broadcast %and3A_614 : i32 to vector<16xi32>
    %and3A_616 = arith.andi %get3A_613, %and3A_615 : vector<16xi32>
    %mul3A_617 = arith.constant 32 : i32
    %mul3A_618 = vector.broadcast %mul3A_617 : i32 to vector<16xi32>
    %mul3A_619 = arith.muli %and3A_616, %mul3A_618 : vector<16xi32>
    %swap3A_620 = arith.constant 3 : i32
    %swap3A_621 = arith.index_cast %swap3A_620 : i32 to index
    %swap3A_622 = arith.constant 64 : index
    %swap3A_623 = tpu.vector_load %arg9[%swap3A_621, %swap3A_622] {strides = array<i32>} : memref<4x128xi32, #tpu.memory_space<vmem>>, vector<16xi32>,
    tpu.vector_store %arg9[%swap3A_621, %swap3A_622], %mul3A_619 {strides = array<i32>} : memref<4x128xi32, #tpu.memory_space<vmem>>, vector<16xi32>,
    %shift_right_logical3A_624 = arith.constant 2 : i32
    %shift_right_logical3A_625 = vector.broadcast %shift_right_logical3A_624 : i32 to vector<16xi32>
    %shift_right_logical3A_626 = arith.shrui %get3A_613, %shift_right_logical3A_625 : vector<16xi32>
    %swap3A_627 = arith.constant 3 : i32
    %swap3A_628 = arith.index_cast %swap3A_627 : i32 to index
    %swap3A_629 = arith.constant 64 : index
    %swap3A_630 = tpu.vector_load %arg7[%swap3A_628, %swap3A_629] {strides = array<i32>} : memref<4x128xi32, #tpu.memory_space<vmem>>, vector<16xi32>,
    tpu.vector_store %arg7[%swap3A_628, %swap3A_629], %shift_right_logical3A_626 {strides = array<i32>} : memref<4x128xi32, #tpu.memory_space<vmem>>, vector<16xi32>,
    %get3A_631 = arith.constant 3 : i32
    %get3A_632 = arith.index_cast %get3A_631 : i32 to index
    %get3A_633 = arith.constant 80 : index
    %get3A_634 = tpu.vector_load %arg7[%get3A_632, %get3A_633] {strides = array<i32>} : memref<4x128xi32, #tpu.memory_space<vmem>>, vector<16xi32>,
    %and3A_635 = arith.constant 3 : i32
    %and3A_636 = vector.broadcast %and3A_635 : i32 to vector<16xi32>
    %and3A_637 = arith.andi %get3A_634, %and3A_636 : vector<16xi32>
    %mul3A_638 = arith.constant 32 : i32
    %mul3A_639 = vector.broadcast %mul3A_638 : i32 to vector<16xi32>
    %mul3A_640 = arith.muli %and3A_637, %mul3A_639 : vector<16xi32>
    %swap3A_641 = arith.constant 3 : i32
    %swap3A_642 = arith.index_cast %swap3A_641 : i32 to index
    %swap3A_643 = arith.constant 80 : index
    %swap3A_644 = tpu.vector_load %arg9[%swap3A_642, %swap3A_643] {strides = array<i32>} : memref<4x128xi32, #tpu.memory_space<vmem>>, vector<16xi32>,
    tpu.vector_store %arg9[%swap3A_642, %swap3A_643], %mul3A_640 {strides = array<i32>} : memref<4x128xi32, #tpu.memory_space<vmem>>, vector<16xi32>,
    %shift_right_logical3A_645 = arith.constant 2 : i32
    %shift_right_logical3A_646 = vector.broadcast %shift_right_logical3A_645 : i32 to vector<16xi32>
    %shift_right_logical3A_647 = arith.shrui %get3A_634, %shift_right_logical3A_646 : vector<16xi32>
    %swap3A_648 = arith.constant 3 : i32
    %swap3A_649 = arith.index_cast %swap3A_648 : i32 to index
    %swap3A_650 = arith.constant 80 : index
    %swap3A_651 = tpu.vector_load %arg7[%swap3A_649, %swap3A_650] {strides = array<i32>} : memref<4x128xi32, #tpu.memory_space<vmem>>, vector<16xi32>,
    tpu.vector_store %arg7[%swap3A_649, %swap3A_650], %shift_right_logical3A_647 {strides = array<i32>} : memref<4x128xi32, #tpu.memory_space<vmem>>, vector<16xi32>,
    %get3A_652 = arith.constant 3 : i32
    %get3A_653 = arith.index_cast %get3A_652 : i32 to index
    %get3A_654 = arith.constant 96 : index
    %get3A_655 = tpu.vector_load %arg7[%get3A_653, %get3A_654] {strides = array<i32>} : memref<4x128xi32, #tpu.memory_space<vmem>>, vector<16xi32>,
    %and3A_656 = arith.constant 3 : i32
    %and3A_657 = vector.broadcast %and3A_656 : i32 to vector<16xi32>
    %and3A_658 = arith.andi %get3A_655, %and3A_657 : vector<16xi32>
    %mul3A_659 = arith.constant 32 : i32
    %mul3A_660 = vector.broadcast %mul3A_659 : i32 to vector<16xi32>
    %mul3A_661 = arith.muli %and3A_658, %mul3A_660 : vector<16xi32>
    %swap3A_662 = arith.constant 3 : i32
    %swap3A_663 = arith.index_cast %swap3A_662 : i32 to index
    %swap3A_664 = arith.constant 96 : index
    %swap3A_665 = tpu.vector_load %arg9[%swap3A_663, %swap3A_664] {strides = array<i32>} : memref<4x128xi32, #tpu.memory_space<vmem>>, vector<16xi32>,
    tpu.vector_store %arg9[%swap3A_663, %swap3A_664], %mul3A_661 {strides = array<i32>} : memref<4x128xi32, #tpu.memory_space<vmem>>, vector<16xi32>,
    %shift_right_logical3A_666 = arith.constant 2 : i32
    %shift_right_logical3A_667 = vector.broadcast %shift_right_logical3A_666 : i32 to vector<16xi32>
    %shift_right_logical3A_668 = arith.shrui %get3A_655, %shift_right_logical3A_667 : vector<16xi32>
    %swap3A_669 = arith.constant 3 : i32
    %swap3A_670 = arith.index_cast %swap3A_669 : i32 to index
    %swap3A_671 = arith.constant 96 : index
    %swap3A_672 = tpu.vector_load %arg7[%swap3A_670, %swap3A_671] {strides = array<i32>} : memref<4x128xi32, #tpu.memory_space<vmem>>, vector<16xi32>,
    tpu.vector_store %arg7[%swap3A_670, %swap3A_671], %shift_right_logical3A_668 {strides = array<i32>} : memref<4x128xi32, #tpu.memory_space<vmem>>, vector<16xi32>,
    %get3A_673 = arith.constant 3 : i32
    %get3A_674 = arith.index_cast %get3A_673 : i32 to index
    %get3A_675 = arith.constant 112 : index
    %get3A_676 = tpu.vector_load %arg7[%get3A_674, %get3A_675] {strides = array<i32>} : memref<4x128xi32, #tpu.memory_space<vmem>>, vector<16xi32>,
    %and3A_677 = arith.constant 3 : i32
    %and3A_678 = vector.broadcast %and3A_677 : i32 to vector<16xi32>
    %and3A_679 = arith.andi %get3A_676, %and3A_678 : vector<16xi32>
    %mul3A_680 = arith.constant 32 : i32
    %mul3A_681 = vector.broadcast %mul3A_680 : i32 to vector<16xi32>
    %mul3A_682 = arith.muli %and3A_679, %mul3A_681 : vector<16xi32>
    %swap3A_683 = arith.constant 3 : i32
    %swap3A_684 = arith.index_cast %swap3A_683 : i32 to index
    %swap3A_685 = arith.constant 112 : index
    %swap3A_686 = tpu.vector_load %arg9[%swap3A_684, %swap3A_685] {strides = array<i32>} : memref<4x128xi32, #tpu.memory_space<vmem>>, vector<16xi32>,
    tpu.vector_store %arg9[%swap3A_684, %swap3A_685], %mul3A_682 {strides = array<i32>} : memref<4x128xi32, #tpu.memory_space<vmem>>, vector<16xi32>,
    %shift_right_logical3A_687 = arith.constant 2 : i32
    %shift_right_logical3A_688 = vector.broadcast %shift_right_logical3A_687 : i32 to vector<16xi32>
    %shift_right_logical3A_689 = arith.shrui %get3A_676, %shift_right_logical3A_688 : vector<16xi32>
    %swap3A_690 = arith.constant 3 : i32
    %swap3A_691 = arith.index_cast %swap3A_690 : i32 to index
    %swap3A_692 = arith.constant 112 : index
    %swap3A_693 = tpu.vector_load %arg7[%swap3A_691, %swap3A_692] {strides = array<i32>} : memref<4x128xi32, #tpu.memory_space<vmem>>, vector<16xi32>,
    tpu.vector_store %arg7[%swap3A_691, %swap3A_692], %shift_right_logical3A_689 {strides = array<i32>} : memref<4x128xi32, #tpu.memory_space<vmem>>, vector<16xi32>,
    %dma_start3A = arith.constant 0 : i32
    %dma_start3A_694 = arith.constant 0 : i32
    %dma_start3A_695 = arith.constant 0 : i32
    %dma_start3A_696 = tpu.memref_slice %arg10[%dma_start3A_694, %dma_start3A_695] : memref<512x128xf32, #tpu.memory_space<vmem>> -> memref<128x128xf32, #tpu.memory_space<vmem>>
    %dma_start3A_697 = arith.constant 0 : i32
    %dma_start3A_698 = tpu.memref_slice %arg7[%dma_start3A, %dma_start3A_697] : memref<4x128xi32, #tpu.memory_space<vmem>> -> memref<1x128xi32, #tpu.memory_space<vmem>>
    %dma_start3A_699 = tpu.memref_squeeze %dma_start3A_698 : memref<1x128xi32, #tpu.memory_space<vmem>> -> memref<128xi32, #tpu.memory_space<vmem>>
    %dma_start3A_700 = arith.constant 0 : i32
    %dma_start3A_701 = arith.constant 0 : i32
    %dma_start3A_702 = tpu.memref_slice %arg4[%dma_start3A_700, %dma_start3A_701] : memref<250000x128xf32, #tpu.memory_space<hbm>> -> memref<250000x128xf32, #tpu.memory_space<hbm>>
    tpu.enqueue_indirect_dma source(%dma_start3A_702 : memref<250000x128xf32, #tpu.memory_space<hbm>>) target(%dma_start3A_696 : memref<128x128xf32, #tpu.memory_space<vmem>>) offsets(%dma_start3A_699 : memref<128xi32, #tpu.memory_space<vmem>>) semaphore(%arg13 : memref<!tpu.dma_semaphore, #tpu.memory_space<semaphore_mem>>)
    %dma_start3A_703 = arith.constant 1 : i32
    %dma_start3A_704 = arith.constant 128 : i32
    %dma_start3A_705 = arith.constant 0 : i32
    %dma_start3A_706 = tpu.memref_slice %arg10[%dma_start3A_704, %dma_start3A_705] : memref<512x128xf32, #tpu.memory_space<vmem>> -> memref<128x128xf32, #tpu.memory_space<vmem>>
    %dma_start3A_707 = arith.constant 0 : i32
    %dma_start3A_708 = tpu.memref_slice %arg7[%dma_start3A_703, %dma_start3A_707] : memref<4x128xi32, #tpu.memory_space<vmem>> -> memref<1x128xi32, #tpu.memory_space<vmem>>
    %dma_start3A_709 = tpu.memref_squeeze %dma_start3A_708 : memref<1x128xi32, #tpu.memory_space<vmem>> -> memref<128xi32, #tpu.memory_space<vmem>>
    %dma_start3A_710 = arith.constant 0 : i32
    %dma_start3A_711 = arith.constant 0 : i32
    %dma_start3A_712 = tpu.memref_slice %arg4[%dma_start3A_710, %dma_start3A_711] : memref<250000x128xf32, #tpu.memory_space<hbm>> -> memref<250000x128xf32, #tpu.memory_space<hbm>>
    tpu.enqueue_indirect_dma source(%dma_start3A_712 : memref<250000x128xf32, #tpu.memory_space<hbm>>) target(%dma_start3A_706 : memref<128x128xf32, #tpu.memory_space<vmem>>) offsets(%dma_start3A_709 : memref<128xi32, #tpu.memory_space<vmem>>) semaphore(%arg13 : memref<!tpu.dma_semaphore, #tpu.memory_space<semaphore_mem>>)
    %dma_start3A_713 = arith.constant 2 : i32
    %dma_start3A_714 = arith.constant 256 : i32
    %dma_start3A_715 = arith.constant 0 : i32
    %dma_start3A_716 = tpu.memref_slice %arg10[%dma_start3A_714, %dma_start3A_715] : memref<512x128xf32, #tpu.memory_space<vmem>> -> memref<128x128xf32, #tpu.memory_space<vmem>>
    %dma_start3A_717 = arith.constant 0 : i32
    %dma_start3A_718 = tpu.memref_slice %arg7[%dma_start3A_713, %dma_start3A_717] : memref<4x128xi32, #tpu.memory_space<vmem>> -> memref<1x128xi32, #tpu.memory_space<vmem>>
    %dma_start3A_719 = tpu.memref_squeeze %dma_start3A_718 : memref<1x128xi32, #tpu.memory_space<vmem>> -> memref<128xi32, #tpu.memory_space<vmem>>
    %dma_start3A_720 = arith.constant 0 : i32
    %dma_start3A_721 = arith.constant 0 : i32
    %dma_start3A_722 = tpu.memref_slice %arg4[%dma_start3A_720, %dma_start3A_721] : memref<250000x128xf32, #tpu.memory_space<hbm>> -> memref<250000x128xf32, #tpu.memory_space<hbm>>
    tpu.enqueue_indirect_dma source(%dma_start3A_722 : memref<250000x128xf32, #tpu.memory_space<hbm>>) target(%dma_start3A_716 : memref<128x128xf32, #tpu.memory_space<vmem>>) offsets(%dma_start3A_719 : memref<128xi32, #tpu.memory_space<vmem>>) semaphore(%arg13 : memref<!tpu.dma_semaphore, #tpu.memory_space<semaphore_mem>>)
    %dma_start3A_723 = arith.constant 3 : i32
    %dma_start3A_724 = arith.constant 384 : i32
    %dma_start3A_725 = arith.constant 0 : i32
    %dma_start3A_726 = tpu.memref_slice %arg10[%dma_start3A_724, %dma_start3A_725] : memref<512x128xf32, #tpu.memory_space<vmem>> -> memref<128x128xf32, #tpu.memory_space<vmem>>
    %dma_start3A_727 = arith.constant 0 : i32
    %dma_start3A_728 = tpu.memref_slice %arg7[%dma_start3A_723, %dma_start3A_727] : memref<4x128xi32, #tpu.memory_space<vmem>> -> memref<1x128xi32, #tpu.memory_space<vmem>>
    %dma_start3A_729 = tpu.memref_squeeze %dma_start3A_728 : memref<1x128xi32, #tpu.memory_space<vmem>> -> memref<128xi32, #tpu.memory_space<vmem>>
    %dma_start3A_730 = arith.constant 0 : i32
    %dma_start3A_731 = arith.constant 0 : i32
    %dma_start3A_732 = tpu.memref_slice %arg4[%dma_start3A_730, %dma_start3A_731] : memref<250000x128xf32, #tpu.memory_space<hbm>> -> memref<250000x128xf32, #tpu.memory_space<hbm>>
    tpu.enqueue_indirect_dma source(%dma_start3A_732 : memref<250000x128xf32, #tpu.memory_space<hbm>>) target(%dma_start3A_726 : memref<128x128xf32, #tpu.memory_space<vmem>>) offsets(%dma_start3A_729 : memref<128xi32, #tpu.memory_space<vmem>>) semaphore(%arg13 : memref<!tpu.dma_semaphore, #tpu.memory_space<semaphore_mem>>)
    %dma_wait3A = arith.constant 0 : i32
    %dma_wait3A_733 = arith.constant 0 : i32
    %dma_wait3A_734 = arith.constant 0 : i32
    %dma_wait3A_735 = tpu.memref_slice %arg10[%dma_wait3A_733, %dma_wait3A_734] : memref<512x128xf32, #tpu.memory_space<vmem>> -> memref<128x128xf32, #tpu.memory_space<vmem>>
    %dma_wait3A_736 = arith.constant 0 : i32
    %dma_wait3A_737 = tpu.memref_slice %arg7[%dma_wait3A, %dma_wait3A_736] : memref<4x128xi32, #tpu.memory_space<vmem>> -> memref<1x128xi32, #tpu.memory_space<vmem>>
    %dma_wait3A_738 = tpu.memref_squeeze %dma_wait3A_737 : memref<1x128xi32, #tpu.memory_space<vmem>> -> memref<128xi32, #tpu.memory_space<vmem>>
    %dma_wait3A_739 = arith.constant 0 : i32
    %dma_wait3A_740 = arith.constant 0 : i32
    %dma_wait3A_741 = tpu.memref_slice %arg4[%dma_wait3A_739, %dma_wait3A_740] : memref<250000x128xf32, #tpu.memory_space<hbm>> -> memref<250000x128xf32, #tpu.memory_space<hbm>>
    tpu.wait_indirect_dma semaphore(%arg13 : memref<!tpu.dma_semaphore, #tpu.memory_space<semaphore_mem>>) src(%dma_wait3A_741 : memref<250000x128xf32, #tpu.memory_space<hbm>>) dst(%dma_wait3A_735 : memref<128x128xf32, #tpu.memory_space<vmem>>)
    %dma_wait3A_742 = arith.constant 1 : i32
    %dma_wait3A_743 = arith.constant 128 : i32
    %dma_wait3A_744 = arith.constant 0 : i32
    %dma_wait3A_745 = tpu.memref_slice %arg10[%dma_wait3A_743, %dma_wait3A_744] : memref<512x128xf32, #tpu.memory_space<vmem>> -> memref<128x128xf32, #tpu.memory_space<vmem>>
    %dma_wait3A_746 = arith.constant 0 : i32
    %dma_wait3A_747 = tpu.memref_slice %arg7[%dma_wait3A_742, %dma_wait3A_746] : memref<4x128xi32, #tpu.memory_space<vmem>> -> memref<1x128xi32, #tpu.memory_space<vmem>>
    %dma_wait3A_748 = tpu.memref_squeeze %dma_wait3A_747 : memref<1x128xi32, #tpu.memory_space<vmem>> -> memref<128xi32, #tpu.memory_space<vmem>>
    %dma_wait3A_749 = arith.constant 0 : i32
    %dma_wait3A_750 = arith.constant 0 : i32
    %dma_wait3A_751 = tpu.memref_slice %arg4[%dma_wait3A_749, %dma_wait3A_750] : memref<250000x128xf32, #tpu.memory_space<hbm>> -> memref<250000x128xf32, #tpu.memory_space<hbm>>
    tpu.wait_indirect_dma semaphore(%arg13 : memref<!tpu.dma_semaphore, #tpu.memory_space<semaphore_mem>>) src(%dma_wait3A_751 : memref<250000x128xf32, #tpu.memory_space<hbm>>) dst(%dma_wait3A_745 : memref<128x128xf32, #tpu.memory_space<vmem>>)
    %dma_wait3A_752 = arith.constant 2 : i32
    %dma_wait3A_753 = arith.constant 256 : i32
    %dma_wait3A_754 = arith.constant 0 : i32
    %dma_wait3A_755 = tpu.memref_slice %arg10[%dma_wait3A_753, %dma_wait3A_754] : memref<512x128xf32, #tpu.memory_space<vmem>> -> memref<128x128xf32, #tpu.memory_space<vmem>>
    %dma_wait3A_756 = arith.constant 0 : i32
    %dma_wait3A_757 = tpu.memref_slice %arg7[%dma_wait3A_752, %dma_wait3A_756] : memref<4x128xi32, #tpu.memory_space<vmem>> -> memref<1x128xi32, #tpu.memory_space<vmem>>
    %dma_wait3A_758 = tpu.memref_squeeze %dma_wait3A_757 : memref<1x128xi32, #tpu.memory_space<vmem>> -> memref<128xi32, #tpu.memory_space<vmem>>
    %dma_wait3A_759 = arith.constant 0 : i32
    %dma_wait3A_760 = arith.constant 0 : i32
    %dma_wait3A_761 = tpu.memref_slice %arg4[%dma_wait3A_759, %dma_wait3A_760] : memref<250000x128xf32, #tpu.memory_space<hbm>> -> memref<250000x128xf32, #tpu.memory_space<hbm>>
    tpu.wait_indirect_dma semaphore(%arg13 : memref<!tpu.dma_semaphore, #tpu.memory_space<semaphore_mem>>) src(%dma_wait3A_761 : memref<250000x128xf32, #tpu.memory_space<hbm>>) dst(%dma_wait3A_755 : memref<128x128xf32, #tpu.memory_space<vmem>>)
    %dma_wait3A_762 = arith.constant 3 : i32
    %dma_wait3A_763 = arith.constant 384 : i32
    %dma_wait3A_764 = arith.constant 0 : i32
    %dma_wait3A_765 = tpu.memref_slice %arg10[%dma_wait3A_763, %dma_wait3A_764] : memref<512x128xf32, #tpu.memory_space<vmem>> -> memref<128x128xf32, #tpu.memory_space<vmem>>
    %dma_wait3A_766 = arith.constant 0 : i32
    %dma_wait3A_767 = tpu.memref_slice %arg7[%dma_wait3A_762, %dma_wait3A_766] : memref<4x128xi32, #tpu.memory_space<vmem>> -> memref<1x128xi32, #tpu.memory_space<vmem>>
    %dma_wait3A_768 = tpu.memref_squeeze %dma_wait3A_767 : memref<1x128xi32, #tpu.memory_space<vmem>> -> memref<128xi32, #tpu.memory_space<vmem>>
    %dma_wait3A_769 = arith.constant 0 : i32
    %dma_wait3A_770 = arith.constant 0 : i32
    %dma_wait3A_771 = tpu.memref_slice %arg4[%dma_wait3A_769, %dma_wait3A_770] : memref<250000x128xf32, #tpu.memory_space<hbm>> -> memref<250000x128xf32, #tpu.memory_space<hbm>>
    tpu.wait_indirect_dma semaphore(%arg13 : memref<!tpu.dma_semaphore, #tpu.memory_space<semaphore_mem>>) src(%dma_wait3A_771 : memref<250000x128xf32, #tpu.memory_space<hbm>>) dst(%dma_wait3A_765 : memref<128x128xf32, #tpu.memory_space<vmem>>)
    %iota3A = tpu.iota {dimensions = array<i32: 0>} : vector<16xi32>
    %parallel_loop3A = arith.constant 0 : i32
    %parallel_loop3A_772 = arith.constant 32 : i32
    %parallel_loop3A_773 = arith.constant 1 : i32
    scf.for %parallel_loop3A_776 = %parallel_loop3A to %parallel_loop3A_772 step %parallel_loop3A_773  : i32 {
      %parallel_loop3A_777 = arith.constant 16 : i32
      %parallel_loop3A_778 = arith.muli %parallel_loop3A_776, %parallel_loop3A_777 : i32
      %parallel_loop3A_779 = vector.broadcast %parallel_loop3A_778 : i32 to vector<16xi32>
      %parallel_loop3A_780 = arith.addi %parallel_loop3A_779, %iota3A : vector<16xi32>
      %parallel_loop3A_781 = arith.constant 8 : i32
      %parallel_loop3A_782 = arith.divsi %parallel_loop3A_776, %parallel_loop3A_781 : i32
      %parallel_loop3A_783 = arith.constant 0 : i32
      %parallel_loop3A_784 = arith.cmpi sgt, %parallel_loop3A_776, %parallel_loop3A_783 : i32
      %parallel_loop3A_785 = arith.extui %parallel_loop3A_784 : i1 to i32
      %parallel_loop3A_786 = arith.constant 0 : i32
      %parallel_loop3A_787 = arith.cmpi slt, %parallel_loop3A_776, %parallel_loop3A_786 : i32
      %parallel_loop3A_788 = arith.extui %parallel_loop3A_787 : i1 to i32
      %parallel_loop3A_789 = arith.subi %parallel_loop3A_785, %parallel_loop3A_788 : i32
      %parallel_loop3A_790 = arith.constant 0 : i32
      %parallel_loop3A_791 = arith.cmpi sgt, %parallel_loop3A_781, %parallel_loop3A_790 : i32
      %parallel_loop3A_792 = arith.extui %parallel_loop3A_791 : i1 to i32
      %parallel_loop3A_793 = arith.constant 0 : i32
      %parallel_loop3A_794 = arith.cmpi slt, %parallel_loop3A_781, %parallel_loop3A_793 : i32
      %parallel_loop3A_795 = arith.extui %parallel_loop3A_794 : i1 to i32
      %parallel_loop3A_796 = arith.subi %parallel_loop3A_792, %parallel_loop3A_795 : i32
      %parallel_loop3A_797 = arith.cmpi ne, %parallel_loop3A_789, %parallel_loop3A_796 : i32
      %parallel_loop3A_798 = arith.remsi %parallel_loop3A_776, %parallel_loop3A_781 : i32
      %parallel_loop3A_799 = arith.constant 0 : i32
      %parallel_loop3A_800 = arith.cmpi ne, %parallel_loop3A_798, %parallel_loop3A_799 : i32
      %parallel_loop3A_801 = arith.andi %parallel_loop3A_797, %parallel_loop3A_800 : i1
      %parallel_loop3A_802 = arith.constant 1 : i32
      %parallel_loop3A_803 = arith.subi %parallel_loop3A_782, %parallel_loop3A_802 : i32
      %parallel_loop3A_804 = arith.select %parallel_loop3A_801, %parallel_loop3A_803, %parallel_loop3A_782 : i32
      %parallel_loop3A_805 = arith.constant 8 : i32
      %parallel_loop3A_806 = arith.constant 0 : i32
      %parallel_loop3A_807 = arith.cmpi eq, %parallel_loop3A_805, %parallel_loop3A_806 : i32
      %parallel_loop3A_808 = arith.constant 1 : i32
      %parallel_loop3A_809 = arith.select %parallel_loop3A_807, %parallel_loop3A_808, %parallel_loop3A_805 : i32
      %parallel_loop3A_810 = arith.remsi %parallel_loop3A_776, %parallel_loop3A_809 : i32
      %parallel_loop3A_811 = arith.constant 0 : i32
      %parallel_loop3A_812 = arith.cmpi ne, %parallel_loop3A_810, %parallel_loop3A_811 : i32
      %parallel_loop3A_813 = arith.constant 0 : i32
      %parallel_loop3A_814 = arith.cmpi slt, %parallel_loop3A_810, %parallel_loop3A_813 : i32
      %parallel_loop3A_815 = arith.constant 0 : i32
      %parallel_loop3A_816 = arith.cmpi slt, %parallel_loop3A_809, %parallel_loop3A_815 : i32
      %parallel_loop3A_817 = arith.xori %parallel_loop3A_814, %parallel_loop3A_816 : i1
      %parallel_loop3A_818 = arith.andi %parallel_loop3A_817, %parallel_loop3A_812 : i1
      %parallel_loop3A_819 = arith.addi %parallel_loop3A_810, %parallel_loop3A_809 : i32
      %parallel_loop3A_820 = arith.select %parallel_loop3A_818, %parallel_loop3A_819, %parallel_loop3A_810 : i32
      %parallel_loop3A_821 = arith.constant 16 : i32
      %parallel_loop3A_822 = arith.muli %parallel_loop3A_820, %parallel_loop3A_821 : i32
      %parallel_loop3A_823 = arith.index_cast %parallel_loop3A_804 : i32 to index
      %parallel_loop3A_824 = arith.index_cast %parallel_loop3A_822 : i32 to index
      %parallel_loop3A_825 = tpu.vector_load %arg9[%parallel_loop3A_823, %parallel_loop3A_824] {strides = array<i32>} : memref<4x128xi32, #tpu.memory_space<vmem>>, vector<16xi32>,
      %parallel_loop3A_826 = arith.index_cast %parallel_loop3A_804 : i32 to index
      %parallel_loop3A_827 = arith.index_cast %parallel_loop3A_822 : i32 to index
      %parallel_loop3A_828 = tpu.vector_load %arg8[%parallel_loop3A_826, %parallel_loop3A_827] {strides = array<i32>} : memref<4x128xi32, #tpu.memory_space<vmem>>, vector<16xi32>,
      %parallel_loop3A_829 = arith.constant 2 : i32
      %parallel_loop3A_830 = vector.broadcast %parallel_loop3A_829 : i32 to vector<16xi32>
      %parallel_loop3A_831 = arith.shrui %parallel_loop3A_828, %parallel_loop3A_830 : vector<16xi32>
      %parallel_loop3A_832 = arith.constant 3 : i32
      %parallel_loop3A_833 = vector.broadcast %parallel_loop3A_832 : i32 to vector<16xi32>
      %parallel_loop3A_834 = arith.andi %parallel_loop3A_828, %parallel_loop3A_833 : vector<16xi32>
      %parallel_loop3A_835 = arith.constant 32 : i32
      %parallel_loop3A_836 = vector.broadcast %parallel_loop3A_835 : i32 to vector<16xi32>
      %parallel_loop3A_837 = arith.muli %parallel_loop3A_834, %parallel_loop3A_836 : vector<16xi32>
      %parallel_loop3A_838 = arith.constant 1 : i32
      %parallel_loop3A_839 = vector.broadcast %parallel_loop3A_838 : i32 to vector<16xi32>
      %parallel_loop3A_840 = arith.shrui %parallel_loop3A_780, %parallel_loop3A_839 : vector<16xi32>
      %parallel_loop3A_841 = arith.constant 1 : i32
      %parallel_loop3A_842 = vector.broadcast %parallel_loop3A_841 : i32 to vector<16xi32>
      %parallel_loop3A_843 = arith.andi %parallel_loop3A_780, %parallel_loop3A_842 : vector<16xi32>
      %parallel_loop3A_844 = arith.constant 64 : i32
      %parallel_loop3A_845 = vector.broadcast %parallel_loop3A_844 : i32 to vector<16xi32>
      %parallel_loop3A_846 = arith.muli %parallel_loop3A_843, %parallel_loop3A_845 : vector<16xi32>
      %parallel_loop3A_847 = arith.constant 0 : i32
      %parallel_loop3A_848 = vector.broadcast %parallel_loop3A_847 : i32 to vector<16xi32>
      %parallel_loop3A_849 = arith.addi %parallel_loop3A_825, %parallel_loop3A_848 : vector<16xi32>
      %parallel_loop3A_850 = tpu.vector_load_idx %arg10[%parallel_loop3A_780, %parallel_loop3A_849] : memref<512x128xf32, #tpu.memory_space<vmem>>[vector<16xi32>, vector<16xi32>], vector<16xf32>,
      %parallel_loop3A_851 = arith.constant 0 : i32
      %parallel_loop3A_852 = vector.broadcast %parallel_loop3A_851 : i32 to vector<16xi32>
      %parallel_loop3A_853 = arith.addi %parallel_loop3A_846, %parallel_loop3A_852 : vector<16xi32>
      tpu.vector_store_idx %arg12[%parallel_loop3A_840, %parallel_loop3A_853], %parallel_loop3A_850 : memref<256x128xf32, #tpu.memory_space<vmem>>[vector<16xi32>, vector<16xi32>], vector<16xf32>,
      %parallel_loop3A_854 = arith.constant 0 : i32
      %parallel_loop3A_855 = vector.broadcast %parallel_loop3A_854 : i32 to vector<16xi32>
      %parallel_loop3A_856 = arith.addi %parallel_loop3A_837, %parallel_loop3A_855 : vector<16xi32>
      %parallel_loop3A_857 = tpu.vector_load_idx %arg11[%parallel_loop3A_831, %parallel_loop3A_856] : memref<4x128xf32, #tpu.memory_space<vmem>>[vector<16xi32>, vector<16xi32>], vector<16xf32>,
      %parallel_loop3A_858 = arith.constant 32 : i32
      %parallel_loop3A_859 = vector.broadcast %parallel_loop3A_858 : i32 to vector<16xi32>
      %parallel_loop3A_860 = arith.addi %parallel_loop3A_846, %parallel_loop3A_859 : vector<16xi32>
      %parallel_loop3A_861 = arith.constant 0 : i32
      %parallel_loop3A_862 = vector.broadcast %parallel_loop3A_861 : i32 to vector<16xi32>
      %parallel_loop3A_863 = arith.addi %parallel_loop3A_860, %parallel_loop3A_862 : vector<16xi32>
      tpu.vector_store_idx %arg12[%parallel_loop3A_840, %parallel_loop3A_863], %parallel_loop3A_857 : memref<256x128xf32, #tpu.memory_space<vmem>>[vector<16xi32>, vector<16xi32>], vector<16xf32>,
      %parallel_loop3A_864 = arith.constant 1 : i32
      %parallel_loop3A_865 = vector.broadcast %parallel_loop3A_864 : i32 to vector<16xi32>
      %parallel_loop3A_866 = arith.addi %parallel_loop3A_825, %parallel_loop3A_865 : vector<16xi32>
      %parallel_loop3A_867 = tpu.vector_load_idx %arg10[%parallel_loop3A_780, %parallel_loop3A_866] : memref<512x128xf32, #tpu.memory_space<vmem>>[vector<16xi32>, vector<16xi32>], vector<16xf32>,
      %parallel_loop3A_868 = arith.constant 1 : i32
      %parallel_loop3A_869 = vector.broadcast %parallel_loop3A_868 : i32 to vector<16xi32>
      %parallel_loop3A_870 = arith.addi %parallel_loop3A_846, %parallel_loop3A_869 : vector<16xi32>
      tpu.vector_store_idx %arg12[%parallel_loop3A_840, %parallel_loop3A_870], %parallel_loop3A_867 : memref<256x128xf32, #tpu.memory_space<vmem>>[vector<16xi32>, vector<16xi32>], vector<16xf32>,
      %parallel_loop3A_871 = arith.constant 1 : i32
      %parallel_loop3A_872 = vector.broadcast %parallel_loop3A_871 : i32 to vector<16xi32>
      %parallel_loop3A_873 = arith.addi %parallel_loop3A_837, %parallel_loop3A_872 : vector<16xi32>
      %parallel_loop3A_874 = tpu.vector_load_idx %arg11[%parallel_loop3A_831, %parallel_loop3A_873] : memref<4x128xf32, #tpu.memory_space<vmem>>[vector<16xi32>, vector<16xi32>], vector<16xf32>,
      %parallel_loop3A_875 = arith.constant 32 : i32
      %parallel_loop3A_876 = vector.broadcast %parallel_loop3A_875 : i32 to vector<16xi32>
      %parallel_loop3A_877 = arith.addi %parallel_loop3A_846, %parallel_loop3A_876 : vector<16xi32>
      %parallel_loop3A_878 = arith.constant 1 : i32
      %parallel_loop3A_879 = vector.broadcast %parallel_loop3A_878 : i32 to vector<16xi32>
      %parallel_loop3A_880 = arith.addi %parallel_loop3A_877, %parallel_loop3A_879 : vector<16xi32>
      tpu.vector_store_idx %arg12[%parallel_loop3A_840, %parallel_loop3A_880], %parallel_loop3A_874 : memref<256x128xf32, #tpu.memory_space<vmem>>[vector<16xi32>, vector<16xi32>], vector<16xf32>,
      %parallel_loop3A_881 = arith.constant 2 : i32
      %parallel_loop3A_882 = vector.broadcast %parallel_loop3A_881 : i32 to vector<16xi32>
      %parallel_loop3A_883 = arith.addi %parallel_loop3A_825, %parallel_loop3A_882 : vector<16xi32>
      %parallel_loop3A_884 = tpu.vector_load_idx %arg10[%parallel_loop3A_780, %parallel_loop3A_883] : memref<512x128xf32, #tpu.memory_space<vmem>>[vector<16xi32>, vector<16xi32>], vector<16xf32>,
      %parallel_loop3A_885 = arith.constant 2 : i32
      %parallel_loop3A_886 = vector.broadcast %parallel_loop3A_885 : i32 to vector<16xi32>
      %parallel_loop3A_887 = arith.addi %parallel_loop3A_846, %parallel_loop3A_886 : vector<16xi32>
      tpu.vector_store_idx %arg12[%parallel_loop3A_840, %parallel_loop3A_887], %parallel_loop3A_884 : memref<256x128xf32, #tpu.memory_space<vmem>>[vector<16xi32>, vector<16xi32>], vector<16xf32>,
      %parallel_loop3A_888 = arith.constant 2 : i32
      %parallel_loop3A_889 = vector.broadcast %parallel_loop3A_888 : i32 to vector<16xi32>
      %parallel_loop3A_890 = arith.addi %parallel_loop3A_837, %parallel_loop3A_889 : vector<16xi32>
      %parallel_loop3A_891 = tpu.vector_load_idx %arg11[%parallel_loop3A_831, %parallel_loop3A_890] : memref<4x128xf32, #tpu.memory_space<vmem>>[vector<16xi32>, vector<16xi32>], vector<16xf32>,
      %parallel_loop3A_892 = arith.constant 32 : i32
      %parallel_loop3A_893 = vector.broadcast %parallel_loop3A_892 : i32 to vector<16xi32>
      %parallel_loop3A_894 = arith.addi %parallel_loop3A_846, %parallel_loop3A_893 : vector<16xi32>
      %parallel_loop3A_895 = arith.constant 2 : i32
      %parallel_loop3A_896 = vector.broadcast %parallel_loop3A_895 : i32 to vector<16xi32>
      %parallel_loop3A_897 = arith.addi %parallel_loop3A_894, %parallel_loop3A_896 : vector<16xi32>
      tpu.vector_store_idx %arg12[%parallel_loop3A_840, %parallel_loop3A_897], %parallel_loop3A_891 : memref<256x128xf32, #tpu.memory_space<vmem>>[vector<16xi32>, vector<16xi32>], vector<16xf32>,
      %parallel_loop3A_898 = arith.constant 3 : i32
      %parallel_loop3A_899 = vector.broadcast %parallel_loop3A_898 : i32 to vector<16xi32>
      %parallel_loop3A_900 = arith.addi %parallel_loop3A_825, %parallel_loop3A_899 : vector<16xi32>
      %parallel_loop3A_901 = tpu.vector_load_idx %arg10[%parallel_loop3A_780, %parallel_loop3A_900] : memref<512x128xf32, #tpu.memory_space<vmem>>[vector<16xi32>, vector<16xi32>], vector<16xf32>,
      %parallel_loop3A_902 = arith.constant 3 : i32
      %parallel_loop3A_903 = vector.broadcast %parallel_loop3A_902 : i32 to vector<16xi32>
      %parallel_loop3A_904 = arith.addi %parallel_loop3A_846, %parallel_loop3A_903 : vector<16xi32>
      tpu.vector_store_idx %arg12[%parallel_loop3A_840, %parallel_loop3A_904], %parallel_loop3A_901 : memref<256x128xf32, #tpu.memory_space<vmem>>[vector<16xi32>, vector<16xi32>], vector<16xf32>,
      %parallel_loop3A_905 = arith.constant 3 : i32
      %parallel_loop3A_906 = vector.broadcast %parallel_loop3A_905 : i32 to vector<16xi32>
      %parallel_loop3A_907 = arith.addi %parallel_loop3A_837, %parallel_loop3A_906 : vector<16xi32>
      %parallel_loop3A_908 = tpu.vector_load_idx %arg11[%parallel_loop3A_831, %parallel_loop3A_907] : memref<4x128xf32, #tpu.memory_space<vmem>>[vector<16xi32>, vector<16xi32>], vector<16xf32>,
      %parallel_loop3A_909 = arith.constant 32 : i32
      %parallel_loop3A_910 = vector.broadcast %parallel_loop3A_909 : i32 to vector<16xi32>
      %parallel_loop3A_911 = arith.addi %parallel_loop3A_846, %parallel_loop3A_910 : vector<16xi32>
      %parallel_loop3A_912 = arith.constant 3 : i32
      %parallel_loop3A_913 = vector.broadcast %parallel_loop3A_912 : i32 to vector<16xi32>
      %parallel_loop3A_914 = arith.addi %parallel_loop3A_911, %parallel_loop3A_913 : vector<16xi32>
      tpu.vector_store_idx %arg12[%parallel_loop3A_840, %parallel_loop3A_914], %parallel_loop3A_908 : memref<256x128xf32, #tpu.memory_space<vmem>>[vector<16xi32>, vector<16xi32>], vector<16xf32>,
      %parallel_loop3A_915 = arith.constant 4 : i32
      %parallel_loop3A_916 = vector.broadcast %parallel_loop3A_915 : i32 to vector<16xi32>
      %parallel_loop3A_917 = arith.addi %parallel_loop3A_825, %parallel_loop3A_916 : vector<16xi32>
      %parallel_loop3A_918 = tpu.vector_load_idx %arg10[%parallel_loop3A_780, %parallel_loop3A_917] : memref<512x128xf32, #tpu.memory_space<vmem>>[vector<16xi32>, vector<16xi32>], vector<16xf32>,
      %parallel_loop3A_919 = arith.constant 4 : i32
      %parallel_loop3A_920 = vector.broadcast %parallel_loop3A_919 : i32 to vector<16xi32>
      %parallel_loop3A_921 = arith.addi %parallel_loop3A_846, %parallel_loop3A_920 : vector<16xi32>
      tpu.vector_store_idx %arg12[%parallel_loop3A_840, %parallel_loop3A_921], %parallel_loop3A_918 : memref<256x128xf32, #tpu.memory_space<vmem>>[vector<16xi32>, vector<16xi32>], vector<16xf32>,
      %parallel_loop3A_922 = arith.constant 4 : i32
      %parallel_loop3A_923 = vector.broadcast %parallel_loop3A_922 : i32 to vector<16xi32>
      %parallel_loop3A_924 = arith.addi %parallel_loop3A_837, %parallel_loop3A_923 : vector<16xi32>
      %parallel_loop3A_925 = tpu.vector_load_idx %arg11[%parallel_loop3A_831, %parallel_loop3A_924] : memref<4x128xf32, #tpu.memory_space<vmem>>[vector<16xi32>, vector<16xi32>], vector<16xf32>,
      %parallel_loop3A_926 = arith.constant 32 : i32
      %parallel_loop3A_927 = vector.broadcast %parallel_loop3A_926 : i32 to vector<16xi32>
      %parallel_loop3A_928 = arith.addi %parallel_loop3A_846, %parallel_loop3A_927 : vector<16xi32>
      %parallel_loop3A_929 = arith.constant 4 : i32
      %parallel_loop3A_930 = vector.broadcast %parallel_loop3A_929 : i32 to vector<16xi32>
      %parallel_loop3A_931 = arith.addi %parallel_loop3A_928, %parallel_loop3A_930 : vector<16xi32>
      tpu.vector_store_idx %arg12[%parallel_loop3A_840, %parallel_loop3A_931], %parallel_loop3A_925 : memref<256x128xf32, #tpu.memory_space<vmem>>[vector<16xi32>, vector<16xi32>], vector<16xf32>,
      %parallel_loop3A_932 = arith.constant 5 : i32
      %parallel_loop3A_933 = vector.broadcast %parallel_loop3A_932 : i32 to vector<16xi32>
      %parallel_loop3A_934 = arith.addi %parallel_loop3A_825, %parallel_loop3A_933 : vector<16xi32>
      %parallel_loop3A_935 = tpu.vector_load_idx %arg10[%parallel_loop3A_780, %parallel_loop3A_934] : memref<512x128xf32, #tpu.memory_space<vmem>>[vector<16xi32>, vector<16xi32>], vector<16xf32>,
      %parallel_loop3A_936 = arith.constant 5 : i32
      %parallel_loop3A_937 = vector.broadcast %parallel_loop3A_936 : i32 to vector<16xi32>
      %parallel_loop3A_938 = arith.addi %parallel_loop3A_846, %parallel_loop3A_937 : vector<16xi32>
      tpu.vector_store_idx %arg12[%parallel_loop3A_840, %parallel_loop3A_938], %parallel_loop3A_935 : memref<256x128xf32, #tpu.memory_space<vmem>>[vector<16xi32>, vector<16xi32>], vector<16xf32>,
      %parallel_loop3A_939 = arith.constant 5 : i32
      %parallel_loop3A_940 = vector.broadcast %parallel_loop3A_939 : i32 to vector<16xi32>
      %parallel_loop3A_941 = arith.addi %parallel_loop3A_837, %parallel_loop3A_940 : vector<16xi32>
      %parallel_loop3A_942 = tpu.vector_load_idx %arg11[%parallel_loop3A_831, %parallel_loop3A_941] : memref<4x128xf32, #tpu.memory_space<vmem>>[vector<16xi32>, vector<16xi32>], vector<16xf32>,
      %parallel_loop3A_943 = arith.constant 32 : i32
      %parallel_loop3A_944 = vector.broadcast %parallel_loop3A_943 : i32 to vector<16xi32>
      %parallel_loop3A_945 = arith.addi %parallel_loop3A_846, %parallel_loop3A_944 : vector<16xi32>
      %parallel_loop3A_946 = arith.constant 5 : i32
      %parallel_loop3A_947 = vector.broadcast %parallel_loop3A_946 : i32 to vector<16xi32>
      %parallel_loop3A_948 = arith.addi %parallel_loop3A_945, %parallel_loop3A_947 : vector<16xi32>
      tpu.vector_store_idx %arg12[%parallel_loop3A_840, %parallel_loop3A_948], %parallel_loop3A_942 : memref<256x128xf32, #tpu.memory_space<vmem>>[vector<16xi32>, vector<16xi32>], vector<16xf32>,
      %parallel_loop3A_949 = arith.constant 6 : i32
      %parallel_loop3A_950 = vector.broadcast %parallel_loop3A_949 : i32 to vector<16xi32>
      %parallel_loop3A_951 = arith.addi %parallel_loop3A_825, %parallel_loop3A_950 : vector<16xi32>
      %parallel_loop3A_952 = tpu.vector_load_idx %arg10[%parallel_loop3A_780, %parallel_loop3A_951] : memref<512x128xf32, #tpu.memory_space<vmem>>[vector<16xi32>, vector<16xi32>], vector<16xf32>,
      %parallel_loop3A_953 = arith.constant 6 : i32
      %parallel_loop3A_954 = vector.broadcast %parallel_loop3A_953 : i32 to vector<16xi32>
      %parallel_loop3A_955 = arith.addi %parallel_loop3A_846, %parallel_loop3A_954 : vector<16xi32>
      tpu.vector_store_idx %arg12[%parallel_loop3A_840, %parallel_loop3A_955], %parallel_loop3A_952 : memref<256x128xf32, #tpu.memory_space<vmem>>[vector<16xi32>, vector<16xi32>], vector<16xf32>,
      %parallel_loop3A_956 = arith.constant 6 : i32
      %parallel_loop3A_957 = vector.broadcast %parallel_loop3A_956 : i32 to vector<16xi32>
      %parallel_loop3A_958 = arith.addi %parallel_loop3A_837, %parallel_loop3A_957 : vector<16xi32>
      %parallel_loop3A_959 = tpu.vector_load_idx %arg11[%parallel_loop3A_831, %parallel_loop3A_958] : memref<4x128xf32, #tpu.memory_space<vmem>>[vector<16xi32>, vector<16xi32>], vector<16xf32>,
      %parallel_loop3A_960 = arith.constant 32 : i32
      %parallel_loop3A_961 = vector.broadcast %parallel_loop3A_960 : i32 to vector<16xi32>
      %parallel_loop3A_962 = arith.addi %parallel_loop3A_846, %parallel_loop3A_961 : vector<16xi32>
      %parallel_loop3A_963 = arith.constant 6 : i32
      %parallel_loop3A_964 = vector.broadcast %parallel_loop3A_963 : i32 to vector<16xi32>
      %parallel_loop3A_965 = arith.addi %parallel_loop3A_962, %parallel_loop3A_964 : vector<16xi32>
      tpu.vector_store_idx %arg12[%parallel_loop3A_840, %parallel_loop3A_965], %parallel_loop3A_959 : memref<256x128xf32, #tpu.memory_space<vmem>>[vector<16xi32>, vector<16xi32>], vector<16xf32>,
      %parallel_loop3A_966 = arith.constant 7 : i32
      %parallel_loop3A_967 = vector.broadcast %parallel_loop3A_966 : i32 to vector<16xi32>
      %parallel_loop3A_968 = arith.addi %parallel_loop3A_825, %parallel_loop3A_967 : vector<16xi32>
      %parallel_loop3A_969 = tpu.vector_load_idx %arg10[%parallel_loop3A_780, %parallel_loop3A_968] : memref<512x128xf32, #tpu.memory_space<vmem>>[vector<16xi32>, vector<16xi32>], vector<16xf32>,
      %parallel_loop3A_970 = arith.constant 7 : i32
      %parallel_loop3A_971 = vector.broadcast %parallel_loop3A_970 : i32 to vector<16xi32>
      %parallel_loop3A_972 = arith.addi %parallel_loop3A_846, %parallel_loop3A_971 : vector<16xi32>
      tpu.vector_store_idx %arg12[%parallel_loop3A_840, %parallel_loop3A_972], %parallel_loop3A_969 : memref<256x128xf32, #tpu.memory_space<vmem>>[vector<16xi32>, vector<16xi32>], vector<16xf32>,
      %parallel_loop3A_973 = arith.constant 7 : i32
      %parallel_loop3A_974 = vector.broadcast %parallel_loop3A_973 : i32 to vector<16xi32>
      %parallel_loop3A_975 = arith.addi %parallel_loop3A_837, %parallel_loop3A_974 : vector<16xi32>
      %parallel_loop3A_976 = tpu.vector_load_idx %arg11[%parallel_loop3A_831, %parallel_loop3A_975] : memref<4x128xf32, #tpu.memory_space<vmem>>[vector<16xi32>, vector<16xi32>], vector<16xf32>,
      %parallel_loop3A_977 = arith.constant 32 : i32
      %parallel_loop3A_978 = vector.broadcast %parallel_loop3A_977 : i32 to vector<16xi32>
      %parallel_loop3A_979 = arith.addi %parallel_loop3A_846, %parallel_loop3A_978 : vector<16xi32>
      %parallel_loop3A_980 = arith.constant 7 : i32
      %parallel_loop3A_981 = vector.broadcast %parallel_loop3A_980 : i32 to vector<16xi32>
      %parallel_loop3A_982 = arith.addi %parallel_loop3A_979, %parallel_loop3A_981 : vector<16xi32>
      tpu.vector_store_idx %arg12[%parallel_loop3A_840, %parallel_loop3A_982], %parallel_loop3A_976 : memref<256x128xf32, #tpu.memory_space<vmem>>[vector<16xi32>, vector<16xi32>], vector<16xf32>,
      %parallel_loop3A_983 = arith.constant 8 : i32
      %parallel_loop3A_984 = vector.broadcast %parallel_loop3A_983 : i32 to vector<16xi32>
      %parallel_loop3A_985 = arith.addi %parallel_loop3A_825, %parallel_loop3A_984 : vector<16xi32>
      %parallel_loop3A_986 = tpu.vector_load_idx %arg10[%parallel_loop3A_780, %parallel_loop3A_985] : memref<512x128xf32, #tpu.memory_space<vmem>>[vector<16xi32>, vector<16xi32>], vector<16xf32>,
      %parallel_loop3A_987 = arith.constant 8 : i32
      %parallel_loop3A_988 = vector.broadcast %parallel_loop3A_987 : i32 to vector<16xi32>
      %parallel_loop3A_989 = arith.addi %parallel_loop3A_846, %parallel_loop3A_988 : vector<16xi32>
      tpu.vector_store_idx %arg12[%parallel_loop3A_840, %parallel_loop3A_989], %parallel_loop3A_986 : memref<256x128xf32, #tpu.memory_space<vmem>>[vector<16xi32>, vector<16xi32>], vector<16xf32>,
      %parallel_loop3A_990 = arith.constant 8 : i32
      %parallel_loop3A_991 = vector.broadcast %parallel_loop3A_990 : i32 to vector<16xi32>
      %parallel_loop3A_992 = arith.addi %parallel_loop3A_837, %parallel_loop3A_991 : vector<16xi32>
      %parallel_loop3A_993 = tpu.vector_load_idx %arg11[%parallel_loop3A_831, %parallel_loop3A_992] : memref<4x128xf32, #tpu.memory_space<vmem>>[vector<16xi32>, vector<16xi32>], vector<16xf32>,
      %parallel_loop3A_994 = arith.constant 32 : i32
      %parallel_loop3A_995 = vector.broadcast %parallel_loop3A_994 : i32 to vector<16xi32>
      %parallel_loop3A_996 = arith.addi %parallel_loop3A_846, %parallel_loop3A_995 : vector<16xi32>
      %parallel_loop3A_997 = arith.constant 8 : i32
      %parallel_loop3A_998 = vector.broadcast %parallel_loop3A_997 : i32 to vector<16xi32>
      %parallel_loop3A_999 = arith.addi %parallel_loop3A_996, %parallel_loop3A_998 : vector<16xi32>
      tpu.vector_store_idx %arg12[%parallel_loop3A_840, %parallel_loop3A_999], %parallel_loop3A_993 : memref<256x128xf32, #tpu.memory_space<vmem>>[vector<16xi32>, vector<16xi32>], vector<16xf32>,
      %parallel_loop3A_1000 = arith.constant 9 : i32
      %parallel_loop3A_1001 = vector.broadcast %parallel_loop3A_1000 : i32 to vector<16xi32>
      %parallel_loop3A_1002 = arith.addi %parallel_loop3A_825, %parallel_loop3A_1001 : vector<16xi32>
      %parallel_loop3A_1003 = tpu.vector_load_idx %arg10[%parallel_loop3A_780, %parallel_loop3A_1002] : memref<512x128xf32, #tpu.memory_space<vmem>>[vector<16xi32>, vector<16xi32>], vector<16xf32>,
      %parallel_loop3A_1004 = arith.constant 9 : i32
      %parallel_loop3A_1005 = vector.broadcast %parallel_loop3A_1004 : i32 to vector<16xi32>
      %parallel_loop3A_1006 = arith.addi %parallel_loop3A_846, %parallel_loop3A_1005 : vector<16xi32>
      tpu.vector_store_idx %arg12[%parallel_loop3A_840, %parallel_loop3A_1006], %parallel_loop3A_1003 : memref<256x128xf32, #tpu.memory_space<vmem>>[vector<16xi32>, vector<16xi32>], vector<16xf32>,
      %parallel_loop3A_1007 = arith.constant 9 : i32
      %parallel_loop3A_1008 = vector.broadcast %parallel_loop3A_1007 : i32 to vector<16xi32>
      %parallel_loop3A_1009 = arith.addi %parallel_loop3A_837, %parallel_loop3A_1008 : vector<16xi32>
      %parallel_loop3A_1010 = tpu.vector_load_idx %arg11[%parallel_loop3A_831, %parallel_loop3A_1009] : memref<4x128xf32, #tpu.memory_space<vmem>>[vector<16xi32>, vector<16xi32>], vector<16xf32>,
      %parallel_loop3A_1011 = arith.constant 32 : i32
      %parallel_loop3A_1012 = vector.broadcast %parallel_loop3A_1011 : i32 to vector<16xi32>
      %parallel_loop3A_1013 = arith.addi %parallel_loop3A_846, %parallel_loop3A_1012 : vector<16xi32>
      %parallel_loop3A_1014 = arith.constant 9 : i32
      %parallel_loop3A_1015 = vector.broadcast %parallel_loop3A_1014 : i32 to vector<16xi32>
      %parallel_loop3A_1016 = arith.addi %parallel_loop3A_1013, %parallel_loop3A_1015 : vector<16xi32>
      tpu.vector_store_idx %arg12[%parallel_loop3A_840, %parallel_loop3A_1016], %parallel_loop3A_1010 : memref<256x128xf32, #tpu.memory_space<vmem>>[vector<16xi32>, vector<16xi32>], vector<16xf32>,
      %parallel_loop3A_1017 = arith.constant 10 : i32
      %parallel_loop3A_1018 = vector.broadcast %parallel_loop3A_1017 : i32 to vector<16xi32>
      %parallel_loop3A_1019 = arith.addi %parallel_loop3A_825, %parallel_loop3A_1018 : vector<16xi32>
      %parallel_loop3A_1020 = tpu.vector_load_idx %arg10[%parallel_loop3A_780, %parallel_loop3A_1019] : memref<512x128xf32, #tpu.memory_space<vmem>>[vector<16xi32>, vector<16xi32>], vector<16xf32>,
      %parallel_loop3A_1021 = arith.constant 10 : i32
      %parallel_loop3A_1022 = vector.broadcast %parallel_loop3A_1021 : i32 to vector<16xi32>
      %parallel_loop3A_1023 = arith.addi %parallel_loop3A_846, %parallel_loop3A_1022 : vector<16xi32>
      tpu.vector_store_idx %arg12[%parallel_loop3A_840, %parallel_loop3A_1023], %parallel_loop3A_1020 : memref<256x128xf32, #tpu.memory_space<vmem>>[vector<16xi32>, vector<16xi32>], vector<16xf32>,
      %parallel_loop3A_1024 = arith.constant 10 : i32
      %parallel_loop3A_1025 = vector.broadcast %parallel_loop3A_1024 : i32 to vector<16xi32>
      %parallel_loop3A_1026 = arith.addi %parallel_loop3A_837, %parallel_loop3A_1025 : vector<16xi32>
      %parallel_loop3A_1027 = tpu.vector_load_idx %arg11[%parallel_loop3A_831, %parallel_loop3A_1026] : memref<4x128xf32, #tpu.memory_space<vmem>>[vector<16xi32>, vector<16xi32>], vector<16xf32>,
      %parallel_loop3A_1028 = arith.constant 32 : i32
      %parallel_loop3A_1029 = vector.broadcast %parallel_loop3A_1028 : i32 to vector<16xi32>
      %parallel_loop3A_1030 = arith.addi %parallel_loop3A_846, %parallel_loop3A_1029 : vector<16xi32>
      %parallel_loop3A_1031 = arith.constant 10 : i32
      %parallel_loop3A_1032 = vector.broadcast %parallel_loop3A_1031 : i32 to vector<16xi32>
      %parallel_loop3A_1033 = arith.addi %parallel_loop3A_1030, %parallel_loop3A_1032 : vector<16xi32>
      tpu.vector_store_idx %arg12[%parallel_loop3A_840, %parallel_loop3A_1033], %parallel_loop3A_1027 : memref<256x128xf32, #tpu.memory_space<vmem>>[vector<16xi32>, vector<16xi32>], vector<16xf32>,
      %parallel_loop3A_1034 = arith.constant 11 : i32
      %parallel_loop3A_1035 = vector.broadcast %parallel_loop3A_1034 : i32 to vector<16xi32>
      %parallel_loop3A_1036 = arith.addi %parallel_loop3A_825, %parallel_loop3A_1035 : vector<16xi32>
      %parallel_loop3A_1037 = tpu.vector_load_idx %arg10[%parallel_loop3A_780, %parallel_loop3A_1036] : memref<512x128xf32, #tpu.memory_space<vmem>>[vector<16xi32>, vector<16xi32>], vector<16xf32>,
      %parallel_loop3A_1038 = arith.constant 11 : i32
      %parallel_loop3A_1039 = vector.broadcast %parallel_loop3A_1038 : i32 to vector<16xi32>
      %parallel_loop3A_1040 = arith.addi %parallel_loop3A_846, %parallel_loop3A_1039 : vector<16xi32>
      tpu.vector_store_idx %arg12[%parallel_loop3A_840, %parallel_loop3A_1040], %parallel_loop3A_1037 : memref<256x128xf32, #tpu.memory_space<vmem>>[vector<16xi32>, vector<16xi32>], vector<16xf32>,
      %parallel_loop3A_1041 = arith.constant 11 : i32
      %parallel_loop3A_1042 = vector.broadcast %parallel_loop3A_1041 : i32 to vector<16xi32>
      %parallel_loop3A_1043 = arith.addi %parallel_loop3A_837, %parallel_loop3A_1042 : vector<16xi32>
      %parallel_loop3A_1044 = tpu.vector_load_idx %arg11[%parallel_loop3A_831, %parallel_loop3A_1043] : memref<4x128xf32, #tpu.memory_space<vmem>>[vector<16xi32>, vector<16xi32>], vector<16xf32>,
      %parallel_loop3A_1045 = arith.constant 32 : i32
      %parallel_loop3A_1046 = vector.broadcast %parallel_loop3A_1045 : i32 to vector<16xi32>
      %parallel_loop3A_1047 = arith.addi %parallel_loop3A_846, %parallel_loop3A_1046 : vector<16xi32>
      %parallel_loop3A_1048 = arith.constant 11 : i32
      %parallel_loop3A_1049 = vector.broadcast %parallel_loop3A_1048 : i32 to vector<16xi32>
      %parallel_loop3A_1050 = arith.addi %parallel_loop3A_1047, %parallel_loop3A_1049 : vector<16xi32>
      tpu.vector_store_idx %arg12[%parallel_loop3A_840, %parallel_loop3A_1050], %parallel_loop3A_1044 : memref<256x128xf32, #tpu.memory_space<vmem>>[vector<16xi32>, vector<16xi32>], vector<16xf32>,
      %parallel_loop3A_1051 = arith.constant 12 : i32
      %parallel_loop3A_1052 = vector.broadcast %parallel_loop3A_1051 : i32 to vector<16xi32>
      %parallel_loop3A_1053 = arith.addi %parallel_loop3A_825, %parallel_loop3A_1052 : vector<16xi32>
      %parallel_loop3A_1054 = tpu.vector_load_idx %arg10[%parallel_loop3A_780, %parallel_loop3A_1053] : memref<512x128xf32, #tpu.memory_space<vmem>>[vector<16xi32>, vector<16xi32>], vector<16xf32>,
      %parallel_loop3A_1055 = arith.constant 12 : i32
      %parallel_loop3A_1056 = vector.broadcast %parallel_loop3A_1055 : i32 to vector<16xi32>
      %parallel_loop3A_1057 = arith.addi %parallel_loop3A_846, %parallel_loop3A_1056 : vector<16xi32>
      tpu.vector_store_idx %arg12[%parallel_loop3A_840, %parallel_loop3A_1057], %parallel_loop3A_1054 : memref<256x128xf32, #tpu.memory_space<vmem>>[vector<16xi32>, vector<16xi32>], vector<16xf32>,
      %parallel_loop3A_1058 = arith.constant 12 : i32
      %parallel_loop3A_1059 = vector.broadcast %parallel_loop3A_1058 : i32 to vector<16xi32>
      %parallel_loop3A_1060 = arith.addi %parallel_loop3A_837, %parallel_loop3A_1059 : vector<16xi32>
      %parallel_loop3A_1061 = tpu.vector_load_idx %arg11[%parallel_loop3A_831, %parallel_loop3A_1060] : memref<4x128xf32, #tpu.memory_space<vmem>>[vector<16xi32>, vector<16xi32>], vector<16xf32>,
      %parallel_loop3A_1062 = arith.constant 32 : i32
      %parallel_loop3A_1063 = vector.broadcast %parallel_loop3A_1062 : i32 to vector<16xi32>
      %parallel_loop3A_1064 = arith.addi %parallel_loop3A_846, %parallel_loop3A_1063 : vector<16xi32>
      %parallel_loop3A_1065 = arith.constant 12 : i32
      %parallel_loop3A_1066 = vector.broadcast %parallel_loop3A_1065 : i32 to vector<16xi32>
      %parallel_loop3A_1067 = arith.addi %parallel_loop3A_1064, %parallel_loop3A_1066 : vector<16xi32>
      tpu.vector_store_idx %arg12[%parallel_loop3A_840, %parallel_loop3A_1067], %parallel_loop3A_1061 : memref<256x128xf32, #tpu.memory_space<vmem>>[vector<16xi32>, vector<16xi32>], vector<16xf32>,
      %parallel_loop3A_1068 = arith.constant 13 : i32
      %parallel_loop3A_1069 = vector.broadcast %parallel_loop3A_1068 : i32 to vector<16xi32>
      %parallel_loop3A_1070 = arith.addi %parallel_loop3A_825, %parallel_loop3A_1069 : vector<16xi32>
      %parallel_loop3A_1071 = tpu.vector_load_idx %arg10[%parallel_loop3A_780, %parallel_loop3A_1070] : memref<512x128xf32, #tpu.memory_space<vmem>>[vector<16xi32>, vector<16xi32>], vector<16xf32>,
      %parallel_loop3A_1072 = arith.constant 13 : i32
      %parallel_loop3A_1073 = vector.broadcast %parallel_loop3A_1072 : i32 to vector<16xi32>
      %parallel_loop3A_1074 = arith.addi %parallel_loop3A_846, %parallel_loop3A_1073 : vector<16xi32>
      tpu.vector_store_idx %arg12[%parallel_loop3A_840, %parallel_loop3A_1074], %parallel_loop3A_1071 : memref<256x128xf32, #tpu.memory_space<vmem>>[vector<16xi32>, vector<16xi32>], vector<16xf32>,
      %parallel_loop3A_1075 = arith.constant 13 : i32
      %parallel_loop3A_1076 = vector.broadcast %parallel_loop3A_1075 : i32 to vector<16xi32>
      %parallel_loop3A_1077 = arith.addi %parallel_loop3A_837, %parallel_loop3A_1076 : vector<16xi32>
      %parallel_loop3A_1078 = tpu.vector_load_idx %arg11[%parallel_loop3A_831, %parallel_loop3A_1077] : memref<4x128xf32, #tpu.memory_space<vmem>>[vector<16xi32>, vector<16xi32>], vector<16xf32>,
      %parallel_loop3A_1079 = arith.constant 32 : i32
      %parallel_loop3A_1080 = vector.broadcast %parallel_loop3A_1079 : i32 to vector<16xi32>
      %parallel_loop3A_1081 = arith.addi %parallel_loop3A_846, %parallel_loop3A_1080 : vector<16xi32>
      %parallel_loop3A_1082 = arith.constant 13 : i32
      %parallel_loop3A_1083 = vector.broadcast %parallel_loop3A_1082 : i32 to vector<16xi32>
      %parallel_loop3A_1084 = arith.addi %parallel_loop3A_1081, %parallel_loop3A_1083 : vector<16xi32>
      tpu.vector_store_idx %arg12[%parallel_loop3A_840, %parallel_loop3A_1084], %parallel_loop3A_1078 : memref<256x128xf32, #tpu.memory_space<vmem>>[vector<16xi32>, vector<16xi32>], vector<16xf32>,
      %parallel_loop3A_1085 = arith.constant 14 : i32
      %parallel_loop3A_1086 = vector.broadcast %parallel_loop3A_1085 : i32 to vector<16xi32>
      %parallel_loop3A_1087 = arith.addi %parallel_loop3A_825, %parallel_loop3A_1086 : vector<16xi32>
      %parallel_loop3A_1088 = tpu.vector_load_idx %arg10[%parallel_loop3A_780, %parallel_loop3A_1087] : memref<512x128xf32, #tpu.memory_space<vmem>>[vector<16xi32>, vector<16xi32>], vector<16xf32>,
      %parallel_loop3A_1089 = arith.constant 14 : i32
      %parallel_loop3A_1090 = vector.broadcast %parallel_loop3A_1089 : i32 to vector<16xi32>
      %parallel_loop3A_1091 = arith.addi %parallel_loop3A_846, %parallel_loop3A_1090 : vector<16xi32>
      tpu.vector_store_idx %arg12[%parallel_loop3A_840, %parallel_loop3A_1091], %parallel_loop3A_1088 : memref<256x128xf32, #tpu.memory_space<vmem>>[vector<16xi32>, vector<16xi32>], vector<16xf32>,
      %parallel_loop3A_1092 = arith.constant 14 : i32
      %parallel_loop3A_1093 = vector.broadcast %parallel_loop3A_1092 : i32 to vector<16xi32>
      %parallel_loop3A_1094 = arith.addi %parallel_loop3A_837, %parallel_loop3A_1093 : vector<16xi32>
      %parallel_loop3A_1095 = tpu.vector_load_idx %arg11[%parallel_loop3A_831, %parallel_loop3A_1094] : memref<4x128xf32, #tpu.memory_space<vmem>>[vector<16xi32>, vector<16xi32>], vector<16xf32>,
      %parallel_loop3A_1096 = arith.constant 32 : i32
      %parallel_loop3A_1097 = vector.broadcast %parallel_loop3A_1096 : i32 to vector<16xi32>
      %parallel_loop3A_1098 = arith.addi %parallel_loop3A_846, %parallel_loop3A_1097 : vector<16xi32>
      %parallel_loop3A_1099 = arith.constant 14 : i32
      %parallel_loop3A_1100 = vector.broadcast %parallel_loop3A_1099 : i32 to vector<16xi32>
      %parallel_loop3A_1101 = arith.addi %parallel_loop3A_1098, %parallel_loop3A_1100 : vector<16xi32>
      tpu.vector_store_idx %arg12[%parallel_loop3A_840, %parallel_loop3A_1101], %parallel_loop3A_1095 : memref<256x128xf32, #tpu.memory_space<vmem>>[vector<16xi32>, vector<16xi32>], vector<16xf32>,
      %parallel_loop3A_1102 = arith.constant 15 : i32
      %parallel_loop3A_1103 = vector.broadcast %parallel_loop3A_1102 : i32 to vector<16xi32>
      %parallel_loop3A_1104 = arith.addi %parallel_loop3A_825, %parallel_loop3A_1103 : vector<16xi32>
      %parallel_loop3A_1105 = tpu.vector_load_idx %arg10[%parallel_loop3A_780, %parallel_loop3A_1104] : memref<512x128xf32, #tpu.memory_space<vmem>>[vector<16xi32>, vector<16xi32>], vector<16xf32>,
      %parallel_loop3A_1106 = arith.constant 15 : i32
      %parallel_loop3A_1107 = vector.broadcast %parallel_loop3A_1106 : i32 to vector<16xi32>
      %parallel_loop3A_1108 = arith.addi %parallel_loop3A_846, %parallel_loop3A_1107 : vector<16xi32>
      tpu.vector_store_idx %arg12[%parallel_loop3A_840, %parallel_loop3A_1108], %parallel_loop3A_1105 : memref<256x128xf32, #tpu.memory_space<vmem>>[vector<16xi32>, vector<16xi32>], vector<16xf32>,
      %parallel_loop3A_1109 = arith.constant 15 : i32
      %parallel_loop3A_1110 = vector.broadcast %parallel_loop3A_1109 : i32 to vector<16xi32>
      %parallel_loop3A_1111 = arith.addi %parallel_loop3A_837, %parallel_loop3A_1110 : vector<16xi32>
      %parallel_loop3A_1112 = tpu.vector_load_idx %arg11[%parallel_loop3A_831, %parallel_loop3A_1111] : memref<4x128xf32, #tpu.memory_space<vmem>>[vector<16xi32>, vector<16xi32>], vector<16xf32>,
      %parallel_loop3A_1113 = arith.constant 32 : i32
      %parallel_loop3A_1114 = vector.broadcast %parallel_loop3A_1113 : i32 to vector<16xi32>
      %parallel_loop3A_1115 = arith.addi %parallel_loop3A_846, %parallel_loop3A_1114 : vector<16xi32>
      %parallel_loop3A_1116 = arith.constant 15 : i32
      %parallel_loop3A_1117 = vector.broadcast %parallel_loop3A_1116 : i32 to vector<16xi32>
      %parallel_loop3A_1118 = arith.addi %parallel_loop3A_1115, %parallel_loop3A_1117 : vector<16xi32>
      tpu.vector_store_idx %arg12[%parallel_loop3A_840, %parallel_loop3A_1118], %parallel_loop3A_1112 : memref<256x128xf32, #tpu.memory_space<vmem>>[vector<16xi32>, vector<16xi32>], vector<16xf32>,
      %parallel_loop3A_1119 = arith.constant 16 : i32
      %parallel_loop3A_1120 = vector.broadcast %parallel_loop3A_1119 : i32 to vector<16xi32>
      %parallel_loop3A_1121 = arith.addi %parallel_loop3A_825, %parallel_loop3A_1120 : vector<16xi32>
      %parallel_loop3A_1122 = tpu.vector_load_idx %arg10[%parallel_loop3A_780, %parallel_loop3A_1121] : memref<512x128xf32, #tpu.memory_space<vmem>>[vector<16xi32>, vector<16xi32>], vector<16xf32>,
      %parallel_loop3A_1123 = arith.constant 16 : i32
      %parallel_loop3A_1124 = vector.broadcast %parallel_loop3A_1123 : i32 to vector<16xi32>
      %parallel_loop3A_1125 = arith.addi %parallel_loop3A_846, %parallel_loop3A_1124 : vector<16xi32>
      tpu.vector_store_idx %arg12[%parallel_loop3A_840, %parallel_loop3A_1125], %parallel_loop3A_1122 : memref<256x128xf32, #tpu.memory_space<vmem>>[vector<16xi32>, vector<16xi32>], vector<16xf32>,
      %parallel_loop3A_1126 = arith.constant 16 : i32
      %parallel_loop3A_1127 = vector.broadcast %parallel_loop3A_1126 : i32 to vector<16xi32>
      %parallel_loop3A_1128 = arith.addi %parallel_loop3A_837, %parallel_loop3A_1127 : vector<16xi32>
      %parallel_loop3A_1129 = tpu.vector_load_idx %arg11[%parallel_loop3A_831, %parallel_loop3A_1128] : memref<4x128xf32, #tpu.memory_space<vmem>>[vector<16xi32>, vector<16xi32>], vector<16xf32>,
      %parallel_loop3A_1130 = arith.constant 32 : i32
      %parallel_loop3A_1131 = vector.broadcast %parallel_loop3A_1130 : i32 to vector<16xi32>
      %parallel_loop3A_1132 = arith.addi %parallel_loop3A_846, %parallel_loop3A_1131 : vector<16xi32>
      %parallel_loop3A_1133 = arith.constant 16 : i32
      %parallel_loop3A_1134 = vector.broadcast %parallel_loop3A_1133 : i32 to vector<16xi32>
      %parallel_loop3A_1135 = arith.addi %parallel_loop3A_1132, %parallel_loop3A_1134 : vector<16xi32>
      tpu.vector_store_idx %arg12[%parallel_loop3A_840, %parallel_loop3A_1135], %parallel_loop3A_1129 : memref<256x128xf32, #tpu.memory_space<vmem>>[vector<16xi32>, vector<16xi32>], vector<16xf32>,
      %parallel_loop3A_1136 = arith.constant 17 : i32
      %parallel_loop3A_1137 = vector.broadcast %parallel_loop3A_1136 : i32 to vector<16xi32>
      %parallel_loop3A_1138 = arith.addi %parallel_loop3A_825, %parallel_loop3A_1137 : vector<16xi32>
      %parallel_loop3A_1139 = tpu.vector_load_idx %arg10[%parallel_loop3A_780, %parallel_loop3A_1138] : memref<512x128xf32, #tpu.memory_space<vmem>>[vector<16xi32>, vector<16xi32>], vector<16xf32>,
      %parallel_loop3A_1140 = arith.constant 17 : i32
      %parallel_loop3A_1141 = vector.broadcast %parallel_loop3A_1140 : i32 to vector<16xi32>
      %parallel_loop3A_1142 = arith.addi %parallel_loop3A_846, %parallel_loop3A_1141 : vector<16xi32>
      tpu.vector_store_idx %arg12[%parallel_loop3A_840, %parallel_loop3A_1142], %parallel_loop3A_1139 : memref<256x128xf32, #tpu.memory_space<vmem>>[vector<16xi32>, vector<16xi32>], vector<16xf32>,
      %parallel_loop3A_1143 = arith.constant 17 : i32
      %parallel_loop3A_1144 = vector.broadcast %parallel_loop3A_1143 : i32 to vector<16xi32>
      %parallel_loop3A_1145 = arith.addi %parallel_loop3A_837, %parallel_loop3A_1144 : vector<16xi32>
      %parallel_loop3A_1146 = tpu.vector_load_idx %arg11[%parallel_loop3A_831, %parallel_loop3A_1145] : memref<4x128xf32, #tpu.memory_space<vmem>>[vector<16xi32>, vector<16xi32>], vector<16xf32>,
      %parallel_loop3A_1147 = arith.constant 32 : i32
      %parallel_loop3A_1148 = vector.broadcast %parallel_loop3A_1147 : i32 to vector<16xi32>
      %parallel_loop3A_1149 = arith.addi %parallel_loop3A_846, %parallel_loop3A_1148 : vector<16xi32>
      %parallel_loop3A_1150 = arith.constant 17 : i32
      %parallel_loop3A_1151 = vector.broadcast %parallel_loop3A_1150 : i32 to vector<16xi32>
      %parallel_loop3A_1152 = arith.addi %parallel_loop3A_1149, %parallel_loop3A_1151 : vector<16xi32>
      tpu.vector_store_idx %arg12[%parallel_loop3A_840, %parallel_loop3A_1152], %parallel_loop3A_1146 : memref<256x128xf32, #tpu.memory_space<vmem>>[vector<16xi32>, vector<16xi32>], vector<16xf32>,
      %parallel_loop3A_1153 = arith.constant 18 : i32
      %parallel_loop3A_1154 = vector.broadcast %parallel_loop3A_1153 : i32 to vector<16xi32>
      %parallel_loop3A_1155 = arith.addi %parallel_loop3A_825, %parallel_loop3A_1154 : vector<16xi32>
      %parallel_loop3A_1156 = tpu.vector_load_idx %arg10[%parallel_loop3A_780, %parallel_loop3A_1155] : memref<512x128xf32, #tpu.memory_space<vmem>>[vector<16xi32>, vector<16xi32>], vector<16xf32>,
      %parallel_loop3A_1157 = arith.constant 18 : i32
      %parallel_loop3A_1158 = vector.broadcast %parallel_loop3A_1157 : i32 to vector<16xi32>
      %parallel_loop3A_1159 = arith.addi %parallel_loop3A_846, %parallel_loop3A_1158 : vector<16xi32>
      tpu.vector_store_idx %arg12[%parallel_loop3A_840, %parallel_loop3A_1159], %parallel_loop3A_1156 : memref<256x128xf32, #tpu.memory_space<vmem>>[vector<16xi32>, vector<16xi32>], vector<16xf32>,
      %parallel_loop3A_1160 = arith.constant 18 : i32
      %parallel_loop3A_1161 = vector.broadcast %parallel_loop3A_1160 : i32 to vector<16xi32>
      %parallel_loop3A_1162 = arith.addi %parallel_loop3A_837, %parallel_loop3A_1161 : vector<16xi32>
      %parallel_loop3A_1163 = tpu.vector_load_idx %arg11[%parallel_loop3A_831, %parallel_loop3A_1162] : memref<4x128xf32, #tpu.memory_space<vmem>>[vector<16xi32>, vector<16xi32>], vector<16xf32>,
      %parallel_loop3A_1164 = arith.constant 32 : i32
      %parallel_loop3A_1165 = vector.broadcast %parallel_loop3A_1164 : i32 to vector<16xi32>
      %parallel_loop3A_1166 = arith.addi %parallel_loop3A_846, %parallel_loop3A_1165 : vector<16xi32>
      %parallel_loop3A_1167 = arith.constant 18 : i32
      %parallel_loop3A_1168 = vector.broadcast %parallel_loop3A_1167 : i32 to vector<16xi32>
      %parallel_loop3A_1169 = arith.addi %parallel_loop3A_1166, %parallel_loop3A_1168 : vector<16xi32>
      tpu.vector_store_idx %arg12[%parallel_loop3A_840, %parallel_loop3A_1169], %parallel_loop3A_1163 : memref<256x128xf32, #tpu.memory_space<vmem>>[vector<16xi32>, vector<16xi32>], vector<16xf32>,
      %parallel_loop3A_1170 = arith.constant 19 : i32
      %parallel_loop3A_1171 = vector.broadcast %parallel_loop3A_1170 : i32 to vector<16xi32>
      %parallel_loop3A_1172 = arith.addi %parallel_loop3A_825, %parallel_loop3A_1171 : vector<16xi32>
      %parallel_loop3A_1173 = tpu.vector_load_idx %arg10[%parallel_loop3A_780, %parallel_loop3A_1172] : memref<512x128xf32, #tpu.memory_space<vmem>>[vector<16xi32>, vector<16xi32>], vector<16xf32>,
      %parallel_loop3A_1174 = arith.constant 19 : i32
      %parallel_loop3A_1175 = vector.broadcast %parallel_loop3A_1174 : i32 to vector<16xi32>
      %parallel_loop3A_1176 = arith.addi %parallel_loop3A_846, %parallel_loop3A_1175 : vector<16xi32>
      tpu.vector_store_idx %arg12[%parallel_loop3A_840, %parallel_loop3A_1176], %parallel_loop3A_1173 : memref<256x128xf32, #tpu.memory_space<vmem>>[vector<16xi32>, vector<16xi32>], vector<16xf32>,
      %parallel_loop3A_1177 = arith.constant 19 : i32
      %parallel_loop3A_1178 = vector.broadcast %parallel_loop3A_1177 : i32 to vector<16xi32>
      %parallel_loop3A_1179 = arith.addi %parallel_loop3A_837, %parallel_loop3A_1178 : vector<16xi32>
      %parallel_loop3A_1180 = tpu.vector_load_idx %arg11[%parallel_loop3A_831, %parallel_loop3A_1179] : memref<4x128xf32, #tpu.memory_space<vmem>>[vector<16xi32>, vector<16xi32>], vector<16xf32>,
      %parallel_loop3A_1181 = arith.constant 32 : i32
      %parallel_loop3A_1182 = vector.broadcast %parallel_loop3A_1181 : i32 to vector<16xi32>
      %parallel_loop3A_1183 = arith.addi %parallel_loop3A_846, %parallel_loop3A_1182 : vector<16xi32>
      %parallel_loop3A_1184 = arith.constant 19 : i32
      %parallel_loop3A_1185 = vector.broadcast %parallel_loop3A_1184 : i32 to vector<16xi32>
      %parallel_loop3A_1186 = arith.addi %parallel_loop3A_1183, %parallel_loop3A_1185 : vector<16xi32>
      tpu.vector_store_idx %arg12[%parallel_loop3A_840, %parallel_loop3A_1186], %parallel_loop3A_1180 : memref<256x128xf32, #tpu.memory_space<vmem>>[vector<16xi32>, vector<16xi32>], vector<16xf32>,
      %parallel_loop3A_1187 = arith.constant 20 : i32
      %parallel_loop3A_1188 = vector.broadcast %parallel_loop3A_1187 : i32 to vector<16xi32>
      %parallel_loop3A_1189 = arith.addi %parallel_loop3A_825, %parallel_loop3A_1188 : vector<16xi32>
      %parallel_loop3A_1190 = tpu.vector_load_idx %arg10[%parallel_loop3A_780, %parallel_loop3A_1189] : memref<512x128xf32, #tpu.memory_space<vmem>>[vector<16xi32>, vector<16xi32>], vector<16xf32>,
      %parallel_loop3A_1191 = arith.constant 20 : i32
      %parallel_loop3A_1192 = vector.broadcast %parallel_loop3A_1191 : i32 to vector<16xi32>
      %parallel_loop3A_1193 = arith.addi %parallel_loop3A_846, %parallel_loop3A_1192 : vector<16xi32>
      tpu.vector_store_idx %arg12[%parallel_loop3A_840, %parallel_loop3A_1193], %parallel_loop3A_1190 : memref<256x128xf32, #tpu.memory_space<vmem>>[vector<16xi32>, vector<16xi32>], vector<16xf32>,
      %parallel_loop3A_1194 = arith.constant 20 : i32
      %parallel_loop3A_1195 = vector.broadcast %parallel_loop3A_1194 : i32 to vector<16xi32>
      %parallel_loop3A_1196 = arith.addi %parallel_loop3A_837, %parallel_loop3A_1195 : vector<16xi32>
      %parallel_loop3A_1197 = tpu.vector_load_idx %arg11[%parallel_loop3A_831, %parallel_loop3A_1196] : memref<4x128xf32, #tpu.memory_space<vmem>>[vector<16xi32>, vector<16xi32>], vector<16xf32>,
      %parallel_loop3A_1198 = arith.constant 32 : i32
      %parallel_loop3A_1199 = vector.broadcast %parallel_loop3A_1198 : i32 to vector<16xi32>
      %parallel_loop3A_1200 = arith.addi %parallel_loop3A_846, %parallel_loop3A_1199 : vector<16xi32>
      %parallel_loop3A_1201 = arith.constant 20 : i32
      %parallel_loop3A_1202 = vector.broadcast %parallel_loop3A_1201 : i32 to vector<16xi32>
      %parallel_loop3A_1203 = arith.addi %parallel_loop3A_1200, %parallel_loop3A_1202 : vector<16xi32>
      tpu.vector_store_idx %arg12[%parallel_loop3A_840, %parallel_loop3A_1203], %parallel_loop3A_1197 : memref<256x128xf32, #tpu.memory_space<vmem>>[vector<16xi32>, vector<16xi32>], vector<16xf32>,
      %parallel_loop3A_1204 = arith.constant 21 : i32
      %parallel_loop3A_1205 = vector.broadcast %parallel_loop3A_1204 : i32 to vector<16xi32>
      %parallel_loop3A_1206 = arith.addi %parallel_loop3A_825, %parallel_loop3A_1205 : vector<16xi32>
      %parallel_loop3A_1207 = tpu.vector_load_idx %arg10[%parallel_loop3A_780, %parallel_loop3A_1206] : memref<512x128xf32, #tpu.memory_space<vmem>>[vector<16xi32>, vector<16xi32>], vector<16xf32>,
      %parallel_loop3A_1208 = arith.constant 21 : i32
      %parallel_loop3A_1209 = vector.broadcast %parallel_loop3A_1208 : i32 to vector<16xi32>
      %parallel_loop3A_1210 = arith.addi %parallel_loop3A_846, %parallel_loop3A_1209 : vector<16xi32>
      tpu.vector_store_idx %arg12[%parallel_loop3A_840, %parallel_loop3A_1210], %parallel_loop3A_1207 : memref<256x128xf32, #tpu.memory_space<vmem>>[vector<16xi32>, vector<16xi32>], vector<16xf32>,
      %parallel_loop3A_1211 = arith.constant 21 : i32
      %parallel_loop3A_1212 = vector.broadcast %parallel_loop3A_1211 : i32 to vector<16xi32>
      %parallel_loop3A_1213 = arith.addi %parallel_loop3A_837, %parallel_loop3A_1212 : vector<16xi32>
      %parallel_loop3A_1214 = tpu.vector_load_idx %arg11[%parallel_loop3A_831, %parallel_loop3A_1213] : memref<4x128xf32, #tpu.memory_space<vmem>>[vector<16xi32>, vector<16xi32>], vector<16xf32>,
      %parallel_loop3A_1215 = arith.constant 32 : i32
      %parallel_loop3A_1216 = vector.broadcast %parallel_loop3A_1215 : i32 to vector<16xi32>
      %parallel_loop3A_1217 = arith.addi %parallel_loop3A_846, %parallel_loop3A_1216 : vector<16xi32>
      %parallel_loop3A_1218 = arith.constant 21 : i32
      %parallel_loop3A_1219 = vector.broadcast %parallel_loop3A_1218 : i32 to vector<16xi32>
      %parallel_loop3A_1220 = arith.addi %parallel_loop3A_1217, %parallel_loop3A_1219 : vector<16xi32>
      tpu.vector_store_idx %arg12[%parallel_loop3A_840, %parallel_loop3A_1220], %parallel_loop3A_1214 : memref<256x128xf32, #tpu.memory_space<vmem>>[vector<16xi32>, vector<16xi32>], vector<16xf32>,
      %parallel_loop3A_1221 = arith.constant 22 : i32
      %parallel_loop3A_1222 = vector.broadcast %parallel_loop3A_1221 : i32 to vector<16xi32>
      %parallel_loop3A_1223 = arith.addi %parallel_loop3A_825, %parallel_loop3A_1222 : vector<16xi32>
      %parallel_loop3A_1224 = tpu.vector_load_idx %arg10[%parallel_loop3A_780, %parallel_loop3A_1223] : memref<512x128xf32, #tpu.memory_space<vmem>>[vector<16xi32>, vector<16xi32>], vector<16xf32>,
      %parallel_loop3A_1225 = arith.constant 22 : i32
      %parallel_loop3A_1226 = vector.broadcast %parallel_loop3A_1225 : i32 to vector<16xi32>
      %parallel_loop3A_1227 = arith.addi %parallel_loop3A_846, %parallel_loop3A_1226 : vector<16xi32>
      tpu.vector_store_idx %arg12[%parallel_loop3A_840, %parallel_loop3A_1227], %parallel_loop3A_1224 : memref<256x128xf32, #tpu.memory_space<vmem>>[vector<16xi32>, vector<16xi32>], vector<16xf32>,
      %parallel_loop3A_1228 = arith.constant 22 : i32
      %parallel_loop3A_1229 = vector.broadcast %parallel_loop3A_1228 : i32 to vector<16xi32>
      %parallel_loop3A_1230 = arith.addi %parallel_loop3A_837, %parallel_loop3A_1229 : vector<16xi32>
      %parallel_loop3A_1231 = tpu.vector_load_idx %arg11[%parallel_loop3A_831, %parallel_loop3A_1230] : memref<4x128xf32, #tpu.memory_space<vmem>>[vector<16xi32>, vector<16xi32>], vector<16xf32>,
      %parallel_loop3A_1232 = arith.constant 32 : i32
      %parallel_loop3A_1233 = vector.broadcast %parallel_loop3A_1232 : i32 to vector<16xi32>
      %parallel_loop3A_1234 = arith.addi %parallel_loop3A_846, %parallel_loop3A_1233 : vector<16xi32>
      %parallel_loop3A_1235 = arith.constant 22 : i32
      %parallel_loop3A_1236 = vector.broadcast %parallel_loop3A_1235 : i32 to vector<16xi32>
      %parallel_loop3A_1237 = arith.addi %parallel_loop3A_1234, %parallel_loop3A_1236 : vector<16xi32>
      tpu.vector_store_idx %arg12[%parallel_loop3A_840, %parallel_loop3A_1237], %parallel_loop3A_1231 : memref<256x128xf32, #tpu.memory_space<vmem>>[vector<16xi32>, vector<16xi32>], vector<16xf32>,
      %parallel_loop3A_1238 = arith.constant 23 : i32
      %parallel_loop3A_1239 = vector.broadcast %parallel_loop3A_1238 : i32 to vector<16xi32>
      %parallel_loop3A_1240 = arith.addi %parallel_loop3A_825, %parallel_loop3A_1239 : vector<16xi32>
      %parallel_loop3A_1241 = tpu.vector_load_idx %arg10[%parallel_loop3A_780, %parallel_loop3A_1240] : memref<512x128xf32, #tpu.memory_space<vmem>>[vector<16xi32>, vector<16xi32>], vector<16xf32>,
      %parallel_loop3A_1242 = arith.constant 23 : i32
      %parallel_loop3A_1243 = vector.broadcast %parallel_loop3A_1242 : i32 to vector<16xi32>
      %parallel_loop3A_1244 = arith.addi %parallel_loop3A_846, %parallel_loop3A_1243 : vector<16xi32>
      tpu.vector_store_idx %arg12[%parallel_loop3A_840, %parallel_loop3A_1244], %parallel_loop3A_1241 : memref<256x128xf32, #tpu.memory_space<vmem>>[vector<16xi32>, vector<16xi32>], vector<16xf32>,
      %parallel_loop3A_1245 = arith.constant 23 : i32
      %parallel_loop3A_1246 = vector.broadcast %parallel_loop3A_1245 : i32 to vector<16xi32>
      %parallel_loop3A_1247 = arith.addi %parallel_loop3A_837, %parallel_loop3A_1246 : vector<16xi32>
      %parallel_loop3A_1248 = tpu.vector_load_idx %arg11[%parallel_loop3A_831, %parallel_loop3A_1247] : memref<4x128xf32, #tpu.memory_space<vmem>>[vector<16xi32>, vector<16xi32>], vector<16xf32>,
      %parallel_loop3A_1249 = arith.constant 32 : i32
      %parallel_loop3A_1250 = vector.broadcast %parallel_loop3A_1249 : i32 to vector<16xi32>
      %parallel_loop3A_1251 = arith.addi %parallel_loop3A_846, %parallel_loop3A_1250 : vector<16xi32>
      %parallel_loop3A_1252 = arith.constant 23 : i32
      %parallel_loop3A_1253 = vector.broadcast %parallel_loop3A_1252 : i32 to vector<16xi32>
      %parallel_loop3A_1254 = arith.addi %parallel_loop3A_1251, %parallel_loop3A_1253 : vector<16xi32>
      tpu.vector_store_idx %arg12[%parallel_loop3A_840, %parallel_loop3A_1254], %parallel_loop3A_1248 : memref<256x128xf32, #tpu.memory_space<vmem>>[vector<16xi32>, vector<16xi32>], vector<16xf32>,
      %parallel_loop3A_1255 = arith.constant 24 : i32
      %parallel_loop3A_1256 = vector.broadcast %parallel_loop3A_1255 : i32 to vector<16xi32>
      %parallel_loop3A_1257 = arith.addi %parallel_loop3A_825, %parallel_loop3A_1256 : vector<16xi32>
      %parallel_loop3A_1258 = tpu.vector_load_idx %arg10[%parallel_loop3A_780, %parallel_loop3A_1257] : memref<512x128xf32, #tpu.memory_space<vmem>>[vector<16xi32>, vector<16xi32>], vector<16xf32>,
      %parallel_loop3A_1259 = arith.constant 24 : i32
      %parallel_loop3A_1260 = vector.broadcast %parallel_loop3A_1259 : i32 to vector<16xi32>
      %parallel_loop3A_1261 = arith.addi %parallel_loop3A_846, %parallel_loop3A_1260 : vector<16xi32>
      tpu.vector_store_idx %arg12[%parallel_loop3A_840, %parallel_loop3A_1261], %parallel_loop3A_1258 : memref<256x128xf32, #tpu.memory_space<vmem>>[vector<16xi32>, vector<16xi32>], vector<16xf32>,
      %parallel_loop3A_1262 = arith.constant 24 : i32
      %parallel_loop3A_1263 = vector.broadcast %parallel_loop3A_1262 : i32 to vector<16xi32>
      %parallel_loop3A_1264 = arith.addi %parallel_loop3A_837, %parallel_loop3A_1263 : vector<16xi32>
      %parallel_loop3A_1265 = tpu.vector_load_idx %arg11[%parallel_loop3A_831, %parallel_loop3A_1264] : memref<4x128xf32, #tpu.memory_space<vmem>>[vector<16xi32>, vector<16xi32>], vector<16xf32>,
      %parallel_loop3A_1266 = arith.constant 32 : i32
      %parallel_loop3A_1267 = vector.broadcast %parallel_loop3A_1266 : i32 to vector<16xi32>
      %parallel_loop3A_1268 = arith.addi %parallel_loop3A_846, %parallel_loop3A_1267 : vector<16xi32>
      %parallel_loop3A_1269 = arith.constant 24 : i32
      %parallel_loop3A_1270 = vector.broadcast %parallel_loop3A_1269 : i32 to vector<16xi32>
      %parallel_loop3A_1271 = arith.addi %parallel_loop3A_1268, %parallel_loop3A_1270 : vector<16xi32>
      tpu.vector_store_idx %arg12[%parallel_loop3A_840, %parallel_loop3A_1271], %parallel_loop3A_1265 : memref<256x128xf32, #tpu.memory_space<vmem>>[vector<16xi32>, vector<16xi32>], vector<16xf32>,
      %parallel_loop3A_1272 = arith.constant 25 : i32
      %parallel_loop3A_1273 = vector.broadcast %parallel_loop3A_1272 : i32 to vector<16xi32>
      %parallel_loop3A_1274 = arith.addi %parallel_loop3A_825, %parallel_loop3A_1273 : vector<16xi32>
      %parallel_loop3A_1275 = tpu.vector_load_idx %arg10[%parallel_loop3A_780, %parallel_loop3A_1274] : memref<512x128xf32, #tpu.memory_space<vmem>>[vector<16xi32>, vector<16xi32>], vector<16xf32>,
      %parallel_loop3A_1276 = arith.constant 25 : i32
      %parallel_loop3A_1277 = vector.broadcast %parallel_loop3A_1276 : i32 to vector<16xi32>
      %parallel_loop3A_1278 = arith.addi %parallel_loop3A_846, %parallel_loop3A_1277 : vector<16xi32>
      tpu.vector_store_idx %arg12[%parallel_loop3A_840, %parallel_loop3A_1278], %parallel_loop3A_1275 : memref<256x128xf32, #tpu.memory_space<vmem>>[vector<16xi32>, vector<16xi32>], vector<16xf32>,
      %parallel_loop3A_1279 = arith.constant 25 : i32
      %parallel_loop3A_1280 = vector.broadcast %parallel_loop3A_1279 : i32 to vector<16xi32>
      %parallel_loop3A_1281 = arith.addi %parallel_loop3A_837, %parallel_loop3A_1280 : vector<16xi32>
      %parallel_loop3A_1282 = tpu.vector_load_idx %arg11[%parallel_loop3A_831, %parallel_loop3A_1281] : memref<4x128xf32, #tpu.memory_space<vmem>>[vector<16xi32>, vector<16xi32>], vector<16xf32>,
      %parallel_loop3A_1283 = arith.constant 32 : i32
      %parallel_loop3A_1284 = vector.broadcast %parallel_loop3A_1283 : i32 to vector<16xi32>
      %parallel_loop3A_1285 = arith.addi %parallel_loop3A_846, %parallel_loop3A_1284 : vector<16xi32>
      %parallel_loop3A_1286 = arith.constant 25 : i32
      %parallel_loop3A_1287 = vector.broadcast %parallel_loop3A_1286 : i32 to vector<16xi32>
      %parallel_loop3A_1288 = arith.addi %parallel_loop3A_1285, %parallel_loop3A_1287 : vector<16xi32>
      tpu.vector_store_idx %arg12[%parallel_loop3A_840, %parallel_loop3A_1288], %parallel_loop3A_1282 : memref<256x128xf32, #tpu.memory_space<vmem>>[vector<16xi32>, vector<16xi32>], vector<16xf32>,
      %parallel_loop3A_1289 = arith.constant 26 : i32
      %parallel_loop3A_1290 = vector.broadcast %parallel_loop3A_1289 : i32 to vector<16xi32>
      %parallel_loop3A_1291 = arith.addi %parallel_loop3A_825, %parallel_loop3A_1290 : vector<16xi32>
      %parallel_loop3A_1292 = tpu.vector_load_idx %arg10[%parallel_loop3A_780, %parallel_loop3A_1291] : memref<512x128xf32, #tpu.memory_space<vmem>>[vector<16xi32>, vector<16xi32>], vector<16xf32>,
      %parallel_loop3A_1293 = arith.constant 26 : i32
      %parallel_loop3A_1294 = vector.broadcast %parallel_loop3A_1293 : i32 to vector<16xi32>
      %parallel_loop3A_1295 = arith.addi %parallel_loop3A_846, %parallel_loop3A_1294 : vector<16xi32>
      tpu.vector_store_idx %arg12[%parallel_loop3A_840, %parallel_loop3A_1295], %parallel_loop3A_1292 : memref<256x128xf32, #tpu.memory_space<vmem>>[vector<16xi32>, vector<16xi32>], vector<16xf32>,
      %parallel_loop3A_1296 = arith.constant 26 : i32
      %parallel_loop3A_1297 = vector.broadcast %parallel_loop3A_1296 : i32 to vector<16xi32>
      %parallel_loop3A_1298 = arith.addi %parallel_loop3A_837, %parallel_loop3A_1297 : vector<16xi32>
      %parallel_loop3A_1299 = tpu.vector_load_idx %arg11[%parallel_loop3A_831, %parallel_loop3A_1298] : memref<4x128xf32, #tpu.memory_space<vmem>>[vector<16xi32>, vector<16xi32>], vector<16xf32>,
      %parallel_loop3A_1300 = arith.constant 32 : i32
      %parallel_loop3A_1301 = vector.broadcast %parallel_loop3A_1300 : i32 to vector<16xi32>
      %parallel_loop3A_1302 = arith.addi %parallel_loop3A_846, %parallel_loop3A_1301 : vector<16xi32>
      %parallel_loop3A_1303 = arith.constant 26 : i32
      %parallel_loop3A_1304 = vector.broadcast %parallel_loop3A_1303 : i32 to vector<16xi32>
      %parallel_loop3A_1305 = arith.addi %parallel_loop3A_1302, %parallel_loop3A_1304 : vector<16xi32>
      tpu.vector_store_idx %arg12[%parallel_loop3A_840, %parallel_loop3A_1305], %parallel_loop3A_1299 : memref<256x128xf32, #tpu.memory_space<vmem>>[vector<16xi32>, vector<16xi32>], vector<16xf32>,
      %parallel_loop3A_1306 = arith.constant 27 : i32
      %parallel_loop3A_1307 = vector.broadcast %parallel_loop3A_1306 : i32 to vector<16xi32>
      %parallel_loop3A_1308 = arith.addi %parallel_loop3A_825, %parallel_loop3A_1307 : vector<16xi32>
      %parallel_loop3A_1309 = tpu.vector_load_idx %arg10[%parallel_loop3A_780, %parallel_loop3A_1308] : memref<512x128xf32, #tpu.memory_space<vmem>>[vector<16xi32>, vector<16xi32>], vector<16xf32>,
      %parallel_loop3A_1310 = arith.constant 27 : i32
      %parallel_loop3A_1311 = vector.broadcast %parallel_loop3A_1310 : i32 to vector<16xi32>
      %parallel_loop3A_1312 = arith.addi %parallel_loop3A_846, %parallel_loop3A_1311 : vector<16xi32>
      tpu.vector_store_idx %arg12[%parallel_loop3A_840, %parallel_loop3A_1312], %parallel_loop3A_1309 : memref<256x128xf32, #tpu.memory_space<vmem>>[vector<16xi32>, vector<16xi32>], vector<16xf32>,
      %parallel_loop3A_1313 = arith.constant 27 : i32
      %parallel_loop3A_1314 = vector.broadcast %parallel_loop3A_1313 : i32 to vector<16xi32>
      %parallel_loop3A_1315 = arith.addi %parallel_loop3A_837, %parallel_loop3A_1314 : vector<16xi32>
      %parallel_loop3A_1316 = tpu.vector_load_idx %arg11[%parallel_loop3A_831, %parallel_loop3A_1315] : memref<4x128xf32, #tpu.memory_space<vmem>>[vector<16xi32>, vector<16xi32>], vector<16xf32>,
      %parallel_loop3A_1317 = arith.constant 32 : i32
      %parallel_loop3A_1318 = vector.broadcast %parallel_loop3A_1317 : i32 to vector<16xi32>
      %parallel_loop3A_1319 = arith.addi %parallel_loop3A_846, %parallel_loop3A_1318 : vector<16xi32>
      %parallel_loop3A_1320 = arith.constant 27 : i32
      %parallel_loop3A_1321 = vector.broadcast %parallel_loop3A_1320 : i32 to vector<16xi32>
      %parallel_loop3A_1322 = arith.addi %parallel_loop3A_1319, %parallel_loop3A_1321 : vector<16xi32>
      tpu.vector_store_idx %arg12[%parallel_loop3A_840, %parallel_loop3A_1322], %parallel_loop3A_1316 : memref<256x128xf32, #tpu.memory_space<vmem>>[vector<16xi32>, vector<16xi32>], vector<16xf32>,
      %parallel_loop3A_1323 = arith.constant 28 : i32
      %parallel_loop3A_1324 = vector.broadcast %parallel_loop3A_1323 : i32 to vector<16xi32>
      %parallel_loop3A_1325 = arith.addi %parallel_loop3A_825, %parallel_loop3A_1324 : vector<16xi32>
      %parallel_loop3A_1326 = tpu.vector_load_idx %arg10[%parallel_loop3A_780, %parallel_loop3A_1325] : memref<512x128xf32, #tpu.memory_space<vmem>>[vector<16xi32>, vector<16xi32>], vector<16xf32>,
      %parallel_loop3A_1327 = arith.constant 28 : i32
      %parallel_loop3A_1328 = vector.broadcast %parallel_loop3A_1327 : i32 to vector<16xi32>
      %parallel_loop3A_1329 = arith.addi %parallel_loop3A_846, %parallel_loop3A_1328 : vector<16xi32>
      tpu.vector_store_idx %arg12[%parallel_loop3A_840, %parallel_loop3A_1329], %parallel_loop3A_1326 : memref<256x128xf32, #tpu.memory_space<vmem>>[vector<16xi32>, vector<16xi32>], vector<16xf32>,
      %parallel_loop3A_1330 = arith.constant 28 : i32
      %parallel_loop3A_1331 = vector.broadcast %parallel_loop3A_1330 : i32 to vector<16xi32>
      %parallel_loop3A_1332 = arith.addi %parallel_loop3A_837, %parallel_loop3A_1331 : vector<16xi32>
      %parallel_loop3A_1333 = tpu.vector_load_idx %arg11[%parallel_loop3A_831, %parallel_loop3A_1332] : memref<4x128xf32, #tpu.memory_space<vmem>>[vector<16xi32>, vector<16xi32>], vector<16xf32>,
      %parallel_loop3A_1334 = arith.constant 32 : i32
      %parallel_loop3A_1335 = vector.broadcast %parallel_loop3A_1334 : i32 to vector<16xi32>
      %parallel_loop3A_1336 = arith.addi %parallel_loop3A_846, %parallel_loop3A_1335 : vector<16xi32>
      %parallel_loop3A_1337 = arith.constant 28 : i32
      %parallel_loop3A_1338 = vector.broadcast %parallel_loop3A_1337 : i32 to vector<16xi32>
      %parallel_loop3A_1339 = arith.addi %parallel_loop3A_1336, %parallel_loop3A_1338 : vector<16xi32>
      tpu.vector_store_idx %arg12[%parallel_loop3A_840, %parallel_loop3A_1339], %parallel_loop3A_1333 : memref<256x128xf32, #tpu.memory_space<vmem>>[vector<16xi32>, vector<16xi32>], vector<16xf32>,
      %parallel_loop3A_1340 = arith.constant 29 : i32
      %parallel_loop3A_1341 = vector.broadcast %parallel_loop3A_1340 : i32 to vector<16xi32>
      %parallel_loop3A_1342 = arith.addi %parallel_loop3A_825, %parallel_loop3A_1341 : vector<16xi32>
      %parallel_loop3A_1343 = tpu.vector_load_idx %arg10[%parallel_loop3A_780, %parallel_loop3A_1342] : memref<512x128xf32, #tpu.memory_space<vmem>>[vector<16xi32>, vector<16xi32>], vector<16xf32>,
      %parallel_loop3A_1344 = arith.constant 29 : i32
      %parallel_loop3A_1345 = vector.broadcast %parallel_loop3A_1344 : i32 to vector<16xi32>
      %parallel_loop3A_1346 = arith.addi %parallel_loop3A_846, %parallel_loop3A_1345 : vector<16xi32>
      tpu.vector_store_idx %arg12[%parallel_loop3A_840, %parallel_loop3A_1346], %parallel_loop3A_1343 : memref<256x128xf32, #tpu.memory_space<vmem>>[vector<16xi32>, vector<16xi32>], vector<16xf32>,
      %parallel_loop3A_1347 = arith.constant 29 : i32
      %parallel_loop3A_1348 = vector.broadcast %parallel_loop3A_1347 : i32 to vector<16xi32>
      %parallel_loop3A_1349 = arith.addi %parallel_loop3A_837, %parallel_loop3A_1348 : vector<16xi32>
      %parallel_loop3A_1350 = tpu.vector_load_idx %arg11[%parallel_loop3A_831, %parallel_loop3A_1349] : memref<4x128xf32, #tpu.memory_space<vmem>>[vector<16xi32>, vector<16xi32>], vector<16xf32>,
      %parallel_loop3A_1351 = arith.constant 32 : i32
      %parallel_loop3A_1352 = vector.broadcast %parallel_loop3A_1351 : i32 to vector<16xi32>
      %parallel_loop3A_1353 = arith.addi %parallel_loop3A_846, %parallel_loop3A_1352 : vector<16xi32>
      %parallel_loop3A_1354 = arith.constant 29 : i32
      %parallel_loop3A_1355 = vector.broadcast %parallel_loop3A_1354 : i32 to vector<16xi32>
      %parallel_loop3A_1356 = arith.addi %parallel_loop3A_1353, %parallel_loop3A_1355 : vector<16xi32>
      tpu.vector_store_idx %arg12[%parallel_loop3A_840, %parallel_loop3A_1356], %parallel_loop3A_1350 : memref<256x128xf32, #tpu.memory_space<vmem>>[vector<16xi32>, vector<16xi32>], vector<16xf32>,
      %parallel_loop3A_1357 = arith.constant 30 : i32
      %parallel_loop3A_1358 = vector.broadcast %parallel_loop3A_1357 : i32 to vector<16xi32>
      %parallel_loop3A_1359 = arith.addi %parallel_loop3A_825, %parallel_loop3A_1358 : vector<16xi32>
      %parallel_loop3A_1360 = tpu.vector_load_idx %arg10[%parallel_loop3A_780, %parallel_loop3A_1359] : memref<512x128xf32, #tpu.memory_space<vmem>>[vector<16xi32>, vector<16xi32>], vector<16xf32>,
      %parallel_loop3A_1361 = arith.constant 30 : i32
      %parallel_loop3A_1362 = vector.broadcast %parallel_loop3A_1361 : i32 to vector<16xi32>
      %parallel_loop3A_1363 = arith.addi %parallel_loop3A_846, %parallel_loop3A_1362 : vector<16xi32>
      tpu.vector_store_idx %arg12[%parallel_loop3A_840, %parallel_loop3A_1363], %parallel_loop3A_1360 : memref<256x128xf32, #tpu.memory_space<vmem>>[vector<16xi32>, vector<16xi32>], vector<16xf32>,
      %parallel_loop3A_1364 = arith.constant 30 : i32
      %parallel_loop3A_1365 = vector.broadcast %parallel_loop3A_1364 : i32 to vector<16xi32>
      %parallel_loop3A_1366 = arith.addi %parallel_loop3A_837, %parallel_loop3A_1365 : vector<16xi32>
      %parallel_loop3A_1367 = tpu.vector_load_idx %arg11[%parallel_loop3A_831, %parallel_loop3A_1366] : memref<4x128xf32, #tpu.memory_space<vmem>>[vector<16xi32>, vector<16xi32>], vector<16xf32>,
      %parallel_loop3A_1368 = arith.constant 32 : i32
      %parallel_loop3A_1369 = vector.broadcast %parallel_loop3A_1368 : i32 to vector<16xi32>
      %parallel_loop3A_1370 = arith.addi %parallel_loop3A_846, %parallel_loop3A_1369 : vector<16xi32>
      %parallel_loop3A_1371 = arith.constant 30 : i32
      %parallel_loop3A_1372 = vector.broadcast %parallel_loop3A_1371 : i32 to vector<16xi32>
      %parallel_loop3A_1373 = arith.addi %parallel_loop3A_1370, %parallel_loop3A_1372 : vector<16xi32>
      tpu.vector_store_idx %arg12[%parallel_loop3A_840, %parallel_loop3A_1373], %parallel_loop3A_1367 : memref<256x128xf32, #tpu.memory_space<vmem>>[vector<16xi32>, vector<16xi32>], vector<16xf32>,
      %parallel_loop3A_1374 = arith.constant 31 : i32
      %parallel_loop3A_1375 = vector.broadcast %parallel_loop3A_1374 : i32 to vector<16xi32>
      %parallel_loop3A_1376 = arith.addi %parallel_loop3A_825, %parallel_loop3A_1375 : vector<16xi32>
      %parallel_loop3A_1377 = tpu.vector_load_idx %arg10[%parallel_loop3A_780, %parallel_loop3A_1376] : memref<512x128xf32, #tpu.memory_space<vmem>>[vector<16xi32>, vector<16xi32>], vector<16xf32>,
      %parallel_loop3A_1378 = arith.constant 31 : i32
      %parallel_loop3A_1379 = vector.broadcast %parallel_loop3A_1378 : i32 to vector<16xi32>
      %parallel_loop3A_1380 = arith.addi %parallel_loop3A_846, %parallel_loop3A_1379 : vector<16xi32>
      tpu.vector_store_idx %arg12[%parallel_loop3A_840, %parallel_loop3A_1380], %parallel_loop3A_1377 : memref<256x128xf32, #tpu.memory_space<vmem>>[vector<16xi32>, vector<16xi32>], vector<16xf32>,
      %parallel_loop3A_1381 = arith.constant 31 : i32
      %parallel_loop3A_1382 = vector.broadcast %parallel_loop3A_1381 : i32 to vector<16xi32>
      %parallel_loop3A_1383 = arith.addi %parallel_loop3A_837, %parallel_loop3A_1382 : vector<16xi32>
      %parallel_loop3A_1384 = tpu.vector_load_idx %arg11[%parallel_loop3A_831, %parallel_loop3A_1383] : memref<4x128xf32, #tpu.memory_space<vmem>>[vector<16xi32>, vector<16xi32>], vector<16xf32>,
      %parallel_loop3A_1385 = arith.constant 32 : i32
      %parallel_loop3A_1386 = vector.broadcast %parallel_loop3A_1385 : i32 to vector<16xi32>
      %parallel_loop3A_1387 = arith.addi %parallel_loop3A_846, %parallel_loop3A_1386 : vector<16xi32>
      %parallel_loop3A_1388 = arith.constant 31 : i32
      %parallel_loop3A_1389 = vector.broadcast %parallel_loop3A_1388 : i32 to vector<16xi32>
      %parallel_loop3A_1390 = arith.addi %parallel_loop3A_1387, %parallel_loop3A_1389 : vector<16xi32>
      tpu.vector_store_idx %arg12[%parallel_loop3A_840, %parallel_loop3A_1390], %parallel_loop3A_1384 : memref<256x128xf32, #tpu.memory_space<vmem>>[vector<16xi32>, vector<16xi32>], vector<16xf32>,
    } {sc.loop_unroll_factor = 2 : i64, sc.parallel_access}
    %mul3A_774 = arith.constant 256 : i32
    %mul3A_775 = arith.muli %add3A, %mul3A_774 : i32
    "tpu.region"() ({
      %run_scoped3A_776 = tpu.sem_alloc : memref<!tpu.dma_semaphore, #tpu.memory_space<semaphore_mem>>
      %dma_start3A_777 = arith.constant 0 : i32
      %dma_start3A_778 = tpu.memref_slice %arg6[%mul3A_775, %dma_start3A_777] : memref<8192x128xf32, #tpu.memory_space<hbm>> -> memref<256x128xf32, #tpu.memory_space<hbm>>
      %dma_start3A_779 = arith.constant 0 : i32
      %dma_start3A_780 = tpu.memref_slice %arg6[%mul3A_775, %dma_start3A_779] : memref<8192x128xf32, #tpu.memory_space<hbm>> -> memref<256x128xf32, #tpu.memory_space<hbm>>
      tpu.enqueue_dma source(%arg12 : memref<256x128xf32, #tpu.memory_space<vmem>>) target(%dma_start3A_780 : memref<256x128xf32, #tpu.memory_space<hbm>>) target_semaphore(%run_scoped3A_776 : memref<!tpu.dma_semaphore, #tpu.memory_space<semaphore_mem>>)
      %dma_wait3A_781 = arith.constant 0 : i32
      %dma_wait3A_782 = tpu.memref_slice %arg6[%mul3A_775, %dma_wait3A_781] : memref<8192x128xf32, #tpu.memory_space<hbm>> -> memref<256x128xf32, #tpu.memory_space<hbm>>
      %dma_wait3A_783 = arith.constant 0 : i32
      %dma_wait3A_784 = tpu.memref_slice %arg6[%mul3A_775, %dma_wait3A_783] : memref<8192x128xf32, #tpu.memory_space<hbm>> -> memref<256x128xf32, #tpu.memory_space<hbm>>
      tpu.wait_dma2 semaphore(%run_scoped3A_776 : memref<!tpu.dma_semaphore, #tpu.memory_space<semaphore_mem>>) src(%arg12 : memref<256x128xf32, #tpu.memory_space<vmem>>) dst(%dma_wait3A_784 : memref<256x128xf32, #tpu.memory_space<hbm>>)
      tpu.yield
    }) : () -> ()
    return
  }
}

</mosaic_0001>

<sc_bundles>
// kernel: _run.3.cloned.1.call-start
scs
__scs_entry_jumppad:
0x0: {  	(pc) =	sbr.rel $0x88, $3  }
0x1: {  	(tag) =	ssettag $0x0;
	lr =	simm.s32 $0x1  }
0x2: {  	[smem:$0x3F9D] =	sst lr;
	_ =	strace $0xD0000000  }
0x3: {  	_ = 	snop  }
0x4: {  	_ = 	snop  }
0x5: {  	_ = 	snop  }
0x6: {  	_ = 	snop  }
0x7: {  	_ = 	snop  }
__scs_overlays_trampoline_lowered:
0x8: {  	[smem:$0x3FAC] =	sst s0  }
0x9: {  	[smem:$0x3FAD] =	sst s1  }
0xa: {  	[smem:$0x3FAE] =	sst s2  }
0xb: {  	[smem:$0x3FAF] =	sst s3  }
0xc: {  	[smem:$0x3FB0] =	sst s4  }
0xd: {  	[smem:$0x3FB1] =	sst s5  }
0xe: {  	[smem:$0x3FB2] =	sst s6  }
0xf: {  	[smem:$0x3FB3] =	sst s7  }
0x10: {  	[smem:$0x3FB4] =	sst s8  }
0x11: {  	[smem:$0x3FB5] =	sst s9;
	s0 =	simm.s32 @!p0 $0x0  }
0x12: {  	s1 =	sld [smem:$0x3F9B];
	s0 =	simm.s32 @p0 $0x1  }
0x13: {  	[smem:$0x3FB6] =	sst s0;
	s0 =	simm.s32 @!p1 $0x0  }
0x14: {  	s2 =	sld [smem:$0x3F9A];
	s0 =	simm.s32 @p1 $0x1  }
0x15: {  	[smem:$0x3FB7] =	sst s0;
	s0 =	simm.s32 @!p2 $0x0  }
0x16: {  	s3 =	sld [smem:$0x3FDB];
	s0 =	simm.s32 @p2 $0x1  }
0x17: {  	s4 =	simm.s32 $0x1BF5;
	[smem:$0x3FB9] =	sst s0  }
0x18: {  	s0 =	sld [smem:$0x3F9C];
	_ =	swait.ge [sflag:s4], $0x0  }
0x19: {  	s7 =	sld [smem:$0x3F9D]  }
0x1a: {  	s8 =	sadd.s32 $0xFFFFE003, lr  }
0x1b: {  	s9 =	sadd.s32 $0xFFFFFEF7, lr;
	s5 =	simm.s32 $0xFFFFFFFF;
	p2 =	slt.u32 s8, $0xFFFFF086  }
0x1c: {  	p1 =	slt.u32 s9, $0xF7A;
	s5 =	simm.s32 @!p2 $0x0  }
0x1d: {  	s5 =	simm.s32 @p1 $0x1;
	p0 =	seq.s32 s7, s2  }
0x1e: {  	s7 =	smul.u32 @!p0 $0xF7A, s2;
	p2 =	seq.s32 @!p0 s5, $0x0  }
0x1f: {  	s9 =	smul.u32 $0xF7A, s1;
	s8 =	simm.s32 @!p0 $0x1BF5;
	p2 =	por !p2, p0  }
0x20: {  	[sflag:s8] =	ssyncset.s32 @!p0 $0xFFFFF086;
	s6 =	sadd.s32 @!p0 s3, s7;
	s7 =	simm.s32 @!p0 $0x108  }
0x21: {  	s3 =	sadd.s32 s3, s9;
	s6 =	sadd.s32 @!p0 $0x88, s6;
	s7 =	simm.s32 @p2 $0x1082  }
0x22: {  	[simem:s7], [sflag:s8] =	dma.local @!p0 [hbm:s6], $0xF7A  }
0x23: {  	s9 =	sor.u32 $0xD0000000, s2;
	s6 =	simm.s32 $0x108;
	_ =	swait.ge @!p0 [sflag:s8], $0x0  }
0x24: {  	s3 =	sadd.s32 $0x88, s3;
	s6 =	simm.s32 @!p1 $0x1082;
	[sflag:s4] =	ssyncset.s32 $0xFFFFF086  }
0x25: {  	[simem:s6], [sflag:s4] =	dma.local [hbm:s3], $0xF7A  }
0x26: {  	[smem:$0x3F9D] =	sst s1;
	(tag) =	ssettag s2;
	_ =	strace s9  }
0x27: {  	s1 =	sld [smem:$0x3FAD]  }
0x28: {  	s2 =	sld [smem:$0x3FAE]  }
0x29: {  	s4 =	sld [smem:$0x3FB0]  }
0x2a: {  	p0 =	seq.s32 s5, $0x0;
	s5 =	sld [smem:$0x3FB1]  }
0x2b: {  	s6 =	sld [smem:$0x3FB2]  }
0x2c: {  	s7 =	sld [smem:$0x3FB3]  }
0x2d: {  	s3 =	simm.s32 $0x108;
	s8 =	sld [smem:$0x3FB4]  }
0x2e: {  	s3 =	simm.s32 @!p0 $0x1082;
	s9 =	sld [smem:$0x3FB5]  }
0x2f: {  	lr =	sadd.s32 s0, s3;
	s0 =	sld [smem:$0x3FAC]  }
0x30: {  	s3 =	sld [smem:$0x3FAF]  }
0x31: {  	[smem:$0x3FB8] =	sst s10  }
0x32: {  	s10 =	sld [smem:$0x3FB6];
	_ =	sdelay $0x3  }
0x33: {  	p0 =	seq.s32 s10, $0x1;
	s10 =	sld [smem:$0x3FB8];
	_ =	sdelay $0x3  }
0x34: {  	[smem:$0x3FB8] =	sst s10  }
0x35: {  	s10 =	sld [smem:$0x3FB7];
	_ =	sdelay $0x3  }
0x36: {  	p1 =	seq.s32 s10, $0x1;
	s10 =	sld [smem:$0x3FB8];
	_ =	sdelay $0x3  }
0x37: {  	[smem:$0x3FB8] =	sst s10  }
0x38: {  	s10 =	sld [smem:$0x3FB9]  }
0x39: {  	_ = 	snop;
	(pc) =	sbr.ind lr, $3  }
0x3a: {  	_ = 	snop  }
0x3b: {  	_ = 	snop  }
0x3c: {  	p2 =	seq.s32 s10, $0x1;
	s10 =	sld [smem:$0x3FB8]  }
0x3d: {  	_ =	shalt  }
0x3e: {  	_ =	shalt  }
0x3f: {  	_ =	shalt  }
0x40: {  	_ =	shalt  }
0x41: {  	_ =	shalt  }
0x42: {  	_ =	shalt  }
0x43: {  	_ =	shalt  }
0x44: {  	_ =	shalt  }
0x45: {  	_ =	shalt  }
0x46: {  	_ =	shalt  }
0x47: {  	_ =	shalt  }
0x48: {  	_ =	shalt  }
0x49: {  	_ =	shalt  }
0x4a: {  	_ =	shalt  }
0x4b: {  	_ =	shalt  }
0x4c: {  	_ =	shalt  }
0x4d: {  	_ =	shalt  }
0x4e: {  	_ =	shalt  }
0x4f: {  	_ =	shalt  }
0x50: {  	_ =	shalt  }
0x51: {  	_ =	shalt  }
0x52: {  	_ =	shalt  }
0x53: {  	_ =	shalt  }
0x54: {  	_ =	shalt  }
0x55: {  	_ =	shalt  }
0x56: {  	_ =	shalt  }
0x57: {  	_ =	shalt  }
0x58: {  	_ =	shalt  }
0x59: {  	_ =	shalt  }
0x5a: {  	_ =	shalt  }
0x5b: {  	_ =	shalt  }
0x5c: {  	_ =	shalt  }
0x5d: {  	_ =	shalt  }
0x5e: {  	_ =	shalt  }
0x5f: {  	_ =	shalt  }
0x60: {  	_ =	shalt  }
0x61: {  	_ =	shalt  }
0x62: {  	_ =	shalt  }
0x63: {  	_ =	shalt  }
0x64: {  	_ =	shalt  }
0x65: {  	_ =	shalt  }
0x66: {  	_ =	shalt  }
0x67: {  	_ =	shalt  }
0x68: {  	_ =	shalt  }
0x69: {  	_ =	shalt  }
0x6a: {  	_ =	shalt  }
0x6b: {  	_ =	shalt  }
0x6c: {  	_ =	shalt  }
0x6d: {  	_ =	shalt  }
0x6e: {  	_ =	shalt  }
0x6f: {  	_ =	shalt  }
0x70: {  	_ =	shalt  }
0x71: {  	_ =	shalt  }
0x72: {  	_ =	shalt  }
0x73: {  	_ =	shalt  }
0x74: {  	_ =	shalt  }
0x75: {  	_ =	shalt  }
0x76: {  	_ =	shalt  }
0x77: {  	_ =	shalt  }
0x78: {  	_ =	shalt  }
0x79: {  	_ =	shalt  }
0x7a: {  	_ =	shalt  }
0x7b: {  	_ =	shalt  }
0x7c: {  	_ =	shalt  }
0x7d: {  	_ =	shalt  }
0x7e: {  	_ =	shalt  }
0x7f: {  	_ =	shalt  }
0x80: {  	_ =	shalt  }
0x81: {  	_ =	shalt  }
0x82: {  	_ =	shalt  }
0x83: {  	_ =	shalt  }
0x84: {  	_ =	shalt  }
0x85: {  	_ =	shalt  }
0x86: {  	_ =	shalt  }
0x87: {  	_ =	shalt  }
.Lfunc_end0:
.L_simem_size_0:
called_computation_lowered:
.L_overlay_start_0:
0x88: {  	s2 =	sld [smem:$0x3FD9]  }
0x89: {  	s3 =	sld [smem:$0x3FFE];
	_ =	sdelay $0x1  }
0x8a: {  	s1 =	srdreg.scid  }
0x8b: {  	s0 =	sand.u32 $0x1, s1  }
0x8c: {  	s17 =	sshll.u32 s0, $0xA;
	s2 =	sadd.s32 s3, s2  }
0x8d: {  	s2 =	sadd.s32 s2, s17  }
0x8e: {  	[smem:$0x3FC4] =	sst s2  }
0x8f: {  	_ = 	snop  }
0x90: {  	s2 =	sld [smem:$0x3FC9]  }
0x91: {  	s18 =	sld [smem:$0x3FC8]  }
0x92: {  	s4 =	sld [smem:$0x3FD0];
	(tm) =	ssettm $0x1  }
0x93: {  	s5 =	sld [smem:$0x3FFB];
	_ =	sdelay $0x3  }
0x94: {  	_ =	strace s5  }
0x95: {  	s5 =	sld [smem:$0x3FFC];
	_ =	sdelay $0x3  }
0x96: {  	_ =	strace s5  }
0x97: {  	s5 =	sld [smem:$0x3FFD];
	_ =	sdelay $0x3  }
0x98: {  	_ =	strace s5  }
0x99: {  	_ =	strace $0x8FFFFFFF  }
0x9a: {  	s19 =	sld [smem:$0x3FDB];
	_ =	sdelay $0x1  }
0x9b: {  	s6 =	simm.s32 $_scs_section_size  }
0x9c: {  	s7 =	simm.s32 $_size__tile_overlayer_lowered;
	s8 =	simm.s32 $_tile_overlayer_lowered  }
0x9d: {  	s22 =	simm.s32 $0x1BFF;
	s21 =	sshll.u32 s8, $0x1;
	s5 =	sadd.s32 s6, s19  }
0x9e: {  	s9 =	simm.s32 $0x0;
	s20 =	sshll.u32 s7, $0x1;
	s7 =	sadd.s32 s21, s5  }
0x9f: {  	[timem:s9], [sflag:s22] =	dma.local [hbm:s7], s20  }
0xa0: {  	_ =	swait.ge [sflag:s22], s20  }
0xa1: {  	s6 =	ssub.s32 $0x0, s20;
	[sflag:s22] =	ssyncset.done $0x0  }
0xa2: {  	[sflag:s22] =	ssyncadd.s32 s6;
	_ =	sdelay $0x1  }
0xa3: {  	s23 =	simm.s32 $0x1B8B  }
0xa4: {  	_ =	swait.ge [sflag:s23], $0x1  }
0xa5: {  	[sflag:s23] =	ssyncset.done $0x0  }
0xa6: {  	s25 =	simm.s32 $0x1B8E;
	s24 =	sld [smem:$0x3FFE];
	[sflag:s23] =	ssyncadd.s32 $0xFFFFFFFF  }
0xa7: {  	s26 =	simm.s32 $execute0_lowered;
	[smem:$0x3FD2] =	sst s25  }
0xa8: {  	s7 =	sshll.u32 s26, $0x1;
	_ =	strace $0x80000046;
	[dreg:$0x1] =	wrdreg $0xFFFFFFFF  }
0xa9: {  	s28 =	simm.s32 $_size_execute0_lowered;
	s5 =	sadd.s32 s5, s7;
	[dreg:$0x0] =	wrdreg $0x0  }
0xaa: {  	s7 =	sshll.u32 s28, $0x1;
	[dreg:$0x2] =	wrdreg s5  }
0xab: {  	[dreg:$0x3] =	wrdreg s7  }
0xac: {  	[dreg:$0x4] =	wrdreg $0xC0  }
0xad: {  	_ =	task [dreg:s9], $0x5FFFF  }
0xae: {  	[dreg:$0x1] =	wrdreg $0xFFFFFFFF  }
0xaf: {  	[dreg:$0x0] =	wrdreg $0x60  }
0xb0: {  	[dreg:$0x2] =	wrdreg s2  }
0xb1: {  	[dreg:$0x3] =	wrdreg s18  }
0xb2: {  	[dreg:$0x4] =	wrdreg s24  }
0xb3: {  	[dreg:$0x5] =	wrdreg s4  }
0xb4: {  	[dreg:$0x6] =	wrdreg $0x9  }
0xb5: {  	_ =	task.clear_ibuf [dreg:s9], $0x7FFFF;
	_ =	strace $0x90000046  }
0xb6: {  	s29 =	simm.s32 $0x9;
	_ =	strace $0x80000048  }
0xb7: {  	_ =	swait.ge [sflag:s29], $0x1  }
0xb8: {  	[sflag:s29] =	ssyncadd.s32 $0xFFFFFFFF  }
0xb9: {  	_ =	strace $0x90000048  }
0xba: {  	_ =	sfence  }
0xbb: {  	s30 =	sld [smem:$0x0];
	_ =	sdelay $0x2  }
0xbc: {  	s31 =	sshll.u32 s1, $0xD;
	s1 =	sshrl.u32 s1, $0x2  }
0xbd: {  	s3 =	sand.u32 $0x4000, s31;
	s1 =	sadd.s32 s1, s30  }
0xbe: {  	s0 =	sor.u32 s3, s0;
	s1 =	sshll.u32 s1, $0x11  }
0xbf: {  	s0 =	sor.u32 s1, s0  }
0xc0: {  	s0 =	sadd.s32 $0x8F2B, s0  }
0xc1: {  	[sflag:s0] =	ssyncadd.remote.s32 $0x1  }
0xc2: {  	_ =	sfence.sel $0xFFFF  }
0xc3: {  	[dreg:$0x0] =	wrdreg $0xFFFFFFFF;
	(pc) =	sbr.abs _section_cstart, $3  }
0xc4: {  	[dreg:$0x1] =	wrdreg $0xFFFFFFFF  }
0xc5: {  	_ =	task.clear_ibuf [dreg:s9], $0x2FFFF;
	_ =	strace $0x9FFFFFFF  }
0xc6: {  	(tm) =	ssettm $0x7FFFFFFF  }
0xc7: {  	_ =	shalt  }
tec
execute0_lowered:
.L_overlay_start_1:
0x0: {  	(tag) =	ssettag $0x1  }
0x1: {  	s0 =	rddreg [dreg:$0x0];
	v31 =	vlaneseq.u32  }
0x2: {  	s1 =	rddreg [dreg:$0x1];
	v0 =	vand.u32 $0x1, v31  }
0x3: {  	s4 =	rddreg [dreg:$0x2];
	s2 =	simm.s32 $0x0;
	v39 =	vmul.u32 $0x40, v0  }
0x4: {  	[smem:$0x7FF] =	sst s2  }
0x5: {  	s13 =	rddreg [dreg:$0x3];
	_ =	strace $0x80000047;
	v0 =	vor.u32 $0x2C, v39;
	[tilespmem:$0x1FE70] =	vst v39  }
0x6: {  	v59 =	vor.u32 $0xD, v39;
	[tilespmem:$0x1FE10] =	vst v0  }
0x7: {  	v60 =	vor.u32 $0x2D, v39;
	[tilespmem:$0x1FE20] =	vst v59  }
0x8: {  	v61 =	vor.u32 $0xE, v39;
	[tilespmem:$0x1FE30] =	vst v60  }
0x9: {  	v62 =	vor.u32 $0x2E, v39;
	[tilespmem:$0x1FE40] =	vst v61  }
0xa: {  	v63 =	vor.u32 $0xF, v39;
	[tilespmem:$0x1FE50] =	vst v62  }
0xb: {  	v56 =	vor.u32 $0x20, v39;
	[tilespmem:$0x1FE60] =	vst v63  }
0xc: {  	v13 =	vor.u32 $0x22, v39;
	[tilespmem:$0x1FE80] =	vst v56  }
0xd: {  	v14 =	vor.u32 $0x3, v39;
	[tilespmem:$0x1FE90] =	vst v13  }
0xe: {  	v15 =	vor.u32 $0x23, v39;
	[tilespmem:$0x1FEA0] =	vst v14  }
0xf: {  	v16 =	vor.u32 $0x4, v39;
	[tilespmem:$0x1FEB0] =	vst v15  }
0x10: {  	v17 =	vor.u32 $0x24, v39;
	[tilespmem:$0x1FEC0] =	vst v16  }
0x11: {  	v18 =	vor.u32 $0x5, v39;
	[tilespmem:$0x1FED0] =	vst v17  }
0x12: {  	v19 =	vor.u32 $0x25, v39;
	[tilespmem:$0x1FEE0] =	vst v18  }
0x13: {  	v20 =	vor.u32 $0x7, v39;
	[tilespmem:$0x1FEF0] =	vst v19  }
0x14: {  	v21 =	vor.u32 $0x6, v39;
	[tilespmem:$0x1FF00] =	vst v20  }
0x15: {  	v22 =	vor.u32 $0x26, v39;
	[tilespmem:$0x1FF10] =	vst v21  }
0x16: {  	v23 =	vor.u32 $0x27, v39;
	[tilespmem:$0x1FF20] =	vst v22  }
0x17: {  	s3 =	srdreg.scid;
	s7 =	stileid.u32;
	v28 =	vor.u32 $0xA, v39;
	[tilespmem:$0x1FF30] =	vst v23  }
0x18: {  	s16 =	simm.s32 $0x2;
	s18 =	simm.s32 $0x80;
	s20 =	simm.s32 $0x100;
	v29 =	vor.u32 $0x2A, v39;
	[tilespmem:$0x1FF40] =	vst v28  }
0x19: {  	s22 =	simm.s32 $0x180;
	s23 =	simm.s32 $0x380;
	s24 =	simm.s32 $0x600;
	v27 =	vor.u32 $0x29, v39;
	[tilespmem:$0x1FF50] =	vst v29  }
0x1a: {  	s28 =	simm.s32 $0xC600;
	s29 =	simm.s32 $0x1;
	s30 =	simm.s32 $0x10800;
	v26 =	vor.u32 $0x9, v39;
	[tilespmem:$0x1FF60] =	vst v27  }
0x1b: {  	s31 =	simm.s32 $0x0;
	s5 =	sand.u32 $0x1, s3;
	s7 =	sshll.u32 s7, $0x1;
	v25 =	vor.u32 $0x28, v39;
	[tilespmem:$0x1FF70] =	vst v26  }
0x1c: {  	s3 =	sadd.s32 $0xF42A00, s4;
	s6 =	ssub.s32 $0x2, s5;
	s14 =	sor.u32 s5, s7;
	v34 =	vor.u32 $0xB, v39;
	[tilespmem:$0x1FF80] =	vst v25  }
0x1d: {  	s4 =	sadd.s32 $0x600, s4;
	s8 =	sshrl.u32 s6, $0x1;
	s11 =	sshll.u32 s14, $0x6;
	v24 =	vor.u32 $0x8, v39;
	[tilespmem:$0x1FF90] =	vst v34  }
0x1e: {  	s26 =	sshll.u32 s14, $0xC;
	s15 =	ssub.s32 s6, s8;
	s5 =	sadd.s32 s0, s11;
	v35 =	vor.u32 $0x2B, v39;
	[tilespmem:$0x1FFA0] =	vst v24  }
0x1f: {  	s6 =	sadd.s32 s1, s11;
	s25 =	sor.u32 $0x10, s11;
	s10 =	sor.u32 $0x20, s11;
	v36 =	vor.u32 $0xC, v39;
	[tilespmem:$0x1FFB0] =	vst v35  }
0x20: {  	v30 =	vor.u32 $0x21, v39;
	s12 =	sor.u32 $0x30, s11;
	s13 =	sadd.s32 s13, s26;
	s26 =	simm.s32 $0x8600;
	[tilespmem:$0x1FFC0] =	vst v36  }
0x21: {  	v11 =	vor.u32 $0x1, v39;
	s7 =	sadd.s32 s0, s25;
	s8 =	sadd.s32 s1, s25;
	s9 =	sadd.s32 s0, s10;
	[tilespmem:$0x1FFD0] =	vst v30  }
0x22: {  	v12 =	vor.u32 $0x2, v39;
	s10 =	sadd.s32 s1, s10;
	s11 =	sadd.s32 s0, s12;
	s12 =	sadd.s32 s1, s12;
	[tilespmem:$0x1FFE0] =	vst v11  }
0x23: {  	s14 =	smax.u32 s15, $0x1;
	s15 =	simm.s32 $0x10600;
	s25 =	simm.s32 $0x4600;
	[tilespmem:$0x1FFF0] =	vst v12  }
.LBB2_1:
0x24: {  	[tilespmem:s15], [sflag:$0x2] =	stream.linear.gather [hbm4b:s4+s2], $0x200, $0x38;
	[tilespmem:$0x18800] =	vst v63  }
0x25: {  	_ =	swait.ge [sflag:s16], $0x200  }
0x26: {  	[sflag:s16] =	ssyncset.done $0x0  }
0x27: {  	[sflag:s16] =	ssyncadd.s32 $0xFFFFFE00  }
0x28: {  	[tilespmem:s2], [sflag:$0x2] =	stream.linear.gather [hbm4b:s5+s2], $0x80, $0x38;
	[tilespmem:$0x18800] =	vst v63  }
0x29: {  	_ =	swait.ge [sflag:s16], $0x80  }
0x2a: {  	[sflag:s16] =	ssyncset.done $0x0  }
0x2b: {  	s0 =	simm.s32 $0x200;
	[sflag:s16] =	ssyncadd.s32 $0xFFFFFF80  }
0x2c: {  	[tilespmem:s0], [sflag:$0x2] =	stream.linear.gather [hbm4b:s6+s2], $0x80, $0x38;
	[tilespmem:$0x18800] =	vst v63  }
0x2d: {  	_ =	swait.ge [sflag:s16], $0x80  }
0x2e: {  	[sflag:s16] =	ssyncset.done $0x0  }
0x2f: {  	[sflag:s16] =	ssyncadd.s32 $0xFFFFFF80  }
0x30: {  	[tilespmem:s18], [sflag:$0x2] =	stream.linear.gather [hbm4b:s7+s2], $0x80, $0x38;
	[tilespmem:$0x18800] =	vst v63  }
0x31: {  	_ =	swait.ge [sflag:s16], $0x80  }
0x32: {  	[sflag:s16] =	ssyncset.done $0x0  }
0x33: {  	s21 =	simm.s32 $0x280;
	[sflag:s16] =	ssyncadd.s32 $0xFFFFFF80  }
0x34: {  	[tilespmem:s21], [sflag:$0x2] =	stream.linear.gather [hbm4b:s8+s2], $0x80, $0x38;
	[tilespmem:$0x18800] =	vst v63  }
0x35: {  	_ =	swait.ge [sflag:s16], $0x80  }
0x36: {  	[sflag:s16] =	ssyncset.done $0x0  }
0x37: {  	[sflag:s16] =	ssyncadd.s32 $0xFFFFFF80  }
0x38: {  	[tilespmem:s20], [sflag:$0x2] =	stream.linear.gather [hbm4b:s9+s2], $0x80, $0x38;
	[tilespmem:$0x18800] =	vst v63  }
0x39: {  	_ =	swait.ge [sflag:s16], $0x80  }
0x3a: {  	[sflag:s16] =	ssyncset.done $0x0  }
0x3b: {  	s1 =	simm.s32 $0x300;
	[sflag:s16] =	ssyncadd.s32 $0xFFFFFF80  }
0x3c: {  	[tilespmem:s1], [sflag:$0x2] =	stream.linear.gather [hbm4b:s10+s2], $0x80, $0x38;
	[tilespmem:$0x18800] =	vst v63  }
0x3d: {  	_ =	swait.ge [sflag:s16], $0x80  }
0x3e: {  	[sflag:s16] =	ssyncset.done $0x0  }
0x3f: {  	[sflag:s16] =	ssyncadd.s32 $0xFFFFFF80  }
0x40: {  	[tilespmem:s22], [sflag:$0x2] =	stream.linear.gather [hbm4b:s11+s2], $0x80, $0x38;
	[tilespmem:$0x18800] =	vst v63  }
0x41: {  	_ =	swait.ge [sflag:s16], $0x80  }
0x42: {  	[sflag:s16] =	ssyncset.done $0x0  }
0x43: {  	[sflag:s16] =	ssyncadd.s32 $0xFFFFFF80  }
0x44: {  	[tilespmem:s23], [sflag:$0x2] =	stream.linear.gather [hbm4b:s12+s2], $0x80, $0x38;
	[tilespmem:$0x18800] =	vst v63  }
0x45: {  	_ =	swait.ge [sflag:s16], $0x80  }
0x46: {  	[sflag:s16] =	ssyncset.done $0x0  }
0x47: {  	[sflag:s16] =	ssyncadd.s32 $0xFFFFFF80  }
0x48: {  	v0 =	vld [tilespmem:$0x0];
	_ =	sdelay $0x1  }
0x49: {  	v1 =	vld [tilespmem:$0x10];
	_ =	sdelay $0x1  }
0x4a: {  	v2 =	vld [tilespmem:$0x20]  }
0x4b: {  	v3 =	vshll.u32 v0, $0x5  }
0x4c: {  	v4 =	vld [tilespmem:$0x30];
	v3 =	vand.u32 $0x60, v3  }
0x4d: {  	v0 =	vshrl.u32 v0, $0x2;
	[tilespmem:$0x400] =	vst v3;
	v3 =	vshll.u32 v1, $0x5  }
0x4e: {  	[tilespmem:$0x0] =	vst v0;
	v0 =	vand.u32 $0x60, v3;
	v3 =	vld [tilespmem:$0x40]  }
0x4f: {  	[tilespmem:$0x410] =	vst v0;
	v0 =	vshrl.u32 v1, $0x2;
	v1 =	vshll.u32 v2, $0x5  }
0x50: {  	[tilespmem:$0x10] =	vst v0;
	v0 =	vand.u32 $0x60, v1;
	v1 =	vld [tilespmem:$0x50]  }
0x51: {  	[tilespmem:$0x420] =	vst v0;
	v0 =	vshrl.u32 v2, $0x2;
	v2 =	vshll.u32 v4, $0x5  }
0x52: {  	[tilespmem:$0x20] =	vst v0;
	v0 =	vand.u32 $0x60, v2;
	v2 =	vld [tilespmem:$0x60]  }
0x53: {  	[tilespmem:$0x430] =	vst v0;
	v0 =	vshrl.u32 v4, $0x2;
	v4 =	vshll.u32 v3, $0x5  }
0x54: {  	[tilespmem:$0x30] =	vst v0;
	v0 =	vand.u32 $0x60, v4;
	v4 =	vld [tilespmem:$0x70]  }
0x55: {  	[tilespmem:$0x440] =	vst v0;
	v0 =	vshrl.u32 v3, $0x2;
	v3 =	vshll.u32 v1, $0x5  }
0x56: {  	[tilespmem:$0x40] =	vst v0;
	v0 =	vand.u32 $0x60, v3;
	v3 =	vld [tilespmem:$0x80]  }
0x57: {  	[tilespmem:$0x450] =	vst v0;
	v0 =	vshrl.u32 v1, $0x2;
	v1 =	vshll.u32 v2, $0x5  }
0x58: {  	[tilespmem:$0x50] =	vst v0;
	v0 =	vand.u32 $0x60, v1;
	v1 =	vld [tilespmem:$0x90]  }
0x59: {  	[tilespmem:$0x460] =	vst v0;
	v0 =	vshrl.u32 v2, $0x2;
	v2 =	vshll.u32 v4, $0x5  }
0x5a: {  	[tilespmem:$0x60] =	vst v0;
	v0 =	vand.u32 $0x60, v2;
	v2 =	vld [tilespmem:$0xA0]  }
0x5b: {  	[tilespmem:$0x470] =	vst v0;
	v0 =	vshrl.u32 v4, $0x2;
	v4 =	vshll.u32 v3, $0x5  }
0x5c: {  	[tilespmem:$0x70] =	vst v0;
	v0 =	vand.u32 $0x60, v4;
	v4 =	vld [tilespmem:$0xB0]  }
0x5d: {  	[tilespmem:$0x480] =	vst v0;
	v0 =	vshrl.u32 v3, $0x2;
	v3 =	vshll.u32 v1, $0x5  }
0x5e: {  	[tilespmem:$0x80] =	vst v0;
	v0 =	vand.u32 $0x60, v3;
	v3 =	vld [tilespmem:$0xC0]  }
0x5f: {  	[tilespmem:$0x490] =	vst v0;
	v0 =	vshrl.u32 v1, $0x2;
	v1 =	vshll.u32 v2, $0x5  }
0x60: {  	[tilespmem:$0x90] =	vst v0;
	v0 =	vand.u32 $0x60, v1;
	v1 =	vld [tilespmem:$0xD0]  }
0x61: {  	[tilespmem:$0x4A0] =	vst v0;
	v0 =	vshrl.u32 v2, $0x2;
	v2 =	vshll.u32 v4, $0x5  }
0x62: {  	[tilespmem:$0xA0] =	vst v0;
	v0 =	vand.u32 $0x60, v2;
	v2 =	vld [tilespmem:$0xE0]  }
0x63: {  	[tilespmem:$0x4B0] =	vst v0;
	v0 =	vshrl.u32 v4, $0x2;
	v4 =	vshll.u32 v3, $0x5  }
0x64: {  	[tilespmem:$0xB0] =	vst v0;
	v0 =	vand.u32 $0x60, v4;
	v4 =	vld [tilespmem:$0xF0]  }
0x65: {  	[tilespmem:$0x4C0] =	vst v0;
	v0 =	vshrl.u32 v3, $0x2;
	v3 =	vshll.u32 v1, $0x5  }
0x66: {  	[tilespmem:$0xC0] =	vst v0;
	v0 =	vand.u32 $0x60, v3;
	v3 =	vld [tilespmem:$0x100]  }
0x67: {  	[tilespmem:$0x4D0] =	vst v0;
	v0 =	vshrl.u32 v1, $0x2;
	v1 =	vshll.u32 v2, $0x5  }
0x68: {  	[tilespmem:$0xD0] =	vst v0;
	v0 =	vand.u32 $0x60, v1;
	v1 =	vld [tilespmem:$0x110]  }
0x69: {  	[tilespmem:$0x4E0] =	vst v0;
	v0 =	vshrl.u32 v2, $0x2;
	v2 =	vshll.u32 v4, $0x5  }
0x6a: {  	[tilespmem:$0xE0] =	vst v0;
	v0 =	vand.u32 $0x60, v2;
	v2 =	vld [tilespmem:$0x120]  }
0x6b: {  	[tilespmem:$0x4F0] =	vst v0;
	v0 =	vshrl.u32 v4, $0x2;
	v4 =	vshll.u32 v3, $0x5  }
0x6c: {  	[tilespmem:$0xF0] =	vst v0;
	v0 =	vand.u32 $0x60, v4;
	v4 =	vld [tilespmem:$0x130]  }
0x6d: {  	[tilespmem:$0x500] =	vst v0;
	v0 =	vshrl.u32 v3, $0x2;
	v3 =	vshll.u32 v1, $0x5  }
0x6e: {  	[tilespmem:$0x100] =	vst v0;
	v0 =	vand.u32 $0x60, v3;
	v3 =	vld [tilespmem:$0x140]  }
0x6f: {  	[tilespmem:$0x510] =	vst v0;
	v0 =	vshrl.u32 v1, $0x2;
	v1 =	vshll.u32 v2, $0x5  }
0x70: {  	[tilespmem:$0x110] =	vst v0;
	v0 =	vand.u32 $0x60, v1;
	v1 =	vld [tilespmem:$0x150]  }
0x71: {  	[tilespmem:$0x520] =	vst v0;
	v0 =	vshrl.u32 v2, $0x2;
	v2 =	vshll.u32 v4, $0x5  }
0x72: {  	[tilespmem:$0x120] =	vst v0;
	v0 =	vand.u32 $0x60, v2;
	v2 =	vld [tilespmem:$0x160]  }
0x73: {  	[tilespmem:$0x530] =	vst v0;
	v0 =	vshrl.u32 v4, $0x2;
	v4 =	vshll.u32 v3, $0x5  }
0x74: {  	[tilespmem:$0x130] =	vst v0;
	v0 =	vand.u32 $0x60, v4;
	v4 =	vld [tilespmem:$0x170]  }
0x75: {  	[tilespmem:$0x540] =	vst v0;
	v0 =	vshrl.u32 v3, $0x2;
	v3 =	vshll.u32 v1, $0x5  }
0x76: {  	[tilespmem:$0x140] =	vst v0;
	v0 =	vand.u32 $0x60, v3;
	v3 =	vld [tilespmem:$0x180]  }
0x77: {  	[tilespmem:$0x550] =	vst v0;
	v0 =	vshrl.u32 v1, $0x2;
	v1 =	vshll.u32 v2, $0x5  }
0x78: {  	[tilespmem:$0x150] =	vst v0;
	v0 =	vand.u32 $0x60, v1;
	v1 =	vld [tilespmem:$0x190]  }
0x79: {  	[tilespmem:$0x560] =	vst v0;
	v0 =	vshrl.u32 v2, $0x2;
	v2 =	vshll.u32 v4, $0x5  }
0x7a: {  	[tilespmem:$0x160] =	vst v0;
	v0 =	vand.u32 $0x60, v2;
	v2 =	vld [tilespmem:$0x1A0]  }
0x7b: {  	[tilespmem:$0x570] =	vst v0;
	v0 =	vshrl.u32 v4, $0x2;
	v4 =	vshll.u32 v3, $0x5  }
0x7c: {  	[tilespmem:$0x170] =	vst v0;
	v0 =	vand.u32 $0x60, v4;
	v4 =	vld [tilespmem:$0x1B0]  }
0x7d: {  	[tilespmem:$0x580] =	vst v0;
	v0 =	vshrl.u32 v3, $0x2;
	v3 =	vshll.u32 v1, $0x5  }
0x7e: {  	[tilespmem:$0x180] =	vst v0;
	v0 =	vand.u32 $0x60, v3;
	v3 =	vld [tilespmem:$0x1C0]  }
0x7f: {  	[tilespmem:$0x590] =	vst v0;
	v0 =	vshrl.u32 v1, $0x2;
	v1 =	vshll.u32 v2, $0x5  }
0x80: {  	[tilespmem:$0x190] =	vst v0;
	v0 =	vand.u32 $0x60, v1;
	v1 =	vld [tilespmem:$0x1D0]  }
0x81: {  	[tilespmem:$0x5A0] =	vst v0;
	v0 =	vshrl.u32 v2, $0x2;
	v2 =	vshll.u32 v4, $0x5  }
0x82: {  	[tilespmem:$0x1A0] =	vst v0;
	v0 =	vand.u32 $0x60, v2;
	v2 =	vld [tilespmem:$0x1E0]  }
0x83: {  	[tilespmem:$0x5B0] =	vst v0;
	v0 =	vshrl.u32 v4, $0x2;
	v4 =	vshll.u32 v3, $0x5  }
0x84: {  	[tilespmem:$0x1B0] =	vst v0;
	v0 =	vand.u32 $0x60, v4;
	v4 =	vld [tilespmem:$0x1F0]  }
0x85: {  	[tilespmem:$0x5C0] =	vst v0;
	v0 =	vshrl.u32 v3, $0x2;
	v3 =	vshll.u32 v1, $0x5  }
0x86: {  	[tilespmem:$0x1C0] =	vst v0;
	v0 =	vand.u32 $0x60, v3  }
0x87: {  	[tilespmem:$0x5D0] =	vst v0;
	v0 =	vshrl.u32 v1, $0x2;
	v1 =	vshll.u32 v2, $0x5  }
0x88: {  	[tilespmem:$0x1D0] =	vst v0;
	v0 =	vand.u32 $0x60, v1  }
0x89: {  	[tilespmem:$0x5E0] =	vst v0;
	v0 =	vshrl.u32 v2, $0x2;
	v1 =	vshll.u32 v4, $0x5  }
0x8a: {  	[tilespmem:$0x1E0] =	vst v0;
	v0 =	vand.u32 $0x60, v1  }
0x8b: {  	[tilespmem:$0x5F0] =	vst v0;
	v0 =	vshrl.u32 v4, $0x2  }
0x8c: {  	[tilespmem:$0x1F0] =	vst v0  }
0x8d: {  	[tilespmem:s24], [sflag:$0x1] =	stream.indirect.gather [hbm4b:s3+s18], $0x80, s2, s18, $0xb8;
	[tilespmem:$0x18800] =	vst v63  }
0x8e: {  	_ = 	snop  }
0x8f: {  	[tilespmem:s25], [sflag:$0x1] =	stream.indirect.gather [hbm4b:s3+s18], $0x80, s18, s18, $0xb8;
	[tilespmem:$0x18800] =	vst v63  }
0x90: {  	_ = 	snop  }
0x91: {  	[tilespmem:s26], [sflag:$0x1] =	stream.indirect.gather [hbm4b:s3+s18], $0x80, s20, s18, $0xb8;
	[tilespmem:$0x18800] =	vst v63  }
0x92: {  	_ = 	snop  }
0x93: {  	[tilespmem:s28], [sflag:$0x1] =	stream.indirect.gather [hbm4b:s3+s18], $0x80, s22, s18, $0xb8;
	[tilespmem:$0x18800] =	vst v63  }
0x94: {  	_ =	swait.ge [sflag:s29], $0x4000  }
0x95: {  	[sflag:s29] =	ssyncset.done $0x0  }
0x96: {  	[sflag:s29] =	ssyncadd.s32 $0xFFFFC000  }
0x97: {  	_ =	swait.ge [sflag:s29], $0x4000  }
0x98: {  	[sflag:s29] =	ssyncset.done $0x0  }
0x99: {  	[sflag:s29] =	ssyncadd.s32 $0xFFFFC000  }
0x9a: {  	_ =	swait.ge [sflag:s29], $0x4000  }
0x9b: {  	[sflag:s29] =	ssyncset.done $0x0  }
0x9c: {  	[sflag:s29] =	ssyncadd.s32 $0xFFFFC000  }
0x9d: {  	_ =	swait.ge [sflag:s29], $0x4000  }
0x9e: {  	[sflag:s29] =	ssyncset.done $0x0  }
0x9f: {  	s17 =	simm.s32 $0x410;
	[sflag:s29] =	ssyncadd.s32 $0xFFFFC000  }
0xa0: {  	v5 =	vld [tilespmem:s17+$0x0];
	_ =	sdelay $0x2  }
0xa1: {  	s1 =	simm.s32 $0x10  }
0xa2: {  	v0 =	vor.u32 s1, v31  }
0xa3: {  	v1 =	vshll.u32 v0, $0x7;
	v2 =	vand.u32 $0xFFFFFF80, v5  }
0xa4: {  	v3 =	vand.u32 $0x7F, v5;
	v2 =	vadd.s32 v1, v2  }
0xa5: {  	s19 =	simm.s32 $0x210;
	v2 =	vor.u32 v3, v2  }
0xa6: {  	v3 =	vld [tilespmem:s19+$0x0];
	_ =	sdelay $0x1  }
0xa7: {  	v0 =	vshll.u32 v0, $0x6;
	v7 =	vld [tilespmem:s17+$0xFFFFFFF0]  }
0xa8: {  	v45 =	vand.u32 $0x7FFFFF80, v0  }
0xa9: {  	v4 =	vor.u32 v39, v45;
	v0 =	vld.idx.msk [tilespmem:v2+s24+$0x0], $0xffff  }
0xaa: {  	s21 =	simm.s32 $0x0;
	v60 =	vshll.u32 v3, $0x5  }
0xab: {  	v3 =	vor.u32 s21, v31  }
0xac: {  	v6 =	vand.u32 $0xFFFFFF80, v7;
	v2 =	vshll.u32 v3, $0x7  }
0xad: {  	v8 =	vand.u32 $0x7F, v7;
	v9 =	vadd.s32 $0x1, v5;
	v6 =	vadd.s32 v2, v6  }
0xae: {  	v6 =	vor.u32 v8, v6;
	[tilespmem:v4+s30+$0x0] =	vst.idx.msk $0xffff, v0;
	v0 =	vand.u32 $0xFFFFFF80, v9  }
0xaf: {  	v8 =	vor.u32 v56, v45;
	v9 =	vand.u32 $0x7F, v9;
	v4 =	vld.idx.msk [tilespmem:v60+s15+$0x0], $0xffff;
	v0 =	vadd.s32 v1, v0  }
0xb0: {  	v10 =	vld [tilespmem:s19+$0xFFFFFFF0];
	v0 =	vor.u32 v9, v0;
	_ =	sdelay $0x1  }
0xb1: {  	v3 =	vshll.u32 v3, $0x6  }
0xb2: {  	v52 =	vand.u32 $0x7B80, v3  }
0xb3: {  	v3 =	vor.u32 v39, v52;
	v6 =	vld.idx.msk [tilespmem:v6+s24+$0x0], $0xffff;
	[tilespmem:v8+s30+$0x0] =	vst.idx.msk $0xffff, v4  }
0xb4: {  	v37 =	vshll.u32 v10, $0x5;
	v4 =	vor.u32 v11, v45;
	v0 =	vld.idx.msk [tilespmem:v0+s24+$0x0], $0xffff  }
0xb5: {  	v8 =	vor.u32 $0x1, v60  }
0xb6: {  	v9 =	vadd.s32 $0x1, v7  }
0xb7: {  	v32 =	vmov v11;
	v10 =	vand.u32 $0xFFFFFF80, v9;
	v9 =	vand.u32 $0x7F, v9  }
0xb8: {  	v10 =	vadd.s32 v2, v10;
	v11 =	vor.u32 v56, v52;
	[tilespmem:v3+s30+$0x0] =	vst.idx.msk $0xffff, v6;
	v3 =	vadd.s32 $0x2, v5  }
0xb9: {  	v6 =	vor.u32 v9, v10;
	v9 =	vld.idx.msk [tilespmem:v37+s15+$0x0], $0xffff;
	[tilespmem:v4+s30+$0x0] =	vst.idx.msk $0xffff, v0;
	v0 =	vand.u32 $0xFFFFFF80, v3  }
0xba: {  	v3 =	vand.u32 $0x7F, v3;
	v4 =	vld.idx.msk [tilespmem:v8+s15+$0x0], $0xffff;
	v8 =	vor.u32 v30, v45;
	v0 =	vadd.s32 v1, v0  }
0xbb: {  	v0 =	vor.u32 v3, v0;
	_ =	sdelay $0x2  }
0xbc: {  	[tilespmem:v11+s30+$0x0] =	vst.idx.msk $0xffff, v9  }
0xbd: {  	v3 =	vor.u32 v32, v52;
	v6 =	vld.idx.msk [tilespmem:v6+s24+$0x0], $0xffff;
	[tilespmem:v8+s30+$0x0] =	vst.idx.msk $0xffff, v4  }
0xbe: {  	v4 =	vor.u32 $0x1, v37;
	v8 =	vor.u32 v12, v45;
	v0 =	vld.idx.msk [tilespmem:v0+s24+$0x0], $0xffff  }
0xbf: {  	v9 =	vor.u32 $0x2, v60  }
0xc0: {  	v10 =	vadd.s32 $0x2, v7  }
0xc1: {  	v55 =	vmov v12;
	v11 =	vand.u32 $0xFFFFFF80, v10;
	v10 =	vand.u32 $0x7F, v10  }
0xc2: {  	v11 =	vadd.s32 v2, v11;
	v12 =	vor.u32 v30, v52;
	[tilespmem:v3+s30+$0x0] =	vst.idx.msk $0xffff, v6;
	v3 =	vadd.s32 $0x3, v5  }
0xc3: {  	v6 =	vor.u32 v10, v11;
	v4 =	vld.idx.msk [tilespmem:v4+s15+$0x0], $0xffff;
	[tilespmem:v8+s30+$0x0] =	vst.idx.msk $0xffff, v0;
	v0 =	vand.u32 $0xFFFFFF80, v3  }
0xc4: {  	v3 =	vand.u32 $0x7F, v3;
	v8 =	vld.idx.msk [tilespmem:v9+s15+$0x0], $0xffff;
	v9 =	vor.u32 v13, v45;
	v0 =	vadd.s32 v1, v0  }
0xc5: {  	v0 =	vor.u32 v3, v0;
	_ =	sdelay $0x2  }
0xc6: {  	[tilespmem:v12+s30+$0x0] =	vst.idx.msk $0xffff, v4  }
0xc7: {  	v3 =	vor.u32 v55, v52;
	v4 =	vld.idx.msk [tilespmem:v6+s24+$0x0], $0xffff;
	[tilespmem:v9+s30+$0x0] =	vst.idx.msk $0xffff, v8  }
0xc8: {  	v6 =	vor.u32 $0x2, v37;
	v8 =	vor.u32 v14, v45;
	v0 =	vld.idx.msk [tilespmem:v0+s24+$0x0], $0xffff  }
0xc9: {  	v9 =	vor.u32 $0x3, v60  }
0xca: {  	v10 =	vadd.s32 $0x3, v7  }
0xcb: {  	v11 =	vand.u32 $0xFFFFFF80, v10;
	v10 =	vand.u32 $0x7F, v10  }
0xcc: {  	v11 =	vadd.s32 v2, v11;
	v12 =	vor.u32 v13, v52;
	[tilespmem:v3+s30+$0x0] =	vst.idx.msk $0xffff, v4;
	v3 =	vadd.s32 $0x4, v5  }
0xcd: {  	v4 =	vor.u32 v10, v11;
	v6 =	vld.idx.msk [tilespmem:v6+s15+$0x0], $0xffff;
	[tilespmem:v8+s30+$0x0] =	vst.idx.msk $0xffff, v0;
	v0 =	vand.u32 $0xFFFFFF80, v3  }
0xce: {  	v3 =	vand.u32 $0x7F, v3;
	v8 =	vld.idx.msk [tilespmem:v9+s15+$0x0], $0xffff;
	v9 =	vor.u32 v15, v45;
	v0 =	vadd.s32 v1, v0  }
0xcf: {  	v0 =	vor.u32 v3, v0;
	_ =	sdelay $0x2  }
0xd0: {  	[tilespmem:v12+s30+$0x0] =	vst.idx.msk $0xffff, v6  }
0xd1: {  	v3 =	vor.u32 v14, v52;
	v4 =	vld.idx.msk [tilespmem:v4+s24+$0x0], $0xffff;
	[tilespmem:v9+s30+$0x0] =	vst.idx.msk $0xffff, v8  }
0xd2: {  	v6 =	vor.u32 v16, v45;
	v0 =	vld.idx.msk [tilespmem:v0+s24+$0x0], $0xffff  }
0xd3: {  	v8 =	vor.u32 $0x4, v60;
	_ =	sdelay $0x2  }
0xd4: {  	[tilespmem:v3+s30+$0x0] =	vst.idx.msk $0xffff, v4;
	v3 =	vadd.s32 $0x5, v5  }
0xd5: {  	[tilespmem:v6+s30+$0x0] =	vst.idx.msk $0xffff, v0;
	v0 =	vand.u32 $0xFFFFFF80, v3  }
0xd6: {  	v6 =	vor.u32 v17, v45;
	v3 =	vand.u32 $0x7F, v3;
	v4 =	vld.idx.msk [tilespmem:v8+s15+$0x0], $0xffff;
	v0 =	vadd.s32 v1, v0  }
0xd7: {  	v0 =	vor.u32 v3, v0;
	_ =	sdelay $0x3  }
0xd8: {  	[tilespmem:v6+s30+$0x0] =	vst.idx.msk $0xffff, v4  }
0xd9: {  	v3 =	vor.u32 v18, v45;
	v0 =	vld.idx.msk [tilespmem:v0+s24+$0x0], $0xffff  }
0xda: {  	v4 =	vor.u32 $0x5, v60;
	_ =	sdelay $0x2  }
0xdb: {  	v6 =	vadd.s32 $0x6, v5  }
0xdc: {  	[tilespmem:v3+s30+$0x0] =	vst.idx.msk $0xffff, v0;
	v0 =	vand.u32 $0xFFFFFF80, v6  }
0xdd: {  	v6 =	vand.u32 $0x7F, v6;
	v3 =	vld.idx.msk [tilespmem:v4+s15+$0x0], $0xffff;
	v4 =	vor.u32 v19, v45;
	v0 =	vadd.s32 v1, v0  }
0xde: {  	v0 =	vor.u32 v6, v0;
	_ =	sdelay $0x3  }
0xdf: {  	[tilespmem:v4+s30+$0x0] =	vst.idx.msk $0xffff, v3  }
0xe0: {  	v3 =	vor.u32 $0x3, v37;
	v4 =	vor.u32 v21, v45;
	v0 =	vld.idx.msk [tilespmem:v0+s24+$0x0], $0xffff  }
0xe1: {  	v6 =	vor.u32 $0x6, v60  }
0xe2: {  	v8 =	vadd.s32 $0x4, v7  }
0xe3: {  	v11 =	vadd.s32 $0x7, v5;
	v10 =	vand.u32 $0xFFFFFF80, v8  }
0xe4: {  	v9 =	vor.u32 v15, v52;
	v8 =	vand.u32 $0x7F, v8;
	v10 =	vadd.s32 v2, v10  }
0xe5: {  	v8 =	vor.u32 v8, v10;
	v3 =	vld.idx.msk [tilespmem:v3+s15+$0x0], $0xffff;
	[tilespmem:v4+s30+$0x0] =	vst.idx.msk $0xffff, v0;
	v0 =	vand.u32 $0xFFFFFF80, v11  }
0xe6: {  	v10 =	vand.u32 $0x7F, v11;
	v4 =	vld.idx.msk [tilespmem:v6+s15+$0x0], $0xffff;
	v6 =	vor.u32 v22, v45;
	v0 =	vadd.s32 v1, v0  }
0xe7: {  	v0 =	vor.u32 v10, v0;
	_ =	sdelay $0x2  }
0xe8: {  	[tilespmem:v9+s30+$0x0] =	vst.idx.msk $0xffff, v3  }
0xe9: {  	v3 =	vor.u32 v16, v52;
	v8 =	vld.idx.msk [tilespmem:v8+s24+$0x0], $0xffff;
	[tilespmem:v6+s30+$0x0] =	vst.idx.msk $0xffff, v4  }
0xea: {  	v4 =	vor.u32 $0x4, v37;
	v6 =	vor.u32 v20, v45;
	v0 =	vld.idx.msk [tilespmem:v0+s24+$0x0], $0xffff  }
0xeb: {  	v10 =	vor.u32 $0x7, v60  }
0xec: {  	v9 =	vadd.s32 $0x5, v7  }
0xed: {  	v12 =	vor.u32 v17, v52;
	v11 =	vand.u32 $0xFFFFFF80, v9  }
0xee: {  	v9 =	vand.u32 $0x7F, v9;
	v11 =	vadd.s32 v2, v11;
	[tilespmem:v3+s30+$0x0] =	vst.idx.msk $0xffff, v8;
	v3 =	vadd.s32 $0x8, v5  }
0xef: {  	v8 =	vor.u32 v9, v11;
	v4 =	vld.idx.msk [tilespmem:v4+s15+$0x0], $0xffff;
	[tilespmem:v6+s30+$0x0] =	vst.idx.msk $0xffff, v0;
	v0 =	vand.u32 $0xFFFFFF80, v3  }
0xf0: {  	v9 =	vor.u32 v23, v45;
	v3 =	vand.u32 $0x7F, v3;
	v6 =	vld.idx.msk [tilespmem:v10+s15+$0x0], $0xffff;
	v0 =	vadd.s32 v1, v0  }
0xf1: {  	v0 =	vor.u32 v3, v0;
	_ =	sdelay $0x2  }
0xf2: {  	[tilespmem:v12+s30+$0x0] =	vst.idx.msk $0xffff, v4  }
0xf3: {  	v3 =	vor.u32 v18, v52;
	v4 =	vld.idx.msk [tilespmem:v8+s24+$0x0], $0xffff;
	[tilespmem:v9+s30+$0x0] =	vst.idx.msk $0xffff, v6  }
0xf4: {  	v6 =	vor.u32 $0x5, v37;
	v9 =	vor.u32 v24, v45;
	v0 =	vld.idx.msk [tilespmem:v0+s24+$0x0], $0xffff  }
0xf5: {  	v11 =	vor.u32 $0x8, v60  }
0xf6: {  	v8 =	vadd.s32 $0x6, v7  }
0xf7: {  	v12 =	vor.u32 v19, v52;
	v10 =	vand.u32 $0xFFFFFF80, v8  }
0xf8: {  	v8 =	vand.u32 $0x7F, v8;
	v10 =	vadd.s32 v2, v10;
	[tilespmem:v3+s30+$0x0] =	vst.idx.msk $0xffff, v4;
	v3 =	vadd.s32 $0x9, v5  }
0xf9: {  	v8 =	vor.u32 v8, v10;
	v6 =	vld.idx.msk [tilespmem:v6+s15+$0x0], $0xffff;
	[tilespmem:v9+s30+$0x0] =	vst.idx.msk $0xffff, v0;
	v0 =	vand.u32 $0xFFFFFF80, v3  }
0xfa: {  	v3 =	vand.u32 $0x7F, v3;
	v9 =	vld.idx.msk [tilespmem:v11+s15+$0x0], $0xffff;
	v11 =	vor.u32 v25, v45;
	v0 =	vadd.s32 v1, v0  }
0xfb: {  	v0 =	vor.u32 v3, v0;
	_ =	sdelay $0x2  }
0xfc: {  	v13 =	vor.u32 $0x6, v37;
	v14 =	vadd.s32 $0x7, v7;
	v15 =	vadd.s32 $0x8, v7;
	[tilespmem:v12+s30+$0x0] =	vst.idx.msk $0xffff, v6  }
0xfd: {  	v16 =	vor.u32 v20, v52;
	v10 =	vor.u32 v21, v52;
	v8 =	vld.idx.msk [tilespmem:v8+s24+$0x0], $0xffff;
	[tilespmem:v11+s30+$0x0] =	vst.idx.msk $0xffff, v9  }
0xfe: {  	v20 =	vadd.s32 $0xA, v7;
	v19 =	vor.u32 v26, v45;
	v4 =	vand.u32 $0xFFFFFF80, v14;
	v0 =	vld.idx.msk [tilespmem:v0+s24+$0x0], $0xffff  }
0xff: {  	v21 =	vor.u32 $0x9, v60;
	v14 =	vand.u32 $0x7F, v14;
	v4 =	vadd.s32 v2, v4  }
0x100: {  	v18 =	vor.u32 v23, v52;
	v4 =	vor.u32 v14, v4;
	v14 =	vand.u32 $0xFFFFFF80, v15  }
0x101: {  	v15 =	vand.u32 $0x7F, v15;
	v3 =	vor.u32 v22, v52;
	v22 =	vand.u32 $0xFFFFFF80, v20  }
0x102: {  	v20 =	vand.u32 $0x7F, v20;
	v22 =	vadd.s32 v2, v22;
	[tilespmem:v10+s30+$0x0] =	vst.idx.msk $0xffff, v8;
	v8 =	vadd.s32 $0xA, v5  }
0x103: {  	v20 =	vor.u32 v20, v22;
	v10 =	vadd.s32 $0xB, v7;
	[tilespmem:v19+s30+$0x0] =	vst.idx.msk $0xffff, v0;
	v0 =	vand.u32 $0xFFFFFF80, v8  }
0x104: {  	v8 =	vand.u32 $0x7F, v8;
	v19 =	vld.idx.msk [tilespmem:v21+s15+$0x0], $0xffff;
	v21 =	vor.u32 v27, v45;
	v22 =	vadd.s32 v1, v0  }
0x105: {  	v14 =	vadd.s32 v2, v14;
	v13 =	vld.idx.msk [tilespmem:v13+s15+$0x0], $0xffff;
	v23 =	vand.u32 $0xFFFFFF80, v10;
	v8 =	vor.u32 v8, v22  }
0x106: {  	v15 =	vor.u32 v15, v14;
	v10 =	vand.u32 $0x7F, v10;
	v22 =	vadd.s32 v2, v23  }
0x107: {  	v14 =	vadd.s32 $0x9, v7;
	v43 =	vor.u32 v10, v22;
	v22 =	vor.u32 v35, v52  }
0x108: {  	v9 =	vand.u32 $0xFFFFFF80, v14;
	[tilespmem:$0x1F6D0] =	vst v22  }
0x109: {  	v11 =	vand.u32 $0x7F, v14;
	v14 =	vadd.s32 v2, v9;
	v10 =	vadd.s32 $0xC, v7;
	[tilespmem:v21+s30+$0x0] =	vst.idx.msk $0xffff, v19;
	v19 =	vmovc v28  }
0x10a: {  	v22 =	vand.u32 $0xFFFFFF80, v10;
	[tilespmem:v3+s30+$0x0] =	vst.idx.msk $0xffff, v13;
	v3 =	vand.u32 $0x7F, v10;
	v8 =	vld.idx.msk [tilespmem:v8+s24+$0x0], $0xffff;
	v19 =	vor.u32 v19, v45  }
0x10b: {  	v10 =	vadd.s32 v2, v22;
	v13 =	vadd.s32 $0xD, v7;
	v22 =	vor.u32 $0xA, v60;
	v4 =	vld.idx.msk [tilespmem:v4+s24+$0x0], $0xffff  }
0x10c: {  	v33 =	vor.u32 v11, v14;
	v21 =	vand.u32 $0xFFFFFF80, v13  }
0x10d: {  	v40 =	vor.u32 v3, v10;
	v10 =	vand.u32 $0x7F, v13;
	v3 =	vadd.s32 v2, v21  }
0x10e: {  	v11 =	vor.u32 v26, v52;
	v46 =	vld [tilespmem:$0x1FE10];
	v26 =	vor.u32 v10, v3;
	v3 =	vadd.s32 $0xE, v7  }
0x10f: {  	v51 =	vld [tilespmem:$0x1FE20];
	v10 =	vand.u32 $0xFFFFFF80, v3;
	[tilespmem:v19+s30+$0x0] =	vst.idx.msk $0xffff, v8  }
0x110: {  	v3 =	vand.u32 $0x7F, v3;
	v10 =	vadd.s32 v2, v10;
	[tilespmem:v16+s30+$0x0] =	vst.idx.msk $0xffff, v4;
	v16 =	vld.idx.msk [tilespmem:v22+s15+$0x0], $0xffff  }
0x111: {  	v17 =	vor.u32 $0x7, v37;
	v22 =	vor.u32 v3, v10;
	v10 =	vld [tilespmem:$0x1FE40];
	_ =	sdelay $0x1  }
0x112: {  	v4 =	vadd.s32 $0xB, v5  }
0x113: {  	v8 =	vand.u32 $0xFFFFFF80, v4  }
0x114: {  	v4 =	vand.u32 $0x7F, v4;
	v8 =	vadd.s32 v1, v8  }
0x115: {  	v13 =	vld.idx.msk [tilespmem:v17+s15+$0x0], $0xffff;
	v3 =	vor.u32 v4, v8;
	v8 =	vor.u32 v10, v52  }
0x116: {  	[tilespmem:$0x1F700] =	vst v8;
	v8 =	vld [tilespmem:$0x1FE50];
	_ =	sdelay $0x2  }
0x117: {  	v23 =	vmov v29  }
0x118: {  	v17 =	vor.u32 v23, v45  }
0x119: {  	v19 =	vor.u32 v8, v52  }
0x11a: {  	v49 =	vadd.s32 $0x12, v7  }
0x11b: {  	v50 =	vadd.s32 $0x13, v7;
	v21 =	vadd.s32 $0x10, v7;
	v54 =	vld [tilespmem:$0x1FE30];
	v4 =	vadd.s32 $0xF, v7;
	[tilespmem:$0x1F710] =	vst v19  }
0x11c: {  	v6 =	vor.u32 v24, v52;
	v48 =	vand.u32 $0xFFFFFF80, v21;
	v63 =	vld [tilespmem:$0x1FE60];
	[tilespmem:v18+s30+$0x0] =	vst.idx.msk $0xffff, v13;
	v19 =	vmovc v8;
	v8 =	vand.u32 $0xFFFFFF80, v4  }
0x11d: {  	[tilespmem:v17+s30+$0x0] =	vst.idx.msk $0xffff, v16;
	v16 =	vadd.s32 $0x11, v7;
	v4 =	vand.u32 $0x7F, v4;
	v24 =	vadd.s32 v2, v8  }
0x11e: {  	v38 =	vmovc v34;
	v13 =	vld.idx.msk [tilespmem:v15+s24+$0x0], $0xffff;
	v15 =	vand.u32 $0x7F, v21;
	v18 =	vor.u32 v4, v24;
	v4 =	vadd.s32 v2, v48  }
0x11f: {  	v3 =	vld.idx.msk [tilespmem:v3+s24+$0x0], $0xffff;
	v24 =	vor.u32 v38, v45;
	v17 =	vor.u32 v15, v4;
	v4 =	vand.u32 $0xFFFFFF80, v16  }
0x120: {  	v15 =	vor.u32 $0xB, v60;
	v16 =	vand.u32 $0x7F, v16;
	v4 =	vadd.s32 v2, v4  }
0x121: {  	v47 =	vadd.s32 $0x19, v7;
	v21 =	vor.u32 v16, v4;
	v4 =	vand.u32 $0xFFFFFF80, v49  }
0x122: {  	v57 =	vor.u32 v25, v52;
	v16 =	vand.u32 $0x7F, v49;
	v4 =	vadd.s32 v2, v4  }
0x123: {  	v12 =	vor.u32 $0x8, v37;
	[tilespmem:v6+s30+$0x0] =	vst.idx.msk $0xffff, v13;
	v6 =	vadd.s32 $0xC, v5;
	v16 =	vor.u32 v16, v4  }
0x124: {  	v4 =	vand.u32 $0xFFFFFF80, v50;
	[tilespmem:v24+s30+$0x0] =	vst.idx.msk $0xffff, v3;
	v3 =	vand.u32 $0xFFFFFF80, v6;
	v6 =	vand.u32 $0x7F, v6  }
0x125: {  	v24 =	vand.u32 $0x7F, v50;
	v13 =	vld.idx.msk [tilespmem:v15+s15+$0x0], $0xffff;
	v15 =	vor.u32 v35, v45;
	v3 =	vadd.s32 v1, v3  }
0x126: {  	v4 =	vadd.s32 v2, v4;
	v53 =	vor.u32 v6, v3;
	v3 =	vadd.s32 $0x14, v7  }
0x127: {  	v6 =	vor.u32 v24, v4;
	v4 =	vadd.s32 $0x15, v7;
	v24 =	vand.u32 $0xFFFFFF80, v3  }
0x128: {  	v59 =	vmovc v55;
	v12 =	vld.idx.msk [tilespmem:v12+s15+$0x0], $0xffff;
	v3 =	vand.u32 $0x7F, v3;
	v55 =	vand.u32 $0xFFFFFF80, v4;
	v24 =	vadd.s32 v2, v24  }
0x129: {  	v4 =	vand.u32 $0x7F, v4;
	v35 =	vadd.s32 v2, v55;
	v3 =	vor.u32 v3, v24  }
0x12a: {  	v44 =	vor.u32 $0xA, v37;
	v42 =	vor.u32 $0xB, v37;
	[tilespmem:$0x1F7D0] =	vst v3;
	v3 =	vor.u32 v4, v35  }
0x12b: {  	v39 =	vor.u32 v29, v52;
	v41 =	vor.u32 v34, v52;
	v9 =	vor.u32 $0x9, v37;
	[tilespmem:$0x1F7E0] =	vst v3  }
0x12c: {  	v14 =	vor.u32 v27, v52;
	v0 =	vor.u32 v28, v52;
	[tilespmem:v15+s30+$0x0] =	vst.idx.msk $0xffff, v13;
	v13 =	vadd.s32 $0x16, v7  }
0x12d: {  	v29 =	vor.u32 $0xC, v37;
	v48 =	vadd.s32 $0x17, v7;
	[tilespmem:v57+s30+$0x0] =	vst.idx.msk $0xffff, v12;
	v15 =	vand.u32 $0xFFFFFF80, v13  }
0x12e: {  	s17 =	simm.s32 $0x430;
	v57 =	vor.u32 v36, v45;
	v12 =	vld.idx.msk [tilespmem:v53+s24+$0x0], $0xffff;
	v13 =	vand.u32 $0x7F, v13;
	v15 =	vadd.s32 v2, v15  }
0x12f: {  	v28 =	vor.u32 v36, v52;
	v50 =	vand.u32 $0xFFFFFF80, v48;
	v61 =	vld [tilespmem:s17+$0x0];
	v13 =	vor.u32 v13, v15  }
0x130: {  	v34 =	vmovc v45;
	v49 =	vor.u32 $0xC, v60;
	v33 =	vld.idx.msk [tilespmem:v33+s24+$0x0], $0xffff;
	v53 =	vadd.s32 v2, v50;
	[tilespmem:$0x1F7F0] =	vst v13;
	v13 =	vand.u32 $0x7F, v48  }
0x131: {  	v58 =	vmovc v32;
	s19 =	simm.s32 $0x30;
	v27 =	vor.u32 v46, v52;
	v32 =	vor.u32 v46, v34;
	v13 =	vor.u32 v13, v53  }
0x132: {  	v46 =	vor.u32 s19, v31;
	v38 =	vor.u32 $0xD, v37;
	v55 =	vadd.s32 $0xD, v5;
	[tilespmem:$0x1F850] =	vst v13  }
0x133: {  	v24 =	vor.u32 $0xE, v37;
	v35 =	vadd.s32 $0x18, v7;
	[tilespmem:v57+s30+$0x0] =	vst.idx.msk $0xffff, v12;
	v12 =	vand.u32 $0xFFFFFF80, v55  }
0x134: {  	v4 =	vmovc v36;
	v62 =	vand.u32 $0xFFFFFF80, v35;
	v3 =	vmovc v37;
	v37 =	vand.u32 $0x7F, v55;
	v12 =	vadd.s32 v1, v12  }
0x135: {  	[tilespmem:v11+s30+$0x0] =	vst.idx.msk $0xffff, v33;
	v11 =	vand.u32 $0xFFFFFF80, v61;
	v36 =	vld.idx.msk [tilespmem:v49+s15+$0x0], $0xffff;
	v53 =	vor.u32 v37, v12;
	v37 =	vshll.u32 v46, $0x7  }
0x136: {  	v35 =	vand.u32 $0x7F, v35;
	v48 =	vld.idx.msk [tilespmem:v9+s15+$0x0], $0xffff;
	v9 =	vand.u32 $0x7F, v61;
	v11 =	vadd.s32 v37, v11  }
0x137: {  	v49 =	vand.u32 $0xFFFFFF80, v47;
	v50 =	vor.u32 v9, v11;
	v9 =	vadd.s32 v2, v62  }
0x138: {  	s21 =	simm.s32 $0x230;
	v47 =	vand.u32 $0x7F, v47;
	v12 =	vld [tilespmem:s17+$0xFFFFFFF0];
	v55 =	vadd.s32 v2, v49;
	v9 =	vor.u32 v35, v9  }
0x139: {  	v49 =	vld [tilespmem:s21+$0x0];
	[tilespmem:$0x1F920] =	vst v9;
	v9 =	vor.u32 v47, v55  }
0x13a: {  	v62 =	vadd.s32 $0x1A, v7;
	[tilespmem:$0x1F9E0] =	vst v9  }
0x13b: {  	[tilespmem:v32+s30+$0x0] =	vst.idx.msk $0xffff, v36;
	v36 =	vand.u32 $0xFFFFFF80, v62  }
0x13c: {  	v32 =	vadd.s32 v2, v36;
	v36 =	vld [tilespmem:$0x1FE70];
	_ =	sdelay $0x2  }
0x13d: {  	v45 =	vld.idx.msk [tilespmem:v53+s24+$0x0], $0xffff;
	v53 =	vshll.u32 v46, $0x6  }
0x13e: {  	v35 =	vand.u32 $0x7F, v62;
	v47 =	vor.u32 v51, v34;
	v62 =	vand.u32 $0x7FFFFF80, v53  }
0x13f: {  	v57 =	vmov v34;
	s17 =	simm.s32 $0x20;
	v46 =	vor.u32 $0xD, v60;
	v50 =	vld.idx.msk [tilespmem:v50+s24+$0x0], $0xffff;
	v34 =	vor.u32 v36, v62  }
0x140: {  	v25 =	vor.u32 v51, v52;
	v51 =	vor.u32 s17, v31;
	[tilespmem:v14+s30+$0x0] =	vst.idx.msk $0xffff, v48;
	v36 =	vshll.u32 v49, $0x5  }
0x141: {  	v55 =	vand.u32 $0xFFFFFF80, v12;
	v14 =	vshll.u32 v51, $0x7;
	v49 =	vld.idx.msk [tilespmem:v20+s24+$0x0], $0xffff  }
0x142: {  	v23 =	vor.u32 v54, v52;
	v48 =	vadd.s32 v14, v55;
	v53 =	vadd.s32 $0xE, v5  }
0x143: {  	v55 =	vld [tilespmem:s21+$0xFFFFFFF0];
	v9 =	vor.u32 v35, v32;
	v20 =	vand.u32 $0x7F, v12;
	[tilespmem:v47+s30+$0x0] =	vst.idx.msk $0xffff, v45;
	v45 =	vor.u32 v54, v57  }
0x144: {  	v48 =	vor.u32 v20, v48;
	v20 =	vand.u32 $0xFFFFFF80, v53;
	v46 =	vld.idx.msk [tilespmem:v46+s15+$0x0], $0xffff;
	[tilespmem:v34+s30+$0x0] =	vst.idx.msk $0xffff, v50  }
0x145: {  	v33 =	vand.u32 $0x7F, v53;
	v54 =	vadd.s32 $0x1B, v7;
	v20 =	vadd.s32 v1, v20;
	v50 =	vld.idx.msk [tilespmem:v36+s15+$0x0], $0xffff;
	[tilespmem:$0x1FA90] =	vst v9  }
0x146: {  	v53 =	vadd.s32 $0x1, v61;
	v47 =	vor.u32 v33, v20;
	v34 =	vor.u32 v56, v62;
	[tilespmem:v0+s30+$0x0] =	vst.idx.msk $0xffff, v49  }
0x147: {  	v20 =	vand.u32 $0xFFFFFF80, v53;
	v53 =	vand.u32 $0x7F, v53;
	v33 =	vand.u32 $0xFFFFFF80, v54;
	v56 =	vld [tilespmem:$0x1FE70]  }
0x148: {  	v20 =	vadd.s32 v37, v20;
	v32 =	vadd.s32 v2, v33;
	v0 =	vand.u32 $0x7F, v54  }
0x149: {  	v51 =	vshll.u32 v51, $0x6;
	v53 =	vor.u32 v53, v20;
	[tilespmem:v45+s30+$0x0] =	vst.idx.msk $0xffff, v46;
	v0 =	vor.u32 v0, v32  }
0x14a: {  	v35 =	vand.u32 $0x7B80, v51;
	v49 =	vadd.s32 $0x1C, v7;
	v48 =	vld.idx.msk [tilespmem:v48+s24+$0x0], $0xffff;
	[tilespmem:$0x1FBF0] =	vst v0  }
0x14b: {  	v11 =	vshll.u32 v55, $0x5;
	v46 =	vor.u32 v10, v57;
	v33 =	vand.u32 $0xFFFFFF80, v49;
	v45 =	vld.idx.msk [tilespmem:v47+s24+$0x0], $0xffff;
	[tilespmem:v34+s30+$0x0] =	vst.idx.msk $0xffff, v50  }
0x14c: {  	v55 =	vor.u32 $0xE, v60;
	v47 =	vadd.s32 v2, v33;
	v33 =	vld [tilespmem:$0x1FE80];
	v51 =	vor.u32 v56, v35  }
0x14d: {  	v54 =	vadd.s32 $0x1, v12  }
0x14e: {  	v32 =	vmovc v57;
	v57 =	vand.u32 $0xFFFFFF80, v54;
	v54 =	vand.u32 $0x7F, v54;
	v34 =	vld.idx.msk [tilespmem:v53+s24+$0x0], $0xffff;
	v53 =	vor.u32 v58, v62  }
0x14f: {  	v49 =	vand.u32 $0x7F, v49;
	v50 =	vadd.s32 v14, v57;
	v56 =	vor.u32 $0x1, v36  }
0x150: {  	v44 =	vld.idx.msk [tilespmem:v44+s15+$0x0], $0xffff;
	v0 =	vor.u32 v49, v47;
	v50 =	vor.u32 v54, v50;
	[tilespmem:v46+s30+$0x0] =	vst.idx.msk $0xffff, v45  }
0x151: {  	v54 =	vld.idx.msk [tilespmem:v55+s15+$0x0], $0xffff;
	v57 =	vor.u32 v33, v35;
	v33 =	vadd.s32 $0xF, v5;
	[tilespmem:v51+s30+$0x0] =	vst.idx.msk $0xffff, v48  }
0x152: {  	v10 =	vmovc v58;
	v46 =	vor.u32 v19, v32;
	v55 =	vadd.s32 $0x2, v61;
	v58 =	vand.u32 $0xFFFFFF80, v33;
	v51 =	vld.idx.msk [tilespmem:v11+s15+$0x0], $0xffff  }
0x153: {  	[tilespmem:v53+s30+$0x0] =	vst.idx.msk $0xffff, v34;
	v48 =	vand.u32 $0x7F, v33;
	v33 =	vor.u32 v30, v62;
	v45 =	vadd.s32 v1, v58  }
0x154: {  	v34 =	vld.idx.msk [tilespmem:v56+s15+$0x0], $0xffff;
	v58 =	vadd.s32 $0x1D, v7;
	[tilespmem:$0x1F6B0] =	vst v0;
	v45 =	vor.u32 v48, v45;
	v48 =	vand.u32 $0xFFFFFF80, v55  }
0x155: {  	v56 =	vld [tilespmem:$0x1FE80];
	v55 =	vand.u32 $0x7F, v55;
	[tilespmem:v39+s30+$0x0] =	vst.idx.msk $0xffff, v44;
	v39 =	vand.u32 $0xFFFFFF80, v58;
	v48 =	vadd.s32 v37, v48  }
0x156: {  	v58 =	vand.u32 $0x7F, v58;
	v44 =	vadd.s32 v2, v39;
	v47 =	vor.u32 v55, v48  }
0x157: {  	v0 =	vor.u32 v58, v44;
	[tilespmem:v57+s30+$0x0] =	vst.idx.msk $0xffff, v51  }
0x158: {  	v43 =	vld.idx.msk [tilespmem:v43+s24+$0x0], $0xffff;
	[tilespmem:$0x1F6C0] =	vst v0  }
0x159: {  	v44 =	vor.u32 v10, v35;
	v48 =	vld.idx.msk [tilespmem:v50+s24+$0x0], $0xffff;
	[tilespmem:v46+s30+$0x0] =	vst.idx.msk $0xffff, v54  }
0x15a: {  	v50 =	vor.u32 v63, v32;
	[tilespmem:v33+s30+$0x0] =	vst.idx.msk $0xffff, v34;
	v45 =	vld.idx.msk [tilespmem:v45+s24+$0x0], $0xffff  }
0x15b: {  	v58 =	vor.u32 v59, v62;
	v47 =	vld.idx.msk [tilespmem:v47+s24+$0x0], $0xffff;
	_ =	sdelay $0x1  }
0x15c: {  	[tilespmem:v41+s30+$0x0] =	vst.idx.msk $0xffff, v43  }
0x15d: {  	[tilespmem:v44+s30+$0x0] =	vst.idx.msk $0xffff, v48  }
0x15e: {  	v48 =	vld [tilespmem:$0x1FE70];
	[tilespmem:v50+s30+$0x0] =	vst.idx.msk $0xffff, v45  }
0x15f: {  	[tilespmem:v58+s30+$0x0] =	vst.idx.msk $0xffff, v47  }
0x160: {  	v49 =	vor.u32 $0x1, v11;
	v0 =	vld [tilespmem:$0x1F6D0]  }
0x161: {  	v8 =	vor.u32 v63, v52;
	v9 =	vmovc v30;
	v55 =	vor.u32 $0xF, v60;
	v46 =	vadd.s32 $0x1E, v7  }
0x162: {  	v63 =	vadd.s32 $0x2, v12;
	v43 =	vor.u32 v9, v35;
	v34 =	vor.u32 $0x2, v36  }
0x163: {  	v51 =	vand.u32 $0xFFFFFF80, v46;
	v39 =	vand.u32 $0xFFFFFF80, v63;
	v57 =	vand.u32 $0x7F, v63;
	v42 =	vld.idx.msk [tilespmem:v42+s15+$0x0], $0xffff  }
0x164: {  	v46 =	vand.u32 $0x7F, v46;
	v63 =	vadd.s32 v14, v39;
	v39 =	vadd.s32 $0x10, v5;
	v15 =	vld [tilespmem:$0x1FE90]  }
0x165: {  	v51 =	vadd.s32 v2, v51;
	v41 =	vor.u32 v57, v63;
	v63 =	vor.u32 $0x2F, v48;
	v48 =	vld.idx.msk [tilespmem:v49+s15+$0x0], $0xffff  }
0x166: {  	v53 =	vand.u32 $0xFFFFFF80, v39;
	v57 =	vadd.s32 $0x3, v61;
	v50 =	vld.idx.msk [tilespmem:v55+s15+$0x0], $0xffff;
	v49 =	vor.u32 v63, v32  }
0x167: {  	v44 =	vand.u32 $0x7F, v39;
	v45 =	vadd.s32 v1, v53;
	v58 =	vand.u32 $0xFFFFFF80, v57  }
0x168: {  	v53 =	vand.u32 $0x7F, v57;
	v57 =	vor.u32 v46, v51;
	v44 =	vor.u32 v44, v45;
	[tilespmem:v0+s30+$0x0] =	vst.idx.msk $0xffff, v42  }
0x169: {  	v7 =	vadd.s32 $0x1F, v7;
	v47 =	vld.idx.msk [tilespmem:v34+s15+$0x0], $0xffff;
	v34 =	vor.u32 v15, v62;
	[tilespmem:$0x1F6E0] =	vst v57  }
0x16a: {  	v33 =	vand.u32 $0xFFFFFF80, v7;
	v40 =	vld.idx.msk [tilespmem:v40+s24+$0x0], $0xffff;
	[tilespmem:v43+s30+$0x0] =	vst.idx.msk $0xffff, v48  }
0x16b: {  	v7 =	vand.u32 $0x7F, v7;
	v2 =	vadd.s32 v2, v33;
	[tilespmem:v49+s30+$0x0] =	vst.idx.msk $0xffff, v50;
	v41 =	vld.idx.msk [tilespmem:v41+s24+$0x0], $0xffff  }
0x16c: {  	v2 =	vor.u32 v7, v2;
	v43 =	vld [tilespmem:$0x1FE70]  }
0x16d: {  	v44 =	vld.idx.msk [tilespmem:v44+s24+$0x0], $0xffff;
	[tilespmem:$0x1F6F0] =	vst v2  }
0x16e: {  	v45 =	vadd.s32 v37, v58;
	[tilespmem:v34+s30+$0x0] =	vst.idx.msk $0xffff, v47  }
0x16f: {  	v39 =	vor.u32 v53, v45;
	v42 =	vor.u32 v59, v35;
	v0 =	vld [tilespmem:$0x1FEA0];
	_ =	sdelay $0x2  }
0x170: {  	v53 =	vor.u32 $0x10, v43  }
0x171: {  	[tilespmem:v28+s30+$0x0] =	vst.idx.msk $0xffff, v40;
	v59 =	vor.u32 v53, v32  }
0x172: {  	v39 =	vld.idx.msk [tilespmem:v39+s24+$0x0], $0xffff;
	v43 =	vor.u32 $0x2, v11;
	[tilespmem:v42+s30+$0x0] =	vst.idx.msk $0xffff, v41;
	v55 =	vor.u32 v0, v62  }
0x173: {  	v28 =	vld [tilespmem:$0x1FE70]  }
0x174: {  	v7 =	vor.u32 $0x10, v60  }
0x175: {  	v58 =	vadd.s32 $0x3, v12  }
0x176: {  	v45 =	vand.u32 $0x7F, v58;
	v2 =	vand.u32 $0xFFFFFF80, v58;
	v58 =	vadd.s32 $0x11, v5;
	v29 =	vld.idx.msk [tilespmem:v29+s15+$0x0], $0xffff;
	[tilespmem:v59+s30+$0x0] =	vst.idx.msk $0xffff, v44  }
0x177: {  	v57 =	vor.u32 $0x3, v36;
	v2 =	vadd.s32 v14, v2;
	v42 =	vld.idx.msk [tilespmem:v43+s15+$0x0], $0xffff;
	v59 =	vand.u32 $0xFFFFFF80, v58;
	[tilespmem:v55+s30+$0x0] =	vst.idx.msk $0xffff, v39  }
0x178: {  	v40 =	vor.u32 v15, v35;
	v20 =	vor.u32 $0x30, v28;
	v43 =	vadd.s32 v1, v59;
	v59 =	vld [tilespmem:$0x1FEB0]  }
0x179: {  	v2 =	vor.u32 v45, v2;
	v44 =	vor.u32 v20, v32;
	v7 =	vld.idx.msk [tilespmem:v7+s15+$0x0], $0xffff;
	_ =	sdelay $0x2  }
0x17a: {  	v41 =	vand.u32 $0x7F, v58;
	[tilespmem:v27+s30+$0x0] =	vst.idx.msk $0xffff, v29  }
0x17b: {  	v41 =	vor.u32 v41, v43;
	v43 =	vld.idx.msk [tilespmem:v57+s15+$0x0], $0xffff;
	[tilespmem:v40+s30+$0x0] =	vst.idx.msk $0xffff, v42;
	v45 =	vor.u32 v59, v62  }
0x17c: {  	v2 =	vld.idx.msk [tilespmem:v2+s24+$0x0], $0xffff;
	[tilespmem:v44+s30+$0x0] =	vst.idx.msk $0xffff, v7  }
0x17d: {  	v48 =	vor.u32 v0, v35;
	v7 =	vld [tilespmem:$0x1FE70]  }
0x17e: {  	v34 =	vmov v61;
	v61 =	vadd.s32 $0x4, v61  }
0x17f: {  	v33 =	vadd.s32 $0x4, v12;
	v55 =	vand.u32 $0xFFFFFF80, v61;
	v9 =	vld [tilespmem:$0x1FEC0]  }
0x180: {  	v46 =	vand.u32 $0x7F, v61;
	v39 =	vadd.s32 v37, v55;
	v29 =	vand.u32 $0xFFFFFF80, v33;
	v41 =	vld.idx.msk [tilespmem:v41+s24+$0x0], $0xffff;
	[tilespmem:v45+s30+$0x0] =	vst.idx.msk $0xffff, v43  }
0x181: {  	v61 =	vand.u32 $0x7F, v33;
	v39 =	vor.u32 v46, v39;
	v29 =	vadd.s32 v14, v29;
	v0 =	vld [tilespmem:$0x1FED0]  }
0x182: {  	v29 =	vor.u32 v61, v29;
	v61 =	vor.u32 $0x11, v7;
	v10 =	vld [tilespmem:$0x1FEE0];
	[tilespmem:v48+s30+$0x0] =	vst.idx.msk $0xffff, v2  }
0x183: {  	v27 =	vor.u32 $0x3, v11;
	v57 =	vor.u32 v61, v32;
	v48 =	vld [tilespmem:$0x1FE70]  }
0x184: {  	v58 =	vor.u32 $0x11, v60;
	v26 =	vld.idx.msk [tilespmem:v26+s24+$0x0], $0xffff;
	_ =	sdelay $0x1  }
0x185: {  	v33 =	vadd.s32 $0x5, v12;
	v45 =	vor.u32 v9, v62;
	v39 =	vld.idx.msk [tilespmem:v39+s24+$0x0], $0xffff  }
0x186: {  	v55 =	vand.u32 $0xFFFFFF80, v33;
	v40 =	vand.u32 $0x7F, v33;
	v33 =	vor.u32 $0x4, v36  }
0x187: {  	v54 =	vmov v60;
	v46 =	vor.u32 v59, v35;
	v27 =	vld.idx.msk [tilespmem:v27+s15+$0x0], $0xffff;
	[tilespmem:v57+s30+$0x0] =	vst.idx.msk $0xffff, v41;
	v60 =	vor.u32 $0x31, v48  }
0x188: {  	[tilespmem:v25+s30+$0x0] =	vst.idx.msk $0xffff, v26;
	v25 =	vld.idx.msk [tilespmem:v58+s15+$0x0], $0xffff;
	v44 =	vor.u32 v60, v32;
	_ =	sdelay $0x1  }
0x189: {  	[tilespmem:v45+s30+$0x0] =	vst.idx.msk $0xffff, v39  }
0x18a: {  	v39 =	vld.idx.msk [tilespmem:v33+s15+$0x0], $0xffff  }
0x18b: {  	v2 =	vadd.s32 $0x12, v5;
	v43 =	vor.u32 v0, v35;
	v33 =	vor.u32 v0, v62;
	v0 =	vld [tilespmem:$0x1FEF0];
	[tilespmem:v46+s30+$0x0] =	vst.idx.msk $0xffff, v27  }
0x18c: {  	v42 =	vadd.s32 v14, v55;
	v7 =	vor.u32 v9, v35;
	v55 =	vand.u32 $0xFFFFFF80, v2;
	v9 =	vld [tilespmem:$0x1FF10];
	[tilespmem:v44+s30+$0x0] =	vst.idx.msk $0xffff, v25  }
0x18d: {  	v2 =	vand.u32 $0x7F, v2;
	v26 =	vadd.s32 v1, v55;
	v25 =	vld [tilespmem:$0x1FE70]  }
0x18e: {  	v2 =	vor.u32 v2, v26;
	_ =	sdelay $0x1  }
0x18f: {  	v57 =	vadd.s32 $0x5, v34  }
0x190: {  	v38 =	vld.idx.msk [tilespmem:v38+s15+$0x0], $0xffff;
	v48 =	vadd.s32 $0x6, v12;
	v26 =	vand.u32 $0xFFFFFF80, v57  }
0x191: {  	v41 =	vand.u32 $0x7F, v57;
	v58 =	vand.u32 $0xFFFFFF80, v48;
	v57 =	vld.idx.msk [tilespmem:v29+s24+$0x0], $0xffff;
	v13 =	vor.u32 $0x12, v25  }
0x192: {  	v49 =	vadd.s32 v14, v58;
	v44 =	vld.idx.msk [tilespmem:v2+s24+$0x0], $0xffff;
	v58 =	vor.u32 v13, v32;
	_ =	sdelay $0x1  }
0x193: {  	v26 =	vadd.s32 v37, v26;
	[tilespmem:v33+s30+$0x0] =	vst.idx.msk $0xffff, v39  }
0x194: {  	v26 =	vor.u32 v41, v26;
	[tilespmem:v23+s30+$0x0] =	vst.idx.msk $0xffff, v38  }
0x195: {  	v55 =	vadd.s32 $0x7, v12;
	[tilespmem:v7+s30+$0x0] =	vst.idx.msk $0xffff, v57  }
0x196: {  	v27 =	vand.u32 $0xFFFFFF80, v55;
	[tilespmem:v58+s30+$0x0] =	vst.idx.msk $0xffff, v44  }
0x197: {  	v47 =	vor.u32 $0x4, v11;
	v27 =	vadd.s32 v14, v27;
	v25 =	vand.u32 $0x7F, v55;
	v44 =	vld [tilespmem:$0x1FE70]  }
0x198: {  	v2 =	vor.u32 v25, v27;
	v27 =	vor.u32 $0x12, v54  }
0x199: {  	v39 =	vor.u32 v10, v62;
	v26 =	vld.idx.msk [tilespmem:v26+s24+$0x0], $0xffff;
	v25 =	vadd.s32 $0x8, v12  }
0x19a: {  	v38 =	vor.u32 $0x5, v36;
	v29 =	vand.u32 $0xFFFFFF80, v25  }
0x19b: {  	v33 =	vadd.s32 $0x13, v5;
	v25 =	vand.u32 $0x7F, v25;
	v23 =	vadd.s32 v14, v29  }
0x19c: {  	v7 =	vand.u32 $0xFFFFFF80, v33;
	v29 =	vor.u32 v25, v23;
	v25 =	vld.idx.msk [tilespmem:v47+s15+$0x0], $0xffff;
	v58 =	vor.u32 $0x32, v44  }
0x19d: {  	v7 =	vadd.s32 v1, v7;
	v55 =	vand.u32 $0x7F, v33;
	v45 =	vld.idx.msk [tilespmem:v27+s15+$0x0], $0xffff;
	v27 =	vadd.s32 $0x6, v34;
	[tilespmem:$0x1F810] =	vst v58  }
0x19e: {  	v7 =	vor.u32 v55, v7;
	v57 =	vor.u32 v58, v32;
	[tilespmem:v39+s30+$0x0] =	vst.idx.msk $0xffff, v26;
	v26 =	vand.u32 $0xFFFFFF80, v27  }
0x19f: {  	v55 =	vor.u32 v0, v62;
	v27 =	vand.u32 $0x7F, v27;
	v38 =	vld.idx.msk [tilespmem:v38+s15+$0x0], $0xffff;
	v26 =	vadd.s32 v37, v26  }
0x1a0: {  	v33 =	vor.u32 v27, v26  }
0x1a1: {  	v23 =	vadd.s32 $0x9, v12  }
0x1a2: {  	v40 =	vor.u32 v40, v42;
	v41 =	vor.u32 v0, v35;
	v50 =	vand.u32 $0xFFFFFF80, v23;
	v0 =	vld [tilespmem:$0x1FF20];
	[tilespmem:v43+s30+$0x0] =	vst.idx.msk $0xffff, v25  }
0x1a3: {  	v23 =	vand.u32 $0x7F, v23;
	v44 =	vadd.s32 v14, v50;
	v26 =	vadd.s32 $0xA, v12;
	[tilespmem:v57+s30+$0x0] =	vst.idx.msk $0xffff, v45  }
0x1a4: {  	v27 =	vor.u32 v23, v44;
	v23 =	vand.u32 $0xFFFFFF80, v26;
	v25 =	vand.u32 $0x7F, v26;
	v26 =	vld [tilespmem:$0x1FE70];
	[tilespmem:v55+s30+$0x0] =	vst.idx.msk $0xffff, v38  }
0x1a5: {  	v55 =	vld.idx.msk [tilespmem:v33+s24+$0x0], $0xffff  }
0x1a6: {  	v46 =	vor.u32 v9, v35;
	v33 =	vor.u32 v9, v62;
	v9 =	vld [tilespmem:$0x1F700];
	_ =	sdelay $0x1  }
0x1a7: {  	v42 =	vor.u32 v10, v35;
	v40 =	vld.idx.msk [tilespmem:v40+s24+$0x0], $0xffff  }
0x1a8: {  	v22 =	vld.idx.msk [tilespmem:v22+s24+$0x0], $0xffff;
	v57 =	vor.u32 $0x13, v26  }
0x1a9: {  	v7 =	vld.idx.msk [tilespmem:v7+s24+$0x0], $0xffff;
	v43 =	vor.u32 v57, v32;
	_ =	sdelay $0x2  }
0x1aa: {  	v48 =	vand.u32 $0x7F, v48;
	[tilespmem:v42+s30+$0x0] =	vst.idx.msk $0xffff, v40  }
0x1ab: {  	v51 =	vor.u32 $0x5, v11;
	v48 =	vor.u32 v48, v49;
	[tilespmem:v9+s30+$0x0] =	vst.idx.msk $0xffff, v22  }
0x1ac: {  	v50 =	vadd.s32 $0x7, v34;
	v39 =	vadd.s32 $0xC, v12;
	v23 =	vadd.s32 v14, v23;
	v40 =	vld [tilespmem:$0x1FE70];
	[tilespmem:v43+s30+$0x0] =	vst.idx.msk $0xffff, v7  }
0x1ad: {  	v44 =	vor.u32 v0, v35;
	v26 =	vor.u32 v25, v23;
	v23 =	vadd.s32 $0xB, v12;
	[tilespmem:v33+s30+$0x0] =	vst.idx.msk $0xffff, v55  }
0x1ae: {  	v38 =	vor.u32 $0x13, v54;
	v25 =	vand.u32 $0xFFFFFF80, v23;
	v55 =	vor.u32 v0, v62;
	v0 =	vld [tilespmem:$0x1F710]  }
0x1af: {  	v23 =	vand.u32 $0x7F, v23;
	v25 =	vadd.s32 v14, v25;
	v22 =	vor.u32 $0x6, v36  }
0x1b0: {  	v19 =	vand.u32 $0xFFFFFF80, v39;
	v25 =	vor.u32 v23, v25;
	v23 =	vld.idx.msk [tilespmem:v24+s15+$0x0], $0xffff;
	v24 =	vadd.s32 $0x14, v5  }
0x1b1: {  	v39 =	vand.u32 $0x7F, v39;
	v19 =	vadd.s32 v14, v19;
	v7 =	vand.u32 $0xFFFFFF80, v24  }
0x1b2: {  	v24 =	vand.u32 $0x7F, v24;
	v7 =	vadd.s32 v1, v7;
	v49 =	vor.u32 $0x33, v40;
	v40 =	vld.idx.msk [tilespmem:v51+s15+$0x0], $0xffff  }
0x1b3: {  	v38 =	vld.idx.msk [tilespmem:v38+s15+$0x0], $0xffff;
	v7 =	vor.u32 v24, v7;
	v24 =	vand.u32 $0xFFFFFF80, v50;
	v42 =	vor.u32 v49, v32  }
0x1b4: {  	v47 =	vld.idx.msk [tilespmem:v22+s15+$0x0], $0xffff;
	v22 =	vand.u32 $0x7F, v50;
	v24 =	vadd.s32 v37, v24;
	v51 =	vadd.s32 $0xD, v12  }
0x1b5: {  	v33 =	vadd.s32 $0xE, v12;
	v24 =	vor.u32 v22, v24;
	v10 =	vand.u32 $0xFFFFFF80, v51  }
0x1b6: {  	v10 =	vadd.s32 v14, v10;
	[tilespmem:v0+s30+$0x0] =	vst.idx.msk $0xffff, v23;
	v23 =	vor.u32 v39, v19;
	v19 =	vand.u32 $0x7F, v51  }
0x1b7: {  	v18 =	vld.idx.msk [tilespmem:v18+s24+$0x0], $0xffff;
	[tilespmem:v41+s30+$0x0] =	vst.idx.msk $0xffff, v40;
	v22 =	vor.u32 v19, v10;
	v19 =	vand.u32 $0xFFFFFF80, v33  }
0x1b8: {  	v45 =	vand.u32 $0x7F, v33;
	v10 =	vld.idx.msk [tilespmem:v48+s24+$0x0], $0xffff;
	[tilespmem:v42+s30+$0x0] =	vst.idx.msk $0xffff, v38;
	v19 =	vadd.s32 v14, v19  }
0x1b9: {  	v51 =	vld [tilespmem:$0x1FE70];
	v9 =	vor.u32 v45, v19  }
0x1ba: {  	v39 =	vadd.s32 $0xF, v12;
	v7 =	vld.idx.msk [tilespmem:v7+s24+$0x0], $0xffff;
	[tilespmem:$0x1F800] =	vst v9  }
0x1bb: {  	[tilespmem:v55+s30+$0x0] =	vst.idx.msk $0xffff, v47;
	v55 =	vand.u32 $0xFFFFFF80, v39  }
0x1bc: {  	v0 =	vmov v11;
	v39 =	vand.u32 $0x7F, v39;
	v42 =	vadd.s32 v14, v55  }
0x1bd: {  	v40 =	vor.u32 $0x6, v11;
	v48 =	vmovc v0;
	v45 =	vor.u32 $0x7, v0;
	v11 =	vld [tilespmem:$0x1FF00];
	[tilespmem:v46+s30+$0x0] =	vst.idx.msk $0xffff, v10;
	v0 =	vor.u32 v39, v42  }
0x1be: {  	v24 =	vld.idx.msk [tilespmem:v24+s24+$0x0], $0xffff;
	[tilespmem:$0x1F890] =	vst v0  }
0x1bf: {  	v50 =	vor.u32 $0x14, v51;
	[tilespmem:v8+s30+$0x0] =	vst.idx.msk $0xffff, v18  }
0x1c0: {  	v38 =	vor.u32 v50, v32;
	v46 =	vld [tilespmem:$0x1FE70];
	_ =	sdelay $0x1  }
0x1c1: {  	v41 =	vor.u32 $0x14, v54  }
0x1c2: {  	v33 =	vor.u32 v11, v62  }
0x1c3: {  	v8 =	vld.idx.msk [tilespmem:v40+s15+$0x0], $0xffff  }
0x1c4: {  	v30 =	vor.u32 $0xF, v3;
	[tilespmem:v38+s30+$0x0] =	vst.idx.msk $0xffff, v7;
	v9 =	vor.u32 $0x34, v46  }
0x1c5: {  	v51 =	vor.u32 $0x7, v36;
	[tilespmem:$0x1F8D0] =	vst v9  }
0x1c6: {  	v39 =	vadd.s32 $0x10, v12;
	v38 =	vor.u32 v9, v32;
	v41 =	vld.idx.msk [tilespmem:v41+s15+$0x0], $0xffff  }
0x1c7: {  	v18 =	vand.u32 $0xFFFFFF80, v39;
	[tilespmem:v33+s30+$0x0] =	vst.idx.msk $0xffff, v24  }
0x1c8: {  	v55 =	vadd.s32 $0x15, v5;
	v7 =	vadd.s32 v14, v18;
	v0 =	vld [tilespmem:$0x1FF30];
	[tilespmem:v44+s30+$0x0] =	vst.idx.msk $0xffff, v8;
	v8 =	vand.u32 $0x7F, v39  }
0x1c9: {  	v18 =	vand.u32 $0xFFFFFF80, v55;
	v30 =	vld.idx.msk [tilespmem:v30+s15+$0x0], $0xffff;
	v7 =	vor.u32 v8, v7  }
0x1ca: {  	v40 =	vand.u32 $0x7F, v55;
	v18 =	vadd.s32 v1, v18;
	v33 =	vor.u32 v63, v52;
	v42 =	vld.idx.msk [tilespmem:v51+s15+$0x0], $0xffff;
	[tilespmem:$0x1F940] =	vst v7  }
0x1cb: {  	v18 =	vor.u32 v40, v18;
	[tilespmem:v38+s30+$0x0] =	vst.idx.msk $0xffff, v41  }
0x1cc: {  	v55 =	vor.u32 v11, v35;
	v24 =	vadd.s32 $0x8, v34;
	v51 =	vadd.s32 $0x11, v12;
	v41 =	vld [tilespmem:$0x1FE70]  }
0x1cd: {  	v47 =	vand.u32 $0xFFFFFF80, v24;
	v24 =	vand.u32 $0x7F, v24;
	v7 =	vand.u32 $0xFFFFFF80, v51  }
0x1ce: {  	v39 =	vand.u32 $0x7F, v51;
	v7 =	vadd.s32 v14, v7;
	v46 =	vor.u32 v0, v62  }
0x1cf: {  	v40 =	vadd.s32 v37, v47;
	v2 =	vld.idx.msk [tilespmem:v2+s24+$0x0], $0xffff;
	v7 =	vor.u32 v39, v7;
	[tilespmem:v33+s30+$0x0] =	vst.idx.msk $0xffff, v30  }
0x1d0: {  	v24 =	vor.u32 v24, v40;
	v18 =	vld.idx.msk [tilespmem:v18+s24+$0x0], $0xffff;
	[tilespmem:$0x1F9B0] =	vst v7  }
0x1d1: {  	v38 =	vor.u32 v53, v52;
	v33 =	vadd.s32 $0x12, v12;
	v17 =	vld.idx.msk [tilespmem:v17+s24+$0x0], $0xffff;
	v8 =	vor.u32 $0x15, v41  }
0x1d2: {  	v47 =	vand.u32 $0xFFFFFF80, v33;
	v30 =	vor.u32 v8, v32  }
0x1d3: {  	[tilespmem:v46+s30+$0x0] =	vst.idx.msk $0xffff, v42;
	v41 =	vand.u32 $0x7F, v33;
	v42 =	vadd.s32 v14, v47  }
0x1d4: {  	v7 =	vld [tilespmem:$0x1FFA0];
	[tilespmem:v55+s30+$0x0] =	vst.idx.msk $0xffff, v2;
	v2 =	vor.u32 v41, v42  }
0x1d5: {  	v24 =	vld.idx.msk [tilespmem:v24+s24+$0x0], $0xffff;
	[tilespmem:$0x1FA40] =	vst v2  }
0x1d6: {  	[tilespmem:v38+s30+$0x0] =	vst.idx.msk $0xffff, v17  }
0x1d7: {  	[tilespmem:v30+s30+$0x0] =	vst.idx.msk $0xffff, v18  }
0x1d8: {  	v38 =	vld [tilespmem:$0x1FE70]  }
0x1d9: {  	v39 =	vor.u32 $0x15, v54  }
0x1da: {  	v40 =	vadd.s32 $0x13, v12;
	v43 =	vor.u32 v7, v62  }
0x1db: {  	v28 =	vor.u32 $0x10, v3;
	v51 =	vadd.s32 $0x16, v5;
	v55 =	vand.u32 $0xFFFFFF80, v40  }
0x1dc: {  	v33 =	vand.u32 $0xFFFFFF80, v51;
	v42 =	vor.u32 v0, v35;
	v44 =	vld.idx.msk [tilespmem:v45+s15+$0x0], $0xffff;
	v17 =	vadd.s32 v14, v55  }
0x1dd: {  	v18 =	vand.u32 $0x7F, v51;
	v30 =	vadd.s32 v1, v33;
	v10 =	vor.u32 $0x35, v38  }
0x1de: {  	v30 =	vor.u32 v18, v30;
	v18 =	vand.u32 $0x7F, v40;
	v38 =	vld.idx.msk [tilespmem:v39+s15+$0x0], $0xffff;
	v55 =	vor.u32 v10, v32  }
0x1df: {  	v0 =	vor.u32 v18, v17;
	[tilespmem:v43+s30+$0x0] =	vst.idx.msk $0xffff, v24  }
0x1e0: {  	v28 =	vld.idx.msk [tilespmem:v28+s15+$0x0], $0xffff;
	[tilespmem:$0x1FB00] =	vst v0  }
0x1e1: {  	[tilespmem:v42+s30+$0x0] =	vst.idx.msk $0xffff, v44  }
0x1e2: {  	v51 =	vor.u32 $0x8, v36;
	v0 =	vld [tilespmem:$0x1FF80]  }
0x1e3: {  	v33 =	vor.u32 v20, v52;
	v24 =	vadd.s32 $0x9, v34;
	[tilespmem:v55+s30+$0x0] =	vst.idx.msk $0xffff, v38  }
0x1e4: {  	v17 =	vand.u32 $0xFFFFFF80, v24;
	v38 =	vld [tilespmem:$0x1FE70]  }
0x1e5: {  	v47 =	vadd.s32 $0x14, v12;
	v24 =	vand.u32 $0x7F, v24;
	v17 =	vadd.s32 v37, v17  }
0x1e6: {  	v17 =	vor.u32 v24, v17;
	v24 =	vand.u32 $0xFFFFFF80, v47  }
0x1e7: {  	v42 =	vand.u32 $0x7F, v47;
	v41 =	vld.idx.msk [tilespmem:v51+s15+$0x0], $0xffff;
	v24 =	vadd.s32 v14, v24;
	v43 =	vor.u32 v0, v62  }
0x1e8: {  	v51 =	vor.u32 v7, v35;
	v7 =	vor.u32 v42, v24;
	[tilespmem:v33+s30+$0x0] =	vst.idx.msk $0xffff, v28  }
0x1e9: {  	v29 =	vld.idx.msk [tilespmem:v29+s24+$0x0], $0xffff;
	v55 =	vadd.s32 $0x15, v12;
	[tilespmem:$0x1FCE0] =	vst v7;
	v2 =	vor.u32 $0x16, v38  }
0x1ea: {  	v24 =	vand.u32 $0xFFFFFF80, v55;
	v30 =	vld.idx.msk [tilespmem:v30+s24+$0x0], $0xffff;
	v33 =	vor.u32 v2, v32  }
0x1eb: {  	v24 =	vadd.s32 v14, v24;
	v38 =	vand.u32 $0x7F, v55  }
0x1ec: {  	[tilespmem:v43+s30+$0x0] =	vst.idx.msk $0xffff, v41;
	v24 =	vor.u32 v38, v24  }
0x1ed: {  	[tilespmem:$0x1F720] =	vst v24  }
0x1ee: {  	[tilespmem:v51+s30+$0x0] =	vst.idx.msk $0xffff, v29  }
0x1ef: {  	v7 =	vmov v2;
	v2 =	vld [tilespmem:$0x1FF70];
	[tilespmem:v33+s30+$0x0] =	vst.idx.msk $0xffff, v30  }
0x1f0: {  	v46 =	vadd.s32 $0x17, v5;
	v44 =	vld [tilespmem:$0x1FE70]  }
0x1f1: {  	v45 =	vor.u32 $0x8, v48;
	v47 =	vand.u32 $0xFFFFFF80, v46  }
0x1f2: {  	v40 =	vand.u32 $0x7F, v46;
	v38 =	vadd.s32 v1, v47;
	v24 =	vor.u32 $0x16, v54  }
0x1f3: {  	v38 =	vor.u32 v40, v38;
	v40 =	vor.u32 v61, v52;
	v21 =	vld.idx.msk [tilespmem:v21+s24+$0x0], $0xffff  }
0x1f4: {  	v42 =	vor.u32 $0x11, v3;
	v39 =	vor.u32 v0, v35;
	v29 =	vadd.s32 $0x16, v12  }
0x1f5: {  	v17 =	vld.idx.msk [tilespmem:v17+s24+$0x0], $0xffff;
	v51 =	vand.u32 $0xFFFFFF80, v29;
	v55 =	vor.u32 v2, v62;
	v0 =	vor.u32 $0x36, v44  }
0x1f6: {  	v29 =	vand.u32 $0x7F, v29;
	v41 =	vadd.s32 v14, v51;
	v30 =	vld.idx.msk [tilespmem:v45+s15+$0x0], $0xffff;
	v33 =	vadd.s32 $0xA, v34;
	[tilespmem:$0x1F830] =	vst v0  }
0x1f7: {  	v45 =	vor.u32 $0x9, v36;
	v51 =	vand.u32 $0xFFFFFF80, v33;
	v46 =	vor.u32 v0, v32;
	v24 =	vld.idx.msk [tilespmem:v24+s15+$0x0], $0xffff  }
0x1f8: {  	v47 =	vadd.s32 v37, v51;
	v44 =	vand.u32 $0x7F, v33;
	[tilespmem:v40+s30+$0x0] =	vst.idx.msk $0xffff, v21;
	v21 =	vor.u32 v29, v41  }
0x1f9: {  	v33 =	vadd.s32 $0x18, v12;
	v29 =	vadd.s32 $0x17, v12;
	v40 =	vor.u32 v60, v52;
	[tilespmem:$0x1F730] =	vst v21  }
0x1fa: {  	v51 =	vand.u32 $0x7F, v33;
	v21 =	vor.u32 v44, v47;
	[tilespmem:v55+s30+$0x0] =	vst.idx.msk $0xffff, v17;
	v17 =	vld.idx.msk [tilespmem:v42+s15+$0x0], $0xffff;
	v55 =	vand.u32 $0xFFFFFF80, v29  }
0x1fb: {  	v47 =	vand.u32 $0xFFFFFF80, v33;
	[tilespmem:v39+s30+$0x0] =	vst.idx.msk $0xffff, v30;
	v29 =	vand.u32 $0x7F, v29;
	v30 =	vadd.s32 v14, v55  }
0x1fc: {  	v39 =	vadd.s32 v14, v47;
	v27 =	vld.idx.msk [tilespmem:v27+s24+$0x0], $0xffff;
	v0 =	vor.u32 v29, v30;
	[tilespmem:v46+s30+$0x0] =	vst.idx.msk $0xffff, v24  }
0x1fd: {  	v29 =	vor.u32 v51, v39;
	v24 =	vld.idx.msk [tilespmem:v45+s15+$0x0], $0xffff;
	[tilespmem:$0x1F740] =	vst v0  }
0x1fe: {  	[tilespmem:$0x1F750] =	vst v29  }
0x1ff: {  	v11 =	vld [tilespmem:$0x1FF60];
	[tilespmem:v40+s30+$0x0] =	vst.idx.msk $0xffff, v17  }
0x200: {  	v51 =	vld [tilespmem:$0x1FE70]  }
0x201: {  	v55 =	vadd.s32 $0x19, v12  }
0x202: {  	v33 =	vand.u32 $0xFFFFFF80, v55  }
0x203: {  	v29 =	vadd.s32 v14, v33;
	v17 =	vand.u32 $0x7F, v55  }
0x204: {  	v17 =	vor.u32 v17, v29  }
0x205: {  	v44 =	vor.u32 v2, v35;
	[tilespmem:$0x1F760] =	vst v17;
	v0 =	vor.u32 $0x17, v51  }
0x206: {  	v42 =	vor.u32 v11, v62;
	[tilespmem:$0x1F860] =	vst v0  }
0x207: {  	v29 =	vor.u32 v0, v32;
	v17 =	vld.idx.msk [tilespmem:v38+s24+$0x0], $0xffff;
	_ =	sdelay $0x2  }
0x208: {  	[tilespmem:v44+s30+$0x0] =	vst.idx.msk $0xffff, v27  }
0x209: {  	[tilespmem:v42+s30+$0x0] =	vst.idx.msk $0xffff, v24  }
0x20a: {  	v2 =	vld [tilespmem:$0x1FF40];
	[tilespmem:v29+s30+$0x0] =	vst.idx.msk $0xffff, v17  }
0x20b: {  	v29 =	vld [tilespmem:$0x1FE70]  }
0x20c: {  	v30 =	vor.u32 $0x9, v48  }
0x20d: {  	v16 =	vld.idx.msk [tilespmem:v16+s24+$0x0], $0xffff;
	v24 =	vor.u32 v13, v52  }
0x20e: {  	v47 =	vadd.s32 $0x1A, v12;
	v39 =	vor.u32 $0x17, v54  }
0x20f: {  	v41 =	vand.u32 $0x7F, v47;
	v55 =	vadd.s32 $0x18, v5;
	v21 =	vld.idx.msk [tilespmem:v21+s24+$0x0], $0xffff;
	v38 =	vor.u32 v2, v62  }
0x210: {  	v46 =	vor.u32 $0x12, v3;
	v33 =	vand.u32 $0xFFFFFF80, v55;
	v0 =	vor.u32 $0x37, v29  }
0x211: {  	v45 =	vadd.s32 v1, v33;
	v51 =	vand.u32 $0xFFFFFF80, v47;
	v30 =	vld.idx.msk [tilespmem:v30+s15+$0x0], $0xffff;
	v29 =	vadd.s32 $0xB, v34;
	[tilespmem:$0x1F8B0] =	vst v0  }
0x212: {  	v33 =	vor.u32 v11, v35;
	v42 =	vadd.s32 v14, v51;
	[tilespmem:v24+s30+$0x0] =	vst.idx.msk $0xffff, v16;
	v24 =	vand.u32 $0xFFFFFF80, v29  }
0x213: {  	v16 =	vld.idx.msk [tilespmem:v39+s15+$0x0], $0xffff;
	v29 =	vand.u32 $0x7F, v29;
	v39 =	vor.u32 v0, v32;
	v24 =	vadd.s32 v37, v24  }
0x214: {  	v17 =	vor.u32 $0xA, v36;
	[tilespmem:v38+s30+$0x0] =	vst.idx.msk $0xffff, v21;
	v21 =	vor.u32 v29, v24;
	v24 =	vor.u32 v41, v42  }
0x215: {  	v51 =	vor.u32 v58, v52;
	v40 =	vld.idx.msk [tilespmem:v46+s15+$0x0], $0xffff;
	[tilespmem:$0x1F770] =	vst v24;
	v24 =	vadd.s32 $0x1B, v12  }
0x216: {  	v29 =	vand.u32 $0xFFFFFF80, v24  }
0x217: {  	[tilespmem:v33+s30+$0x0] =	vst.idx.msk $0xffff, v30;
	v24 =	vand.u32 $0x7F, v24;
	v29 =	vadd.s32 v14, v29  }
0x218: {  	v27 =	vand.u32 $0x7F, v55;
	v55 =	vmov v3;
	v3 =	vld [tilespmem:$0x1FF50];
	[tilespmem:v39+s30+$0x0] =	vst.idx.msk $0xffff, v16;
	v0 =	vor.u32 v24, v29  }
0x219: {  	v17 =	vld.idx.msk [tilespmem:v17+s15+$0x0], $0xffff;
	[tilespmem:$0x1F780] =	vst v0  }
0x21a: {  	v30 =	vadd.s32 $0x19, v5;
	[tilespmem:v51+s30+$0x0] =	vst.idx.msk $0xffff, v40  }
0x21b: {  	v33 =	vand.u32 $0xFFFFFF80, v30;
	v16 =	vand.u32 $0x7F, v30;
	v30 =	vld [tilespmem:$0x1FE70];
	_ =	sdelay $0x1  }
0x21c: {  	v27 =	vor.u32 v27, v45;
	_ =	sdelay $0x1  }
0x21d: {  	v58 =	vor.u32 v3, v62  }
0x21e: {  	v0 =	vor.u32 $0x18, v30  }
0x21f: {  	v24 =	vadd.s32 v1, v33;
	v26 =	vld.idx.msk [tilespmem:v26+s24+$0x0], $0xffff;
	[tilespmem:$0x1F930] =	vst v0  }
0x220: {  	v29 =	vor.u32 v2, v35;
	v16 =	vor.u32 v16, v24;
	v30 =	vadd.s32 $0x1C, v12;
	v24 =	vld.idx.msk [tilespmem:v27+s24+$0x0], $0xffff  }
0x221: {  	v43 =	vand.u32 $0xFFFFFF80, v30;
	v27 =	vor.u32 v0, v32;
	v6 =	vld.idx.msk [tilespmem:v6+s24+$0x0], $0xffff;
	[tilespmem:$0x1FB10] =	vst v57  }
0x222: {  	v45 =	vor.u32 v57, v52;
	v39 =	vadd.s32 v14, v43;
	[tilespmem:v58+s30+$0x0] =	vst.idx.msk $0xffff, v17;
	v17 =	vand.u32 $0x7F, v30  }
0x223: {  	v17 =	vor.u32 v17, v39  }
0x224: {  	[tilespmem:$0x1F790] =	vst v17  }
0x225: {  	v0 =	vld [tilespmem:$0x1FF90];
	[tilespmem:v29+s30+$0x0] =	vst.idx.msk $0xffff, v26  }
0x226: {  	[tilespmem:v27+s30+$0x0] =	vst.idx.msk $0xffff, v24  }
0x227: {  	[tilespmem:v45+s30+$0x0] =	vst.idx.msk $0xffff, v6  }
0x228: {  	v41 =	vld [tilespmem:$0x1FE70]  }
0x229: {  	v44 =	vor.u32 $0xA, v48  }
0x22a: {  	v17 =	vld.idx.msk [tilespmem:v21+s24+$0x0], $0xffff;
	v21 =	vor.u32 v0, v62  }
0x22b: {  	v51 =	vadd.s32 $0x1D, v12;
	v30 =	vor.u32 $0x18, v54  }
0x22c: {  	v46 =	vadd.s32 $0xC, v34;
	v2 =	vmov v57;
	v57 =	vand.u32 $0xFFFFFF80, v51  }
0x22d: {  	v58 =	vor.u32 v3, v35;
	v29 =	vor.u32 $0x13, v55;
	v3 =	vor.u32 $0x38, v41  }
0x22e: {  	v47 =	vand.u32 $0xFFFFFF80, v46;
	v38 =	vand.u32 $0x7F, v51;
	v39 =	vadd.s32 v14, v57;
	v6 =	vld.idx.msk [tilespmem:v44+s15+$0x0], $0xffff;
	[tilespmem:$0x1F960] =	vst v3  }
0x22f: {  	v33 =	vadd.s32 $0x1E, v12;
	v26 =	vand.u32 $0x7F, v46;
	[tilespmem:v21+s30+$0x0] =	vst.idx.msk $0xffff, v17;
	v21 =	vor.u32 v38, v39  }
0x230: {  	v24 =	vadd.s32 v37, v47;
	v41 =	vor.u32 v3, v32;
	v30 =	vld.idx.msk [tilespmem:v30+s15+$0x0], $0xffff;
	[tilespmem:$0x1F7A0] =	vst v21;
	v21 =	vand.u32 $0xFFFFFF80, v33  }
0x231: {  	v17 =	vor.u32 v26, v24;
	v26 =	vand.u32 $0x7F, v33;
	v21 =	vadd.s32 v14, v21  }
0x232: {  	v24 =	vld.idx.msk [tilespmem:v29+s15+$0x0], $0xffff;
	[tilespmem:$0x1FBE0] =	vst v49;
	v21 =	vor.u32 v26, v21  }
0x233: {  	[tilespmem:$0x1F7B0] =	vst v21  }
0x234: {  	v27 =	vor.u32 $0xB, v36;
	v18 =	vld [tilespmem:$0x1FFB0];
	[tilespmem:v58+s30+$0x0] =	vst.idx.msk $0xffff, v6  }
0x235: {  	[tilespmem:v41+s30+$0x0] =	vst.idx.msk $0xffff, v30  }
0x236: {  	v30 =	vld [tilespmem:$0x1FE70];
	_ =	sdelay $0x1  }
0x237: {  	v29 =	vor.u32 v49, v52  }
0x238: {  	v21 =	vld.idx.msk [tilespmem:v27+s15+$0x0], $0xffff;
	v26 =	vor.u32 v18, v62;
	_ =	sdelay $0x1  }
0x239: {  	v3 =	vor.u32 $0x19, v30  }
0x23a: {  	v25 =	vld.idx.msk [tilespmem:v25+s24+$0x0], $0xffff;
	[tilespmem:$0x1F9F0] =	vst v3  }
0x23b: {  	[tilespmem:v29+s30+$0x0] =	vst.idx.msk $0xffff, v24  }
0x23c: {  	[tilespmem:v26+s30+$0x0] =	vst.idx.msk $0xffff, v21  }
0x23d: {  	v27 =	vadd.s32 $0x1A, v5;
	v24 =	vor.u32 v0, v35;
	v0 =	vld [tilespmem:$0x1F7D0]  }
0x23e: {  	v6 =	vadd.s32 $0x1F, v12;
	v12 =	vand.u32 $0xFFFFFF80, v27  }
0x23f: {  	v27 =	vand.u32 $0x7F, v27;
	v12 =	vadd.s32 v1, v12  }
0x240: {  	v12 =	vor.u32 v27, v12;
	v30 =	vand.u32 $0xFFFFFF80, v6  }
0x241: {  	v6 =	vand.u32 $0x7F, v6;
	v14 =	vadd.s32 v14, v30;
	v27 =	vor.u32 v3, v32;
	v16 =	vld.idx.msk [tilespmem:v16+s24+$0x0], $0xffff  }
0x242: {  	s19 =	simm.s32 $0x450;
	v6 =	vor.u32 v6, v14  }
0x243: {  	v46 =	vld [tilespmem:s19+$0x0];
	[tilespmem:$0x1F7C0] =	vst v6  }
0x244: {  	v17 =	vld.idx.msk [tilespmem:v17+s24+$0x0], $0xffff  }
0x245: {  	v3 =	vld.idx.msk [tilespmem:v0+s24+$0x0], $0xffff;
	[tilespmem:$0x1FD00] =	vst v50  }
0x246: {  	[tilespmem:v27+s30+$0x0] =	vst.idx.msk $0xffff, v16  }
0x247: {  	v27 =	vld [tilespmem:$0x1FE70];
	_ =	sdelay $0x1  }
0x248: {  	v29 =	vor.u32 $0x19, v54;
	_ =	sdelay $0x2  }
0x249: {  	v30 =	vor.u32 v50, v52;
	v14 =	vadd.s32 $0xD, v34;
	v0 =	vor.u32 $0x39, v27  }
0x24a: {  	v47 =	vor.u32 v4, v62;
	v21 =	vand.u32 $0xFFFFFF80, v14;
	v26 =	vand.u32 $0x7F, v14;
	v14 =	vld [tilespmem:s19+$0xFFFFFFF0];
	[tilespmem:$0x1FA30] =	vst v0  }
0x24b: {  	[tilespmem:v24+s30+$0x0] =	vst.idx.msk $0xffff, v25;
	v24 =	vld.idx.msk [tilespmem:v29+s15+$0x0], $0xffff;
	v25 =	vor.u32 v0, v32;
	_ =	sdelay $0x2  }
0x24c: {  	v6 =	vor.u32 $0xB, v48;
	[tilespmem:v30+s30+$0x0] =	vst.idx.msk $0xffff, v3  }
0x24d: {  	[tilespmem:v47+s30+$0x0] =	vst.idx.msk $0xffff, v17  }
0x24e: {  	v30 =	vor.u32 v9, v52;
	v9 =	vld [tilespmem:$0x1FE10];
	[tilespmem:v25+s30+$0x0] =	vst.idx.msk $0xffff, v24  }
0x24f: {  	v45 =	vor.u32 $0x14, v55;
	v25 =	vld [tilespmem:$0x1FE70]  }
0x250: {  	v16 =	vor.u32 $0xC, v36  }
0x251: {  	v19 =	vmov v20;
	v20 =	vmov v50;
	v50 =	vor.u32 v18, v35;
	v6 =	vld.idx.msk [tilespmem:v6+s15+$0x0], $0xffff;
	_ =	sdelay $0x2  }
0x252: {  	v17 =	vld.idx.msk [tilespmem:v45+s15+$0x0], $0xffff;
	v0 =	vor.u32 $0x1A, v25  }
0x253: {  	v16 =	vld.idx.msk [tilespmem:v16+s15+$0x0], $0xffff;
	v33 =	vor.u32 v9, v62;
	[tilespmem:$0x1FAA0] =	vst v0  }
0x254: {  	v45 =	vor.u32 v0, v32;
	[tilespmem:v50+s30+$0x0] =	vst.idx.msk $0xffff, v6;
	v6 =	vld.idx.msk [tilespmem:v12+s24+$0x0], $0xffff;
	_ =	sdelay $0x2  }
0x255: {  	[tilespmem:v30+s30+$0x0] =	vst.idx.msk $0xffff, v17  }
0x256: {  	[tilespmem:v33+s30+$0x0] =	vst.idx.msk $0xffff, v16  }
0x257: {  	s0 =	simm.s32 $0x50;
	v18 =	vld [tilespmem:$0x1FE20];
	[tilespmem:v45+s30+$0x0] =	vst.idx.msk $0xffff, v6  }
0x258: {  	v21 =	vadd.s32 v37, v21;
	v27 =	vor.u32 s0, v31;
	v0 =	vld [tilespmem:$0x1F7E0]  }
0x259: {  	v21 =	vor.u32 v26, v21;
	v51 =	vshll.u32 v27, $0x7;
	v29 =	vand.u32 $0xFFFFFF80, v46  }
0x25a: {  	v57 =	vand.u32 $0x7F, v46;
	v29 =	vadd.s32 v51, v29;
	v25 =	vadd.s32 $0x1B, v5  }
0x25b: {  	v26 =	vor.u32 v57, v29;
	v12 =	vand.u32 $0xFFFFFF80, v25;
	v57 =	vld [tilespmem:$0x1FE70]  }
0x25c: {  	v25 =	vand.u32 $0x7F, v25;
	v50 =	vadd.s32 $0xE, v34;
	v12 =	vadd.s32 v1, v12  }
0x25d: {  	v23 =	vld.idx.msk [tilespmem:v23+s24+$0x0], $0xffff;
	v30 =	vand.u32 $0xFFFFFF80, v50;
	v17 =	vor.u32 v25, v12;
	v12 =	vor.u32 v4, v35  }
0x25e: {  	v16 =	vand.u32 $0x7F, v50;
	v30 =	vadd.s32 v37, v30  }
0x25f: {  	v21 =	vld.idx.msk [tilespmem:v21+s24+$0x0], $0xffff;
	v16 =	vor.u32 v16, v30;
	v30 =	vor.u32 v18, v62  }
0x260: {  	s1 =	simm.s32 $0x250;
	v6 =	vor.u32 v8, v52;
	v4 =	vld.idx.msk [tilespmem:v0+s24+$0x0], $0xffff;
	v0 =	vor.u32 $0x3A, v57  }
0x261: {  	v25 =	vld [tilespmem:s1+$0x0];
	[tilespmem:$0x1FB20] =	vst v0  }
0x262: {  	s21 =	simm.s32 $0x40;
	v47 =	vor.u32 $0x1A, v54;
	[tilespmem:v12+s30+$0x0] =	vst.idx.msk $0xffff, v23  }
0x263: {  	v29 =	vor.u32 s21, v31;
	v23 =	vld [tilespmem:$0x1FE70]  }
0x264: {  	v58 =	vand.u32 $0xFFFFFF80, v14;
	v3 =	vshll.u32 v29, $0x7;
	[tilespmem:v30+s30+$0x0] =	vst.idx.msk $0xffff, v21  }
0x265: {  	v39 =	vor.u32 $0xC, v48;
	v44 =	vand.u32 $0x7F, v14;
	v38 =	vadd.s32 v3, v58;
	[tilespmem:v6+s30+$0x0] =	vst.idx.msk $0xffff, v4  }
0x266: {  	v27 =	vshll.u32 v27, $0x6;
	v24 =	vor.u32 v44, v38;
	v38 =	vor.u32 $0xD, v36;
	v57 =	vld [tilespmem:$0x1FE30]  }
0x267: {  	v58 =	vadd.s32 $0x1, v46;
	v33 =	vand.u32 $0x7FFFFF80, v27;
	v40 =	vor.u32 v0, v32;
	v27 =	vld.idx.msk [tilespmem:v47+s15+$0x0], $0xffff  }
0x268: {  	v12 =	vld.idx.msk [tilespmem:v26+s24+$0x0], $0xffff;
	v47 =	vshll.u32 v25, $0x5;
	v25 =	vand.u32 $0xFFFFFF80, v58;
	v23 =	vor.u32 v23, v33  }
0x269: {  	v44 =	vand.u32 $0x7F, v58;
	v45 =	vadd.s32 $0x1, v14;
	v25 =	vadd.s32 v51, v25  }
0x26a: {  	v11 =	vmovc v49;
	v49 =	vand.u32 $0xFFFFFF80, v45;
	v26 =	vld.idx.msk [tilespmem:v39+s15+$0x0], $0xffff;
	v21 =	vor.u32 v44, v25;
	v25 =	vor.u32 v9, v35  }
0x26b: {  	v58 =	vadd.s32 $0x1C, v5;
	v44 =	vor.u32 $0x15, v55;
	v6 =	vld.idx.msk [tilespmem:v38+s15+$0x0], $0xffff;
	v38 =	vor.u32 v57, v62  }
0x26c: {  	v4 =	vand.u32 $0x7F, v45;
	v45 =	vand.u32 $0xFFFFFF80, v58;
	[tilespmem:v40+s30+$0x0] =	vst.idx.msk $0xffff, v27;
	v27 =	vadd.s32 v3, v49  }
0x26d: {  	v30 =	vld [tilespmem:s1+$0xFFFFFFF0];
	[tilespmem:v23+s30+$0x0] =	vst.idx.msk $0xffff, v12;
	v23 =	vor.u32 v4, v27;
	v4 =	vand.u32 $0x7F, v58;
	v12 =	vadd.s32 v1, v45  }
0x26e: {  	v49 =	vor.u32 v56, v33;
	v27 =	vor.u32 v4, v12;
	v4 =	vshll.u32 v29, $0x6;
	v29 =	vld.idx.msk [tilespmem:v47+s15+$0x0], $0xffff  }
0x26f: {  	[tilespmem:v25+s30+$0x0] =	vst.idx.msk $0xffff, v26;
	v25 =	vadd.s32 $0x2, v14  }
0x270: {  	[tilespmem:v38+s30+$0x0] =	vst.idx.msk $0xffff, v6;
	v6 =	vld.idx.msk [tilespmem:v24+s24+$0x0], $0xffff;
	v24 =	vand.u32 $0xFFFFFF80, v25  }
0x271: {  	v45 =	vadd.s32 $0xF, v34;
	v25 =	vand.u32 $0x7F, v25;
	v26 =	vld [tilespmem:$0x1FE70];
	v24 =	vadd.s32 v3, v24  }
0x272: {  	v58 =	vmovc v10;
	v12 =	vshll.u32 v30, $0x5;
	v30 =	vld.idx.msk [tilespmem:v44+s15+$0x0], $0xffff;
	v41 =	vor.u32 v25, v24;
	v25 =	vand.u32 $0xFFFFFF80, v45  }
0x273: {  	v44 =	vor.u32 v10, v52;
	v10 =	vld [tilespmem:$0x1FE40];
	[tilespmem:v49+s30+$0x0] =	vst.idx.msk $0xffff, v29;
	v29 =	vand.u32 $0x7F, v45;
	v25 =	vadd.s32 v37, v25  }
0x274: {  	v29 =	vor.u32 v29, v25;
	v25 =	vld [tilespmem:$0x1FE70]  }
0x275: {  	v4 =	vand.u32 $0x7B80, v4  }
0x276: {  	v26 =	vor.u32 v26, v4;
	_ =	sdelay $0x1  }
0x277: {  	v16 =	vld.idx.msk [tilespmem:v16+s24+$0x0], $0xffff;
	v24 =	vor.u32 v10, v62  }
0x278: {  	v21 =	vld.idx.msk [tilespmem:v21+s24+$0x0], $0xffff;
	v0 =	vor.u32 $0x1B, v25  }
0x279: {  	v28 =	vld [tilespmem:$0x1FFE0];
	[tilespmem:$0x1FC10] =	vst v0  }
0x27a: {  	v40 =	vadd.s32 $0x3, v14;
	[tilespmem:v26+s30+$0x0] =	vst.idx.msk $0xffff, v6  }
0x27b: {  	v49 =	vand.u32 $0xFFFFFF80, v40;
	v45 =	vadd.s32 $0x2, v46;
	[tilespmem:v44+s30+$0x0] =	vst.idx.msk $0xffff, v30  }
0x27c: {  	[tilespmem:v24+s30+$0x0] =	vst.idx.msk $0xffff, v16;
	v24 =	vadd.s32 v3, v49;
	v49 =	vand.u32 $0xFFFFFF80, v45  }
0x27d: {  	v39 =	vor.u32 $0xE, v36;
	v16 =	vand.u32 $0x7F, v40;
	v40 =	vadd.s32 v51, v49;
	v49 =	vld [tilespmem:$0x1FE50]  }
0x27e: {  	v25 =	vor.u32 v28, v33  }
0x27f: {  	v6 =	vld.idx.msk [tilespmem:v17+s24+$0x0], $0xffff;
	v17 =	vor.u32 v0, v32;
	_ =	sdelay $0x1  }
0x280: {  	v30 =	vor.u32 v56, v4;
	v38 =	vld.idx.msk [tilespmem:v12+s15+$0x0], $0xffff  }
0x281: {  	v42 =	vand.u32 $0x7F, v45;
	v39 =	vld.idx.msk [tilespmem:v39+s15+$0x0], $0xffff;
	v45 =	vor.u32 v49, v62  }
0x282: {  	[tilespmem:v25+s30+$0x0] =	vst.idx.msk $0xffff, v21  }
0x283: {  	v26 =	vor.u32 $0x1, v47;
	[tilespmem:v17+s30+$0x0] =	vst.idx.msk $0xffff, v6  }
0x284: {  	v50 =	vmov v8;
	v8 =	vld [tilespmem:$0x1FFD0]  }
0x285: {  	[tilespmem:v30+s30+$0x0] =	vst.idx.msk $0xffff, v38  }
0x286: {  	[tilespmem:v45+s30+$0x0] =	vst.idx.msk $0xffff, v39  }
0x287: {  	v16 =	vor.u32 v16, v24;
	v24 =	vadd.s32 $0x1D, v5;
	v0 =	vld [tilespmem:$0x1FE60]  }
0x288: {  	v25 =	vadd.s32 $0x4, v14;
	v6 =	vld.idx.msk [tilespmem:v26+s15+$0x0], $0xffff;
	v26 =	vand.u32 $0xFFFFFF80, v24;
	v24 =	vand.u32 $0x7F, v24  }
0x289: {  	v26 =	vadd.s32 v1, v26;
	v30 =	vand.u32 $0xFFFFFF80, v25;
	v17 =	vor.u32 v8, v33  }
0x28a: {  	v24 =	vor.u32 v24, v26;
	v23 =	vld.idx.msk [tilespmem:v23+s24+$0x0], $0xffff;
	v26 =	vadd.s32 v3, v30;
	v30 =	vor.u32 v28, v4  }
0x28b: {  	v22 =	vld.idx.msk [tilespmem:v22+s24+$0x0], $0xffff;
	v25 =	vand.u32 $0x7F, v25;
	v38 =	vor.u32 v18, v35  }
0x28c: {  	v25 =	vor.u32 v25, v26;
	v26 =	vld.idx.msk [tilespmem:v29+s24+$0x0], $0xffff;
	v29 =	vor.u32 v0, v62;
	_ =	sdelay $0x1  }
0x28d: {  	[tilespmem:v17+s30+$0x0] =	vst.idx.msk $0xffff, v6  }
0x28e: {  	v21 =	vor.u32 v42, v40;
	v9 =	vld [tilespmem:$0x1FFF0];
	[tilespmem:v30+s30+$0x0] =	vst.idx.msk $0xffff, v23  }
0x28f: {  	v39 =	vor.u32 $0x1, v12;
	v23 =	vadd.s32 $0x3, v46;
	[tilespmem:v38+s30+$0x0] =	vst.idx.msk $0xffff, v22  }
0x290: {  	v30 =	vand.u32 $0xFFFFFF80, v23;
	[tilespmem:v29+s30+$0x0] =	vst.idx.msk $0xffff, v26  }
0x291: {  	v26 =	vadd.s32 v51, v30;
	v30 =	vld [tilespmem:$0x1FE70]  }
0x292: {  	v44 =	vadd.s32 $0x10, v34;
	v40 =	vor.u32 $0x1B, v54  }
0x293: {  	v42 =	vor.u32 $0xF, v36;
	v6 =	vand.u32 $0xFFFFFF80, v44;
	v21 =	vld.idx.msk [tilespmem:v21+s24+$0x0], $0xffff;
	v45 =	vor.u32 v9, v33  }
0x294: {  	v17 =	vand.u32 $0x7F, v44;
	v6 =	vadd.s32 v37, v6;
	v38 =	vor.u32 v8, v4;
	v22 =	vld.idx.msk [tilespmem:v39+s15+$0x0], $0xffff  }
0x295: {  	v17 =	vor.u32 v17, v6;
	v6 =	vor.u32 $0x2, v47  }
0x296: {  	v23 =	vand.u32 $0x7F, v23;
	v8 =	vor.u32 $0x3B, v30  }
0x297: {  	v26 =	vor.u32 v23, v26;
	[tilespmem:$0x1FD20] =	vst v8  }
0x298: {  	v43 =	vadd.s32 $0x1E, v5;
	v23 =	vadd.s32 $0x5, v14;
	v39 =	vor.u32 v8, v32;
	v30 =	vld.idx.msk [tilespmem:v40+s15+$0x0], $0xffff;
	[tilespmem:v45+s30+$0x0] =	vst.idx.msk $0xffff, v21  }
0x299: {  	v21 =	vld.idx.msk [tilespmem:v42+s15+$0x0], $0xffff;
	v42 =	vand.u32 $0xFFFFFF80, v23;
	v45 =	vand.u32 $0xFFFFFF80, v43;
	[tilespmem:v38+s30+$0x0] =	vst.idx.msk $0xffff, v22;
	v22 =	vand.u32 $0x7F, v23  }
0x29a: {  	v38 =	vand.u32 $0x7F, v43;
	v44 =	vld.idx.msk [tilespmem:v6+s15+$0x0], $0xffff;
	v6 =	vadd.s32 v3, v42;
	v45 =	vadd.s32 v1, v45  }
0x29b: {  	v23 =	vor.u32 v22, v6;
	v6 =	vor.u32 v38, v45  }
0x29c: {  	[tilespmem:$0x1F9D0] =	vst v6  }
0x29d: {  	[tilespmem:v39+s30+$0x0] =	vst.idx.msk $0xffff, v30  }
0x29e: {  	v29 =	vor.u32 $0xD, v48;
	v39 =	vld [tilespmem:$0x1FE70];
	_ =	sdelay $0x1  }
0x29f: {  	v40 =	vor.u32 v63, v62  }
0x2a0: {  	v42 =	vor.u32 v15, v33;
	_ =	sdelay $0x1  }
0x2a1: {  	v22 =	vld.idx.msk [tilespmem:v29+s15+$0x0], $0xffff;
	v6 =	vor.u32 $0x1C, v39  }
0x2a2: {  	v30 =	vld.idx.msk [tilespmem:v41+s24+$0x0], $0xffff;
	[tilespmem:$0x1FDA0] =	vst v6  }
0x2a3: {  	[tilespmem:v40+s30+$0x0] =	vst.idx.msk $0xffff, v21  }
0x2a4: {  	[tilespmem:v42+s30+$0x0] =	vst.idx.msk $0xffff, v44  }
0x2a5: {  	v8 =	vld [tilespmem:$0x1FEA0]  }
0x2a6: {  	v29 =	vor.u32 v57, v35  }
0x2a7: {  	v38 =	vor.u32 v9, v4  }
0x2a8: {  	v57 =	vadd.s32 $0x11, v34;
	v21 =	vld.idx.msk [tilespmem:v27+s24+$0x0], $0xffff;
	v40 =	vor.u32 v6, v32  }
0x2a9: {  	v45 =	vand.u32 $0xFFFFFF80, v57;
	v42 =	vor.u32 v53, v62;
	v17 =	vld.idx.msk [tilespmem:v17+s24+$0x0], $0xffff  }
0x2aa: {  	v41 =	vadd.s32 v37, v45;
	v26 =	vld.idx.msk [tilespmem:v26+s24+$0x0], $0xffff;
	v45 =	vor.u32 v8, v33  }
0x2ab: {  	[tilespmem:v29+s30+$0x0] =	vst.idx.msk $0xffff, v22  }
0x2ac: {  	[tilespmem:v38+s30+$0x0] =	vst.idx.msk $0xffff, v30  }
0x2ad: {  	[tilespmem:v40+s30+$0x0] =	vst.idx.msk $0xffff, v21  }
0x2ae: {  	[tilespmem:v42+s30+$0x0] =	vst.idx.msk $0xffff, v17  }
0x2af: {  	v39 =	vand.u32 $0x7F, v57;
	[tilespmem:v45+s30+$0x0] =	vst.idx.msk $0xffff, v26  }
0x2b0: {  	v27 =	vor.u32 $0x2, v12;
	v29 =	vor.u32 v39, v41;
	v39 =	vor.u32 v15, v4;
	v15 =	vld [tilespmem:$0x1F7F0];
	_ =	sdelay $0x1  }
0x2b1: {  	v44 =	vadd.s32 $0x4, v46;
	v30 =	vor.u32 $0x10, v36  }
0x2b2: {  	v21 =	vand.u32 $0xFFFFFF80, v44  }
0x2b3: {  	v17 =	vadd.s32 v51, v21;
	v21 =	vadd.s32 $0x7, v14  }
0x2b4: {  	v27 =	vld.idx.msk [tilespmem:v27+s15+$0x0], $0xffff;
	v26 =	vand.u32 $0xFFFFFF80, v21  }
0x2b5: {  	v5 =	vadd.s32 $0x1F, v5;
	v21 =	vand.u32 $0x7F, v21;
	v26 =	vadd.s32 v3, v26  }
0x2b6: {  	v38 =	vand.u32 $0x7F, v44;
	v21 =	vor.u32 v21, v26;
	v26 =	vld.idx.msk [tilespmem:v30+s15+$0x0], $0xffff;
	v30 =	vor.u32 v19, v62  }
0x2b7: {  	v44 =	vand.u32 $0xFFFFFF80, v5;
	v17 =	vor.u32 v38, v17;
	v38 =	vor.u32 v7, v52;
	v15 =	vld.idx.msk [tilespmem:v15+s24+$0x0], $0xffff  }
0x2b8: {  	v5 =	vand.u32 $0x7F, v5;
	v1 =	vadd.s32 v1, v44  }
0x2b9: {  	v1 =	vor.u32 v5, v1;
	[tilespmem:v39+s30+$0x0] =	vst.idx.msk $0xffff, v27  }
0x2ba: {  	[tilespmem:$0x1FA60] =	vst v1  }
0x2bb: {  	[tilespmem:v30+s30+$0x0] =	vst.idx.msk $0xffff, v26  }
0x2bc: {  	v43 =	vadd.s32 $0x6, v14;
	[tilespmem:v38+s30+$0x0] =	vst.idx.msk $0xffff, v15  }
0x2bd: {  	v57 =	vand.u32 $0xFFFFFF80, v43;
	v5 =	vld [tilespmem:$0x1F800]  }
0x2be: {  	v22 =	vadd.s32 v3, v57;
	v57 =	vor.u32 $0x3, v47;
	_ =	sdelay $0x4  }
0x2bf: {  	v39 =	vor.u32 v59, v33;
	v1 =	vld.idx.msk [tilespmem:v57+s15+$0x0], $0xffff  }
0x2c0: {  	v41 =	vor.u32 v8, v4;
	v16 =	vld.idx.msk [tilespmem:v16+s24+$0x0], $0xffff  }
0x2c1: {  	v6 =	vmov v19;
	v38 =	vor.u32 v10, v35;
	v19 =	vld.idx.msk [tilespmem:v5+s24+$0x0], $0xffff;
	_ =	sdelay $0x2  }
0x2c2: {  	[tilespmem:v39+s30+$0x0] =	vst.idx.msk $0xffff, v1  }
0x2c3: {  	[tilespmem:v41+s30+$0x0] =	vst.idx.msk $0xffff, v16  }
0x2c4: {  	v27 =	vadd.s32 $0x12, v34;
	v5 =	vld [tilespmem:$0x1FEC0];
	[tilespmem:v38+s30+$0x0] =	vst.idx.msk $0xffff, v19  }
0x2c5: {  	v57 =	vand.u32 $0xFFFFFF80, v27;
	v19 =	vld [tilespmem:$0x1FE70]  }
0x2c6: {  	v27 =	vand.u32 $0x7F, v27;
	v40 =	vadd.s32 v37, v57;
	v15 =	vor.u32 $0x3, v12  }
0x2c7: {  	v29 =	vld.idx.msk [tilespmem:v29+s24+$0x0], $0xffff;
	v57 =	vor.u32 v61, v62;
	v27 =	vor.u32 v27, v40;
	v40 =	vor.u32 $0x1C, v54  }
0x2c8: {  	v44 =	vadd.s32 $0x5, v46  }
0x2c9: {  	v26 =	vand.u32 $0xFFFFFF80, v44;
	v30 =	vand.u32 $0x7F, v44  }
0x2ca: {  	v26 =	vadd.s32 v51, v26;
	v16 =	vld.idx.msk [tilespmem:v17+s24+$0x0], $0xffff;
	v39 =	vor.u32 v5, v33;
	v8 =	vor.u32 $0x3C, v19  }
0x2cb: {  	v1 =	vor.u32 v30, v26;
	v30 =	vadd.s32 $0x8, v14;
	v41 =	vor.u32 v59, v4;
	v15 =	vld.idx.msk [tilespmem:v15+s15+$0x0], $0xffff;
	[tilespmem:$0x1FDD0] =	vst v8  }
0x2cc: {  	v17 =	vand.u32 $0xFFFFFF80, v30;
	v38 =	vor.u32 v8, v32;
	[tilespmem:v57+s30+$0x0] =	vst.idx.msk $0xffff, v29;
	v29 =	vld.idx.msk [tilespmem:v40+s15+$0x0], $0xffff  }
0x2cd: {  	v30 =	vand.u32 $0x7F, v30;
	v17 =	vadd.s32 v3, v17;
	v19 =	vadd.s32 $0x9, v14  }
0x2ce: {  	v26 =	vor.u32 $0x11, v36;
	v17 =	vor.u32 v30, v17;
	v30 =	vand.u32 $0xFFFFFF80, v19  }
0x2cf: {  	v19 =	vand.u32 $0x7F, v19;
	v30 =	vadd.s32 v3, v30;
	v57 =	vadd.s32 $0x13, v34;
	[tilespmem:v39+s30+$0x0] =	vst.idx.msk $0xffff, v16  }
0x2d0: {  	[tilespmem:v41+s30+$0x0] =	vst.idx.msk $0xffff, v15;
	v16 =	vor.u32 v19, v30;
	v30 =	vand.u32 $0xFFFFFF80, v57  }
0x2d1: {  	v15 =	vand.u32 $0x7F, v57;
	v18 =	vld [tilespmem:$0x1FED0];
	v30 =	vadd.s32 v37, v30;
	[tilespmem:v38+s30+$0x0] =	vst.idx.msk $0xffff, v29  }
0x2d2: {  	v59 =	vor.u32 $0x4, v47;
	v29 =	vor.u32 v15, v30;
	v30 =	vld [tilespmem:$0x1FE70];
	_ =	sdelay $0x1  }
0x2d3: {  	v40 =	vor.u32 v60, v62;
	v26 =	vld.idx.msk [tilespmem:v26+s15+$0x0], $0xffff  }
0x2d4: {  	v43 =	vand.u32 $0x7F, v43  }
0x2d5: {  	v22 =	vor.u32 v43, v22;
	v43 =	vor.u32 v5, v4  }
0x2d6: {  	v39 =	vld.idx.msk [tilespmem:v59+s15+$0x0], $0xffff;
	v59 =	vadd.s32 $0xA, v14;
	v41 =	vor.u32 v18, v33;
	v5 =	vor.u32 $0x1D, v30  }
0x2d7: {  	v25 =	vld.idx.msk [tilespmem:v25+s24+$0x0], $0xffff;
	v57 =	vand.u32 $0xFFFFFF80, v59;
	[tilespmem:$0x1FDE0] =	vst v5  }
0x2d8: {  	v15 =	vadd.s32 v3, v57;
	[tilespmem:v40+s30+$0x0] =	vst.idx.msk $0xffff, v26;
	v26 =	vand.u32 $0x7F, v59  }
0x2d9: {  	v19 =	vor.u32 $0xE, v48;
	v38 =	vor.u32 v5, v32;
	v5 =	vor.u32 v26, v15  }
0x2da: {  	v24 =	vld.idx.msk [tilespmem:v24+s24+$0x0], $0xffff;
	[tilespmem:$0x1FAC0] =	vst v5  }
0x2db: {  	[tilespmem:v41+s30+$0x0] =	vst.idx.msk $0xffff, v39  }
0x2dc: {  	[tilespmem:v43+s30+$0x0] =	vst.idx.msk $0xffff, v25  }
0x2dd: {  	v41 =	vor.u32 v13, v62;
	v5 =	vmov v13;
	v13 =	vld [tilespmem:$0x1FEE0]  }
0x2de: {  	v30 =	vor.u32 $0x4, v12;
	v26 =	vor.u32 v49, v35;
	v19 =	vld.idx.msk [tilespmem:v19+s15+$0x0], $0xffff  }
0x2df: {  	v27 =	vld.idx.msk [tilespmem:v27+s24+$0x0], $0xffff  }
0x2e0: {  	v59 =	vadd.s32 $0x6, v46  }
0x2e1: {  	v44 =	vand.u32 $0xFFFFFF80, v59;
	v40 =	vand.u32 $0x7F, v59  }
0x2e2: {  	v49 =	vadd.s32 $0xB, v14;
	v39 =	vor.u32 $0x12, v36;
	v57 =	vld.idx.msk [tilespmem:v1+s24+$0x0], $0xffff;
	[tilespmem:v38+s30+$0x0] =	vst.idx.msk $0xffff, v24;
	v59 =	vor.u32 v13, v33  }
0x2e3: {  	v1 =	vand.u32 $0xFFFFFF80, v49;
	v24 =	vld.idx.msk [tilespmem:v30+s15+$0x0], $0xffff;
	v30 =	vand.u32 $0x7F, v49;
	[tilespmem:v26+s30+$0x0] =	vst.idx.msk $0xffff, v19  }
0x2e4: {  	v49 =	vor.u32 v18, v4;
	v1 =	vadd.s32 v3, v1;
	v26 =	vadd.s32 $0xC, v14;
	[tilespmem:v41+s30+$0x0] =	vst.idx.msk $0xffff, v27  }
0x2e5: {  	v1 =	vor.u32 v30, v1;
	v30 =	vand.u32 $0xFFFFFF80, v26;
	v18 =	vld [tilespmem:$0x1F810]  }
0x2e6: {  	[tilespmem:$0x1FC80] =	vst v1;
	v26 =	vand.u32 $0x7F, v26;
	v30 =	vadd.s32 v3, v30  }
0x2e7: {  	v39 =	vld.idx.msk [tilespmem:v39+s15+$0x0], $0xffff;
	v1 =	vor.u32 v26, v30;
	[tilespmem:v59+s30+$0x0] =	vst.idx.msk $0xffff, v57  }
0x2e8: {  	v38 =	vor.u32 $0x1D, v54;
	[tilespmem:$0x1F820] =	vst v1;
	v26 =	vld [tilespmem:$0x1FE70]  }
0x2e9: {  	v19 =	vor.u32 $0x16, v55;
	[tilespmem:v49+s30+$0x0] =	vst.idx.msk $0xffff, v24  }
0x2ea: {  	v45 =	vmov v47;
	v27 =	vor.u32 $0x5, v47;
	v47 =	vor.u32 v18, v62;
	v1 =	vld [tilespmem:$0x1F830]  }
0x2eb: {  	v25 =	vadd.s32 v51, v44;
	v10 =	vld [tilespmem:$0x1FEF0]  }
0x2ec: {  	v25 =	vor.u32 v40, v25;
	v49 =	vadd.s32 $0xD, v14  }
0x2ed: {  	v24 =	vld.idx.msk [tilespmem:v38+s15+$0x0], $0xffff;
	v57 =	vand.u32 $0xFFFFFF80, v49;
	v59 =	vor.u32 $0x3D, v26;
	v26 =	vadd.s32 $0x14, v34  }
0x2ee: {  	v19 =	vld.idx.msk [tilespmem:v19+s15+$0x0], $0xffff;
	v49 =	vand.u32 $0x7F, v49;
	v30 =	vand.u32 $0xFFFFFF80, v26;
	v38 =	vor.u32 v59, v32  }
0x2ef: {  	[tilespmem:v47+s30+$0x0] =	vst.idx.msk $0xffff, v39;
	v26 =	vand.u32 $0x7F, v26;
	v30 =	vadd.s32 v37, v30;
	v40 =	vor.u32 v1, v52  }
0x2f0: {  	v27 =	vld.idx.msk [tilespmem:v27+s15+$0x0], $0xffff;
	v47 =	vadd.s32 v3, v57;
	v26 =	vor.u32 v26, v30;
	v30 =	vor.u32 v10, v33  }
0x2f1: {  	v39 =	vor.u32 v49, v47  }
0x2f2: {  	[tilespmem:$0x1F840] =	vst v39  }
0x2f3: {  	[tilespmem:v38+s30+$0x0] =	vst.idx.msk $0xffff, v24  }
0x2f4: {  	[tilespmem:v40+s30+$0x0] =	vst.idx.msk $0xffff, v19  }
0x2f5: {  	[tilespmem:v30+s30+$0x0] =	vst.idx.msk $0xffff, v27  }
0x2f6: {  	v57 =	vadd.s32 $0x7, v46;
	v39 =	vor.u32 v13, v4;
	v13 =	vld [tilespmem:$0x1F850]  }
0x2f7: {  	v47 =	vand.u32 $0xFFFFFF80, v57;
	v23 =	vld.idx.msk [tilespmem:v23+s24+$0x0], $0xffff  }
0x2f8: {  	v19 =	vadd.s32 v51, v47;
	v47 =	vld [tilespmem:$0x1FF10]  }
0x2f9: {  	v42 =	vor.u32 v2, v62;
	v2 =	vld [tilespmem:$0x1F860];
	_ =	sdelay $0x1  }
0x2fa: {  	v49 =	vadd.s32 $0xE, v14;
	v24 =	vld.idx.msk [tilespmem:v29+s24+$0x0], $0xffff;
	v38 =	vor.u32 $0x5, v12  }
0x2fb: {  	v29 =	vand.u32 $0x7F, v57;
	v40 =	vor.u32 $0x13, v36;
	v27 =	vand.u32 $0xFFFFFF80, v49  }
0x2fc: {  	v30 =	vand.u32 $0x7F, v49;
	v25 =	vld.idx.msk [tilespmem:v25+s24+$0x0], $0xffff;
	v27 =	vadd.s32 v3, v27;
	v43 =	vor.u32 v47, v33  }
0x2fd: {  	[tilespmem:v39+s30+$0x0] =	vst.idx.msk $0xffff, v23;
	v23 =	vor.u32 v30, v27;
	v57 =	vor.u32 v2, v52;
	v13 =	vld.idx.msk [tilespmem:v13+s24+$0x0], $0xffff  }
0x2fe: {  	v49 =	vadd.s32 $0xF, v14;
	[tilespmem:$0x1F870] =	vst v23  }
0x2ff: {  	v19 =	vor.u32 v29, v19;
	v29 =	vor.u32 v10, v4;
	[tilespmem:v42+s30+$0x0] =	vst.idx.msk $0xffff, v24;
	v24 =	vld.idx.msk [tilespmem:v38+s15+$0x0], $0xffff  }
0x300: {  	v23 =	vand.u32 $0xFFFFFF80, v49  }
0x301: {  	v27 =	vand.u32 $0x7F, v49;
	v23 =	vadd.s32 v3, v23;
	[tilespmem:v43+s30+$0x0] =	vst.idx.msk $0xffff, v25  }
0x302: {  	v38 =	vld.idx.msk [tilespmem:v40+s15+$0x0], $0xffff;
	v23 =	vor.u32 v27, v23;
	[tilespmem:v57+s30+$0x0] =	vst.idx.msk $0xffff, v13  }
0x303: {  	[tilespmem:$0x1F880] =	vst v23;
	v8 =	vld [tilespmem:$0x1F890]  }
0x304: {  	v39 =	vor.u32 v11, v62;
	v30 =	vor.u32 $0x6, v45;
	[tilespmem:v29+s30+$0x0] =	vst.idx.msk $0xffff, v24  }
0x305: {  	v28 =	vld [tilespmem:$0x1FF20];
	_ =	sdelay $0x3  }
0x306: {  	v40 =	vadd.s32 $0x10, v14;
	v13 =	vor.u32 $0x17, v55;
	v24 =	vld.idx.msk [tilespmem:v30+s15+$0x0], $0xffff;
	[tilespmem:v39+s30+$0x0] =	vst.idx.msk $0xffff, v38  }
0x307: {  	v49 =	vadd.s32 $0x15, v34;
	v57 =	vand.u32 $0xFFFFFF80, v40;
	v15 =	vld [tilespmem:$0x1F8B0];
	v30 =	vor.u32 v28, v33  }
0x308: {  	v23 =	vadd.s32 v3, v57;
	v57 =	vor.u32 v0, v35;
	v29 =	vand.u32 $0x7F, v40;
	v10 =	vld.idx.msk [tilespmem:v8+s24+$0x0], $0xffff  }
0x309: {  	v25 =	vand.u32 $0xFFFFFF80, v49;
	v23 =	vor.u32 v29, v23  }
0x30a: {  	v44 =	vadd.s32 $0x8, v46;
	v27 =	vand.u32 $0x7F, v49;
	v25 =	vadd.s32 v37, v25;
	[tilespmem:$0x1F8A0] =	vst v23  }
0x30b: {  	v25 =	vor.u32 v27, v25;
	v27 =	vand.u32 $0x7F, v44;
	v23 =	vand.u32 $0xFFFFFF80, v44;
	v13 =	vld.idx.msk [tilespmem:v13+s15+$0x0], $0xffff  }
0x30c: {  	v29 =	vor.u32 v15, v52;
	v23 =	vadd.s32 v51, v23;
	v22 =	vld.idx.msk [tilespmem:v22+s24+$0x0], $0xffff;
	[tilespmem:v30+s30+$0x0] =	vst.idx.msk $0xffff, v24  }
0x30d: {  	v23 =	vor.u32 v27, v23;
	v27 =	vor.u32 v47, v4;
	v47 =	vadd.s32 $0x11, v14;
	[tilespmem:v57+s30+$0x0] =	vst.idx.msk $0xffff, v10  }
0x30e: {  	v57 =	vand.u32 $0xFFFFFF80, v47;
	v8 =	vld [tilespmem:$0x1FF00]  }
0x30f: {  	v49 =	vor.u32 v20, v62;
	v24 =	vand.u32 $0x7F, v47;
	v10 =	vld.idx.msk [tilespmem:v26+s24+$0x0], $0xffff;
	v30 =	vadd.s32 v3, v57  }
0x310: {  	v24 =	vor.u32 v24, v30  }
0x311: {  	[tilespmem:$0x1F8C0] =	vst v24  }
0x312: {  	[tilespmem:v29+s30+$0x0] =	vst.idx.msk $0xffff, v13  }
0x313: {  	v26 =	vor.u32 $0x6, v12;
	v19 =	vld.idx.msk [tilespmem:v19+s24+$0x0], $0xffff;
	[tilespmem:v27+s30+$0x0] =	vst.idx.msk $0xffff, v22;
	v24 =	vor.u32 v8, v33  }
0x314: {  	[tilespmem:v49+s30+$0x0] =	vst.idx.msk $0xffff, v10  }
0x315: {  	v30 =	vadd.s32 $0x12, v14;
	v57 =	vld [tilespmem:$0x1F8D0]  }
0x316: {  	v43 =	vor.u32 $0x14, v36;
	v44 =	vor.u32 v28, v4;
	v13 =	vand.u32 $0xFFFFFF80, v30  }
0x317: {  	v29 =	vand.u32 $0x7F, v30;
	v30 =	vor.u32 $0xF, v48;
	v27 =	vadd.s32 $0x16, v34  }
0x318: {  	v22 =	vor.u32 $0x7, v45;
	v13 =	vadd.s32 v3, v13;
	v10 =	vld.idx.msk [tilespmem:v26+s15+$0x0], $0xffff;
	v26 =	vand.u32 $0xFFFFFF80, v27;
	[tilespmem:v24+s30+$0x0] =	vst.idx.msk $0xffff, v19  }
0x319: {  	v27 =	vand.u32 $0x7F, v27;
	v49 =	vadd.s32 $0x13, v14;
	v26 =	vadd.s32 v37, v26;
	v20 =	vld [tilespmem:$0x1FF30]  }
0x31a: {  	v13 =	vor.u32 v29, v13;
	v47 =	vor.u32 v57, v62;
	v19 =	vand.u32 $0xFFFFFF80, v49  }
0x31b: {  	v38 =	vld.idx.msk [tilespmem:v43+s15+$0x0], $0xffff;
	[tilespmem:$0x1F8E0] =	vst v13;
	v13 =	vor.u32 v27, v26;
	v19 =	vadd.s32 v3, v19;
	v26 =	vand.u32 $0x7F, v49  }
0x31c: {  	v27 =	vor.u32 v63, v35;
	v24 =	vld.idx.msk [tilespmem:v30+s15+$0x0], $0xffff;
	[tilespmem:$0x1F8F0] =	vst v63;
	v9 =	vor.u32 v26, v19  }
0x31d: {  	[tilespmem:$0x1F900] =	vst v9  }
0x31e: {  	v29 =	vadd.s32 $0x14, v14;
	v19 =	vld.idx.msk [tilespmem:v22+s15+$0x0], $0xffff;
	v22 =	vor.u32 v20, v33  }
0x31f: {  	v30 =	vand.u32 $0xFFFFFF80, v29;
	[tilespmem:v44+s30+$0x0] =	vst.idx.msk $0xffff, v10  }
0x320: {  	v29 =	vand.u32 $0x7F, v29;
	v30 =	vadd.s32 v3, v30;
	[tilespmem:v47+s30+$0x0] =	vst.idx.msk $0xffff, v38  }
0x321: {  	v9 =	vor.u32 v29, v30;
	[tilespmem:v27+s30+$0x0] =	vst.idx.msk $0xffff, v24  }
0x322: {  	v21 =	vld.idx.msk [tilespmem:v21+s24+$0x0], $0xffff;
	[tilespmem:$0x1F910] =	vst v9  }
0x323: {  	[tilespmem:v22+s30+$0x0] =	vst.idx.msk $0xffff, v19  }
0x324: {  	v0 =	vld [tilespmem:$0x1F920];
	_ =	sdelay $0x7  }
0x325: {  	v11 =	vld.idx.msk [tilespmem:v0+s24+$0x0], $0xffff  }
0x326: {  	v0 =	vld [tilespmem:$0x1F940];
	_ =	sdelay $0x3  }
0x327: {  	v63 =	vor.u32 v8, v4;
	v42 =	vld [tilespmem:$0x1F930];
	_ =	sdelay $0x1  }
0x328: {  	v26 =	vadd.s32 $0x9, v46  }
0x329: {  	v10 =	vand.u32 $0xFFFFFF80, v26;
	v25 =	vld.idx.msk [tilespmem:v25+s24+$0x0], $0xffff  }
0x32a: {  	v43 =	vadd.s32 $0x15, v14;
	v26 =	vand.u32 $0x7F, v26;
	v10 =	vadd.s32 v51, v10;
	v8 =	vld.idx.msk [tilespmem:v0+s24+$0x0], $0xffff;
	[tilespmem:$0x1F950] =	vst v53  }
0x32b: {  	v10 =	vor.u32 v26, v10;
	v26 =	vor.u32 $0x7, v12;
	v22 =	vor.u32 v42, v52;
	[tilespmem:v63+s30+$0x0] =	vst.idx.msk $0xffff, v21  }
0x32c: {  	v24 =	vand.u32 $0xFFFFFF80, v43;
	v28 =	vld [tilespmem:$0x1FFA0]  }
0x32d: {  	v29 =	vadd.s32 $0x17, v34;
	v24 =	vadd.s32 v3, v24;
	v19 =	vand.u32 $0x7F, v43  }
0x32e: {  	v27 =	vor.u32 v50, v62;
	v47 =	vor.u32 v19, v24;
	v24 =	vand.u32 $0xFFFFFF80, v29  }
0x32f: {  	v19 =	vor.u32 v53, v35;
	v24 =	vadd.s32 v37, v24  }
0x330: {  	v21 =	vand.u32 $0x7F, v29;
	[tilespmem:v22+s30+$0x0] =	vst.idx.msk $0xffff, v11;
	v11 =	vld.idx.msk [tilespmem:v26+s15+$0x0], $0xffff;
	v26 =	vor.u32 v20, v4  }
0x331: {  	v23 =	vld.idx.msk [tilespmem:v23+s24+$0x0], $0xffff;
	v21 =	vor.u32 v21, v24;
	v24 =	vor.u32 v28, v33;
	_ =	sdelay $0x1  }
0x332: {  	v29 =	vor.u32 $0x15, v36;
	[tilespmem:v27+s30+$0x0] =	vst.idx.msk $0xffff, v25  }
0x333: {  	v22 =	vor.u32 $0x18, v55;
	[tilespmem:v19+s30+$0x0] =	vst.idx.msk $0xffff, v8  }
0x334: {  	v30 =	vadd.s32 $0x16, v14;
	[tilespmem:v26+s30+$0x0] =	vst.idx.msk $0xffff, v11  }
0x335: {  	v44 =	vand.u32 $0xFFFFFF80, v30;
	v53 =	vmovc v46;
	v46 =	vadd.s32 $0xA, v46;
	v27 =	vor.u32 $0x10, v48;
	[tilespmem:v24+s30+$0x0] =	vst.idx.msk $0xffff, v23  }
0x336: {  	v38 =	vand.u32 $0x7F, v46;
	v8 =	vand.u32 $0x7F, v30;
	v30 =	vand.u32 $0xFFFFFF80, v46;
	v46 =	vld [tilespmem:$0x1F960]  }
0x337: {  	v29 =	vld.idx.msk [tilespmem:v29+s15+$0x0], $0xffff  }
0x338: {  	v63 =	vor.u32 v58, v62;
	v25 =	vadd.s32 v3, v44;
	v11 =	vld.idx.msk [tilespmem:v22+s15+$0x0], $0xffff  }
0x339: {  	v49 =	vmovc v50;
	v19 =	vor.u32 $0x8, v45;
	v50 =	vadd.s32 v51, v30;
	v23 =	vadd.s32 $0x17, v14;
	v20 =	vld [tilespmem:$0x1FF80]  }
0x33a: {  	v30 =	vor.u32 v8, v25;
	v25 =	vld.idx.msk [tilespmem:v27+s15+$0x0], $0xffff;
	v26 =	vor.u32 v6, v35;
	v22 =	vand.u32 $0xFFFFFF80, v23  }
0x33b: {  	v23 =	vand.u32 $0x7F, v23;
	v22 =	vadd.s32 v3, v22;
	v24 =	vor.u32 v46, v52  }
0x33c: {  	v27 =	vadd.s32 $0x18, v14;
	[tilespmem:$0x1F970] =	vst v6;
	v0 =	vor.u32 v23, v22  }
0x33d: {  	v8 =	vor.u32 v38, v50;
	v50 =	vadd.s32 $0x19, v14;
	v23 =	vand.u32 $0xFFFFFF80, v27;
	[tilespmem:$0x1F980] =	vst v0  }
0x33e: {  	v23 =	vadd.s32 v3, v23;
	v19 =	vld.idx.msk [tilespmem:v19+s15+$0x0], $0xffff;
	[tilespmem:v63+s30+$0x0] =	vst.idx.msk $0xffff, v29;
	v22 =	vor.u32 v20, v33  }
0x33f: {  	v27 =	vand.u32 $0x7F, v27;
	v17 =	vld.idx.msk [tilespmem:v17+s24+$0x0], $0xffff;
	v29 =	vor.u32 v28, v4;
	v63 =	vand.u32 $0xFFFFFF80, v50;
	[tilespmem:v26+s30+$0x0] =	vst.idx.msk $0xffff, v25  }
0x340: {  	v0 =	vor.u32 v27, v23;
	[tilespmem:v24+s30+$0x0] =	vst.idx.msk $0xffff, v11;
	v11 =	vadd.s32 v3, v63;
	v24 =	vand.u32 $0x7F, v50  }
0x341: {  	v13 =	vld.idx.msk [tilespmem:v13+s24+$0x0], $0xffff;
	[tilespmem:$0x1F990] =	vst v0;
	v0 =	vor.u32 v24, v11  }
0x342: {  	[tilespmem:$0x1F9A0] =	vst v0  }
0x343: {  	[tilespmem:v22+s30+$0x0] =	vst.idx.msk $0xffff, v19  }
0x344: {  	[tilespmem:v29+s30+$0x0] =	vst.idx.msk $0xffff, v17  }
0x345: {  	v0 =	vld [tilespmem:$0x1F9B0];
	_ =	sdelay $0x3  }
0x346: {  	v39 =	vor.u32 v7, v62;
	_ =	sdelay $0x3  }
0x347: {  	v44 =	vmov v58;
	v58 =	vmov v7;
	v7 =	vld.idx.msk [tilespmem:v0+s24+$0x0], $0xffff;
	[tilespmem:$0x1F9C0] =	vst v61  }
0x348: {  	v17 =	vld [tilespmem:$0x1FE70];
	[tilespmem:v39+s30+$0x0] =	vst.idx.msk $0xffff, v13  }
0x349: {  	v0 =	vld [tilespmem:$0x1F9D0];
	_ =	sdelay $0x7  }
0x34a: {  	v6 =	vld.idx.msk [tilespmem:v0+s24+$0x0], $0xffff  }
0x34b: {  	v0 =	vld [tilespmem:$0x1F9E0];
	_ =	sdelay $0x6  }
0x34c: {  	v25 =	vadd.s32 $0xB, v53;
	v22 =	vor.u32 $0x8, v12;
	v28 =	vld [tilespmem:$0x1F9F0]  }
0x34d: {  	v23 =	vor.u32 $0x16, v36;
	v26 =	vand.u32 $0xFFFFFF80, v25;
	v9 =	vld.idx.msk [tilespmem:v0+s24+$0x0], $0xffff  }
0x34e: {  	v25 =	vand.u32 $0x7F, v25;
	v40 =	vor.u32 $0x1E, v17;
	v17 =	vor.u32 v61, v35;
	v0 =	vld [tilespmem:$0x1FF70]  }
0x34f: {  	v26 =	vadd.s32 v51, v26;
	v50 =	vadd.s32 $0x18, v34;
	v24 =	vor.u32 v40, v32  }
0x350: {  	v25 =	vor.u32 v25, v26;
	v11 =	vand.u32 $0xFFFFFF80, v50;
	v13 =	vor.u32 $0x11, v48  }
0x351: {  	v26 =	vor.u32 v20, v4;
	v11 =	vadd.s32 v37, v11;
	v19 =	vand.u32 $0x7F, v50;
	v22 =	vld.idx.msk [tilespmem:v22+s15+$0x0], $0xffff  }
0x352: {  	v11 =	vor.u32 v19, v11;
	v10 =	vld.idx.msk [tilespmem:v10+s24+$0x0], $0xffff;
	v19 =	vor.u32 v28, v52  }
0x353: {  	v39 =	vld [tilespmem:$0x1FE70];
	[tilespmem:v17+s30+$0x0] =	vst.idx.msk $0xffff, v7;
	v27 =	vor.u32 v0, v33  }
0x354: {  	v7 =	vld.idx.msk [tilespmem:v23+s15+$0x0], $0xffff;
	[tilespmem:v24+s30+$0x0] =	vst.idx.msk $0xffff, v6  }
0x355: {  	v29 =	vadd.s32 $0x1A, v14;
	v23 =	vor.u32 v1, v62;
	v13 =	vld.idx.msk [tilespmem:v13+s15+$0x0], $0xffff;
	[tilespmem:$0x1FA00] =	vst v60  }
0x356: {  	v61 =	vand.u32 $0xFFFFFF80, v29;
	[tilespmem:v26+s30+$0x0] =	vst.idx.msk $0xffff, v22  }
0x357: {  	v6 =	vand.u32 $0x7F, v29;
	[tilespmem:v19+s30+$0x0] =	vst.idx.msk $0xffff, v9;
	v9 =	vadd.s32 v3, v61  }
0x358: {  	v6 =	vor.u32 v6, v9;
	[tilespmem:v27+s30+$0x0] =	vst.idx.msk $0xffff, v10  }
0x359: {  	[tilespmem:$0x1FA10] =	vst v6  }
0x35a: {  	[tilespmem:v23+s30+$0x0] =	vst.idx.msk $0xffff, v7  }
0x35b: {  	v50 =	vmov v1;
	v17 =	vor.u32 $0x9, v45;
	v1 =	vld [tilespmem:$0x1FF60];
	_ =	sdelay $0x1  }
0x35c: {  	v24 =	vor.u32 v60, v35;
	v29 =	vadd.s32 $0x1B, v14  }
0x35d: {  	v63 =	vand.u32 $0xFFFFFF80, v29;
	v19 =	vor.u32 $0x1E, v54  }
0x35e: {  	v10 =	vand.u32 $0x7F, v29;
	v27 =	vadd.s32 v3, v63  }
0x35f: {  	v9 =	vadd.s32 $0x19, v34;
	v6 =	vor.u32 v10, v27;
	v10 =	vld.idx.msk [tilespmem:v17+s15+$0x0], $0xffff;
	v17 =	vor.u32 v1, v33  }
0x360: {  	v7 =	vand.u32 $0xFFFFFF80, v9  }
0x361: {  	v9 =	vand.u32 $0x7F, v9;
	[tilespmem:v24+s30+$0x0] =	vst.idx.msk $0xffff, v13;
	v7 =	vadd.s32 v37, v7;
	v13 =	vadd.s32 $0x1C, v14  }
0x362: {  	v20 =	vor.u32 $0x3E, v39;
	v7 =	vor.u32 v9, v7;
	v9 =	vld.idx.msk [tilespmem:v19+s15+$0x0], $0xffff;
	v22 =	vand.u32 $0xFFFFFF80, v13  }
0x363: {  	[tilespmem:$0x1FA20] =	vst v20;
	v13 =	vand.u32 $0x7F, v13;
	v61 =	vld [tilespmem:$0x1FA30];
	v22 =	vadd.s32 v3, v22  }
0x364: {  	v60 =	vor.u32 v13, v22;
	v13 =	vld.idx.msk [tilespmem:v16+s24+$0x0], $0xffff;
	[tilespmem:v17+s30+$0x0] =	vst.idx.msk $0xffff, v10  }
0x365: {  	v29 =	vor.u32 $0x19, v55;
	v16 =	vor.u32 v0, v4;
	v0 =	vld [tilespmem:$0x1FA40];
	_ =	sdelay $0x3  }
0x366: {  	v19 =	vor.u32 v20, v32  }
0x367: {  	v23 =	vld.idx.msk [tilespmem:v29+s15+$0x0], $0xffff;
	v24 =	vor.u32 v61, v52  }
0x368: {  	v22 =	vadd.s32 $0xC, v53  }
0x369: {  	v10 =	vld.idx.msk [tilespmem:v21+s24+$0x0], $0xffff;
	v17 =	vand.u32 $0xFFFFFF80, v22;
	v21 =	vand.u32 $0x7F, v22;
	v22 =	vor.u32 v2, v62  }
0x36a: {  	v38 =	vmov v2;
	v2 =	vadd.s32 v51, v17;
	v17 =	vor.u32 v5, v35;
	v26 =	vld.idx.msk [tilespmem:v0+s24+$0x0], $0xffff;
	[tilespmem:$0x1FA50] =	vst v5  }
0x36b: {  	[tilespmem:v19+s30+$0x0] =	vst.idx.msk $0xffff, v9  }
0x36c: {  	v63 =	vmov v51;
	v51 =	vld [tilespmem:$0x1FF40];
	[tilespmem:v24+s30+$0x0] =	vst.idx.msk $0xffff, v23  }
0x36d: {  	[tilespmem:v16+s30+$0x0] =	vst.idx.msk $0xffff, v13  }
0x36e: {  	[tilespmem:v22+s30+$0x0] =	vst.idx.msk $0xffff, v10  }
0x36f: {  	[tilespmem:v17+s30+$0x0] =	vst.idx.msk $0xffff, v26  }
0x370: {  	v0 =	vld [tilespmem:$0x1FA60];
	_ =	sdelay $0x3  }
0x371: {  	v9 =	vld.idx.msk [tilespmem:v8+s24+$0x0], $0xffff;
	v19 =	vor.u32 $0x9, v12;
	v29 =	vor.u32 v51, v33  }
0x372: {  	v24 =	vor.u32 $0x17, v36  }
0x373: {  	v13 =	vor.u32 $0x12, v48  }
0x374: {  	v20 =	vor.u32 $0x1F, v39  }
0x375: {  	v16 =	vadd.s32 $0x1E, v14;
	v5 =	vld.idx.msk [tilespmem:v0+s24+$0x0], $0xffff;
	[tilespmem:$0x1FA70] =	vst v20  }
0x376: {  	v22 =	vand.u32 $0xFFFFFF80, v16;
	[tilespmem:v29+s30+$0x0] =	vst.idx.msk $0xffff, v9;
	v9 =	vld.idx.msk [tilespmem:v19+s15+$0x0], $0xffff  }
0x377: {  	v16 =	vand.u32 $0x7F, v16;
	v22 =	vadd.s32 v3, v22;
	v24 =	vld.idx.msk [tilespmem:v24+s15+$0x0], $0xffff  }
0x378: {  	v0 =	vor.u32 v16, v22;
	v13 =	vld.idx.msk [tilespmem:v13+s15+$0x0], $0xffff  }
0x379: {  	[tilespmem:$0x1FA80] =	vst v0;
	v0 =	vld [tilespmem:$0x1FA90];
	_ =	sdelay $0x3  }
0x37a: {  	v27 =	vadd.s32 $0x1D, v14  }
0x37b: {  	v43 =	vor.u32 v21, v2;
	v21 =	vor.u32 $0xA, v45;
	v17 =	vor.u32 v20, v32  }
0x37c: {  	v8 =	vand.u32 $0xFFFFFF80, v27;
	v19 =	vor.u32 v1, v4  }
0x37d: {  	v23 =	vand.u32 $0x7F, v27;
	v8 =	vadd.s32 v3, v8;
	v10 =	vor.u32 $0x1F, v54  }
0x37e: {  	v8 =	vor.u32 v23, v8;
	v23 =	vadd.s32 $0x1A, v34;
	v26 =	vor.u32 v15, v62;
	v16 =	vld.idx.msk [tilespmem:v0+s24+$0x0], $0xffff  }
0x37f: {  	v27 =	vand.u32 $0xFFFFFF80, v23;
	v0 =	vld [tilespmem:$0x1FAA0]  }
0x380: {  	v23 =	vand.u32 $0x7F, v23;
	v27 =	vadd.s32 v37, v27;
	[tilespmem:v17+s30+$0x0] =	vst.idx.msk $0xffff, v5;
	v5 =	vld.idx.msk [tilespmem:v21+s15+$0x0], $0xffff  }
0x381: {  	v22 =	vor.u32 v23, v27;
	v23 =	vor.u32 $0x3F, v39;
	v1 =	vld [tilespmem:$0x1FF50];
	[tilespmem:v19+s30+$0x0] =	vst.idx.msk $0xffff, v9  }
0x382: {  	v9 =	vld.idx.msk [tilespmem:v10+s15+$0x0], $0xffff;
	[tilespmem:$0x1FAB0] =	vst v23  }
0x383: {  	[tilespmem:v26+s30+$0x0] =	vst.idx.msk $0xffff, v24  }
0x384: {  	v20 =	vor.u32 v0, v52;
	v0 =	vld [tilespmem:$0x1FAC0];
	_ =	sdelay $0x4  }
0x385: {  	v29 =	vor.u32 v18, v35;
	_ =	sdelay $0x1  }
0x386: {  	v10 =	vor.u32 v23, v32;
	v23 =	vor.u32 $0x1D, v55  }
0x387: {  	v54 =	vmov v15;
	v15 =	vld.idx.msk [tilespmem:v0+s24+$0x0], $0xffff;
	[tilespmem:$0x1FAD0] =	vst v23;
	v23 =	vor.u32 $0x1E, v55  }
0x388: {  	[tilespmem:$0x1FAE0] =	vst v23  }
0x389: {  	[tilespmem:v29+s30+$0x0] =	vst.idx.msk $0xffff, v13;
	v13 =	vor.u32 $0x1F, v55  }
0x38a: {  	[tilespmem:$0x1FAF0] =	vst v13  }
0x38b: {  	[tilespmem:v20+s30+$0x0] =	vst.idx.msk $0xffff, v16  }
0x38c: {  	v0 =	vld [tilespmem:$0x1FB00];
	_ =	sdelay $0x7  }
0x38d: {  	v21 =	vor.u32 v1, v33;
	v16 =	vld.idx.msk [tilespmem:v0+s24+$0x0], $0xffff  }
0x38e: {  	v0 =	vld [tilespmem:$0x1FB10];
	_ =	sdelay $0x3  }
0x38f: {  	[tilespmem:v21+s30+$0x0] =	vst.idx.msk $0xffff, v5  }
0x390: {  	v17 =	vor.u32 $0x1A, v55;
	v24 =	vor.u32 v0, v35;
	v0 =	vld [tilespmem:$0x1FB20];
	_ =	sdelay $0x1  }
0x391: {  	v23 =	vor.u32 v51, v4;
	_ =	sdelay $0x1  }
0x392: {  	v11 =	vld.idx.msk [tilespmem:v11+s24+$0x0], $0xffff  }
0x393: {  	v5 =	vld.idx.msk [tilespmem:v17+s15+$0x0], $0xffff;
	[tilespmem:v10+s30+$0x0] =	vst.idx.msk $0xffff, v9;
	v21 =	vor.u32 v0, v52;
	v0 =	vor.u32 $0x16, v48  }
0x394: {  	v13 =	vadd.s32 $0x1F, v14;
	v14 =	vor.u32 v42, v62;
	v9 =	vld.idx.msk [tilespmem:v25+s24+$0x0], $0xffff;
	[tilespmem:$0x1FB30] =	vst v0  }
0x395: {  	v25 =	vld [tilespmem:$0x1FF90];
	v0 =	vor.u32 $0x17, v48;
	[tilespmem:v23+s30+$0x0] =	vst.idx.msk $0xffff, v15  }
0x396: {  	v15 =	vor.u32 $0x18, v48;
	[tilespmem:$0x1FB40] =	vst v0  }
0x397: {  	[tilespmem:$0x1FB50] =	vst v15;
	v15 =	vor.u32 $0x19, v48  }
0x398: {  	[tilespmem:$0x1FB60] =	vst v15  }
0x399: {  	v20 =	vor.u32 $0xA, v12;
	[tilespmem:v14+s30+$0x0] =	vst.idx.msk $0xffff, v11;
	v11 =	vor.u32 $0x1A, v48  }
0x39a: {  	[tilespmem:$0x1FB70] =	vst v11;
	v11 =	vor.u32 $0x1B, v48  }
0x39b: {  	[tilespmem:$0x1FB80] =	vst v11;
	v11 =	vor.u32 $0x1C, v48  }
0x39c: {  	[tilespmem:$0x1FB90] =	vst v11  }
0x39d: {  	v10 =	vor.u32 v25, v33;
	v11 =	vor.u32 $0x1D, v48;
	[tilespmem:v24+s30+$0x0] =	vst.idx.msk $0xffff, v16  }
0x39e: {  	v14 =	vld.idx.msk [tilespmem:v20+s15+$0x0], $0xffff;
	[tilespmem:$0x1FBA0] =	vst v11;
	v11 =	vor.u32 $0x1E, v48  }
0x39f: {  	[tilespmem:$0x1FBB0] =	vst v11  }
0x3a0: {  	[tilespmem:v21+s30+$0x0] =	vst.idx.msk $0xffff, v5;
	v5 =	vor.u32 $0x1F, v48  }
0x3a1: {  	v17 =	vor.u32 $0x18, v36;
	[tilespmem:$0x1FBC0] =	vst v5  }
0x3a2: {  	[tilespmem:v10+s30+$0x0] =	vst.idx.msk $0xffff, v9  }
0x3a3: {  	v18 =	vor.u32 $0x13, v48;
	v5 =	vld [tilespmem:$0x1FFB0];
	_ =	sdelay $0x2  }
0x3a4: {  	v16 =	vld.idx.msk [tilespmem:v17+s15+$0x0], $0xffff  }
0x3a5: {  	v9 =	vld [tilespmem:$0x1FBF0]  }
0x3a6: {  	v18 =	vld.idx.msk [tilespmem:v18+s15+$0x0], $0xffff;
	v0 =	vor.u32 v5, v4  }
0x3a7: {  	[tilespmem:$0x1FBD0] =	vst v0;
	v0 =	vld [tilespmem:$0x1FBE0];
	_ =	sdelay $0x1  }
0x3a8: {  	v15 =	vor.u32 v1, v4;
	_ =	sdelay $0x2  }
0x3a9: {  	v2 =	vld [tilespmem:$0x1FFC0];
	v21 =	vor.u32 v0, v35;
	v0 =	vor.u32 $0xC, v12  }
0x3aa: {  	v24 =	vld.idx.msk [tilespmem:v9+s24+$0x0], $0xffff;
	[tilespmem:$0x1FC00] =	vst v0  }
0x3ab: {  	v0 =	vld [tilespmem:$0x1FC10];
	[tilespmem:v15+s30+$0x0] =	vst.idx.msk $0xffff, v14  }
0x3ac: {  	v1 =	vld [tilespmem:$0x1FE20];
	_ =	sdelay $0x1  }
0x3ad: {  	v20 =	vor.u32 v46, v62;
	_ =	sdelay $0x2  }
0x3ae: {  	v11 =	vmov v46;
	v46 =	vor.u32 v1, v4;
	v1 =	vor.u32 $0xD, v12  }
0x3af: {  	[tilespmem:$0x1FC20] =	vst v1  }
0x3b0: {  	v10 =	vor.u32 v25, v4;
	v25 =	vor.u32 v0, v52;
	v0 =	vld [tilespmem:$0x1FE10];
	[tilespmem:v20+s30+$0x0] =	vst.idx.msk $0xffff, v16  }
0x3b1: {  	v1 =	vld [tilespmem:$0x1FE30];
	_ =	sdelay $0x4  }
0x3b2: {  	v1 =	vor.u32 v1, v4  }
0x3b3: {  	[tilespmem:$0x1FC30] =	vst v1;
	v1 =	vld [tilespmem:$0x1FE40];
	_ =	sdelay $0x4  }
0x3b4: {  	v1 =	vor.u32 v1, v4  }
0x3b5: {  	[tilespmem:$0x1FC40] =	vst v1;
	v1 =	vor.u32 $0xE, v12  }
0x3b6: {  	v51 =	vand.u32 $0xFFFFFF80, v13;
	v17 =	vand.u32 $0x7F, v13;
	v13 =	vor.u32 $0xB, v45;
	[tilespmem:$0x1FC50] =	vst v1;
	v1 =	vld [tilespmem:$0x1FE50];
	_ =	sdelay $0x4  }
0x3b7: {  	v13 =	vld.idx.msk [tilespmem:v13+s15+$0x0], $0xffff;
	v1 =	vor.u32 v1, v4  }
0x3b8: {  	[tilespmem:$0x1FC60] =	vst v1;
	v1 =	vld [tilespmem:$0x1FE60];
	_ =	sdelay $0x4  }
0x3b9: {  	v1 =	vor.u32 v1, v4  }
0x3ba: {  	[tilespmem:$0x1FC70] =	vst v1  }
0x3bb: {  	[tilespmem:v21+s30+$0x0] =	vst.idx.msk $0xffff, v18  }
0x3bc: {  	v1 =	vld [tilespmem:$0x1FC80];
	_ =	sdelay $0x6  }
0x3bd: {  	v15 =	vor.u32 v5, v33;
	v5 =	vor.u32 $0xF, v12  }
0x3be: {  	v1 =	vld.idx.msk [tilespmem:v1+s24+$0x0], $0xffff;
	[tilespmem:$0x1FC90] =	vst v5;
	v5 =	vor.u32 $0x10, v12  }
0x3bf: {  	[tilespmem:$0x1FCA0] =	vst v5;
	v5 =	vor.u32 $0x11, v12  }
0x3c0: {  	[tilespmem:$0x1FCB0] =	vst v5  }
0x3c1: {  	v5 =	vor.u32 $0x12, v12;
	[tilespmem:v25+s30+$0x0] =	vst.idx.msk $0xffff, v24  }
0x3c2: {  	v7 =	vld.idx.msk [tilespmem:v7+s24+$0x0], $0xffff;
	[tilespmem:$0x1FCC0] =	vst v5;
	v5 =	vor.u32 $0x13, v12  }
0x3c3: {  	[tilespmem:$0x1FCD0] =	vst v5;
	v5 =	vld [tilespmem:$0x1FCE0];
	_ =	sdelay $0x7  }
0x3c4: {  	v19 =	vor.u32 $0x1B, v55;
	v25 =	vld.idx.msk [tilespmem:v5+s24+$0x0], $0xffff;
	v5 =	vor.u32 $0x14, v12  }
0x3c5: {  	[tilespmem:$0x1FCF0] =	vst v5;
	v5 =	vld [tilespmem:$0x1FD00];
	_ =	sdelay $0x3  }
0x3c6: {  	v19 =	vld.idx.msk [tilespmem:v19+s15+$0x0], $0xffff;
	[tilespmem:$0x1FD10] =	vst v49  }
0x3c7: {  	v24 =	vor.u32 v28, v62;
	v27 =	vor.u32 v5, v35;
	v5 =	vld [tilespmem:$0x1FD20];
	[tilespmem:v15+s30+$0x0] =	vst.idx.msk $0xffff, v13  }
0x3c8: {  	[tilespmem:$0x1FD30] =	vst v44  }
0x3c9: {  	[tilespmem:$0x1FD40] =	vst v58  }
0x3ca: {  	[tilespmem:v10+s30+$0x0] =	vst.idx.msk $0xffff, v1;
	v1 =	vor.u32 $0x17, v12  }
0x3cb: {  	[tilespmem:$0x1FD50] =	vst v1  }
0x3cc: {  	v1 =	vor.u32 $0x18, v12;
	[tilespmem:v24+s30+$0x0] =	vst.idx.msk $0xffff, v7  }
0x3cd: {  	v14 =	vmov v28;
	v28 =	vor.u32 v5, v52;
	[tilespmem:$0x1FD60] =	vst v1;
	v1 =	vor.u32 $0x19, v12  }
0x3ce: {  	[tilespmem:$0x1FD70] =	vst v1  }
0x3cf: {  	v29 =	vmov v42;
	v1 =	vor.u32 v54, v35;
	[tilespmem:v27+s30+$0x0] =	vst.idx.msk $0xffff, v25  }
0x3d0: {  	[tilespmem:$0x1FD80] =	vst v1;
	v1 =	vor.u32 v29, v35  }
0x3d1: {  	[tilespmem:$0x1FD90] =	vst v1  }
0x3d2: {  	[tilespmem:v28+s30+$0x0] =	vst.idx.msk $0xffff, v19  }
0x3d3: {  	v1 =	vld [tilespmem:$0x1FDA0];
	_ =	sdelay $0x4  }
0x3d4: {  	v19 =	vor.u32 v1, v52;
	v1 =	vor.u32 $0x1D, v12  }
0x3d5: {  	v27 =	vld.idx.msk [tilespmem:v43+s24+$0x0], $0xffff;
	[tilespmem:$0x1FDB0] =	vst v1;
	v1 =	vor.u32 v14, v35  }
0x3d6: {  	[tilespmem:$0x1FDC0] =	vst v1;
	v1 =	vld [tilespmem:$0x1FDD0]  }
0x3d7: {  	v41 =	vor.u32 $0x1C, v55  }
0x3d8: {  	v32 =	vor.u32 $0x1B, v12;
	v26 =	vor.u32 $0x14, v48;
	v23 =	vor.u32 $0xB, v12  }
0x3d9: {  	v55 =	vor.u32 $0x15, v48;
	v42 =	vor.u32 v38, v35;
	v7 =	vor.u32 $0x19, v36  }
0x3da: {  	v48 =	vor.u32 $0x16, v12;
	v38 =	vor.u32 v2, v33;
	v9 =	vor.u32 v2, v4  }
0x3db: {  	v16 =	vor.u32 $0x15, v12;
	v0 =	vor.u32 v0, v4;
	v54 =	vor.u32 v1, v52;
	v1 =	vld [tilespmem:$0x1FDE0]  }
0x3dc: {  	v21 =	vor.u32 v57, v35;
	v18 =	vor.u32 v49, v35;
	v57 =	vor.u32 $0x1A, v12  }
0x3dd: {  	v49 =	vor.u32 v40, v52;
	v15 =	vor.u32 v44, v35;
	v13 =	vor.u32 $0x1C, v12;
	v28 =	vld.idx.msk [tilespmem:v23+s15+$0x0], $0xffff  }
0x3de: {  	v58 =	vor.u32 v58, v35;
	v44 =	vor.u32 v50, v35;
	v50 =	vor.u32 $0x1E, v12;
	v24 =	vld.idx.msk [tilespmem:v7+s15+$0x0], $0xffff;
	[tilespmem:$0x1FDF0] =	vst v59  }
0x3df: {  	v10 =	vor.u32 v11, v35;
	v25 =	vor.u32 v61, v62;
	v61 =	vor.u32 v61, v35;
	[tilespmem:$0x1FE00] =	vst v40  }
0x3e0: {  	s17 =	simm.s32 $0x4;
	s19 =	simm.s32 $0x470;
	v29 =	vor.u32 $0xC, v45;
	v59 =	vor.u32 v59, v52;
	v26 =	vld.idx.msk [tilespmem:v26+s15+$0x0], $0xffff;
	v43 =	vor.u32 v1, v52  }
.LBB2_2:
0x3e1: {  	v2 =	vmov v6  }
0x3e2: {  	[tilespmem:$0x1F640] =	vst v2;
	v2 =	vld [tilespmem:$0x1FBD0];
	_ =	sdelay $0x5  }
0x3e3: {  	[tilespmem:$0x1F620] =	vst v57;
	v57 =	vld [tilespmem:$0x1FA20]  }
0x3e4: {  	v3 =	vadd.s32 v3, v51;
	v51 =	vld [tilespmem:s19+$0xFFFFFFF0]  }
0x3e5: {  	[tilespmem:v2+s30+$0x0] =	vst.idx.msk $0xffff, v28;
	v2 =	vld [tilespmem:$0x1FE10];
	_ =	sdelay $0x3  }
0x3e6: {  	[tilespmem:$0x1F4F0] =	vst v49  }
0x3e7: {  	[tilespmem:$0x1F4E0] =	vst v10;
	v1 =	vor.u32 v57, v52;
	v11 =	vor.u32 v2, v33;
	v2 =	vld [tilespmem:$0x1F820]  }
0x3e8: {  	[tilespmem:$0x1F530] =	vst v1;
	v1 =	vor.u32 v17, v3  }
0x3e9: {  	[tilespmem:$0x1F550] =	vst v1;
	v1 =	vld [tilespmem:$0x1FA70]  }
0x3ea: {  	[tilespmem:$0x1F500] =	vst v50  }
0x3eb: {  	[tilespmem:$0x1F540] =	vst v61  }
0x3ec: {  	[tilespmem:$0x1F670] =	vst v32  }
0x3ed: {  	v23 =	vld [tilespmem:s19+$0x0];
	[tilespmem:v38+s30+$0x0] =	vst.idx.msk $0xffff, v27  }
0x3ee: {  	v27 =	vadd.s32 $0xD, v53;
	v3 =	vld.idx.msk [tilespmem:v29+s15+$0x0], $0xffff;
	[tilespmem:v25+s30+$0x0] =	vst.idx.msk $0xffff, v24;
	v5 =	vor.u32 v1, v52  }
0x3ef: {  	v6 =	vand.u32 $0x7F, v27;
	v17 =	vand.u32 $0xFFFFFF80, v27;
	[tilespmem:$0x1F570] =	vst v5;
	v27 =	vld.idx.msk [tilespmem:v2+s24+$0x0], $0xffff;
	v2 =	vor.u32 $0x1F, v12  }
0x3f0: {  	[tilespmem:$0x1F5A0] =	vst v2  }
0x3f1: {  	[tilespmem:v21+s30+$0x0] =	vst.idx.msk $0xffff, v26  }
0x3f2: {  	v2 =	vld [tilespmem:$0x1FAB0];
	_ =	sdelay $0x4  }
0x3f3: {  	v2 =	vor.u32 v2, v52  }
0x3f4: {  	[tilespmem:$0x1F5B0] =	vst v2;
	v2 =	vld [tilespmem:$0x1F720];
	_ =	sdelay $0x7  }
0x3f5: {  	v24 =	vld.idx.msk [tilespmem:v2+s24+$0x0], $0xffff  }
0x3f6: {  	v2 =	vld [tilespmem:$0x1FAA0];
	_ =	sdelay $0x4  }
0x3f7: {  	v25 =	vor.u32 v2, v62;
	v2 =	vmov v35  }
0x3f8: {  	[tilespmem:$0x1F510] =	vst v2;
	v2 =	vld [tilespmem:$0x1F6B0];
	_ =	sdelay $0x7  }
0x3f9: {  	v28 =	vld.idx.msk [tilespmem:v2+s24+$0x0], $0xffff;
	v2 =	vmov v47  }
0x3fa: {  	[tilespmem:$0x1F720] =	vst v2;
	v2 =	vld [tilespmem:$0x1F790];
	_ =	sdelay $0x4  }
0x3fb: {  	v5 =	vmov v2;
	v2 =	vmov v60  }
0x3fc: {  	[tilespmem:$0x1F790] =	vst v2;
	v2 =	vld [tilespmem:$0x1FE20];
	_ =	sdelay $0x1  }
0x3fd: {  	v17 =	vadd.s32 v63, v17  }
0x3fe: {  	v12 =	vor.u32 v6, v17  }
0x3ff: {  	v21 =	vld.idx.msk [tilespmem:v22+s24+$0x0], $0xffff  }
0x400: {  	[tilespmem:v9+s30+$0x0] =	vst.idx.msk $0xffff, v27;
	v27 =	vor.u32 v2, v33;
	v2 =	vld [tilespmem:$0x1FB20];
	_ =	sdelay $0x1  }
0x401: {  	[tilespmem:v11+s30+$0x0] =	vst.idx.msk $0xffff, v3  }
0x402: {  	s1 =	sadd.s32 $0x20, s1;
	v12 =	vld.idx.msk [tilespmem:v12+s24+$0x0], $0xffff  }
0x403: {  	v52 =	vld [tilespmem:s1+$0x0]  }
0x404: {  	[tilespmem:v25+s30+$0x0] =	vst.idx.msk $0xffff, v21;
	v25 =	vor.u32 v2, v62;
	v2 =	vld [tilespmem:$0x1FC00];
	_ =	sdelay $0x1  }
0x405: {  	s0 =	sadd.s32 $0x20, s0  }
0x406: {  	s21 =	sadd.s32 $0xFFFFFFF0, s0  }
0x407: {  	v50 =	vand.u32 $0xFFFFFF80, v51;
	v29 =	vor.u32 s21, v31;
	v17 =	vor.u32 s0, v31  }
0x408: {  	v6 =	vshll.u32 v17, $0x7;
	v22 =	vand.u32 $0xFFFFFF80, v23;
	v11 =	vand.u32 $0x7F, v51  }
0x409: {  	v3 =	vshll.u32 v29, $0x7;
	v22 =	vadd.s32 v6, v22;
	v35 =	vmovc v4;
	v4 =	vand.u32 $0x7F, v23  }
0x40a: {  	v22 =	vor.u32 v4, v22;
	v4 =	vshll.u32 v29, $0x6;
	v29 =	vadd.s32 v3, v50;
	v60 =	vld [tilespmem:s1+$0xFFFFFFF0];
	[tilespmem:v18+s30+$0x0] =	vst.idx.msk $0xffff, v24  }
0x40b: {  	v11 =	vor.u32 v11, v29;
	v29 =	vld.idx.msk [tilespmem:v2+s15+$0x0], $0xffff;
	v2 =	vmov v16  }
0x40c: {  	[tilespmem:$0x1F660] =	vst v2;
	v2 =	vld [tilespmem:$0x1FE30];
	_ =	sdelay $0x3  }
0x40d: {  	v32 =	vld.idx.msk [tilespmem:v55+s15+$0x0], $0xffff  }
0x40e: {  	[tilespmem:v19+s30+$0x0] =	vst.idx.msk $0xffff, v28;
	v19 =	vor.u32 v2, v33;
	v2 =	vld [tilespmem:$0x1FB90];
	_ =	sdelay $0x2  }
0x40f: {  	v26 =	vor.u32 $0x1A, v36;
	_ =	sdelay $0x1  }
0x410: {  	v7 =	vmov v2;
	v2 =	vmov v13  }
0x411: {  	[tilespmem:$0x1FB90] =	vst v2;
	v2 =	vld [tilespmem:$0x1FC10]  }
0x412: {  	v22 =	vld.idx.msk [tilespmem:v22+s24+$0x0], $0xffff  }
0x413: {  	v18 =	vld.idx.msk [tilespmem:v26+s15+$0x0], $0xffff;
	[tilespmem:v27+s30+$0x0] =	vst.idx.msk $0xffff, v12;
	v27 =	vadd.s32 $0xE, v53  }
0x414: {  	v40 =	vand.u32 $0xFFFFFF80, v27  }
0x415: {  	v27 =	vand.u32 $0x7F, v27;
	v28 =	vadd.s32 v63, v40  }
0x416: {  	v27 =	vor.u32 v27, v28;
	v28 =	vor.u32 v2, v62;
	v2 =	vld [tilespmem:$0x1F840];
	_ =	sdelay $0x5  }
0x417: {  	v16 =	vld.idx.msk [tilespmem:v41+s15+$0x0], $0xffff  }
0x418: {  	v11 =	vld.idx.msk [tilespmem:v11+s24+$0x0], $0xffff;
	[tilespmem:v0+s30+$0x0] =	vst.idx.msk $0xffff, v29  }
0x419: {  	v50 =	vld.idx.msk [tilespmem:v2+s24+$0x0], $0xffff  }
0x41a: {  	v2 =	vld [tilespmem:$0x1FE40]  }
0x41b: {  	v9 =	vshll.u32 v17, $0x6;
	v17 =	vor.u32 $0xD, v45  }
0x41c: {  	v21 =	vadd.s32 $0x1B, v34  }
0x41d: {  	v9 =	vand.u32 $0x7FFFFF80, v9;
	v24 =	vand.u32 $0xFFFFFF80, v21  }
0x41e: {  	v21 =	vand.u32 $0x7F, v21;
	v26 =	vor.u32 v39, v9;
	v24 =	vadd.s32 v37, v24  }
0x41f: {  	[tilespmem:$0x1F6B0] =	vst v5;
	v5 =	vshll.u32 v52, $0x5;
	v21 =	vor.u32 v21, v24;
	v52 =	vor.u32 v2, v33;
	v2 =	vld [tilespmem:$0x1F730]  }
0x420: {  	v17 =	vld.idx.msk [tilespmem:v17+s15+$0x0], $0xffff;
	_ =	sdelay $0x1  }
0x421: {  	v4 =	vand.u32 $0x7B80, v4;
	[tilespmem:v25+s30+$0x0] =	vst.idx.msk $0xffff, v18  }
0x422: {  	v10 =	vld [tilespmem:$0x1FFE0];
	v24 =	vor.u32 v39, v4;
	v18 =	vadd.s32 $0x1, v23;
	[tilespmem:v26+s30+$0x0] =	vst.idx.msk $0xffff, v22  }
0x423: {  	v26 =	vand.u32 $0xFFFFFF80, v18;
	v21 =	vld.idx.msk [tilespmem:v21+s24+$0x0], $0xffff  }
0x424: {  	v18 =	vand.u32 $0x7F, v18;
	v22 =	vld.idx.msk [tilespmem:v5+s15+$0x0], $0xffff;
	v26 =	vadd.s32 v6, v26;
	[tilespmem:v19+s30+$0x0] =	vst.idx.msk $0xffff, v17  }
0x425: {  	v25 =	vor.u32 v56, v9;
	v18 =	vor.u32 v18, v26;
	v26 =	vld.idx.msk [tilespmem:v27+s24+$0x0], $0xffff;
	[tilespmem:v15+s30+$0x0] =	vst.idx.msk $0xffff, v32  }
0x426: {  	v0 =	vor.u32 $0x1B, v36;
	v38 =	vld.idx.msk [tilespmem:v2+s24+$0x0], $0xffff  }
0x427: {  	v17 =	vor.u32 v10, v4;
	[tilespmem:v24+s30+$0x0] =	vst.idx.msk $0xffff, v11;
	v11 =	vor.u32 v10, v9;
	v10 =	vld [tilespmem:$0x1FC20]  }
0x428: {  	[tilespmem:$0x1F6A0] =	vst v7;
	v7 =	vld [tilespmem:$0x1FFD0]  }
0x429: {  	v12 =	vshll.u32 v60, $0x5;
	[tilespmem:v28+s30+$0x0] =	vst.idx.msk $0xffff, v21  }
0x42a: {  	[tilespmem:v25+s30+$0x0] =	vst.idx.msk $0xffff, v22  }
0x42b: {  	v0 =	vld.idx.msk [tilespmem:v0+s15+$0x0], $0xffff  }
0x42c: {  	v39 =	vadd.s32 $0x1, v51;
	v18 =	vld.idx.msk [tilespmem:v18+s24+$0x0], $0xffff  }
0x42d: {  	v49 =	vand.u32 $0xFFFFFF80, v39;
	v28 =	vor.u32 v7, v4;
	[tilespmem:v52+s30+$0x0] =	vst.idx.msk $0xffff, v26;
	v52 =	vor.u32 v7, v9;
	v7 =	vld [tilespmem:$0x1FDA0]  }
0x42e: {  	v47 =	vand.u32 $0x7F, v39;
	v13 =	vadd.s32 v3, v49;
	v24 =	vld.idx.msk [tilespmem:v12+s15+$0x0], $0xffff;
	[tilespmem:v46+s30+$0x0] =	vst.idx.msk $0xffff, v50  }
0x42f: {  	v13 =	vor.u32 v47, v13;
	v47 =	vld.idx.msk [tilespmem:v10+s15+$0x0], $0xffff  }
0x430: {  	v10 =	vld [tilespmem:$0x1FE50]  }
0x431: {  	v2 =	vld [tilespmem:$0x1FD20];
	_ =	sdelay $0x1  }
0x432: {  	v29 =	vor.u32 v56, v4  }
0x433: {  	v60 =	vor.u32 v7, v62;
	v7 =	vld [tilespmem:$0x1FC30]  }
0x434: {  	v19 =	vadd.s32 $0x2, v51;
	v46 =	vor.u32 v10, v33;
	v10 =	vld [tilespmem:$0x1F870]  }
0x435: {  	v27 =	vand.u32 $0xFFFFFF80, v19;
	v56 =	vor.u32 v2, v62;
	v2 =	vmov v30  }
0x436: {  	v15 =	vadd.s32 v3, v27;
	v27 =	vor.u32 $0xE, v45;
	[tilespmem:$0x1F730] =	vst v2  }
0x437: {  	v21 =	vadd.s32 $0x1C, v34;
	v2 =	vld [tilespmem:$0x1FFF0];
	[tilespmem:v29+s30+$0x0] =	vst.idx.msk $0xffff, v24  }
0x438: {  	v19 =	vand.u32 $0x7F, v19;
	v22 =	vand.u32 $0xFFFFFF80, v21;
	v25 =	vand.u32 $0x7F, v21;
	v13 =	vld.idx.msk [tilespmem:v13+s24+$0x0], $0xffff  }
0x439: {  	v22 =	vadd.s32 v37, v22;
	v40 =	vor.u32 v19, v15;
	v19 =	vadd.s32 $0xF, v53  }
0x43a: {  	v22 =	vor.u32 v25, v22;
	v30 =	vand.u32 $0xFFFFFF80, v19  }
0x43b: {  	v27 =	vld.idx.msk [tilespmem:v27+s15+$0x0], $0xffff;
	v19 =	vand.u32 $0x7F, v19;
	v30 =	vadd.s32 v63, v30;
	[tilespmem:v7+s30+$0x0] =	vst.idx.msk $0xffff, v47  }
0x43c: {  	v61 =	vmov v63;
	v15 =	vor.u32 $0x1, v5;
	v19 =	vor.u32 v19, v30;
	[tilespmem:v56+s30+$0x0] =	vst.idx.msk $0xffff, v0;
	v63 =	vld.idx.msk [tilespmem:v10+s24+$0x0], $0xffff  }
0x43d: {  	v25 =	vor.u32 v2, v4;
	[tilespmem:v17+s30+$0x0] =	vst.idx.msk $0xffff, v13;
	v17 =	vor.u32 v2, v9;
	v2 =	vld [tilespmem:$0x1FC40]  }
0x43e: {  	[tilespmem:v11+s30+$0x0] =	vst.idx.msk $0xffff, v18  }
0x43f: {  	v55 =	vor.u32 $0x1, v12;
	v26 =	vadd.s32 $0x3, v51;
	v18 =	vld.idx.msk [tilespmem:v22+s24+$0x0], $0xffff  }
0x440: {  	v49 =	vand.u32 $0xFFFFFF80, v26;
	v7 =	vld [tilespmem:$0x1FE60]  }
0x441: {  	v26 =	vand.u32 $0x7F, v26;
	v0 =	vadd.s32 v3, v49;
	v39 =	vld.idx.msk [tilespmem:v15+s15+$0x0], $0xffff;
	[tilespmem:v46+s30+$0x0] =	vst.idx.msk $0xffff, v27  }
0x442: {  	v11 =	vadd.s32 $0x2, v23;
	v26 =	vor.u32 v26, v0;
	v0 =	vld.idx.msk [tilespmem:v19+s24+$0x0], $0xffff  }
0x443: {  	v15 =	vand.u32 $0xFFFFFF80, v11;
	v10 =	vld [tilespmem:$0x1FDD0]  }
0x444: {  	v29 =	vor.u32 $0x1C, v36;
	v11 =	vand.u32 $0x7F, v11;
	v15 =	vadd.s32 v6, v15;
	v55 =	vld.idx.msk [tilespmem:v55+s15+$0x0], $0xffff;
	[tilespmem:v58+s30+$0x0] =	vst.idx.msk $0xffff, v38  }
0x445: {  	v11 =	vor.u32 v11, v15;
	v27 =	vor.u32 v7, v33;
	[tilespmem:v2+s30+$0x0] =	vst.idx.msk $0xffff, v63;
	v2 =	vld [tilespmem:$0x1FC50]  }
0x446: {  	v19 =	vadd.s32 $0x4, v51  }
0x447: {  	v32 =	vor.u32 $0xF, v45;
	[tilespmem:v60+s30+$0x0] =	vst.idx.msk $0xffff, v18;
	v18 =	vadd.s32 $0x1D, v34;
	v56 =	vand.u32 $0xFFFFFF80, v19;
	v63 =	vld [tilespmem:$0x1F8F0]  }
0x448: {  	[tilespmem:v52+s30+$0x0] =	vst.idx.msk $0xffff, v39;
	v47 =	vadd.s32 v3, v56;
	v56 =	vand.u32 $0xFFFFFF80, v18  }
0x449: {  	v29 =	vld.idx.msk [tilespmem:v29+s15+$0x0], $0xffff;
	v18 =	vand.u32 $0x7F, v18;
	v39 =	vadd.s32 v37, v56;
	v52 =	vor.u32 v10, v62  }
0x44a: {  	v11 =	vld.idx.msk [tilespmem:v11+s24+$0x0], $0xffff;
	v13 =	vand.u32 $0x7F, v19;
	v39 =	vor.u32 v18, v39;
	[tilespmem:v27+s30+$0x0] =	vst.idx.msk $0xffff, v0;
	v0 =	vadd.s32 $0x10, v53  }
0x44b: {  	v18 =	vor.u32 v13, v47;
	v47 =	vor.u32 $0x2, v5;
	v19 =	vand.u32 $0xFFFFFF80, v0  }
0x44c: {  	v27 =	vld.idx.msk [tilespmem:v32+s15+$0x0], $0xffff;
	v0 =	vand.u32 $0x7F, v0;
	v58 =	vadd.s32 v61, v19;
	v38 =	vor.u32 v63, v33  }
0x44d: {  	v32 =	vmov v45;
	v0 =	vor.u32 v0, v58;
	v45 =	vld.idx.msk [tilespmem:v2+s15+$0x0], $0xffff  }
0x44e: {  	[tilespmem:v52+s30+$0x0] =	vst.idx.msk $0xffff, v29;
	v2 =	vld [tilespmem:$0x1FDE0]  }
0x44f: {  	[tilespmem:v17+s30+$0x0] =	vst.idx.msk $0xffff, v11  }
0x450: {  	v39 =	vld.idx.msk [tilespmem:v39+s24+$0x0], $0xffff  }
0x451: {  	v46 =	vld.idx.msk [tilespmem:v47+s15+$0x0], $0xffff;
	[tilespmem:v38+s30+$0x0] =	vst.idx.msk $0xffff, v27  }
0x452: {  	v38 =	vld.idx.msk [tilespmem:v0+s24+$0x0], $0xffff  }
0x453: {  	v50 =	vor.u32 v2, v62;
	v2 =	vld [tilespmem:$0x1FB30]  }
0x454: {  	v0 =	vld [tilespmem:$0x1F6C0];
	_ =	sdelay $0x3  }
0x455: {  	v60 =	vadd.s32 $0x5, v51;
	v11 =	vadd.s32 $0x3, v23  }
0x456: {  	v14 =	vld [tilespmem:$0x1FE90];
	v29 =	vand.u32 $0xFFFFFF80, v60;
	v17 =	vand.u32 $0xFFFFFF80, v11;
	[tilespmem:v28+s30+$0x0] =	vst.idx.msk $0xffff, v55  }
0x457: {  	v29 =	vadd.s32 v3, v29;
	v11 =	vand.u32 $0x7F, v11;
	v17 =	vadd.s32 v6, v17;
	v40 =	vld.idx.msk [tilespmem:v40+s24+$0x0], $0xffff  }
0x458: {  	v55 =	vor.u32 v11, v17;
	v17 =	vand.u32 $0x7F, v60;
	v28 =	vld.idx.msk [tilespmem:v2+s15+$0x0], $0xffff;
	[tilespmem:v54+s30+$0x0] =	vst.idx.msk $0xffff, v16  }
0x459: {  	v17 =	vor.u32 v17, v29;
	v29 =	vld.idx.msk [tilespmem:v0+s24+$0x0], $0xffff;
	v0 =	vmov v48  }
0x45a: {  	[tilespmem:$0x1FB30] =	vst v0;
	v0 =	vld [tilespmem:$0x1F7A0];
	_ =	sdelay $0x4  }
0x45b: {  	v30 =	vor.u32 v14, v4;
	v47 =	vor.u32 v14, v9;
	v14 =	vmovc v0;
	v0 =	vmov v8  }
0x45c: {  	[tilespmem:$0x1F7A0] =	vst v0;
	v0 =	vld [tilespmem:$0x1FDF0];
	_ =	sdelay $0x2  }
0x45d: {  	v52 =	vor.u32 $0x1D, v36  }
0x45e: {  	v21 =	vor.u32 $0x2, v12;
	v60 =	vld [tilespmem:$0x1F950]  }
0x45f: {  	[tilespmem:v50+s30+$0x0] =	vst.idx.msk $0xffff, v39;
	v50 =	vor.u32 v0, v62;
	v0 =	vld [tilespmem:$0x1FC60]  }
0x460: {  	v20 =	vld [tilespmem:$0x1FEA0]  }
0x461: {  	v41 =	vld [tilespmem:$0x1FEB0];
	[tilespmem:v47+s30+$0x0] =	vst.idx.msk $0xffff, v46  }
0x462: {  	v46 =	vld.idx.msk [tilespmem:v52+s15+$0x0], $0xffff;
	[tilespmem:v25+s30+$0x0] =	vst.idx.msk $0xffff, v40  }
0x463: {  	v21 =	vld.idx.msk [tilespmem:v21+s15+$0x0], $0xffff  }
0x464: {  	v16 =	vor.u32 v60, v33;
	v8 =	vld.idx.msk [tilespmem:v55+s24+$0x0], $0xffff  }
0x465: {  	v49 =	vor.u32 $0x10, v32;
	v55 =	vld [tilespmem:$0x1F970];
	[tilespmem:$0x1F6C0] =	vst v14;
	v14 =	vor.u32 $0x6, v12  }
0x466: {  	v39 =	vadd.s32 $0x1E, v34;
	v40 =	vor.u32 v20, v9;
	[tilespmem:$0x1F520] =	vst v14;
	v14 =	vld [tilespmem:$0x1FE00]  }
0x467: {  	v15 =	vor.u32 v41, v4;
	v54 =	vand.u32 $0xFFFFFF80, v39;
	[tilespmem:v0+s30+$0x0] =	vst.idx.msk $0xffff, v45;
	v0 =	vld [tilespmem:$0x1F880]  }
0x468: {  	v39 =	vand.u32 $0x7F, v39;
	v48 =	vadd.s32 $0x6, v51;
	v47 =	vadd.s32 v37, v54  }
0x469: {  	v52 =	vor.u32 $0x3, v5;
	v25 =	vand.u32 $0xFFFFFF80, v48;
	v39 =	vor.u32 v39, v47;
	[tilespmem:v16+s30+$0x0] =	vst.idx.msk $0xffff, v38  }
0x46a: {  	v47 =	vadd.s32 v3, v25;
	v16 =	vadd.s32 $0x11, v53;
	v38 =	vand.u32 $0x7F, v48;
	v48 =	vld.idx.msk [tilespmem:v49+s15+$0x0], $0xffff;
	[tilespmem:v50+s30+$0x0] =	vst.idx.msk $0xffff, v46  }
0x46b: {  	v25 =	vand.u32 $0xFFFFFF80, v16;
	v16 =	vand.u32 $0x7F, v16;
	v54 =	vor.u32 v55, v33;
	[tilespmem:v40+s30+$0x0] =	vst.idx.msk $0xffff, v8  }
0x46c: {  	v40 =	vor.u32 v41, v9;
	v41 =	vor.u32 v14, v62;
	v14 =	vld [tilespmem:$0x1FC70];
	v45 =	vadd.s32 v61, v25  }
0x46d: {  	v16 =	vor.u32 v16, v45;
	_ =	sdelay $0x1  }
0x46e: {  	v49 =	vld.idx.msk [tilespmem:v0+s24+$0x0], $0xffff  }
0x46f: {  	v45 =	vor.u32 v38, v47;
	v38 =	vld.idx.msk [tilespmem:v39+s24+$0x0], $0xffff  }
0x470: {  	v8 =	vadd.s32 $0x4, v23;
	v39 =	vld.idx.msk [tilespmem:v52+s15+$0x0], $0xffff;
	[tilespmem:v54+s30+$0x0] =	vst.idx.msk $0xffff, v48  }
0x471: {  	v24 =	vor.u32 v20, v4;
	v52 =	vand.u32 $0xFFFFFF80, v8;
	v20 =	vld.idx.msk [tilespmem:v16+s24+$0x0], $0xffff;
	[tilespmem:v30+s30+$0x0] =	vst.idx.msk $0xffff, v21  }
0x472: {  	v8 =	vand.u32 $0x7F, v8;
	v21 =	vadd.s32 v6, v52;
	v26 =	vld.idx.msk [tilespmem:v26+s24+$0x0], $0xffff  }
0x473: {  	v8 =	vor.u32 v8, v21;
	v21 =	vadd.s32 $0x7, v51;
	[tilespmem:v14+s30+$0x0] =	vst.idx.msk $0xffff, v49;
	v14 =	vld [tilespmem:$0x1FC90]  }
0x474: {  	v16 =	vand.u32 $0xFFFFFF80, v21;
	v49 =	vand.u32 $0x7F, v21;
	v21 =	vld [tilespmem:$0x1F740];
	_ =	sdelay $0x5  }
0x475: {  	v54 =	vld [tilespmem:$0x1F9C0]  }
0x476: {  	v34 =	vadd.s32 $0x1F, v34;
	v16 =	vadd.s32 v3, v16;
	v14 =	vld.idx.msk [tilespmem:v14+s15+$0x0], $0xffff;
	[tilespmem:v44+s30+$0x0] =	vst.idx.msk $0xffff, v28  }
0x477: {  	v30 =	vor.u32 $0x1E, v36;
	v44 =	vld.idx.msk [tilespmem:v21+s24+$0x0], $0xffff;
	v21 =	vor.u32 v49, v16;
	v16 =	vand.u32 $0xFFFFFF80, v34  }
0x478: {  	v56 =	vld [tilespmem:$0x1FEC0];
	v47 =	vand.u32 $0x7F, v34;
	v49 =	vadd.s32 v37, v16  }
0x479: {  	[tilespmem:v41+s30+$0x0] =	vst.idx.msk $0xffff, v38;
	v37 =	vor.u32 v47, v49;
	v49 =	vld [tilespmem:$0x1FF00]  }
0x47a: {  	[tilespmem:v40+s30+$0x0] =	vst.idx.msk $0xffff, v39  }
0x47b: {  	[tilespmem:$0x1F560] =	vst v14;
	v14 =	vor.u32 v54, v33  }
0x47c: {  	v38 =	vor.u32 v57, v62;
	v30 =	vld.idx.msk [tilespmem:v30+s15+$0x0], $0xffff;
	v28 =	vor.u32 $0x11, v32  }
0x47d: {  	v8 =	vld.idx.msk [tilespmem:v8+s24+$0x0], $0xffff;
	[tilespmem:v24+s30+$0x0] =	vst.idx.msk $0xffff, v26;
	v26 =	vor.u32 v56, v9;
	v16 =	vor.u32 $0x7, v12  }
0x47e: {  	v57 =	vor.u32 $0x4, v5;
	[tilespmem:$0x1F590] =	vst v16;
	v16 =	vor.u32 v49, v4  }
0x47f: {  	[tilespmem:$0x1F580] =	vst v16  }
0x480: {  	[tilespmem:v14+s30+$0x0] =	vst.idx.msk $0xffff, v20  }
0x481: {  	v22 =	vor.u32 $0x3, v12;
	v28 =	vld.idx.msk [tilespmem:v28+s15+$0x0], $0xffff;
	[tilespmem:v38+s30+$0x0] =	vst.idx.msk $0xffff, v30  }
0x482: {  	v16 =	vld [tilespmem:$0x1FB40];
	[tilespmem:v26+s30+$0x0] =	vst.idx.msk $0xffff, v8  }
0x483: {  	v38 =	vld.idx.msk [tilespmem:v57+s15+$0x0], $0xffff  }
0x484: {  	v20 =	vadd.s32 $0x8, v51;
	v57 =	vor.u32 v1, v62;
	v1 =	vld [tilespmem:$0x1FAD0]  }
0x485: {  	v47 =	vand.u32 $0xFFFFFF80, v20  }
0x486: {  	v22 =	vld.idx.msk [tilespmem:v22+s15+$0x0], $0xffff;
	[tilespmem:v43+s30+$0x0] =	vst.idx.msk $0xffff, v29;
	v20 =	vand.u32 $0x7F, v20;
	v30 =	vadd.s32 v3, v47  }
0x487: {  	v34 =	vmov v53;
	[tilespmem:v42+s30+$0x0] =	vst.idx.msk $0xffff, v44;
	v44 =	vor.u32 v20, v30;
	v30 =	vld [tilespmem:$0x1FFA0]  }
0x488: {  	v14 =	vadd.s32 $0x12, v34  }
0x489: {  	v46 =	vand.u32 $0xFFFFFF80, v14  }
0x48a: {  	v24 =	vld [tilespmem:$0x1FA00];
	v14 =	vand.u32 $0x7F, v14;
	v29 =	vadd.s32 v61, v46  }
0x48b: {  	v14 =	vor.u32 v14, v29;
	v29 =	vld.idx.msk [tilespmem:v16+s15+$0x0], $0xffff;
	[tilespmem:v15+s30+$0x0] =	vst.idx.msk $0xffff, v22  }
0x48c: {  	v40 =	vld.idx.msk [tilespmem:v1+s15+$0x0], $0xffff;
	v1 =	vor.u32 v30, v4  }
0x48d: {  	[tilespmem:$0x1F5C0] =	vst v1;
	v1 =	vor.u32 $0x8, v12  }
0x48e: {  	[tilespmem:$0x1F5D0] =	vst v1;
	v1 =	vld [tilespmem:$0x1FD80]  }
0x48f: {  	v10 =	vld [tilespmem:$0x1FED0]  }
0x490: {  	v53 =	vmov v23;
	v23 =	vor.u32 v24, v33;
	_ =	sdelay $0x1  }
0x491: {  	v26 =	vld.idx.msk [tilespmem:v37+s24+$0x0], $0xffff  }
0x492: {  	v13 =	vor.u32 v56, v4;
	v8 =	vadd.s32 $0x5, v53;
	v22 =	vor.u32 $0x1F, v36;
	v36 =	vmovc v32;
	v32 =	vld [tilespmem:$0x1FF80]  }
0x493: {  	v11 =	vor.u32 v10, v4;
	v39 =	vor.u32 v10, v9;
	v56 =	vand.u32 $0xFFFFFF80, v8  }
0x494: {  	v10 =	vld [tilespmem:$0x1F750];
	v37 =	vmovc v61;
	v61 =	vmov v6;
	[tilespmem:v23+s30+$0x0] =	vst.idx.msk $0xffff, v28;
	v15 =	vadd.s32 v6, v56;
	v6 =	vadd.s32 $0x9, v51  }
0x495: {  	v43 =	vld.idx.msk [tilespmem:v18+s24+$0x0], $0xffff;
	[tilespmem:v1+s30+$0x0] =	vst.idx.msk $0xffff, v29;
	v1 =	vand.u32 $0xFFFFFF80, v6  }
0x496: {  	v14 =	vld.idx.msk [tilespmem:v14+s24+$0x0], $0xffff;
	[tilespmem:v57+s30+$0x0] =	vst.idx.msk $0xffff, v26;
	v57 =	vmov v5;
	v5 =	vadd.s32 v3, v1;
	v1 =	vor.u32 $0x9, v12  }
0x497: {  	v18 =	vld [tilespmem:$0x1FA50];
	v6 =	vand.u32 $0x7F, v6;
	[tilespmem:$0x1F600] =	vst v1;
	v1 =	vor.u32 v32, v4  }
0x498: {  	[tilespmem:$0x1F5E0] =	vst v1;
	v1 =	vor.u32 v6, v5  }
0x499: {  	[tilespmem:$0x1F5F0] =	vst v1;
	v1 =	vld [tilespmem:$0x1FAB0]  }
0x49a: {  	v19 =	vor.u32 $0x4, v12;
	v8 =	vand.u32 $0x7F, v8  }
0x49b: {  	v58 =	vld [tilespmem:$0x1FEE0];
	v8 =	vor.u32 v8, v15;
	[tilespmem:v39+s30+$0x0] =	vst.idx.msk $0xffff, v38  }
0x49c: {  	v22 =	vld.idx.msk [tilespmem:v22+s15+$0x0], $0xffff;
	v20 =	vor.u32 v18, v33  }
0x49d: {  	v23 =	vor.u32 $0x12, v36;
	v28 =	vld.idx.msk [tilespmem:v10+s24+$0x0], $0xffff  }
0x49e: {  	[tilespmem:v13+s30+$0x0] =	vst.idx.msk $0xffff, v43;
	v6 =	vor.u32 v1, v62;
	v1 =	vld [tilespmem:$0x1FD90]  }
0x49f: {  	v26 =	vld.idx.msk [tilespmem:v19+s15+$0x0], $0xffff  }
0x4a0: {  	v13 =	vor.u32 v58, v9;
	v5 =	vld.idx.msk [tilespmem:v8+s24+$0x0], $0xffff;
	v8 =	vadd.s32 $0xA, v51  }
0x4a1: {  	[tilespmem:v20+s30+$0x0] =	vst.idx.msk $0xffff, v14;
	v14 =	vadd.s32 $0x13, v34;
	v19 =	vand.u32 $0xFFFFFF80, v8;
	v62 =	vmovc v33;
	v33 =	vmov v9;
	v9 =	vld [tilespmem:$0x1FD50]  }
0x4a2: {  	v38 =	vld.idx.msk [tilespmem:v23+s15+$0x0], $0xffff;
	v20 =	vadd.s32 v3, v19;
	v19 =	vand.u32 $0xFFFFFF80, v14  }
0x4a3: {  	[tilespmem:v59+s30+$0x0] =	vst.idx.msk $0xffff, v40;
	v23 =	vadd.s32 v37, v19;
	v19 =	vld [tilespmem:$0x1FF60]  }
0x4a4: {  	[tilespmem:v6+s30+$0x0] =	vst.idx.msk $0xffff, v22  }
0x4a5: {  	[tilespmem:v13+s30+$0x0] =	vst.idx.msk $0xffff, v5  }
0x4a6: {  	v5 =	vadd.s32 $0x6, v53;
	[tilespmem:v1+s30+$0x0] =	vst.idx.msk $0xffff, v28;
	v1 =	vmov v9  }
0x4a7: {  	v0 =	vld [tilespmem:$0x1FEF0];
	v22 =	vand.u32 $0xFFFFFF80, v5;
	[tilespmem:$0x1FB40] =	vst v1  }
0x4a8: {  	v5 =	vand.u32 $0x7F, v5;
	v28 =	vor.u32 v19, v4;
	[tilespmem:v11+s30+$0x0] =	vst.idx.msk $0xffff, v26;
	v11 =	vadd.s32 v61, v22;
	v1 =	vld [tilespmem:$0x1F980]  }
0x4a9: {  	[tilespmem:$0x1F610] =	vst v28;
	v28 =	vor.u32 v5, v11;
	v11 =	vld [tilespmem:$0x1FF90];
	_ =	sdelay $0x2  }
0x4aa: {  	v15 =	vld [tilespmem:$0x1F810]  }
0x4ab: {  	v31 =	vor.u32 v0, v4;
	v6 =	vld [tilespmem:$0x1FF40];
	v9 =	vor.u32 v0, v33;
	v0 =	vmov v1  }
0x4ac: {  	v8 =	vand.u32 $0x7F, v8;
	v14 =	vand.u32 $0x7F, v14;
	v26 =	vld.idx.msk [tilespmem:v17+s24+$0x0], $0xffff;
	[tilespmem:$0x1F740] =	vst v0;
	v0 =	vor.u32 v11, v4  }
0x4ad: {  	v14 =	vor.u32 v14, v23;
	v23 =	vor.u32 v8, v20;
	v8 =	vadd.s32 $0xB, v51;
	[tilespmem:$0x1F680] =	vst v0;
	v0 =	vld [tilespmem:$0x1FB50]  }
0x4ae: {  	v29 =	vor.u32 $0x5, v57;
	v22 =	vand.u32 $0x7F, v8;
	v17 =	vand.u32 $0xFFFFFF80, v8;
	v8 =	vld [tilespmem:$0x1FF50];
	_ =	sdelay $0x1  }
0x4af: {  	v59 =	vor.u32 v15, v62;
	_ =	sdelay $0x1  }
0x4b0: {  	v10 =	vor.u32 v6, v4  }
0x4b1: {  	v20 =	vld.idx.msk [tilespmem:v29+s15+$0x0], $0xffff;
	[tilespmem:$0x1F630] =	vst v10;
	v10 =	vor.u32 v8, v4  }
0x4b2: {  	[tilespmem:$0x1F650] =	vst v10;
	v10 =	vld [tilespmem:$0x1FD60]  }
0x4b3: {  	[tilespmem:v59+s30+$0x0] =	vst.idx.msk $0xffff, v38;
	v38 =	vld.idx.msk [tilespmem:v0+s15+$0x0], $0xffff;
	v0 =	vor.u32 $0xB, v12  }
0x4b4: {  	[tilespmem:$0x1F690] =	vst v0;
	v0 =	vld [tilespmem:$0x1F6E0];
	_ =	sdelay $0x2  }
0x4b5: {  	v5 =	vadd.s32 v3, v17;
	v17 =	vmov v10;
	v10 =	vld [tilespmem:$0x1F990]  }
0x4b6: {  	[tilespmem:$0x1FB50] =	vst v17;
	v17 =	vld [tilespmem:$0x1FFB0];
	_ =	sdelay $0x2  }
0x4b7: {  	v1 =	vld [tilespmem:$0x1FB10]  }
0x4b8: {  	v40 =	vld.idx.msk [tilespmem:v0+s24+$0x0], $0xffff;
	v0 =	vmov v10  }
0x4b9: {  	v10 =	vld [tilespmem:$0x1FDB0];
	[tilespmem:$0x1F750] =	vst v0;
	v0 =	vor.u32 v17, v4  }
0x4ba: {  	[tilespmem:$0x1FBD0] =	vst v0;
	v0 =	vld [tilespmem:$0x1FBA0];
	_ =	sdelay $0x3  }
0x4bb: {  	v27 =	vor.u32 v58, v4;
	v14 =	vld.idx.msk [tilespmem:v14+s24+$0x0], $0xffff  }
0x4bc: {  	v2 =	vor.u32 $0x5, v12;
	v22 =	vor.u32 v22, v5;
	v29 =	vor.u32 v1, v62;
	v5 =	vmovc v0;
	v0 =	vmovc v10;
	v10 =	vld [tilespmem:$0x1F7B0];
	_ =	sdelay $0x2  }
0x4bd: {  	[tilespmem:v9+s30+$0x0] =	vst.idx.msk $0xffff, v20  }
0x4be: {  	v46 =	vadd.s32 $0xC, v51;
	v28 =	vld.idx.msk [tilespmem:v28+s24+$0x0], $0xffff;
	[tilespmem:v27+s30+$0x0] =	vst.idx.msk $0xffff, v26  }
0x4bf: {  	v59 =	vand.u32 $0xFFFFFF80, v46;
	[tilespmem:v29+s30+$0x0] =	vst.idx.msk $0xffff, v14;
	v27 =	vld.idx.msk [tilespmem:v2+s15+$0x0], $0xffff;
	v2 =	vmov v10  }
0x4c0: {  	v58 =	vand.u32 $0x7F, v46;
	v20 =	vadd.s32 v3, v59;
	[tilespmem:$0x1F6E0] =	vst v2;
	v2 =	vld [tilespmem:$0x1F4E0]  }
0x4c1: {  	[tilespmem:$0x1FBA0] =	vst v0;
	v0 =	vor.u32 v58, v20;
	v20 =	vadd.s32 $0xD, v51  }
0x4c2: {  	v14 =	vadd.s32 $0x14, v34;
	[tilespmem:$0x1F820] =	vst v0;
	v0 =	vand.u32 $0xFFFFFF80, v20  }
0x4c3: {  	v29 =	vadd.s32 v3, v0;
	v0 =	vand.u32 $0xFFFFFF80, v14  }
0x4c4: {  	v46 =	vadd.s32 v37, v0;
	v0 =	vld [tilespmem:$0x1F760];
	_ =	sdelay $0x3  }
0x4c5: {  	[tilespmem:v2+s30+$0x0] =	vst.idx.msk $0xffff, v38;
	v2 =	vld [tilespmem:$0x1F9A0];
	_ =	sdelay $0x3  }
0x4c6: {  	v56 =	vld.idx.msk [tilespmem:v0+s24+$0x0], $0xffff  }
0x4c7: {  	v0 =	vmov v2;
	v2 =	vld [tilespmem:$0x1F4F0];
	_ =	sdelay $0x4  }
0x4c8: {  	v50 =	vld [tilespmem:$0x1FF10];
	_ =	sdelay $0x1  }
0x4c9: {  	v20 =	vand.u32 $0x7F, v20  }
0x4ca: {  	v58 =	vld [tilespmem:$0x1FA80];
	[tilespmem:v2+s30+$0x0] =	vst.idx.msk $0xffff, v40;
	v2 =	vor.u32 v20, v29  }
0x4cb: {  	v39 =	vor.u32 $0x13, v36;
	[tilespmem:$0x1F840] =	vst v2;
	v2 =	vld [tilespmem:$0x1FE20]  }
0x4cc: {  	v25 =	vor.u32 v50, v4;
	v26 =	vor.u32 v50, v33;
	v50 =	vld [tilespmem:$0x1FBE0];
	_ =	sdelay $0x2  }
0x4cd: {  	v14 =	vand.u32 $0x7F, v14  }
0x4ce: {  	v41 =	vor.u32 $0x6, v57;
	v39 =	vld.idx.msk [tilespmem:v39+s15+$0x0], $0xffff;
	v14 =	vor.u32 v14, v46;
	v46 =	vor.u32 v2, v4;
	v2 =	vmovc v58  }
0x4cf: {  	v10 =	vor.u32 v50, v62;
	[tilespmem:$0x1F7B0] =	vst v2;
	v2 =	vld [tilespmem:$0x1FE30];
	_ =	sdelay $0x2  }
0x4d0: {  	[tilespmem:v26+s30+$0x0] =	vst.idx.msk $0xffff, v28;
	v26 =	vadd.s32 $0xE, v51  }
0x4d1: {  	v28 =	vld.idx.msk [tilespmem:v41+s15+$0x0], $0xffff;
	[tilespmem:v31+s30+$0x0] =	vst.idx.msk $0xffff, v27;
	v31 =	vand.u32 $0xFFFFFF80, v26  }
0x4d2: {  	[tilespmem:v10+s30+$0x0] =	vst.idx.msk $0xffff, v39;
	v26 =	vand.u32 $0x7F, v26;
	v10 =	vadd.s32 v3, v31;
	v2 =	vor.u32 v2, v4  }
0x4d3: {  	[tilespmem:$0x1FC30] =	vst v2;
	v2 =	vor.u32 v26, v10  }
0x4d4: {  	[tilespmem:$0x1F870] =	vst v2;
	v2 =	vld [tilespmem:$0x1FE40];
	_ =	sdelay $0x4  }
0x4d5: {  	v2 =	vor.u32 v2, v4  }
0x4d6: {  	[tilespmem:$0x1FC40] =	vst v2;
	v2 =	vld [tilespmem:$0x1FAE0];
	_ =	sdelay $0x3  }
0x4d7: {  	v20 =	vadd.s32 $0x7, v53  }
0x4d8: {  	v29 =	vand.u32 $0xFFFFFF80, v20  }
0x4d9: {  	v52 =	vld [tilespmem:$0x1FF20];
	v20 =	vand.u32 $0x7F, v20;
	v29 =	vadd.s32 v61, v29  }
0x4da: {  	v29 =	vor.u32 v20, v29;
	v20 =	vld [tilespmem:$0x1FBB0]  }
0x4db: {  	v26 =	vld.idx.msk [tilespmem:v2+s15+$0x0], $0xffff;
	v2 =	vor.u32 $0xE, v12  }
0x4dc: {  	[tilespmem:$0x1FC50] =	vst v2;
	v2 =	vld [tilespmem:$0x1FDC0];
	_ =	sdelay $0x2  }
0x4dd: {  	v48 =	vor.u32 v52, v4;
	v27 =	vor.u32 v52, v33;
	v52 =	vmov v20;
	v20 =	vld [tilespmem:$0x1F500];
	_ =	sdelay $0x2  }
0x4de: {  	v59 =	vor.u32 $0xC, v12  }
0x4df: {  	[tilespmem:$0x1FC00] =	vst v59  }
0x4e0: {  	v59 =	vld.idx.msk [tilespmem:v45+s24+$0x0], $0xffff;
	[tilespmem:v2+s30+$0x0] =	vst.idx.msk $0xffff, v56;
	v2 =	vmov v20  }
0x4e1: {  	[tilespmem:$0x1FBB0] =	vst v2;
	v2 =	vld [tilespmem:$0x1FE50];
	_ =	sdelay $0x4  }
0x4e2: {  	v39 =	vld.idx.msk [tilespmem:v14+s24+$0x0], $0xffff;
	v14 =	vadd.s32 $0xF, v51;
	v2 =	vor.u32 v2, v4  }
0x4e3: {  	v56 =	vand.u32 $0x7F, v14;
	[tilespmem:$0x1FC60] =	vst v2;
	v2 =	vand.u32 $0xFFFFFF80, v14;
	v14 =	vld [tilespmem:$0x1FB60];
	_ =	sdelay $0x7  }
0x4e4: {  	[tilespmem:v27+s30+$0x0] =	vst.idx.msk $0xffff, v28;
	v27 =	vld.idx.msk [tilespmem:v14+s15+$0x0], $0xffff  }
0x4e5: {  	v14 =	vld [tilespmem:$0x1FD70];
	_ =	sdelay $0x4  }
0x4e6: {  	v58 =	vor.u32 v7, v4;
	v7 =	vmov v14  }
0x4e7: {  	[tilespmem:$0x1FB60] =	vst v7;
	v7 =	vld [tilespmem:$0x1F520];
	_ =	sdelay $0x6  }
0x4e8: {  	[tilespmem:v25+s30+$0x0] =	vst.idx.msk $0xffff, v59  }
0x4e9: {  	v25 =	vld.idx.msk [tilespmem:v7+s15+$0x0], $0xffff  }
0x4ea: {  	v7 =	vld [tilespmem:$0x1F530];
	_ =	sdelay $0x7  }
0x4eb: {  	[tilespmem:v7+s30+$0x0] =	vst.idx.msk $0xffff, v26;
	v7 =	vld [tilespmem:$0x1F6F0];
	_ =	sdelay $0x1  }
0x4ec: {  	v31 =	vld [tilespmem:$0x1FD00]  }
0x4ed: {  	v14 =	vld [tilespmem:$0x1F7C0];
	_ =	sdelay $0x3  }
0x4ee: {  	v28 =	vld.idx.msk [tilespmem:v29+s24+$0x0], $0xffff;
	v10 =	vor.u32 v31, v62;
	v2 =	vadd.s32 v3, v2  }
0x4ef: {  	v40 =	vor.u32 $0x14, v36;
	v29 =	vor.u32 v49, v33;
	v2 =	vor.u32 v56, v2;
	v56 =	vld.idx.msk [tilespmem:v7+s24+$0x0], $0xffff;
	v7 =	vmovc v14  }
0x4f0: {  	[tilespmem:$0x1F6F0] =	vst v7;
	v7 =	vld [tilespmem:$0x1F540];
	_ =	sdelay $0x2  }
0x4f1: {  	[tilespmem:v10+s30+$0x0] =	vst.idx.msk $0xffff, v39  }
0x4f2: {  	v38 =	vor.u32 $0xD, v12;
	v45 =	vor.u32 $0x7, v57;
	v39 =	vld.idx.msk [tilespmem:v40+s15+$0x0], $0xffff;
	[tilespmem:v29+s30+$0x0] =	vst.idx.msk $0xffff, v28  }
0x4f3: {  	v10 =	vadd.s32 $0x15, v34;
	v29 =	vadd.s32 $0x11, v51;
	[tilespmem:$0x1F880] =	vst v2;
	v2 =	vadd.s32 $0x10, v51  }
0x4f4: {  	[tilespmem:$0x1FC20] =	vst v38;
	v20 =	vor.u32 $0xF, v12;
	v59 =	vand.u32 $0xFFFFFF80, v2;
	v2 =	vand.u32 $0x7F, v2  }
0x4f5: {  	[tilespmem:$0x1FC90] =	vst v20;
	v38 =	vadd.s32 v3, v59;
	v59 =	vand.u32 $0xFFFFFF80, v10;
	v10 =	vand.u32 $0x7F, v10  }
0x4f6: {  	v20 =	vld [tilespmem:$0x1F550];
	v40 =	vadd.s32 v37, v59;
	[tilespmem:v7+s30+$0x0] =	vst.idx.msk $0xffff, v27;
	v7 =	vor.u32 v2, v38;
	v2 =	vadd.s32 $0x8, v53  }
0x4f7: {  	v49 =	vld [tilespmem:$0x1F8D0];
	v59 =	vor.u32 v63, v35;
	v10 =	vor.u32 v10, v40;
	v63 =	vand.u32 $0xFFFFFF80, v2  }
0x4f8: {  	v38 =	vld.idx.msk [tilespmem:v45+s15+$0x0], $0xffff;
	v45 =	vand.u32 $0xFFFFFF80, v29;
	[tilespmem:v48+s30+$0x0] =	vst.idx.msk $0xffff, v25;
	v2 =	vand.u32 $0x7F, v2;
	v40 =	vadd.s32 v61, v63  }
0x4f9: {  	[tilespmem:$0x1FC70] =	vst v58;
	v29 =	vand.u32 $0x7F, v29;
	v48 =	vld.idx.msk [tilespmem:v21+s24+$0x0], $0xffff;
	v58 =	vor.u32 v2, v40;
	v2 =	vadd.s32 v3, v45  }
0x4fa: {  	v21 =	vor.u32 v29, v2;
	v2 =	vld [tilespmem:$0x1F8A0]  }
0x4fb: {  	v14 =	vmov v20  }
0x4fc: {  	[tilespmem:$0x1F7C0] =	vst v14;
	v14 =	vld [tilespmem:$0x1F560]  }
0x4fd: {  	v26 =	vor.u32 v49, v62;
	_ =	sdelay $0x1  }
0x4fe: {  	v16 =	vld [tilespmem:$0x1FF30];
	_ =	sdelay $0x1  }
0x4ff: {  	[tilespmem:v59+s30+$0x0] =	vst.idx.msk $0xffff, v14  }
0x500: {  	[tilespmem:v26+s30+$0x0] =	vst.idx.msk $0xffff, v39;
	v26 =	vld.idx.msk [tilespmem:v2+s24+$0x0], $0xffff  }
0x501: {  	v2 =	vld [tilespmem:$0x1F770]  }
0x502: {  	v47 =	vor.u32 v16, v4;
	v25 =	vor.u32 v16, v33;
	v16 =	vld [tilespmem:$0x1F570];
	_ =	sdelay $0x6  }
0x503: {  	v2 =	vld.idx.msk [tilespmem:v2+s24+$0x0], $0xffff  }
0x504: {  	[tilespmem:v16+s30+$0x0] =	vst.idx.msk $0xffff, v56;
	v16 =	vld [tilespmem:$0x1FAF0]  }
0x505: {  	v29 =	vadd.s32 $0x12, v51  }
0x506: {  	v27 =	vor.u32 v60, v35;
	v10 =	vld.idx.msk [tilespmem:v10+s24+$0x0], $0xffff;
	v60 =	vand.u32 $0xFFFFFF80, v29  }
0x507: {  	[tilespmem:v25+s30+$0x0] =	vst.idx.msk $0xffff, v38;
	v38 =	vadd.s32 v3, v60;
	v60 =	vor.u32 v18, v35;
	v18 =	vld [tilespmem:$0x1FBC0];
	_ =	sdelay $0x4  }
0x508: {  	v25 =	vld.idx.msk [tilespmem:v16+s15+$0x0], $0xffff;
	v16 =	vmov v18  }
0x509: {  	[tilespmem:$0x1FAF0] =	vst v16;
	v16 =	vld [tilespmem:$0x1F580];
	_ =	sdelay $0x4  }
0x50a: {  	v20 =	vld [tilespmem:$0x1F5A0]  }
0x50b: {  	v45 =	vld [tilespmem:$0x1FD10];
	_ =	sdelay $0x1  }
0x50c: {  	[tilespmem:v16+s30+$0x0] =	vst.idx.msk $0xffff, v48;
	v16 =	vld [tilespmem:$0x1F590];
	_ =	sdelay $0x1  }
0x50d: {  	v18 =	vmov v20  }
0x50e: {  	v39 =	vor.u32 v45, v62;
	[tilespmem:$0x1FBC0] =	vst v18;
	v18 =	vld [tilespmem:$0x1FCA0]  }
0x50f: {  	v59 =	vor.u32 $0x15, v36;
	_ =	sdelay $0x2  }
0x510: {  	v56 =	vld.idx.msk [tilespmem:v58+s24+$0x0], $0xffff  }
0x511: {  	[tilespmem:v39+s30+$0x0] =	vst.idx.msk $0xffff, v10;
	v16 =	vld.idx.msk [tilespmem:v16+s15+$0x0], $0xffff  }
0x512: {  	v41 =	vor.u32 v24, v35;
	v10 =	vadd.s32 $0x16, v34;
	[tilespmem:v27+s30+$0x0] =	vst.idx.msk $0xffff, v26;
	v27 =	vld.idx.msk [tilespmem:v59+s15+$0x0], $0xffff  }
0x513: {  	v24 =	vadd.s32 $0x13, v51;
	v26 =	vand.u32 $0xFFFFFF80, v10;
	v59 =	vor.u32 v15, v35;
	v15 =	vld [tilespmem:$0x1FA10]  }
0x514: {  	v14 =	vor.u32 v54, v35;
	v10 =	vand.u32 $0x7F, v10;
	v48 =	vld.idx.msk [tilespmem:v18+s15+$0x0], $0xffff;
	v26 =	vadd.s32 v37, v26  }
0x515: {  	v54 =	vand.u32 $0xFFFFFF80, v24;
	v18 =	vmovc v7;
	v7 =	vand.u32 $0x7F, v24;
	v24 =	vor.u32 v10, v26;
	v10 =	vld [tilespmem:$0x1F5B0];
	_ =	sdelay $0x1  }
0x516: {  	v39 =	vadd.s32 v3, v54;
	v54 =	vld [tilespmem:$0x1FD30]  }
0x517: {  	v26 =	vor.u32 v1, v35;
	v1 =	vmov v15  }
0x518: {  	v29 =	vand.u32 $0x7F, v29;
	[tilespmem:$0x1F770] =	vst v1;
	v1 =	vld [tilespmem:$0x1F8C0]  }
0x519: {  	v29 =	vor.u32 v29, v38;
	v38 =	vor.u32 v30, v33  }
0x51a: {  	v55 =	vor.u32 v55, v35;
	v58 =	vor.u32 $0x8, v57;
	v15 =	vmov v21  }
0x51b: {  	v20 =	vor.u32 v54, v62;
	[tilespmem:$0x1F8C0] =	vst v15;
	v15 =	vld [tilespmem:$0x1F5C0]  }
0x51c: {  	[tilespmem:v10+s30+$0x0] =	vst.idx.msk $0xffff, v25  }
0x51d: {  	[tilespmem:v47+s30+$0x0] =	vst.idx.msk $0xffff, v16  }
0x51e: {  	[tilespmem:v38+s30+$0x0] =	vst.idx.msk $0xffff, v56;
	v47 =	vld.idx.msk [tilespmem:v44+s24+$0x0], $0xffff  }
0x51f: {  	v38 =	vld.idx.msk [tilespmem:v58+s15+$0x0], $0xffff;
	[tilespmem:v55+s30+$0x0] =	vst.idx.msk $0xffff, v48  }
0x520: {  	[tilespmem:v20+s30+$0x0] =	vst.idx.msk $0xffff, v27;
	v27 =	vld.idx.msk [tilespmem:v1+s24+$0x0], $0xffff  }
0x521: {  	v1 =	vld [tilespmem:$0x1FD40]  }
0x522: {  	v39 =	vor.u32 v7, v39;
	v7 =	vadd.s32 $0x9, v53  }
0x523: {  	v28 =	vor.u32 $0x10, v12;
	v56 =	vand.u32 $0xFFFFFF80, v7;
	[tilespmem:v15+s30+$0x0] =	vst.idx.msk $0xffff, v47;
	v15 =	vld [tilespmem:$0x1F5D0]  }
0x524: {  	[tilespmem:$0x1F8A0] =	vst v18;
	v7 =	vand.u32 $0x7F, v7;
	v18 =	vmovc v28;
	v28 =	vadd.s32 v61, v56;
	v16 =	vor.u32 v32, v33  }
0x525: {  	v56 =	vor.u32 v7, v28  }
0x526: {  	v20 =	vld.idx.msk [tilespmem:v24+s24+$0x0], $0xffff;
	v25 =	vadd.s32 $0x14, v51;
	v48 =	vor.u32 v1, v62  }
0x527: {  	[tilespmem:$0x1FCA0] =	vst v18;
	v18 =	vand.u32 $0xFFFFFF80, v25  }
0x528: {  	v25 =	vand.u32 $0x7F, v25;
	v18 =	vadd.s32 v3, v18  }
0x529: {  	v30 =	vadd.s32 $0x16, v51;
	v25 =	vor.u32 v25, v18;
	v18 =	vadd.s32 $0x15, v51;
	[tilespmem:v16+s30+$0x0] =	vst.idx.msk $0xffff, v38  }
0x52a: {  	v28 =	vor.u32 v50, v35;
	v21 =	vor.u32 v49, v35;
	v44 =	vand.u32 $0xFFFFFF80, v18;
	v56 =	vld.idx.msk [tilespmem:v56+s24+$0x0], $0xffff  }
0x52b: {  	v50 =	vand.u32 $0x7F, v18;
	v49 =	vadd.s32 v3, v44;
	[tilespmem:v48+s30+$0x0] =	vst.idx.msk $0xffff, v20;
	v20 =	vadd.s32 $0x17, v34;
	v38 =	vld.idx.msk [tilespmem:v15+s15+$0x0], $0xffff  }
0x52c: {  	v47 =	vor.u32 v50, v49;
	v50 =	vand.u32 $0xFFFFFF80, v30;
	[tilespmem:v14+s30+$0x0] =	vst.idx.msk $0xffff, v27;
	v58 =	vand.u32 $0xFFFFFF80, v20;
	v27 =	vld [tilespmem:$0x1FCB0]  }
0x52d: {  	v48 =	vadd.s32 v3, v50;
	v50 =	vadd.s32 v37, v58;
	v58 =	vor.u32 v1, v35;
	v1 =	vld [tilespmem:$0x1F5E0];
	_ =	sdelay $0x3  }
0x52e: {  	v42 =	vld [tilespmem:$0x1FF70];
	_ =	sdelay $0x1  }
0x52f: {  	v55 =	vor.u32 $0x16, v36;
	v49 =	vld [tilespmem:$0x1F830]  }
0x530: {  	v27 =	vld.idx.msk [tilespmem:v27+s15+$0x0], $0xffff  }
0x531: {  	[tilespmem:v1+s30+$0x0] =	vst.idx.msk $0xffff, v38;
	v1 =	vld [tilespmem:$0x1F5F0]  }
0x532: {  	v32 =	vor.u32 v42, v33  }
0x533: {  	v24 =	vor.u32 v31, v35;
	v31 =	vor.u32 $0x9, v57  }
0x534: {  	v14 =	vld.idx.msk [tilespmem:v55+s15+$0x0], $0xffff;
	v55 =	vor.u32 v49, v62;
	_ =	sdelay $0x2  }
0x535: {  	v63 =	vor.u32 $0x11, v12;
	v20 =	vand.u32 $0x7F, v20;
	[tilespmem:v32+s30+$0x0] =	vst.idx.msk $0xffff, v56;
	v56 =	vadd.s32 $0x17, v51  }
0x536: {  	v15 =	vmov v63;
	v31 =	vld.idx.msk [tilespmem:v31+s15+$0x0], $0xffff;
	v20 =	vor.u32 v20, v50;
	v50 =	vand.u32 $0xFFFFFF80, v56  }
0x537: {  	v56 =	vand.u32 $0x7F, v56;
	[tilespmem:v55+s30+$0x0] =	vst.idx.msk $0xffff, v14;
	v14 =	vadd.s32 v3, v50;
	v63 =	vld.idx.msk [tilespmem:v1+s24+$0x0], $0xffff;
	v1 =	vor.u32 $0x17, v12  }
0x538: {  	[tilespmem:$0x1FD50] =	vst v1;
	v1 =	vor.u32 v56, v14  }
0x539: {  	[tilespmem:$0x1F980] =	vst v1;
	v1 =	vld [tilespmem:$0x1F8E0];
	_ =	sdelay $0x6  }
0x53a: {  	[tilespmem:v41+s30+$0x0] =	vst.idx.msk $0xffff, v27  }
0x53b: {  	v14 =	vld.idx.msk [tilespmem:v1+s24+$0x0], $0xffff  }
0x53c: {  	v1 =	vld [tilespmem:$0x1F860]  }
0x53d: {  	v43 =	vor.u32 v42, v4;
	v42 =	vadd.s32 $0xA, v53  }
0x53e: {  	v44 =	vand.u32 $0xFFFFFF80, v42  }
0x53f: {  	v44 =	vadd.s32 v61, v44;
	v32 =	vand.u32 $0x7F, v42  }
0x540: {  	v32 =	vor.u32 v32, v44  }
0x541: {  	v50 =	vadd.s32 $0x18, v51;
	v27 =	vor.u32 v1, v62;
	v42 =	vor.u32 v1, v35;
	v1 =	vmovc v29  }
0x542: {  	v44 =	vor.u32 v49, v35;
	v29 =	vand.u32 $0xFFFFFF80, v50;
	[tilespmem:$0x1F8E0] =	vst v1;
	v1 =	vor.u32 $0x18, v12  }
0x543: {  	v49 =	vand.u32 $0x7F, v50;
	v29 =	vadd.s32 v3, v29;
	[tilespmem:$0x1FD60] =	vst v1;
	v1 =	vor.u32 $0x19, v12  }
0x544: {  	[tilespmem:$0x1FD70] =	vst v1;
	v1 =	vor.u32 v49, v29  }
0x545: {  	[tilespmem:$0x1F990] =	vst v1;
	v1 =	vld [tilespmem:$0x1F600]  }
0x546: {  	v50 =	vor.u32 v6, v33;
	v6 =	vld [tilespmem:$0x1FCC0];
	_ =	sdelay $0x4  }
0x547: {  	[tilespmem:$0x1FCB0] =	vst v15;
	v38 =	vor.u32 v19, v33  }
0x548: {  	v20 =	vld.idx.msk [tilespmem:v20+s24+$0x0], $0xffff;
	[tilespmem:v43+s30+$0x0] =	vst.idx.msk $0xffff, v63  }
0x549: {  	v15 =	vor.u32 v54, v35;
	v54 =	vld.idx.msk [tilespmem:v1+s15+$0x0], $0xffff;
	[tilespmem:v60+s30+$0x0] =	vst.idx.msk $0xffff, v14  }
0x54a: {  	v60 =	vld.idx.msk [tilespmem:v6+s15+$0x0], $0xffff  }
0x54b: {  	v6 =	vld [tilespmem:$0x1F8B0]  }
0x54c: {  	[tilespmem:v38+s30+$0x0] =	vst.idx.msk $0xffff, v31;
	v31 =	vadd.s32 $0x19, v51  }
0x54d: {  	v29 =	vand.u32 $0xFFFFFF80, v31  }
0x54e: {  	v32 =	vld.idx.msk [tilespmem:v32+s24+$0x0], $0xffff;
	[tilespmem:v27+s30+$0x0] =	vst.idx.msk $0xffff, v20;
	v27 =	vand.u32 $0x7F, v31;
	v1 =	vadd.s32 v3, v29  }
0x54f: {  	[tilespmem:$0x1FAE0] =	vst v52;
	v1 =	vor.u32 v27, v1  }
0x550: {  	v52 =	vld [tilespmem:$0x1F510];
	[tilespmem:$0x1F9A0] =	vst v1;
	v1 =	vor.u32 v6, v35  }
0x551: {  	[tilespmem:$0x1FD80] =	vst v1;
	v1 =	vld [tilespmem:$0x1FAA0];
	_ =	sdelay $0x4  }
0x552: {  	v49 =	vor.u32 v1, v52;
	v1 =	vld [tilespmem:$0x1F610]  }
0x553: {  	v55 =	vor.u32 $0x17, v36;
	_ =	sdelay $0x3  }
0x554: {  	v27 =	vadd.s32 $0x1A, v51  }
0x555: {  	v14 =	vld.idx.msk [tilespmem:v55+s15+$0x0], $0xffff;
	[tilespmem:v50+s30+$0x0] =	vst.idx.msk $0xffff, v32;
	v50 =	vand.u32 $0xFFFFFF80, v27  }
0x556: {  	v27 =	vand.u32 $0x7F, v27;
	v38 =	vadd.s32 v3, v50  }
0x557: {  	[tilespmem:v1+s30+$0x0] =	vst.idx.msk $0xffff, v54;
	v1 =	vor.u32 v27, v38  }
0x558: {  	[tilespmem:$0x1FA10] =	vst v1;
	v1 =	vld [tilespmem:$0x1F900];
	_ =	sdelay $0x2  }
0x559: {  	v63 =	vor.u32 v6, v62;
	v6 =	vld [tilespmem:$0x1F930];
	_ =	sdelay $0x3  }
0x55a: {  	v23 =	vld.idx.msk [tilespmem:v23+s24+$0x0], $0xffff;
	[tilespmem:v59+s30+$0x0] =	vst.idx.msk $0xffff, v60  }
0x55b: {  	v27 =	vld.idx.msk [tilespmem:v1+s24+$0x0], $0xffff;
	v1 =	vor.u32 v6, v35  }
0x55c: {  	[tilespmem:$0x1FD90] =	vst v1;
	v1 =	vld [tilespmem:$0x1FB70];
	_ =	sdelay $0x6  }
0x55d: {  	v60 =	vor.u32 v6, v62;
	[tilespmem:v49+s30+$0x0] =	vst.idx.msk $0xffff, v2;
	v6 =	vld [tilespmem:$0x1F620]  }
0x55e: {  	v49 =	vld.idx.msk [tilespmem:v1+s15+$0x0], $0xffff  }
0x55f: {  	v29 =	vor.u32 $0xA, v57;
	v1 =	vld [tilespmem:$0x1FB20];
	_ =	sdelay $0x1  }
0x560: {  	v20 =	vadd.s32 $0x18, v34  }
0x561: {  	v40 =	vor.u32 $0x12, v12;
	v31 =	vand.u32 $0xFFFFFF80, v20  }
0x562: {  	v19 =	vmov v40;
	v20 =	vand.u32 $0x7F, v20;
	v31 =	vadd.s32 v37, v31  }
0x563: {  	[tilespmem:$0x1FCC0] =	vst v19;
	v20 =	vor.u32 v20, v31;
	v29 =	vld.idx.msk [tilespmem:v29+s15+$0x0], $0xffff;
	v50 =	vor.u32 v1, v52;
	v1 =	vmov v6  }
0x564: {  	v19 =	vor.u32 v8, v33;
	[tilespmem:$0x1FB70] =	vst v1;
	v1 =	vld [tilespmem:$0x1FC10];
	_ =	sdelay $0x2  }
0x565: {  	[tilespmem:v63+s30+$0x0] =	vst.idx.msk $0xffff, v14  }
0x566: {  	v20 =	vld.idx.msk [tilespmem:v20+s24+$0x0], $0xffff  }
0x567: {  	[tilespmem:v19+s30+$0x0] =	vst.idx.msk $0xffff, v29;
	v29 =	vor.u32 v1, v52;
	v1 =	vld [tilespmem:$0x1F630];
	_ =	sdelay $0x7  }
0x568: {  	[tilespmem:v1+s30+$0x0] =	vst.idx.msk $0xffff, v23;
	v1 =	vld [tilespmem:$0x1FCD0];
	_ =	sdelay $0x1  }
0x569: {  	v13 =	vor.u32 $0xA, v12;
	_ =	sdelay $0x4  }
0x56a: {  	v10 =	vor.u32 $0x13, v12;
	v23 =	vld.idx.msk [tilespmem:v13+s15+$0x0], $0xffff;
	[tilespmem:v26+s30+$0x0] =	vst.idx.msk $0xffff, v27  }
0x56b: {  	v27 =	vld.idx.msk [tilespmem:v1+s15+$0x0], $0xffff;
	v1 =	vmov v10  }
0x56c: {  	v8 =	vmov v39;
	[tilespmem:$0x1FCD0] =	vst v1;
	v1 =	vld [tilespmem:$0x1FD20]  }
0x56d: {  	v31 =	vadd.s32 $0xB, v53;
	[tilespmem:$0x1F900] =	vst v8;
	v8 =	vld [tilespmem:$0x1F960]  }
0x56e: {  	v18 =	vor.u32 v45, v35;
	v45 =	vmov v57;
	v57 =	vand.u32 $0xFFFFFF80, v31  }
0x56f: {  	v31 =	vand.u32 $0x7F, v31;
	v40 =	vadd.s32 v61, v57  }
0x570: {  	v31 =	vor.u32 v31, v40  }
0x571: {  	v14 =	vor.u32 $0x1A, v12;
	v2 =	vadd.s32 $0x1B, v51;
	v40 =	vor.u32 v1, v52;
	v1 =	vld [tilespmem:$0x1FDA0]  }
0x572: {  	v32 =	vor.u32 v8, v62;
	v55 =	vand.u32 $0xFFFFFF80, v2;
	v10 =	vor.u32 v8, v35;
	v8 =	vld [tilespmem:$0x1F780]  }
0x573: {  	v57 =	vmovc v14;
	v19 =	vadd.s32 $0x1C, v51;
	v2 =	vand.u32 $0x7F, v2;
	v14 =	vadd.s32 v3, v55  }
0x574: {  	v63 =	vor.u32 $0x18, v36;
	v6 =	vor.u32 v2, v14;
	v2 =	vand.u32 $0xFFFFFF80, v19  }
0x575: {  	v31 =	vld.idx.msk [tilespmem:v31+s24+$0x0], $0xffff;
	v14 =	vor.u32 v11, v33;
	v19 =	vand.u32 $0x7F, v19;
	v2 =	vadd.s32 v3, v2  }
0x576: {  	[tilespmem:v60+s30+$0x0] =	vst.idx.msk $0xffff, v20;
	v60 =	vor.u32 v19, v2;
	v19 =	vor.u32 v1, v52;
	v1 =	vld [tilespmem:$0x1F640];
	_ =	sdelay $0x2  }
0x577: {  	v20 =	vld.idx.msk [tilespmem:v63+s15+$0x0], $0xffff;
	[tilespmem:v50+s30+$0x0] =	vst.idx.msk $0xffff, v49  }
0x578: {  	[tilespmem:v14+s30+$0x0] =	vst.idx.msk $0xffff, v31;
	v31 =	vld.idx.msk [tilespmem:v8+s24+$0x0], $0xffff  }
0x579: {  	v8 =	vmov v1;
	v1 =	vld [tilespmem:$0x1F650];
	_ =	sdelay $0x6  }
0x57a: {  	v13 =	vadd.s32 $0x19, v34  }
0x57b: {  	v59 =	vor.u32 $0xB, v45;
	v26 =	vand.u32 $0xFFFFFF80, v13;
	[tilespmem:v1+s30+$0x0] =	vst.idx.msk $0xffff, v23;
	v1 =	vor.u32 $0x1D, v12  }
0x57c: {  	v14 =	vadd.s32 $0xC, v53;
	v43 =	vand.u32 $0x7F, v13;
	v26 =	vadd.s32 v37, v26;
	[tilespmem:$0x1FDB0] =	vst v1;
	v1 =	vld [tilespmem:$0x1F910]  }
0x57d: {  	v2 =	vand.u32 $0xFFFFFF80, v14;
	v26 =	vor.u32 v43, v26  }
0x57e: {  	v2 =	vadd.s32 v61, v2;
	[tilespmem:$0x1F780] =	vst v8;
	v8 =	vand.u32 $0x7F, v14  }
0x57f: {  	v56 =	vor.u32 v8, v2;
	v2 =	vld [tilespmem:$0x1F9F0];
	_ =	sdelay $0x1  }
0x580: {  	v55 =	vld.idx.msk [tilespmem:v59+s15+$0x0], $0xffff;
	[tilespmem:v32+s30+$0x0] =	vst.idx.msk $0xffff, v20  }
0x581: {  	v20 =	vld.idx.msk [tilespmem:v26+s24+$0x0], $0xffff  }
0x582: {  	v14 =	vld.idx.msk [tilespmem:v22+s24+$0x0], $0xffff;
	[tilespmem:v28+s30+$0x0] =	vst.idx.msk $0xffff, v27  }
0x583: {  	v26 =	vld.idx.msk [tilespmem:v1+s24+$0x0], $0xffff;
	v1 =	vor.u32 v2, v35  }
0x584: {  	[tilespmem:$0x1FDC0] =	vst v1;
	v1 =	vld [tilespmem:$0x1FDD0];
	_ =	sdelay $0x4  }
0x585: {  	v54 =	vor.u32 v1, v52;
	v1 =	vld [tilespmem:$0x1FDE0];
	_ =	sdelay $0x4  }
0x586: {  	v43 =	vor.u32 v1, v52;
	v1 =	vld [tilespmem:$0x1FB80];
	_ =	sdelay $0x2  }
0x587: {  	v23 =	vor.u32 v17, v33;
	_ =	sdelay $0x3  }
0x588: {  	[tilespmem:v29+s30+$0x0] =	vst.idx.msk $0xffff, v31  }
0x589: {  	[tilespmem:v23+s30+$0x0] =	vst.idx.msk $0xffff, v55;
	v23 =	vld.idx.msk [tilespmem:v1+s15+$0x0], $0xffff  }
0x58a: {  	v1 =	vld [tilespmem:$0x1FDF0];
	_ =	sdelay $0x3  }
0x58b: {  	v32 =	vor.u32 v2, v62;
	v2 =	vld [tilespmem:$0x1F670]  }
0x58c: {  	v59 =	vor.u32 v1, v52;
	v1 =	vld [tilespmem:$0x1FE00];
	_ =	sdelay $0x3  }
0x58d: {  	v49 =	vadd.s32 $0x1D, v51  }
0x58e: {  	v50 =	vand.u32 $0xFFFFFF80, v49;
	v38 =	vand.u32 $0x7F, v49;
	v49 =	vor.u32 v1, v52;
	v1 =	vmovc v2  }
0x58f: {  	[tilespmem:$0x1FB80] =	vst v1;
	v1 =	vld [tilespmem:$0x1F680];
	_ =	sdelay $0x7  }
0x590: {  	[tilespmem:v1+s30+$0x0] =	vst.idx.msk $0xffff, v14;
	v1 =	vld [tilespmem:$0x1F690];
	_ =	sdelay $0x3  }
0x591: {  	[tilespmem:$0x1FAD0] =	vst v5;
	v5 =	vld [tilespmem:$0x1FFC0]  }
0x592: {  	[tilespmem:$0x1F760] =	vst v0;
	v0 =	vld [tilespmem:$0x1FE10];
	v27 =	vadd.s32 $0x1E, v51  }
0x593: {  	v28 =	vand.u32 $0xFFFFFF80, v27  }
0x594: {  	v29 =	vand.u32 $0x7F, v27;
	v14 =	vadd.s32 v3, v28  }
0x595: {  	v28 =	vld.idx.msk [tilespmem:v1+s15+$0x0], $0xffff;
	v1 =	vor.u32 v29, v14  }
0x596: {  	[tilespmem:$0x1FA80] =	vst v1;
	v1 =	vld [tilespmem:$0x1FCF0]  }
0x597: {  	v9 =	vor.u32 v5, v4;
	v0 =	vor.u32 v0, v4  }
0x598: {  	v7 =	vor.u32 $0x14, v12;
	v16 =	vor.u32 $0x15, v12;
	v30 =	vand.u32 $0x7F, v30;
	v2 =	vld [tilespmem:$0x1FA30]  }
0x599: {  	s17 =	sadd.s32 $0x2, s17;
	v30 =	vor.u32 v30, v48;
	v48 =	vor.u32 $0x16, v12;
	v41 =	vld [tilespmem:$0x1F6A0];
	v39 =	vor.u32 $0x1B, v12  }
0x59a: {  	p0 =	slt.u32 s17, $0x1E;
	v63 =	vmovc v61;
	v11 =	vmovc v25;
	v61 =	vor.u32 $0x19, v36;
	v13 =	vor.u32 $0x1C, v12;
	v8 =	vadd.s32 v3, v50;
	v55 =	vld [tilespmem:$0x1F660]  }
.Ltmp0:
0x59b: {  	v50 =	vor.u32 $0x1E, v12;
	v8 =	vor.u32 v38, v8;
	[tilespmem:$0x1F910] =	vst v11;
	v22 =	vadd.s32 $0x1F, v51;
	v27 =	vld.idx.msk [tilespmem:v56+s24+$0x0], $0xffff;
	(pc) =	sbr.rel @p0 .LBB2_2-.Ltmp0, $4  }
0x59c: {  	v38 =	vor.u32 v5, v33;
	v51 =	vand.u32 $0xFFFFFF80, v22;
	v56 =	vld [tilespmem:$0x1FE80];
	[tilespmem:v32+s30+$0x0] =	vst.idx.msk $0xffff, v20;
	v14 =	vadd.s32 $0x1A, v34  }
0x59d: {  	v32 =	vmovc v39;
	v39 =	vld [tilespmem:$0x1FE70];
	v25 =	vor.u32 v2, v62;
	v29 =	vor.u32 $0xC, v45;
	[tilespmem:v24+s30+$0x0] =	vst.idx.msk $0xffff, v26;
	v17 =	vand.u32 $0xFFFFFF80, v14  }
0x59e: {  	v31 =	vlaneseq.u32;
	v14 =	vand.u32 $0x7F, v14;
	v20 =	vadd.s32 v37, v17;
	v26 =	vld.idx.msk [tilespmem:v1+s15+$0x0], $0xffff;
	v1 =	vmovc v7;
	[tilespmem:v40+s30+$0x0] =	vst.idx.msk $0xffff, v23  }
0x59f: {  	s19 =	sadd.s32 $0x20, s19;
	v24 =	vld.idx.msk [tilespmem:v61+s15+$0x0], $0xffff;
	v61 =	vor.u32 v2, v35;
	v17 =	vand.u32 $0x7F, v22;
	v22 =	vor.u32 v14, v20;
	[tilespmem:$0x1FCF0] =	vst v1  }
0x5a0: {  	_ =	sdelay $0x3  }
0x5a1: {  	[tilespmem:v38+s30+$0x0] =	vst.idx.msk $0xffff, v27  }
0x5a2: {  	v1 =	vld [tilespmem:$0x1FBD0];
	_ =	sdelay $0x7  }
0x5a3: {  	[tilespmem:v1+s30+$0x0] =	vst.idx.msk $0xffff, v28  }
0x5a4: {  	v1 =	vld [tilespmem:$0x1F820];
	_ =	sdelay $0x1  }
0x5a5: {  	v23 =	vld [tilespmem:$0x1FE10];
	_ =	sdelay $0x2  }
0x5a6: {  	v14 =	vadd.s32 $0xD, v53  }
0x5a7: {  	v11 =	vand.u32 $0xFFFFFF80, v14  }
0x5a8: {  	v20 =	vld.idx.msk [tilespmem:v29+s15+$0x0], $0xffff;
	v14 =	vand.u32 $0x7F, v14;
	v11 =	vadd.s32 v63, v11;
	v23 =	vor.u32 v23, v33  }
0x5a9: {  	v11 =	vor.u32 v14, v11;
	v14 =	vld.idx.msk [tilespmem:v1+s24+$0x0], $0xffff;
	_ =	sdelay $0x3  }
0x5aa: {  	[tilespmem:v23+s30+$0x0] =	vst.idx.msk $0xffff, v20  }
0x5ab: {  	[tilespmem:v9+s30+$0x0] =	vst.idx.msk $0xffff, v14  }
0x5ac: {  	v38 =	vld [tilespmem:$0x1FC00]  }
0x5ad: {  	v9 =	vld.idx.msk [tilespmem:v11+s24+$0x0], $0xffff  }
0x5ae: {  	v11 =	vld [tilespmem:$0x1FE20];
	_ =	sdelay $0x4  }
0x5af: {  	v11 =	vor.u32 v11, v33  }
0x5b0: {  	v5 =	vld.idx.msk [tilespmem:v38+s15+$0x0], $0xffff;
	_ =	sdelay $0x3  }
0x5b1: {  	[tilespmem:v11+s30+$0x0] =	vst.idx.msk $0xffff, v9;
	v9 =	vadd.s32 $0xE, v53  }
0x5b2: {  	v40 =	vand.u32 $0xFFFFFF80, v9;
	[tilespmem:v0+s30+$0x0] =	vst.idx.msk $0xffff, v5  }
0x5b3: {  	v0 =	vadd.s32 v63, v40;
	v40 =	vld [tilespmem:$0x1F840];
	_ =	sdelay $0x1  }
0x5b4: {  	v14 =	vor.u32 $0xD, v45;
	v2 =	vld [tilespmem:$0x1FE30];
	_ =	sdelay $0x4  }
0x5b5: {  	v38 =	vld.idx.msk [tilespmem:v14+s15+$0x0], $0xffff;
	v9 =	vand.u32 $0x7F, v9;
	v11 =	vor.u32 v2, v33  }
0x5b6: {  	v0 =	vor.u32 v9, v0;
	v9 =	vld.idx.msk [tilespmem:v40+s24+$0x0], $0xffff;
	_ =	sdelay $0x3  }
0x5b7: {  	[tilespmem:v11+s30+$0x0] =	vst.idx.msk $0xffff, v38  }
0x5b8: {  	[tilespmem:v46+s30+$0x0] =	vst.idx.msk $0xffff, v9  }
0x5b9: {  	v7 =	vld [tilespmem:$0x1FE40];
	_ =	sdelay $0x4  }
0x5ba: {  	v0 =	vld.idx.msk [tilespmem:v0+s24+$0x0], $0xffff;
	v38 =	vor.u32 v7, v33  }
0x5bb: {  	v40 =	vld [tilespmem:$0x1FC20];
	_ =	sdelay $0x3  }
0x5bc: {  	[tilespmem:v38+s30+$0x0] =	vst.idx.msk $0xffff, v0  }
0x5bd: {  	v7 =	vld [tilespmem:$0x1FC30];
	_ =	sdelay $0x2  }
0x5be: {  	v9 =	vld.idx.msk [tilespmem:v40+s15+$0x0], $0xffff;
	_ =	sdelay $0x4  }
0x5bf: {  	[tilespmem:v7+s30+$0x0] =	vst.idx.msk $0xffff, v9  }
0x5c0: {  	v11 =	vor.u32 $0xE, v45;
	v40 =	vld [tilespmem:$0x1FE50];
	_ =	sdelay $0x4  }
0x5c1: {  	v9 =	vld.idx.msk [tilespmem:v11+s15+$0x0], $0xffff;
	v11 =	vor.u32 v40, v33  }
0x5c2: {  	v1 =	vld [tilespmem:$0x1F870];
	_ =	sdelay $0x2  }
0x5c3: {  	v46 =	vadd.s32 $0xF, v53  }
0x5c4: {  	v38 =	vand.u32 $0xFFFFFF80, v46;
	[tilespmem:v11+s30+$0x0] =	vst.idx.msk $0xffff, v9  }
0x5c5: {  	v5 =	vadd.s32 v63, v38;
	v38 =	vld [tilespmem:$0x1FC40];
	_ =	sdelay $0x2  }
0x5c6: {  	v0 =	vand.u32 $0x7F, v46;
	v46 =	vld.idx.msk [tilespmem:v1+s24+$0x0], $0xffff;
	_ =	sdelay $0x4  }
0x5c7: {  	[tilespmem:v38+s30+$0x0] =	vst.idx.msk $0xffff, v46  }
0x5c8: {  	v0 =	vor.u32 v0, v5;
	v40 =	vld [tilespmem:$0x1FE60];
	_ =	sdelay $0x4  }
0x5c9: {  	v0 =	vld.idx.msk [tilespmem:v0+s24+$0x0], $0xffff;
	v46 =	vor.u32 v40, v33  }
0x5ca: {  	v1 =	vld [tilespmem:$0x1FC50];
	_ =	sdelay $0x3  }
0x5cb: {  	[tilespmem:v46+s30+$0x0] =	vst.idx.msk $0xffff, v0  }
0x5cc: {  	v40 =	vld [tilespmem:$0x1FC60];
	_ =	sdelay $0x2  }
0x5cd: {  	v9 =	vld.idx.msk [tilespmem:v1+s15+$0x0], $0xffff;
	_ =	sdelay $0x4  }
0x5ce: {  	[tilespmem:v40+s30+$0x0] =	vst.idx.msk $0xffff, v9  }
0x5cf: {  	v11 =	vor.u32 $0xF, v45;
	v2 =	vld [tilespmem:$0x1F8F0];
	_ =	sdelay $0x4  }
0x5d0: {  	v9 =	vld.idx.msk [tilespmem:v11+s15+$0x0], $0xffff;
	v11 =	vor.u32 v2, v33  }
0x5d1: {  	v1 =	vld [tilespmem:$0x1F880];
	_ =	sdelay $0x3  }
0x5d2: {  	[tilespmem:v11+s30+$0x0] =	vst.idx.msk $0xffff, v9  }
0x5d3: {  	v40 =	vld [tilespmem:$0x1FC70];
	_ =	sdelay $0x1  }
0x5d4: {  	v38 =	vadd.s32 $0x10, v53  }
0x5d5: {  	v46 =	vand.u32 $0xFFFFFF80, v38;
	v0 =	vand.u32 $0x7F, v38;
	v38 =	vld.idx.msk [tilespmem:v1+s24+$0x0], $0xffff;
	_ =	sdelay $0x4  }
0x5d6: {  	[tilespmem:v40+s30+$0x0] =	vst.idx.msk $0xffff, v38  }
0x5d7: {  	v1 =	vld [tilespmem:$0x1FC90]  }
0x5d8: {  	v5 =	vadd.s32 v63, v46  }
0x5d9: {  	v0 =	vor.u32 v0, v5;
	v7 =	vld [tilespmem:$0x1F950];
	_ =	sdelay $0x4  }
0x5da: {  	v0 =	vld.idx.msk [tilespmem:v0+s24+$0x0], $0xffff;
	v46 =	vor.u32 v7, v33  }
0x5db: {  	v11 =	vor.u32 v2, v4;
	v9 =	vld.idx.msk [tilespmem:v1+s15+$0x0], $0xffff;
	_ =	sdelay $0x3  }
0x5dc: {  	[tilespmem:v46+s30+$0x0] =	vst.idx.msk $0xffff, v0  }
0x5dd: {  	v38 =	vadd.s32 $0x11, v53;
	[tilespmem:v11+s30+$0x0] =	vst.idx.msk $0xffff, v9  }
0x5de: {  	v40 =	vand.u32 $0xFFFFFF80, v38;
	v0 =	vand.u32 $0x7F, v38;
	v38 =	vld [tilespmem:$0x1F8A0];
	_ =	sdelay $0x1  }
0x5df: {  	v14 =	vor.u32 $0x10, v45;
	v2 =	vld [tilespmem:$0x1F970];
	_ =	sdelay $0x4  }
0x5e0: {  	v9 =	vld.idx.msk [tilespmem:v14+s15+$0x0], $0xffff;
	v11 =	vor.u32 v2, v33  }
0x5e1: {  	v46 =	vor.u32 v7, v4;
	v14 =	vld.idx.msk [tilespmem:v38+s24+$0x0], $0xffff;
	_ =	sdelay $0x3  }
0x5e2: {  	[tilespmem:v11+s30+$0x0] =	vst.idx.msk $0xffff, v9  }
0x5e3: {  	[tilespmem:v46+s30+$0x0] =	vst.idx.msk $0xffff, v14  }
0x5e4: {  	v46 =	vld [tilespmem:$0x1FCA0]  }
0x5e5: {  	v5 =	vadd.s32 v63, v40  }
0x5e6: {  	v0 =	vor.u32 v0, v5;
	v7 =	vld [tilespmem:$0x1F9C0];
	_ =	sdelay $0x4  }
0x5e7: {  	v0 =	vld.idx.msk [tilespmem:v0+s24+$0x0], $0xffff;
	v40 =	vor.u32 v7, v33  }
0x5e8: {  	v9 =	vor.u32 v2, v4;
	v11 =	vld.idx.msk [tilespmem:v46+s15+$0x0], $0xffff;
	_ =	sdelay $0x3  }
0x5e9: {  	[tilespmem:v40+s30+$0x0] =	vst.idx.msk $0xffff, v0  }
0x5ea: {  	v38 =	vadd.s32 $0x12, v53;
	[tilespmem:v9+s30+$0x0] =	vst.idx.msk $0xffff, v11  }
0x5eb: {  	v40 =	vand.u32 $0xFFFFFF80, v38;
	v0 =	vand.u32 $0x7F, v38;
	v38 =	vld [tilespmem:$0x1F8C0];
	_ =	sdelay $0x1  }
0x5ec: {  	v14 =	vor.u32 $0x11, v45;
	v2 =	vld [tilespmem:$0x1FA00];
	_ =	sdelay $0x4  }
0x5ed: {  	v9 =	vld.idx.msk [tilespmem:v14+s15+$0x0], $0xffff;
	v11 =	vor.u32 v2, v33  }
0x5ee: {  	v46 =	vor.u32 v7, v4;
	v14 =	vld.idx.msk [tilespmem:v38+s24+$0x0], $0xffff;
	_ =	sdelay $0x3  }
0x5ef: {  	[tilespmem:v11+s30+$0x0] =	vst.idx.msk $0xffff, v9  }
0x5f0: {  	[tilespmem:v46+s30+$0x0] =	vst.idx.msk $0xffff, v14  }
0x5f1: {  	v46 =	vld [tilespmem:$0x1FCB0]  }
0x5f2: {  	v5 =	vadd.s32 v63, v40  }
0x5f3: {  	v0 =	vor.u32 v0, v5;
	v7 =	vld [tilespmem:$0x1FA50];
	_ =	sdelay $0x4  }
0x5f4: {  	v0 =	vld.idx.msk [tilespmem:v0+s24+$0x0], $0xffff;
	v40 =	vor.u32 v7, v33  }
0x5f5: {  	v9 =	vor.u32 v2, v4;
	v11 =	vld.idx.msk [tilespmem:v46+s15+$0x0], $0xffff;
	_ =	sdelay $0x3  }
0x5f6: {  	[tilespmem:v40+s30+$0x0] =	vst.idx.msk $0xffff, v0  }
0x5f7: {  	v38 =	vadd.s32 $0x13, v53;
	[tilespmem:v9+s30+$0x0] =	vst.idx.msk $0xffff, v11  }
0x5f8: {  	v40 =	vand.u32 $0xFFFFFF80, v38;
	v0 =	vand.u32 $0x7F, v38;
	v38 =	vld [tilespmem:$0x1F8E0];
	_ =	sdelay $0x1  }
0x5f9: {  	v14 =	vor.u32 $0x12, v45;
	v2 =	vld [tilespmem:$0x1F810];
	_ =	sdelay $0x4  }
0x5fa: {  	v9 =	vld.idx.msk [tilespmem:v14+s15+$0x0], $0xffff;
	v11 =	vor.u32 v2, v33  }
0x5fb: {  	v46 =	vor.u32 v7, v4;
	v14 =	vld.idx.msk [tilespmem:v38+s24+$0x0], $0xffff;
	_ =	sdelay $0x3  }
0x5fc: {  	[tilespmem:v11+s30+$0x0] =	vst.idx.msk $0xffff, v9  }
0x5fd: {  	[tilespmem:v46+s30+$0x0] =	vst.idx.msk $0xffff, v14  }
0x5fe: {  	v46 =	vld [tilespmem:$0x1FCC0]  }
0x5ff: {  	v5 =	vadd.s32 v63, v40  }
0x600: {  	v0 =	vor.u32 v0, v5;
	v7 =	vld [tilespmem:$0x1FB10];
	_ =	sdelay $0x4  }
0x601: {  	v0 =	vld.idx.msk [tilespmem:v0+s24+$0x0], $0xffff;
	v40 =	vor.u32 v7, v33  }
0x602: {  	v9 =	vor.u32 v2, v4;
	v11 =	vld.idx.msk [tilespmem:v46+s15+$0x0], $0xffff;
	_ =	sdelay $0x3  }
0x603: {  	[tilespmem:v40+s30+$0x0] =	vst.idx.msk $0xffff, v0  }
0x604: {  	v38 =	vadd.s32 $0x14, v53;
	[tilespmem:v9+s30+$0x0] =	vst.idx.msk $0xffff, v11  }
0x605: {  	v40 =	vand.u32 $0xFFFFFF80, v38;
	v0 =	vand.u32 $0x7F, v38;
	v38 =	vld [tilespmem:$0x1F900];
	_ =	sdelay $0x1  }
0x606: {  	v14 =	vor.u32 $0x13, v45;
	v2 =	vld [tilespmem:$0x1FBE0];
	_ =	sdelay $0x4  }
0x607: {  	v9 =	vld.idx.msk [tilespmem:v14+s15+$0x0], $0xffff;
	v11 =	vor.u32 v2, v33  }
0x608: {  	v46 =	vor.u32 v7, v4;
	v14 =	vld.idx.msk [tilespmem:v38+s24+$0x0], $0xffff;
	_ =	sdelay $0x3  }
0x609: {  	[tilespmem:v11+s30+$0x0] =	vst.idx.msk $0xffff, v9  }
0x60a: {  	[tilespmem:v46+s30+$0x0] =	vst.idx.msk $0xffff, v14  }
0x60b: {  	v46 =	vld [tilespmem:$0x1FCD0]  }
0x60c: {  	v5 =	vadd.s32 v63, v40  }
0x60d: {  	v0 =	vor.u32 v0, v5;
	v7 =	vld [tilespmem:$0x1FD00];
	_ =	sdelay $0x4  }
0x60e: {  	v0 =	vld.idx.msk [tilespmem:v0+s24+$0x0], $0xffff;
	v40 =	vor.u32 v7, v33  }
0x60f: {  	v9 =	vor.u32 v2, v4;
	v11 =	vld.idx.msk [tilespmem:v46+s15+$0x0], $0xffff;
	_ =	sdelay $0x3  }
0x610: {  	[tilespmem:v40+s30+$0x0] =	vst.idx.msk $0xffff, v0  }
0x611: {  	v38 =	vadd.s32 $0x15, v53;
	[tilespmem:v9+s30+$0x0] =	vst.idx.msk $0xffff, v11  }
0x612: {  	v40 =	vand.u32 $0xFFFFFF80, v38;
	v0 =	vand.u32 $0x7F, v38;
	v38 =	vld [tilespmem:$0x1F910];
	_ =	sdelay $0x1  }
0x613: {  	v14 =	vor.u32 $0x14, v45;
	v2 =	vld [tilespmem:$0x1F8D0];
	_ =	sdelay $0x4  }
0x614: {  	v9 =	vld.idx.msk [tilespmem:v14+s15+$0x0], $0xffff;
	v11 =	vor.u32 v2, v33  }
0x615: {  	v46 =	vor.u32 v7, v4;
	v14 =	vld.idx.msk [tilespmem:v38+s24+$0x0], $0xffff;
	_ =	sdelay $0x3  }
0x616: {  	[tilespmem:v11+s30+$0x0] =	vst.idx.msk $0xffff, v9  }
0x617: {  	[tilespmem:v46+s30+$0x0] =	vst.idx.msk $0xffff, v14  }
0x618: {  	v46 =	vld [tilespmem:$0x1FCF0]  }
0x619: {  	v5 =	vadd.s32 v63, v40  }
0x61a: {  	v0 =	vor.u32 v0, v5;
	v7 =	vld [tilespmem:$0x1FD10];
	_ =	sdelay $0x4  }
0x61b: {  	v0 =	vld.idx.msk [tilespmem:v0+s24+$0x0], $0xffff;
	v40 =	vor.u32 v7, v33  }
0x61c: {  	v9 =	vor.u32 v2, v4;
	v11 =	vld.idx.msk [tilespmem:v46+s15+$0x0], $0xffff;
	_ =	sdelay $0x2  }
0x61d: {  	[tilespmem:v21+s30+$0x0] =	vst.idx.msk $0xffff, v26  }
0x61e: {  	[tilespmem:v40+s30+$0x0] =	vst.idx.msk $0xffff, v0  }
0x61f: {  	[tilespmem:v9+s30+$0x0] =	vst.idx.msk $0xffff, v11  }
0x620: {  	v40 =	vld [tilespmem:$0x1F720]  }
0x621: {  	v38 =	vadd.s32 $0x16, v53  }
0x622: {  	v14 =	vor.u32 $0x15, v45;
	v0 =	vand.u32 $0x7F, v38;
	v9 =	vand.u32 $0xFFFFFF80, v38;
	v38 =	vld [tilespmem:$0x1FD30];
	_ =	sdelay $0x2  }
0x623: {  	v9 =	vadd.s32 v63, v9  }
0x624: {  	v20 =	vld.idx.msk [tilespmem:v47+s24+$0x0], $0xffff;
	v0 =	vor.u32 v0, v9;
	v9 =	vor.u32 v7, v4  }
0x625: {  	v11 =	vld.idx.msk [tilespmem:v14+s15+$0x0], $0xffff;
	v14 =	vor.u32 v38, v33  }
0x626: {  	v46 =	vld.idx.msk [tilespmem:v40+s24+$0x0], $0xffff;
	_ =	sdelay $0x2  }
0x627: {  	[tilespmem:v9+s30+$0x0] =	vst.idx.msk $0xffff, v20  }
0x628: {  	[tilespmem:v14+s30+$0x0] =	vst.idx.msk $0xffff, v11  }
0x629: {  	[tilespmem:v18+s30+$0x0] =	vst.idx.msk $0xffff, v46  }
0x62a: {  	v40 =	vld [tilespmem:$0x1FD40];
	_ =	sdelay $0x2  }
0x62b: {  	v11 =	vor.u32 v38, v4;
	v14 =	vld.idx.msk [tilespmem:v16+s15+$0x0], $0xffff  }
0x62c: {  	v5 =	vld.idx.msk [tilespmem:v55+s15+$0x0], $0xffff  }
0x62d: {  	v0 =	vld.idx.msk [tilespmem:v0+s24+$0x0], $0xffff;
	v9 =	vor.u32 v40, v33;
	_ =	sdelay $0x2  }
0x62e: {  	[tilespmem:v11+s30+$0x0] =	vst.idx.msk $0xffff, v14  }
0x62f: {  	[tilespmem:v15+s30+$0x0] =	vst.idx.msk $0xffff, v5  }
0x630: {  	[tilespmem:v9+s30+$0x0] =	vst.idx.msk $0xffff, v0  }
0x631: {  	v47 =	vld [tilespmem:$0x1F730];
	_ =	sdelay $0x1  }
0x632: {  	v16 =	vor.u32 $0x16, v45;
	v55 =	vld [tilespmem:$0x1F830];
	_ =	sdelay $0x4  }
0x633: {  	v46 =	vadd.s32 $0x17, v53;
	v11 =	vld.idx.msk [tilespmem:v16+s15+$0x0], $0xffff;
	v14 =	vor.u32 v55, v33  }
0x634: {  	v9 =	vand.u32 $0xFFFFFF80, v46;
	v5 =	vld.idx.msk [tilespmem:v47+s24+$0x0], $0xffff  }
0x635: {  	v0 =	vand.u32 $0x7F, v46;
	v9 =	vadd.s32 v63, v9  }
0x636: {  	v15 =	vld.idx.msk [tilespmem:v30+s24+$0x0], $0xffff;
	v0 =	vor.u32 v0, v9;
	v9 =	vor.u32 v40, v4;
	_ =	sdelay $0x1  }
0x637: {  	[tilespmem:v14+s30+$0x0] =	vst.idx.msk $0xffff, v11  }
0x638: {  	[tilespmem:v58+s30+$0x0] =	vst.idx.msk $0xffff, v5  }
0x639: {  	v7 =	vld [tilespmem:$0x1FB30]  }
0x63a: {  	[tilespmem:v9+s30+$0x0] =	vst.idx.msk $0xffff, v15  }
0x63b: {  	v38 =	vld [tilespmem:$0x1F860];
	_ =	sdelay $0x3  }
0x63c: {  	v11 =	vor.u32 v55, v4;
	v14 =	vld.idx.msk [tilespmem:v48+s15+$0x0], $0xffff  }
0x63d: {  	v0 =	vld.idx.msk [tilespmem:v0+s24+$0x0], $0xffff;
	v9 =	vor.u32 v38, v33  }
0x63e: {  	v5 =	vld.idx.msk [tilespmem:v7+s15+$0x0], $0xffff;
	_ =	sdelay $0x2  }
0x63f: {  	[tilespmem:v11+s30+$0x0] =	vst.idx.msk $0xffff, v14  }
0x640: {  	[tilespmem:v9+s30+$0x0] =	vst.idx.msk $0xffff, v0  }
0x641: {  	[tilespmem:v44+s30+$0x0] =	vst.idx.msk $0xffff, v5  }
0x642: {  	v44 =	vld [tilespmem:$0x1F740]  }
0x643: {  	v47 =	vld [tilespmem:$0x1F980]  }
0x644: {  	v15 =	vor.u32 $0x17, v45;
	v46 =	vld [tilespmem:$0x1F8B0];
	_ =	sdelay $0x3  }
0x645: {  	v40 =	vadd.s32 $0x18, v53  }
0x646: {  	v9 =	vand.u32 $0xFFFFFF80, v40;
	v11 =	vld.idx.msk [tilespmem:v15+s15+$0x0], $0xffff;
	v14 =	vor.u32 v46, v33  }
0x647: {  	v0 =	vand.u32 $0x7F, v40;
	v9 =	vadd.s32 v63, v9;
	v5 =	vld.idx.msk [tilespmem:v44+s24+$0x0], $0xffff  }
0x648: {  	v0 =	vor.u32 v0, v9;
	v9 =	vor.u32 v38, v4;
	v15 =	vld.idx.msk [tilespmem:v47+s24+$0x0], $0xffff;
	_ =	sdelay $0x2  }
0x649: {  	[tilespmem:v14+s30+$0x0] =	vst.idx.msk $0xffff, v11  }
0x64a: {  	[tilespmem:v42+s30+$0x0] =	vst.idx.msk $0xffff, v5  }
0x64b: {  	v48 =	vld [tilespmem:$0x1FB40];
	[tilespmem:v9+s30+$0x0] =	vst.idx.msk $0xffff, v15  }
0x64c: {  	v58 =	vld [tilespmem:$0x1FD50]  }
0x64d: {  	v55 =	vld [tilespmem:$0x1F930];
	_ =	sdelay $0x2  }
0x64e: {  	v38 =	vld [tilespmem:$0x1FD80];
	_ =	sdelay $0x1  }
0x64f: {  	v0 =	vld.idx.msk [tilespmem:v0+s24+$0x0], $0xffff;
	v9 =	vor.u32 v55, v33  }
0x650: {  	v5 =	vld.idx.msk [tilespmem:v48+s15+$0x0], $0xffff  }
0x651: {  	v11 =	vor.u32 v46, v4;
	v14 =	vld.idx.msk [tilespmem:v58+s15+$0x0], $0xffff;
	_ =	sdelay $0x2  }
0x652: {  	[tilespmem:v9+s30+$0x0] =	vst.idx.msk $0xffff, v0  }
0x653: {  	[tilespmem:v38+s30+$0x0] =	vst.idx.msk $0xffff, v5  }
0x654: {  	[tilespmem:v11+s30+$0x0] =	vst.idx.msk $0xffff, v14  }
0x655: {  	v1 =	vld [tilespmem:$0x1F750]  }
0x656: {  	v47 =	vld [tilespmem:$0x1F990]  }
0x657: {  	v15 =	vor.u32 $0x18, v45;
	v44 =	vld [tilespmem:$0x1F960];
	_ =	sdelay $0x2  }
0x658: {  	v48 =	vld [tilespmem:$0x1FD90];
	_ =	sdelay $0x1  }
0x659: {  	v9 =	vld.idx.msk [tilespmem:v15+s15+$0x0], $0xffff;
	v11 =	vor.u32 v44, v33  }
0x65a: {  	v1 =	vld.idx.msk [tilespmem:v1+s24+$0x0], $0xffff  }
0x65b: {  	v46 =	vor.u32 v55, v4;
	v14 =	vld.idx.msk [tilespmem:v47+s24+$0x0], $0xffff;
	_ =	sdelay $0x2  }
0x65c: {  	[tilespmem:v11+s30+$0x0] =	vst.idx.msk $0xffff, v9  }
0x65d: {  	v40 =	vadd.s32 $0x19, v53;
	[tilespmem:v48+s30+$0x0] =	vst.idx.msk $0xffff, v1  }
0x65e: {  	v42 =	vand.u32 $0xFFFFFF80, v40;
	v1 =	vld [tilespmem:$0x1FB50];
	[tilespmem:v46+s30+$0x0] =	vst.idx.msk $0xffff, v14  }
0x65f: {  	v0 =	vand.u32 $0x7F, v40;
	v5 =	vadd.s32 v63, v42;
	v58 =	vld [tilespmem:$0x1FD60]  }
0x660: {  	v0 =	vor.u32 v0, v5;
	v7 =	vld [tilespmem:$0x1F9F0];
	_ =	sdelay $0x4  }
0x661: {  	v0 =	vld.idx.msk [tilespmem:v0+s24+$0x0], $0xffff;
	v55 =	vor.u32 v7, v33  }
0x662: {  	v1 =	vld.idx.msk [tilespmem:v1+s15+$0x0], $0xffff  }
0x663: {  	v9 =	vor.u32 v44, v4;
	v11 =	vld.idx.msk [tilespmem:v58+s15+$0x0], $0xffff;
	_ =	sdelay $0x2  }
0x664: {  	[tilespmem:v55+s30+$0x0] =	vst.idx.msk $0xffff, v0  }
0x665: {  	v14 =	vor.u32 $0x19, v45;
	[tilespmem:v10+s30+$0x0] =	vst.idx.msk $0xffff, v1  }
0x666: {  	[tilespmem:v9+s30+$0x0] =	vst.idx.msk $0xffff, v11  }
0x667: {  	v1 =	vld [tilespmem:$0x1F760];
	_ =	sdelay $0x1  }
0x668: {  	v44 =	vld [tilespmem:$0x1F9A0]  }
0x669: {  	v9 =	vld.idx.msk [tilespmem:v14+s15+$0x0], $0xffff  }
0x66a: {  	v14 =	vld [tilespmem:$0x1FA30];
	[tilespmem:v25+s30+$0x0] =	vst.idx.msk $0xffff, v24  }
0x66b: {  	v46 =	vld [tilespmem:$0x1FDC0];
	_ =	sdelay $0x2  }
0x66c: {  	v1 =	vld.idx.msk [tilespmem:v1+s24+$0x0], $0xffff  }
0x66d: {  	v10 =	vor.u32 v14, v33  }
0x66e: {  	v42 =	vor.u32 v7, v4;
	v11 =	vld.idx.msk [tilespmem:v44+s24+$0x0], $0xffff;
	_ =	sdelay $0x2  }
0x66f: {  	[tilespmem:v46+s30+$0x0] =	vst.idx.msk $0xffff, v1  }
0x670: {  	v38 =	vadd.s32 $0x1A, v53;
	v15 =	vld [tilespmem:$0x1FAA0];
	[tilespmem:v10+s30+$0x0] =	vst.idx.msk $0xffff, v9  }
0x671: {  	v40 =	vand.u32 $0xFFFFFF80, v38;
	v55 =	vld [tilespmem:$0x1FB60];
	[tilespmem:v42+s30+$0x0] =	vst.idx.msk $0xffff, v11  }
0x672: {  	v5 =	vadd.s32 v63, v40;
	v0 =	vand.u32 $0x7F, v38;
	v38 =	vld [tilespmem:$0x1FD70]  }
0x673: {  	v0 =	vor.u32 v0, v5;
	_ =	sdelay $0x3  }
0x674: {  	v47 =	vld.idx.msk [tilespmem:v22+s24+$0x0], $0xffff;
	v48 =	vor.u32 v15, v62  }
0x675: {  	v0 =	vld.idx.msk [tilespmem:v0+s24+$0x0], $0xffff;
	v58 =	vor.u32 v15, v33  }
0x676: {  	v9 =	vld.idx.msk [tilespmem:v55+s15+$0x0], $0xffff  }
0x677: {  	v10 =	vor.u32 v14, v4;
	v11 =	vld.idx.msk [tilespmem:v38+s15+$0x0], $0xffff;
	_ =	sdelay $0x1  }
0x678: {  	[tilespmem:v48+s30+$0x0] =	vst.idx.msk $0xffff, v47  }
0x679: {  	[tilespmem:v58+s30+$0x0] =	vst.idx.msk $0xffff, v0  }
0x67a: {  	[tilespmem:v61+s30+$0x0] =	vst.idx.msk $0xffff, v9  }
0x67b: {  	[tilespmem:v10+s30+$0x0] =	vst.idx.msk $0xffff, v11  }
0x67c: {  	v48 =	vld [tilespmem:$0x1F770];
	_ =	sdelay $0x1  }
0x67d: {  	v14 =	vor.u32 $0x1A, v36;
	v16 =	vld [tilespmem:$0x1FB20];
	_ =	sdelay $0x1  }
0x67e: {  	v40 =	vor.u32 $0x1A, v45  }
0x67f: {  	v42 =	vadd.s32 $0x1B, v34  }
0x680: {  	v44 =	vand.u32 $0xFFFFFF80, v42  }
0x681: {  	v2 =	vadd.s32 v37, v44;
	v0 =	vand.u32 $0x7F, v42;
	v46 =	vld.idx.msk [tilespmem:v14+s15+$0x0], $0xffff;
	v47 =	vor.u32 v16, v62  }
0x682: {  	v0 =	vor.u32 v0, v2;
	v10 =	vor.u32 v15, v35;
	v2 =	vld.idx.msk [tilespmem:v48+s24+$0x0], $0xffff  }
0x683: {  	v1 =	vld.idx.msk [tilespmem:v40+s15+$0x0], $0xffff;
	v9 =	vadd.s32 $0x1B, v53;
	v14 =	vor.u32 v16, v33  }
0x684: {  	v11 =	vand.u32 $0xFFFFFF80, v9  }
0x685: {  	v9 =	vand.u32 $0x7F, v9;
	v11 =	vadd.s32 v63, v11  }
0x686: {  	v9 =	vor.u32 v9, v11;
	v11 =	vld [tilespmem:$0x1FA10];
	[tilespmem:v47+s30+$0x0] =	vst.idx.msk $0xffff, v46  }
0x687: {  	[tilespmem:v10+s30+$0x0] =	vst.idx.msk $0xffff, v2  }
0x688: {  	v18 =	vld [tilespmem:$0x1FC10];
	[tilespmem:v14+s30+$0x0] =	vst.idx.msk $0xffff, v1  }
0x689: {  	v1 =	vld [tilespmem:$0x1FB70];
	_ =	sdelay $0x5  }
0x68a: {  	v15 =	vor.u32 v15, v4;
	v11 =	vld.idx.msk [tilespmem:v11+s24+$0x0], $0xffff  }
0x68b: {  	v0 =	vld.idx.msk [tilespmem:v0+s24+$0x0], $0xffff;
	v55 =	vor.u32 v18, v62  }
0x68c: {  	v61 =	vor.u32 v16, v35;
	v1 =	vld.idx.msk [tilespmem:v1+s15+$0x0], $0xffff  }
0x68d: {  	v9 =	vld.idx.msk [tilespmem:v9+s24+$0x0], $0xffff;
	v10 =	vor.u32 v18, v33;
	_ =	sdelay $0x1  }
0x68e: {  	[tilespmem:v15+s30+$0x0] =	vst.idx.msk $0xffff, v11  }
0x68f: {  	[tilespmem:v55+s30+$0x0] =	vst.idx.msk $0xffff, v0  }
0x690: {  	v15 =	vadd.s32 $0x1C, v34;
	[tilespmem:v61+s30+$0x0] =	vst.idx.msk $0xffff, v1  }
0x691: {  	v38 =	vand.u32 $0xFFFFFF80, v15;
	v42 =	vand.u32 $0x7F, v15;
	v15 =	vld [tilespmem:$0x1FD20];
	[tilespmem:v10+s30+$0x0] =	vst.idx.msk $0xffff, v9  }
0x692: {  	v9 =	vld [tilespmem:$0x1F780];
	_ =	sdelay $0x1  }
0x693: {  	v58 =	vor.u32 $0x1B, v36;
	_ =	sdelay $0x1  }
0x694: {  	v14 =	vor.u32 v16, v4;
	v16 =	vor.u32 $0x1B, v45;
	v11 =	vld.idx.msk [tilespmem:v57+s15+$0x0], $0xffff;
	_ =	sdelay $0x2  }
0x695: {  	v40 =	vld.idx.msk [tilespmem:v58+s15+$0x0], $0xffff;
	v44 =	vor.u32 v15, v62  }
0x696: {  	v47 =	vor.u32 v18, v35;
	v9 =	vld.idx.msk [tilespmem:v9+s24+$0x0], $0xffff  }
0x697: {  	[tilespmem:v14+s30+$0x0] =	vst.idx.msk $0xffff, v11;
	v11 =	vld.idx.msk [tilespmem:v16+s15+$0x0], $0xffff;
	v14 =	vor.u32 v15, v33;
	_ =	sdelay $0x1  }
0x698: {  	v46 =	vadd.s32 $0x1C, v53  }
0x699: {  	v10 =	vand.u32 $0xFFFFFF80, v46;
	[tilespmem:v44+s30+$0x0] =	vst.idx.msk $0xffff, v40  }
0x69a: {  	v5 =	vand.u32 $0x7F, v46;
	v10 =	vadd.s32 v63, v10;
	v1 =	vld [tilespmem:$0x1F6B0];
	[tilespmem:v47+s30+$0x0] =	vst.idx.msk $0xffff, v9  }
0x69b: {  	v5 =	vor.u32 v5, v10;
	v10 =	vor.u32 v18, v4;
	v18 =	vld [tilespmem:$0x1FDA0];
	[tilespmem:v14+s30+$0x0] =	vst.idx.msk $0xffff, v11  }
0x69c: {  	v11 =	vld [tilespmem:$0x1FB80]  }
0x69d: {  	v0 =	vadd.s32 v37, v38  }
0x69e: {  	v0 =	vor.u32 v42, v0;
	_ =	sdelay $0x2  }
0x69f: {  	v6 =	vld.idx.msk [tilespmem:v6+s24+$0x0], $0xffff  }
0x6a0: {  	v1 =	vld.idx.msk [tilespmem:v1+s24+$0x0], $0xffff  }
0x6a1: {  	v0 =	vld.idx.msk [tilespmem:v0+s24+$0x0], $0xffff;
	v48 =	vor.u32 v18, v62  }
0x6a2: {  	v9 =	vor.u32 v15, v35;
	v11 =	vld.idx.msk [tilespmem:v11+s15+$0x0], $0xffff  }
0x6a3: {  	v5 =	vld.idx.msk [tilespmem:v5+s24+$0x0], $0xffff;
	v57 =	vor.u32 v18, v33  }
0x6a4: {  	[tilespmem:v10+s30+$0x0] =	vst.idx.msk $0xffff, v6  }
0x6a5: {  	[tilespmem:v19+s30+$0x0] =	vst.idx.msk $0xffff, v1  }
0x6a6: {  	[tilespmem:v48+s30+$0x0] =	vst.idx.msk $0xffff, v0  }
0x6a7: {  	[tilespmem:v9+s30+$0x0] =	vst.idx.msk $0xffff, v11  }
0x6a8: {  	v19 =	vld [tilespmem:$0x1FDD0];
	[tilespmem:v57+s30+$0x0] =	vst.idx.msk $0xffff, v5  }
0x6a9: {  	v6 =	vld [tilespmem:$0x1F790];
	_ =	sdelay $0x1  }
0x6aa: {  	v55 =	vor.u32 $0x1C, v36;
	_ =	sdelay $0x2  }
0x6ab: {  	v16 =	vor.u32 $0x1C, v45;
	v14 =	vor.u32 v15, v4;
	v15 =	vld.idx.msk [tilespmem:v32+s15+$0x0], $0xffff;
	_ =	sdelay $0x1  }
0x6ac: {  	v2 =	vld.idx.msk [tilespmem:v55+s15+$0x0], $0xffff;
	v32 =	vor.u32 v19, v62  }
0x6ad: {  	v38 =	vor.u32 v18, v35;
	v6 =	vld.idx.msk [tilespmem:v6+s24+$0x0], $0xffff  }
0x6ae: {  	v9 =	vld.idx.msk [tilespmem:v41+s15+$0x0], $0xffff  }
0x6af: {  	[tilespmem:v14+s30+$0x0] =	vst.idx.msk $0xffff, v15;
	v11 =	vld.idx.msk [tilespmem:v16+s15+$0x0], $0xffff;
	v14 =	vor.u32 v19, v33;
	_ =	sdelay $0x1  }
0x6b0: {  	[tilespmem:v32+s30+$0x0] =	vst.idx.msk $0xffff, v2  }
0x6b1: {  	[tilespmem:v38+s30+$0x0] =	vst.idx.msk $0xffff, v6  }
0x6b2: {  	v10 =	vadd.s32 $0x1D, v34;
	v16 =	vld [tilespmem:$0x1FDE0];
	[tilespmem:v54+s30+$0x0] =	vst.idx.msk $0xffff, v9  }
0x6b3: {  	v58 =	vand.u32 $0xFFFFFF80, v10;
	v5 =	vld [tilespmem:$0x1FB90];
	[tilespmem:v14+s30+$0x0] =	vst.idx.msk $0xffff, v11  }
0x6b4: {  	v61 =	vand.u32 $0x7F, v10;
	v1 =	vadd.s32 v37, v58;
	v6 =	vld [tilespmem:$0x1F6C0]  }
0x6b5: {  	v0 =	vor.u32 v61, v1  }
0x6b6: {  	v40 =	vadd.s32 $0x1D, v53  }
0x6b7: {  	v10 =	vand.u32 $0xFFFFFF80, v40  }
0x6b8: {  	v7 =	vand.u32 $0x7F, v40;
	v10 =	vadd.s32 v63, v10  }
0x6b9: {  	v7 =	vor.u32 v7, v10;
	v10 =	vor.u32 v18, v4;
	v15 =	vld.idx.msk [tilespmem:v60+s24+$0x0], $0xffff  }
0x6ba: {  	v0 =	vld.idx.msk [tilespmem:v0+s24+$0x0], $0xffff;
	v42 =	vor.u32 v16, v62  }
0x6bb: {  	v44 =	vor.u32 v19, v35;
	v5 =	vld.idx.msk [tilespmem:v5+s15+$0x0], $0xffff  }
0x6bc: {  	v6 =	vld.idx.msk [tilespmem:v6+s24+$0x0], $0xffff;
	_ =	sdelay $0x1  }
0x6bd: {  	[tilespmem:v10+s30+$0x0] =	vst.idx.msk $0xffff, v15;
	v7 =	vld.idx.msk [tilespmem:v7+s24+$0x0], $0xffff;
	v9 =	vor.u32 v16, v33  }
0x6be: {  	v10 =	vor.u32 v19, v4;
	v11 =	vld.idx.msk [tilespmem:v13+s15+$0x0], $0xffff;
	[tilespmem:v42+s30+$0x0] =	vst.idx.msk $0xffff, v0  }
0x6bf: {  	[tilespmem:v44+s30+$0x0] =	vst.idx.msk $0xffff, v5  }
0x6c0: {  	[tilespmem:v43+s30+$0x0] =	vst.idx.msk $0xffff, v6  }
0x6c1: {  	v2 =	vld [tilespmem:$0x1F7A0]  }
0x6c2: {  	[tilespmem:v9+s30+$0x0] =	vst.idx.msk $0xffff, v7  }
0x6c3: {  	[tilespmem:v10+s30+$0x0] =	vst.idx.msk $0xffff, v11  }
0x6c4: {  	v11 =	vld [tilespmem:$0x1FAD0]  }
0x6c5: {  	v46 =	vor.u32 $0x1D, v36;
	v14 =	vld [tilespmem:$0x1FDF0];
	_ =	sdelay $0x2  }
0x6c6: {  	v54 =	vor.u32 $0x1D, v45  }
0x6c7: {  	v47 =	vor.u32 v16, v35;
	v2 =	vld.idx.msk [tilespmem:v2+s24+$0x0], $0xffff  }
0x6c8: {  	v0 =	vld.idx.msk [tilespmem:v46+s15+$0x0], $0xffff;
	v9 =	vor.u32 v14, v62  }
0x6c9: {  	v10 =	vor.u32 v16, v4;
	v8 =	vld.idx.msk [tilespmem:v8+s24+$0x0], $0xffff  }
0x6ca: {  	v11 =	vld.idx.msk [tilespmem:v11+s15+$0x0], $0xffff  }
0x6cb: {  	v60 =	vld.idx.msk [tilespmem:v54+s15+$0x0], $0xffff;
	v61 =	vor.u32 v14, v33  }
0x6cc: {  	[tilespmem:v47+s30+$0x0] =	vst.idx.msk $0xffff, v2  }
0x6cd: {  	v13 =	vld [tilespmem:$0x1FBA0];
	[tilespmem:v9+s30+$0x0] =	vst.idx.msk $0xffff, v0  }
0x6ce: {  	[tilespmem:v10+s30+$0x0] =	vst.idx.msk $0xffff, v8  }
0x6cf: {  	v48 =	vadd.s32 $0x1E, v34;
	v15 =	vld [tilespmem:$0x1FE00];
	[tilespmem:v59+s30+$0x0] =	vst.idx.msk $0xffff, v11  }
0x6d0: {  	v55 =	vand.u32 $0xFFFFFF80, v48;
	v9 =	vld [tilespmem:$0x1FDB0];
	[tilespmem:v61+s30+$0x0] =	vst.idx.msk $0xffff, v60  }
0x6d1: {  	v5 =	vand.u32 $0x7F, v48;
	v7 =	vadd.s32 v37, v55;
	v2 =	vld [tilespmem:$0x1F6E0]  }
0x6d2: {  	v5 =	vor.u32 v5, v7;
	_ =	sdelay $0x3  }
0x6d3: {  	v32 =	vor.u32 v14, v35;
	v13 =	vld.idx.msk [tilespmem:v13+s15+$0x0], $0xffff  }
0x6d4: {  	v0 =	vld.idx.msk [tilespmem:v5+s24+$0x0], $0xffff;
	v38 =	vor.u32 v15, v62  }
0x6d5: {  	v8 =	vor.u32 v14, v4;
	v9 =	vld.idx.msk [tilespmem:v9+s15+$0x0], $0xffff  }
0x6d6: {  	v2 =	vld.idx.msk [tilespmem:v2+s24+$0x0], $0xffff;
	_ =	sdelay $0x1  }
0x6d7: {  	v57 =	vadd.s32 $0x1E, v53;
	[tilespmem:v32+s30+$0x0] =	vst.idx.msk $0xffff, v13  }
0x6d8: {  	v58 =	vand.u32 $0xFFFFFF80, v57;
	v11 =	vld [tilespmem:$0x1F7B0];
	[tilespmem:v38+s30+$0x0] =	vst.idx.msk $0xffff, v0  }
0x6d9: {  	v1 =	vadd.s32 v63, v58;
	v7 =	vand.u32 $0x7F, v57;
	[tilespmem:v8+s30+$0x0] =	vst.idx.msk $0xffff, v9  }
0x6da: {  	v1 =	vor.u32 v7, v1;
	[tilespmem:v49+s30+$0x0] =	vst.idx.msk $0xffff, v2  }
0x6db: {  	v8 =	vld [tilespmem:$0x1FA80];
	_ =	sdelay $0x3  }
0x6dc: {  	v1 =	vld.idx.msk [tilespmem:v1+s24+$0x0], $0xffff;
	v40 =	vor.u32 v15, v33  }
0x6dd: {  	v10 =	vor.u32 v15, v35;
	v11 =	vld.idx.msk [tilespmem:v11+s24+$0x0], $0xffff;
	_ =	sdelay $0x2  }
0x6de: {  	v44 =	vor.u32 v15, v4;
	v8 =	vld.idx.msk [tilespmem:v8+s24+$0x0], $0xffff  }
0x6df: {  	[tilespmem:v40+s30+$0x0] =	vst.idx.msk $0xffff, v1  }
0x6e0: {  	v14 =	vld [tilespmem:$0x1FA20];
	[tilespmem:v10+s30+$0x0] =	vst.idx.msk $0xffff, v11  }
0x6e1: {  	v9 =	vadd.s32 $0x1F, v53;
	v48 =	vld [tilespmem:$0x1FAE0]  }
0x6e2: {  	v11 =	vand.u32 $0xFFFFFF80, v9  }
0x6e3: {  	v41 =	vor.u32 $0x1E, v36;
	v9 =	vand.u32 $0x7F, v9;
	v11 =	vadd.s32 v63, v11;
	[tilespmem:v44+s30+$0x0] =	vst.idx.msk $0xffff, v8  }
0x6e4: {  	v49 =	vor.u32 v9, v11;
	v9 =	vld [tilespmem:$0x1FBB0]  }
0x6e5: {  	v42 =	vor.u32 $0x1E, v45  }
0x6e6: {  	v43 =	vadd.s32 $0x1F, v34  }
0x6e7: {  	v46 =	vand.u32 $0xFFFFFF80, v43  }
0x6e8: {  	v7 =	vld.idx.msk [tilespmem:v41+s15+$0x0], $0xffff;
	v2 =	vand.u32 $0x7F, v43;
	v1 =	vadd.s32 v37, v46;
	v47 =	vor.u32 v14, v62  }
0x6e9: {  	v1 =	vor.u32 v2, v1;
	v10 =	vor.u32 v14, v52;
	v2 =	vld.idx.msk [tilespmem:v48+s15+$0x0], $0xffff  }
0x6ea: {  	v0 =	vld.idx.msk [tilespmem:v42+s15+$0x0], $0xffff;
	v13 =	vor.u32 v14, v33  }
0x6eb: {  	v11 =	vor.u32 v14, v4;
	v8 =	vor.u32 v14, v35;
	v14 =	vld.idx.msk [tilespmem:v50+s15+$0x0], $0xffff  }
0x6ec: {  	v9 =	vld.idx.msk [tilespmem:v9+s15+$0x0], $0xffff  }
0x6ed: {  	[tilespmem:v47+s30+$0x0] =	vst.idx.msk $0xffff, v7  }
0x6ee: {  	[tilespmem:v10+s30+$0x0] =	vst.idx.msk $0xffff, v2  }
0x6ef: {  	v15 =	vld [tilespmem:$0x1FA70];
	[tilespmem:v13+s30+$0x0] =	vst.idx.msk $0xffff, v0  }
0x6f0: {  	v7 =	vld [tilespmem:$0x1F6F0];
	[tilespmem:v11+s30+$0x0] =	vst.idx.msk $0xffff, v14  }
0x6f1: {  	[tilespmem:v8+s30+$0x0] =	vst.idx.msk $0xffff, v9  }
0x6f2: {  	v11 =	vld [tilespmem:$0x1F7C0];
	_ =	sdelay $0x2  }
0x6f3: {  	v3 =	vadd.s32 v3, v51  }
0x6f4: {  	v3 =	vor.u32 v17, v3  }
0x6f5: {  	v1 =	vld.idx.msk [tilespmem:v1+s24+$0x0], $0xffff;
	v51 =	vor.u32 v15, v62  }
0x6f6: {  	v53 =	vor.u32 v15, v52;
	v7 =	vld.idx.msk [tilespmem:v7+s24+$0x0], $0xffff  }
0x6f7: {  	v5 =	vld.idx.msk [tilespmem:v49+s24+$0x0], $0xffff;
	v8 =	vor.u32 v15, v33  }
0x6f8: {  	v9 =	vor.u32 v15, v35;
	v11 =	vld.idx.msk [tilespmem:v11+s24+$0x0], $0xffff  }
0x6f9: {  	v3 =	vld.idx.msk [tilespmem:v3+s24+$0x0], $0xffff;
	v13 =	vor.u32 v15, v4  }
0x6fa: {  	[tilespmem:v51+s30+$0x0] =	vst.idx.msk $0xffff, v1  }
0x6fb: {  	[tilespmem:v53+s30+$0x0] =	vst.idx.msk $0xffff, v7  }
0x6fc: {  	v55 =	vor.u32 $0x1F, v12;
	v12 =	vld [tilespmem:$0x1FAB0];
	[tilespmem:v8+s30+$0x0] =	vst.idx.msk $0xffff, v5  }
0x6fd: {  	v60 =	vld [tilespmem:$0x1FAF0];
	[tilespmem:v9+s30+$0x0] =	vst.idx.msk $0xffff, v11  }
0x6fe: {  	v54 =	vor.u32 $0x1F, v36;
	[tilespmem:v13+s30+$0x0] =	vst.idx.msk $0xffff, v3  }
0x6ff: {  	v10 =	vor.u32 $0x1F, v45;
	v9 =	vld [tilespmem:$0x1FBC0];
	_ =	sdelay $0x3  }
0x700: {  	v57 =	vld.idx.msk [tilespmem:v54+s15+$0x0], $0xffff;
	v58 =	vor.u32 v12, v62  }
0x701: {  	v61 =	vld.idx.msk [tilespmem:v10+s15+$0x0], $0xffff;
	v8 =	vor.u32 v12, v33  }
0x702: {  	v1 =	vld.idx.msk [tilespmem:v55+s15+$0x0], $0xffff;
	v63 =	vor.u32 v12, v4  }
0x703: {  	v59 =	vor.u32 v12, v52;
	v6 =	vld.idx.msk [tilespmem:v60+s15+$0x0], $0xffff  }
0x704: {  	v62 =	vor.u32 v12, v35;
	v9 =	vld.idx.msk [tilespmem:v9+s15+$0x0], $0xffff  }
0x705: {  	[tilespmem:v58+s30+$0x0] =	vst.idx.msk $0xffff, v57  }
0x706: {  	[tilespmem:v8+s30+$0x0] =	vst.idx.msk $0xffff, v61  }
0x707: {  	[tilespmem:v63+s30+$0x0] =	vst.idx.msk $0xffff, v1  }
0x708: {  	[tilespmem:v59+s30+$0x0] =	vst.idx.msk $0xffff, v6  }
0x709: {  	[tilespmem:v62+s30+$0x0] =	vst.idx.msk $0xffff, v9  }
0x70a: {  	[hbm4b:s13+s2] =	stream.linear.scatter [tilespmem:s30], [sflag:$0x2], $0x8000, $0x38;
	[tilespmem:$0x18800] =	vst v63  }
0x70b: {  	_ =	swait.ge [sflag:s16], $0x8000  }
0x70c: {  	v11 =	vld [tilespmem:$0x1FFE0]  }
0x70d: {  	v30 =	vld [tilespmem:$0x1FFD0]  }
0x70e: {  	v12 =	vld [tilespmem:$0x1FFF0]  }
0x70f: {  	v13 =	vld [tilespmem:$0x1FE90]  }
0x710: {  	v14 =	vld [tilespmem:$0x1FEA0]  }
0x711: {  	v15 =	vld [tilespmem:$0x1FEB0]  }
0x712: {  	v16 =	vld [tilespmem:$0x1FEC0]  }
0x713: {  	v17 =	vld [tilespmem:$0x1FED0]  }
0x714: {  	v18 =	vld [tilespmem:$0x1FEE0]  }
0x715: {  	v19 =	vld [tilespmem:$0x1FEF0]  }
0x716: {  	v21 =	vld [tilespmem:$0x1FF10]  }
0x717: {  	v22 =	vld [tilespmem:$0x1FF20]  }
0x718: {  	v20 =	vld [tilespmem:$0x1FF00]  }
0x719: {  	v23 =	vld [tilespmem:$0x1FF30]  }
0x71a: {  	v24 =	vld [tilespmem:$0x1FFA0]  }
0x71b: {  	v25 =	vld [tilespmem:$0x1FF80]  }
0x71c: {  	s31 =	sadd.s32 $0x1, s31;
	v26 =	vld [tilespmem:$0x1FF70]  }
0x71d: {  	p0 =	sne.s32 s31, s14;
	v27 =	vld [tilespmem:$0x1FF60]  }
.Ltmp1:
0x71e: {  	v28 =	vld [tilespmem:$0x1FF40];
	(pc) =	sbr.rel @p0 .LBB2_1-.Ltmp1, $4  }
0x71f: {  	v29 =	vld [tilespmem:$0x1FF50]  }
0x720: {  	v34 =	vld [tilespmem:$0x1FF90]  }
0x721: {  	[sflag:s16] =	ssyncset.done $0x0;
	v35 =	vld [tilespmem:$0x1FFB0]  }
0x722: {  	v36 =	vld [tilespmem:$0x1FFC0];
	[sflag:s16] =	ssyncadd.s32 $0xFFFF8000  }
0x723: {  	_ =	sfence.sel $0x180000  }
0x724: {  	[bflag:$0x0] =	sbarrier.arrive $0xFFFF  }
0x725: {  	_ =	strace $0x90000047  }
0x726: {  	s0 =	stileid.u32;
	[bflag:$0x2] =	sbarrier.arrive $0xFFFF  }
0x727: {  	p0 =	sne.s32 s0, $0x0;
	s0 =	rddreg [dreg:$0x4]  }
0x728: {  	s0 =	sadd.s32 @!p0 $0x100000, s0  }
0x729: {  	[sflag:s0] =	ssyncadd.tile.s32 @!p0 $0x1;
	_ =	shalt  }
.Lfunc_end2:
_tile_overlayer_lowered:
.L_overlay_start_2:
0x72a: {  	(tag) =	ssettag $0x2  }
0x72b: {  	s0 =	rddreg [dreg:$0x0];
	s2 =	stileid.u32  }
0x72c: {  	s1 =	rddreg [dreg:$0x1];
	p0 =	sne.s32 s2, $0x0  }
0x72d: {  	s3 =	rddreg [dreg:$0x2];
	[bflag:$0x3] =	sbarrier.arrive $0xFFFF;
	s2 =	simm.s32 @!p0 $0x1C02  }
0x72e: {  	[timem:s3], [sflag:s2] =	dma.local @!p0 [hbm:s0], s1  }
0x72f: {  	s0 =	simm.s32 @!p0 $0x2  }
0x730: {  	_ =	swait.ge @!p0 [sflag:s0], s1  }
0x731: {  	s1 =	ssub.s32 @!p0 $0x0, s1;
	[sflag:s0] =	ssyncset.done @!p0 $0x0  }
0x732: {  	[sflag:s0] =	ssyncadd.s32 @!p0 s1  }
0x733: {  	[bflag:$0x3] =	sbarrier.arrive $0xFFFF  }
0x734: {  	_ =	shalt  }

</sc_bundles>
